<compile_context>
chip_gen: v7x
topology: tpu7x:2x2x1
jax: 0.10.2.dev20260603
libtpu: 0.0.44.dev20260713+nightly
codegen_flags: <defaults>
</compile_context>

<pallas_src>
import functools

import jax
import jax.numpy as jnp
from jax import lax
from jax.experimental import pallas as pl
from jax.experimental.pallas import tpu as pltpu
from jax.experimental.pallas import tpu_sc as plsc

NUM_HID = 64
NUM_VOCAB = 100000
BATCH = 1024
SEQ_LEN = 200

_NC = 2
_NS = 16
_NW = _NC * _NS
_SEQ_PER_W = BATCH // _NW
_CHUNK = 4
_NCHUNK = _SEQ_PER_W // _CHUNK
_ROWS = _CHUNK * SEQ_LEN

_PAIR = SEQ_LEN // 2
_PAIR_PAD = 104
_SEQ_PAD = 2 * _PAIR_PAD


def _pos_encoding():
    positions = jnp.arange(SEQ_LEN, dtype=jnp.float32)[:, None]
    depth = NUM_HID / 2
    depths = jnp.arange(depth, dtype=jnp.float32)[None, :] / depth
    angle_rates = 1.0 / (10000.0 ** depths)
    angle_rads = positions * angle_rates
    return jnp.concatenate(
        [jnp.sin(angle_rads), jnp.cos(angle_rads)], axis=-1)


def _sc_body(x_hbm, tab_hbm, out_hbm, idx0, idx1, rows0, rows1,
             sem_g0, sem_g1, sem_s0, sem_s1):
    wid = lax.axis_index("s") * _NC + lax.axis_index("c")

    idxs = (idx0, idx1)
    rows = (rows0, rows1)
    sem_g = (sem_g0, sem_g1)
    sem_s = (sem_s0, sem_s1)
    gather_d = [None, None]
    scatter_d = [None, None]
    base_w = wid * _SEQ_PER_W * SEQ_LEN

    def scatter_chunk(g, b):
        d = None
        for s in range(_CHUNK):
            seq = wid * _SEQ_PER_W + g * _CHUNK + s
            d = pltpu.async_copy(
                rows[b].at[pl.ds(s * SEQ_LEN, SEQ_LEN)],
                out_hbm.at[pl.ds(seq * _SEQ_PAD, SEQ_LEN)], sem_s[b])
        return d

    def drain_chunk(b):
        for _ in range(_CHUNK):
            scatter_d[b].wait()

    for g in range(_NCHUNK):
        b = g & 1
        base = base_w + g * _ROWS
        if scatter_d[b] is not None:
            drain_chunk(b)
        pltpu.sync_copy(x_hbm.at[pl.ds(base, _ROWS)], idxs[b])
        gather_d[b] = pltpu.async_copy(
            tab_hbm.at[idxs[b]], rows[b], sem_g[b])
        if g > 0:
            pb = 1 - b
            gather_d[pb].wait()
            scatter_d[pb] = scatter_chunk(g - 1, pb)

    last = (_NCHUNK - 1) & 1
    gather_d[last].wait()
    scatter_d[last] = scatter_chunk(_NCHUNK - 1, last)
    drain_chunk(1 - last)
    drain_chunk(last)


_BB = 128
_RB = _PAIR


def _tc_body(g_ref, pe_ref, o_ref):
    x = g_ref[:, :_PAIR, :]
    y = x + pe_ref[...][None]
    for r in range(_RB):
        t = y[:, r, :].T
        o_ref[2 * r] = t[:NUM_HID]
        o_ref[2 * r + 1] = t[NUM_HID:]


@jax.jit
def _run(x_perm, emb_table, pe_pair):
    mesh = plsc.VectorSubcoreMesh(
        core_axis_name="c", subcore_axis_name="s",
        num_cores=_NC, num_subcores=_NS)
    g2 = functools.partial(
        pl.kernel,
        out_type=jax.ShapeDtypeStruct((BATCH * _SEQ_PAD, NUM_HID),
                                      jnp.float32),
        mesh=mesh,
        scratch_types=[
            pltpu.VMEM((_ROWS,), jnp.int32),
            pltpu.VMEM((_ROWS,), jnp.int32),
            pltpu.VMEM((_ROWS, NUM_HID), jnp.float32),
            pltpu.VMEM((_ROWS, NUM_HID), jnp.float32),
            pltpu.SemaphoreType.DMA,
            pltpu.SemaphoreType.DMA,
            pltpu.SemaphoreType.DMA,
            pltpu.SemaphoreType.DMA,
        ],
        compiler_params=pltpu.CompilerParams(use_tc_tiling_on_sc=False),
    )(_sc_body)(x_perm, emb_table)

    g3 = g2.reshape(BATCH, _PAIR_PAD, 128)
    out_t = pl.pallas_call(
        _tc_body,
        grid=(BATCH // _BB,),
        in_specs=[
            pl.BlockSpec((_BB, _PAIR_PAD, 128), lambda i: (i, 0, 0)),
            pl.BlockSpec((_RB, 128), lambda i: (0, 0)),
        ],
        out_specs=pl.BlockSpec((SEQ_LEN, NUM_HID, _BB), lambda i: (0, 0, i)),
        out_shape=jax.ShapeDtypeStruct((SEQ_LEN, NUM_HID, BATCH), jnp.float32),
    )(g3, pe_pair)
    return out_t.transpose(2, 0, 1)


def kernel(x, emb_table):
    pe_pair = _pos_encoding().reshape(_PAIR, 128)
    tab2 = jnp.pad(emb_table, ((0, 0), (0, 64))).reshape(2 * NUM_VOCAB,
                                                         NUM_HID)
    x2 = x.reshape(-1).astype(jnp.int32) * 2
    return _run(x2, tab2, pe_pair)

# --- scband reference (transcript-rebuilt; emitter-appended) ---
"""Pipeline reference for scband-token-embedding-63247688401064 (READ-ONLY COPY).

The authoritative reference and input builder live on the scoring server;
editing this copy changes nothing except your own understanding.
"""

import jax, jax.numpy as jnp
import numpy as np

NUM_VOCAB = 100000
NUM_HID = 64
BATCH = 1024
SEQ_LEN = 200


def setup_inputs(seed: int = 0) -> dict:
    key = jax.random.key(seed)
    k_x, k_emb = jax.random.split(key)
    x = jax.random.randint(k_x, (BATCH, SEQ_LEN), 0, NUM_VOCAB, dtype=jnp.int64 if jax.config.jax_enable_x64 else jnp.int32)
    # Keras Embedding default initializer is uniform(-0.05, 0.05)
    emb_table = jax.random.uniform(k_emb, (NUM_VOCAB, NUM_HID), dtype=jnp.float32, minval=-0.05, maxval=0.05)
    return {"x": x, "emb_table": emb_table}


def reference(x, emb_table):
    # embedding lookup (gather)
    e = jnp.take(emb_table, x, axis=0)  # [B, S, H]
    seq_len = e.shape[1]
    positions = jnp.arange(seq_len, dtype=jnp.float32)[:, None]  # [S, 1]
    depth = NUM_HID / 2
    depths = jnp.arange(depth, dtype=jnp.float32)[None, :] / depth  # [1, H/2]
    angle_rates = 1.0 / (10000.0 ** depths)
    angle_rads = positions * angle_rates  # [S, H/2]
    pos_encoding = jnp.concatenate([jnp.sin(angle_rads), jnp.cos(angle_rads)], axis=-1)  # [S, H]
    pos_encoding = pos_encoding[None, :, :]  # [1, S, H]
    return e + pos_encoding

if __name__ == "__main__":
    import jax
    _d = setup_inputs()
    print(jax.jit(kernel)(*tuple(_d.values())))

</pallas_src>

<mosaic_0001>
#map = affine_map<(d0, d1) -> (0)>
#map1 = affine_map<(d0, d1) -> (0, 0)>
module attributes {stable_mosaic.version = 14 : i64} {
  func.func @_sc_body(%arg0: i32, %arg1: i32, %arg2: memref<204800xi32, #tpu.memory_space<hbm>>, %arg3: memref<200000x64xf32, #tpu.memory_space<hbm>>, %arg4: memref<212992x64xf32, #tpu.memory_space<hbm>>, %arg5: memref<800xi32, #tpu.memory_space<vmem>>, %arg6: memref<800xi32, #tpu.memory_space<vmem>>, %arg7: memref<800x64xf32, #tpu.memory_space<vmem>>, %arg8: memref<800x64xf32, #tpu.memory_space<vmem>>, %arg9: memref<!tpu.dma_semaphore, #tpu.memory_space<semaphore_mem>>, %arg10: memref<!tpu.dma_semaphore, #tpu.memory_space<semaphore_mem>>, %arg11: memref<!tpu.dma_semaphore, #tpu.memory_space<semaphore_mem>>, %arg12: memref<!tpu.dma_semaphore, #tpu.memory_space<semaphore_mem>>) attributes {dimension_semantics = [#tpu.dimension_semantics<core_parallel>, #tpu.dimension_semantics<subcore_parallel>], iteration_bounds = array<i64: 2, 16>, scalar_prefetch = 0 : i64, scratch_operands = 8 : i64, tpu.core_type = #tpu.core_type<sc_vector_subcore>, window_params = [{transform_indices = #map}, {transform_indices = #map1}, {transform_indices = #map1}]} {
    %mul3A = arith.constant 2 : i32
    %mul3A_0 = arith.muli %arg1, %mul3A : i32
    %add3A = arith.addi %mul3A_0, %arg0 : i32
    %mul3A_1 = arith.constant 32 : i32
    %mul3A_2 = arith.muli %add3A, %mul3A_1 : i32
    %mul3A_3 = arith.constant 200 : i32
    %mul3A_4 = arith.muli %mul3A_2, %mul3A_3 : i32
    %add3A_5 = arith.constant 0 : i32
    %add3A_6 = arith.addi %mul3A_4, %add3A_5 : i32
    "tpu.region"() ({
      %run_scoped3A = tpu.sem_alloc : memref<!tpu.dma_semaphore, #tpu.memory_space<semaphore_mem>>
      %dma_start3A_963 = tpu.memref_slice %arg2[%add3A_6] : memref<204800xi32, #tpu.memory_space<hbm>> -> memref<800xi32, #tpu.memory_space<hbm>>
      %dma_start3A_964 = tpu.memref_slice %arg2[%add3A_6] : memref<204800xi32, #tpu.memory_space<hbm>> -> memref<800xi32, #tpu.memory_space<hbm>>
      tpu.enqueue_dma source(%dma_start3A_964 : memref<800xi32, #tpu.memory_space<hbm>>) target(%arg5 : memref<800xi32, #tpu.memory_space<vmem>>) target_semaphore(%run_scoped3A : memref<!tpu.dma_semaphore, #tpu.memory_space<semaphore_mem>>)
      %dma_wait3A_965 = tpu.memref_slice %arg2[%add3A_6] : memref<204800xi32, #tpu.memory_space<hbm>> -> memref<800xi32, #tpu.memory_space<hbm>>
      %dma_wait3A_966 = tpu.memref_slice %arg2[%add3A_6] : memref<204800xi32, #tpu.memory_space<hbm>> -> memref<800xi32, #tpu.memory_space<hbm>>
      tpu.wait_dma2 semaphore(%run_scoped3A : memref<!tpu.dma_semaphore, #tpu.memory_space<semaphore_mem>>) src(%dma_wait3A_966 : memref<800xi32, #tpu.memory_space<hbm>>) dst(%arg5 : memref<800xi32, #tpu.memory_space<vmem>>)
      tpu.yield
    }) : () -> ()
    %dma_start3A = arith.constant 0 : i32
    %dma_start3A_7 = arith.constant 0 : i32
    %dma_start3A_8 = tpu.memref_slice %arg3[%dma_start3A, %dma_start3A_7] : memref<200000x64xf32, #tpu.memory_space<hbm>> -> memref<200000x64xf32, #tpu.memory_space<hbm>>
    tpu.enqueue_indirect_dma source(%dma_start3A_8 : memref<200000x64xf32, #tpu.memory_space<hbm>>) target(%arg7 : memref<800x64xf32, #tpu.memory_space<vmem>>) offsets(%arg5 : memref<800xi32, #tpu.memory_space<vmem>>) semaphore(%arg9 : memref<!tpu.dma_semaphore, #tpu.memory_space<semaphore_mem>>)
    %add3A_9 = arith.constant 800 : i32
    %add3A_10 = arith.addi %mul3A_4, %add3A_9 : i32
    "tpu.region"() ({
      %run_scoped3A = tpu.sem_alloc : memref<!tpu.dma_semaphore, #tpu.memory_space<semaphore_mem>>
      %dma_start3A_963 = tpu.memref_slice %arg2[%add3A_10] : memref<204800xi32, #tpu.memory_space<hbm>> -> memref<800xi32, #tpu.memory_space<hbm>>
      %dma_start3A_964 = tpu.memref_slice %arg2[%add3A_10] : memref<204800xi32, #tpu.memory_space<hbm>> -> memref<800xi32, #tpu.memory_space<hbm>>
      tpu.enqueue_dma source(%dma_start3A_964 : memref<800xi32, #tpu.memory_space<hbm>>) target(%arg6 : memref<800xi32, #tpu.memory_space<vmem>>) target_semaphore(%run_scoped3A : memref<!tpu.dma_semaphore, #tpu.memory_space<semaphore_mem>>)
      %dma_wait3A_965 = tpu.memref_slice %arg2[%add3A_10] : memref<204800xi32, #tpu.memory_space<hbm>> -> memref<800xi32, #tpu.memory_space<hbm>>
      %dma_wait3A_966 = tpu.memref_slice %arg2[%add3A_10] : memref<204800xi32, #tpu.memory_space<hbm>> -> memref<800xi32, #tpu.memory_space<hbm>>
      tpu.wait_dma2 semaphore(%run_scoped3A : memref<!tpu.dma_semaphore, #tpu.memory_space<semaphore_mem>>) src(%dma_wait3A_966 : memref<800xi32, #tpu.memory_space<hbm>>) dst(%arg6 : memref<800xi32, #tpu.memory_space<vmem>>)
      tpu.yield
    }) : () -> ()
    %dma_start3A_11 = arith.constant 0 : i32
    %dma_start3A_12 = arith.constant 0 : i32
    %dma_start3A_13 = tpu.memref_slice %arg3[%dma_start3A_11, %dma_start3A_12] : memref<200000x64xf32, #tpu.memory_space<hbm>> -> memref<200000x64xf32, #tpu.memory_space<hbm>>
    tpu.enqueue_indirect_dma source(%dma_start3A_13 : memref<200000x64xf32, #tpu.memory_space<hbm>>) target(%arg8 : memref<800x64xf32, #tpu.memory_space<vmem>>) offsets(%arg6 : memref<800xi32, #tpu.memory_space<vmem>>) semaphore(%arg10 : memref<!tpu.dma_semaphore, #tpu.memory_space<semaphore_mem>>)
    %dma_wait3A = arith.constant 0 : i32
    %dma_wait3A_14 = arith.constant 0 : i32
    %dma_wait3A_15 = tpu.memref_slice %arg3[%dma_wait3A, %dma_wait3A_14] : memref<200000x64xf32, #tpu.memory_space<hbm>> -> memref<200000x64xf32, #tpu.memory_space<hbm>>
    tpu.wait_indirect_dma semaphore(%arg9 : memref<!tpu.dma_semaphore, #tpu.memory_space<semaphore_mem>>) src(%dma_wait3A_15 : memref<200000x64xf32, #tpu.memory_space<hbm>>) dst(%arg7 : memref<800x64xf32, #tpu.memory_space<vmem>>)
    %mul3A_16 = arith.constant 32 : i32
    %mul3A_17 = arith.muli %add3A, %mul3A_16 : i32
    %add3A_18 = arith.constant 0 : i32
    %add3A_19 = arith.addi %mul3A_17, %add3A_18 : i32
    %add3A_20 = arith.constant 0 : i32
    %add3A_21 = arith.addi %add3A_19, %add3A_20 : i32
    %mul3A_22 = arith.constant 208 : i32
    %mul3A_23 = arith.muli %add3A_21, %mul3A_22 : i32
    %dma_start3A_24 = arith.constant 0 : i32
    %dma_start3A_25 = arith.constant 0 : i32
    %dma_start3A_26 = tpu.memref_slice %arg7[%dma_start3A_24, %dma_start3A_25] : memref<800x64xf32, #tpu.memory_space<vmem>> -> memref<200x64xf32, #tpu.memory_space<vmem>>
    %dma_start3A_27 = arith.constant 0 : i32
    %dma_start3A_28 = tpu.memref_slice %arg4[%mul3A_23, %dma_start3A_27] : memref<212992x64xf32, #tpu.memory_space<hbm>> -> memref<200x64xf32, #tpu.memory_space<hbm>>
    %dma_start3A_29 = arith.constant 0 : i32
    %dma_start3A_30 = tpu.memref_slice %arg4[%mul3A_23, %dma_start3A_29] : memref<212992x64xf32, #tpu.memory_space<hbm>> -> memref<200x64xf32, #tpu.memory_space<hbm>>
    %dma_start3A_31 = arith.constant 0 : i32
    %dma_start3A_32 = arith.constant 0 : i32
    %dma_start3A_33 = tpu.memref_slice %arg7[%dma_start3A_31, %dma_start3A_32] : memref<800x64xf32, #tpu.memory_space<vmem>> -> memref<200x64xf32, #tpu.memory_space<vmem>>
    tpu.enqueue_dma source(%dma_start3A_33 : memref<200x64xf32, #tpu.memory_space<vmem>>) target(%dma_start3A_30 : memref<200x64xf32, #tpu.memory_space<hbm>>) target_semaphore(%arg11 : memref<!tpu.dma_semaphore, #tpu.memory_space<semaphore_mem>>)
    %mul3A_34 = arith.constant 32 : i32
    %mul3A_35 = arith.muli %add3A, %mul3A_34 : i32
    %add3A_36 = arith.constant 0 : i32
    %add3A_37 = arith.addi %mul3A_35, %add3A_36 : i32
    %add3A_38 = arith.constant 1 : i32
    %add3A_39 = arith.addi %add3A_37, %add3A_38 : i32
    %mul3A_40 = arith.constant 208 : i32
    %mul3A_41 = arith.muli %add3A_39, %mul3A_40 : i32
    %dma_start3A_42 = arith.constant 200 : i32
    %dma_start3A_43 = arith.constant 0 : i32
    %dma_start3A_44 = tpu.memref_slice %arg7[%dma_start3A_42, %dma_start3A_43] : memref<800x64xf32, #tpu.memory_space<vmem>> -> memref<200x64xf32, #tpu.memory_space<vmem>>
    %dma_start3A_45 = arith.constant 0 : i32
    %dma_start3A_46 = tpu.memref_slice %arg4[%mul3A_41, %dma_start3A_45] : memref<212992x64xf32, #tpu.memory_space<hbm>> -> memref<200x64xf32, #tpu.memory_space<hbm>>
    %dma_start3A_47 = arith.constant 0 : i32
    %dma_start3A_48 = tpu.memref_slice %arg4[%mul3A_41, %dma_start3A_47] : memref<212992x64xf32, #tpu.memory_space<hbm>> -> memref<200x64xf32, #tpu.memory_space<hbm>>
    %dma_start3A_49 = arith.constant 200 : i32
    %dma_start3A_50 = arith.constant 0 : i32
    %dma_start3A_51 = tpu.memref_slice %arg7[%dma_start3A_49, %dma_start3A_50] : memref<800x64xf32, #tpu.memory_space<vmem>> -> memref<200x64xf32, #tpu.memory_space<vmem>>
    tpu.enqueue_dma source(%dma_start3A_51 : memref<200x64xf32, #tpu.memory_space<vmem>>) target(%dma_start3A_48 : memref<200x64xf32, #tpu.memory_space<hbm>>) target_semaphore(%arg11 : memref<!tpu.dma_semaphore, #tpu.memory_space<semaphore_mem>>)
    %mul3A_52 = arith.constant 32 : i32
    %mul3A_53 = arith.muli %add3A, %mul3A_52 : i32
    %add3A_54 = arith.constant 0 : i32
    %add3A_55 = arith.addi %mul3A_53, %add3A_54 : i32
    %add3A_56 = arith.constant 2 : i32
    %add3A_57 = arith.addi %add3A_55, %add3A_56 : i32
    %mul3A_58 = arith.constant 208 : i32
    %mul3A_59 = arith.muli %add3A_57, %mul3A_58 : i32
    %dma_start3A_60 = arith.constant 400 : i32
    %dma_start3A_61 = arith.constant 0 : i32
    %dma_start3A_62 = tpu.memref_slice %arg7[%dma_start3A_60, %dma_start3A_61] : memref<800x64xf32, #tpu.memory_space<vmem>> -> memref<200x64xf32, #tpu.memory_space<vmem>>
    %dma_start3A_63 = arith.constant 0 : i32
    %dma_start3A_64 = tpu.memref_slice %arg4[%mul3A_59, %dma_start3A_63] : memref<212992x64xf32, #tpu.memory_space<hbm>> -> memref<200x64xf32, #tpu.memory_space<hbm>>
    %dma_start3A_65 = arith.constant 0 : i32
    %dma_start3A_66 = tpu.memref_slice %arg4[%mul3A_59, %dma_start3A_65] : memref<212992x64xf32, #tpu.memory_space<hbm>> -> memref<200x64xf32, #tpu.memory_space<hbm>>
    %dma_start3A_67 = arith.constant 400 : i32
    %dma_start3A_68 = arith.constant 0 : i32
    %dma_start3A_69 = tpu.memref_slice %arg7[%dma_start3A_67, %dma_start3A_68] : memref<800x64xf32, #tpu.memory_space<vmem>> -> memref<200x64xf32, #tpu.memory_space<vmem>>
    tpu.enqueue_dma source(%dma_start3A_69 : memref<200x64xf32, #tpu.memory_space<vmem>>) target(%dma_start3A_66 : memref<200x64xf32, #tpu.memory_space<hbm>>) target_semaphore(%arg11 : memref<!tpu.dma_semaphore, #tpu.memory_space<semaphore_mem>>)
    %mul3A_70 = arith.constant 32 : i32
    %mul3A_71 = arith.muli %add3A, %mul3A_70 : i32
    %add3A_72 = arith.constant 0 : i32
    %add3A_73 = arith.addi %mul3A_71, %add3A_72 : i32
    %add3A_74 = arith.constant 3 : i32
    %add3A_75 = arith.addi %add3A_73, %add3A_74 : i32
    %mul3A_76 = arith.constant 208 : i32
    %mul3A_77 = arith.muli %add3A_75, %mul3A_76 : i32
    %dma_start3A_78 = arith.constant 600 : i32
    %dma_start3A_79 = arith.constant 0 : i32
    %dma_start3A_80 = tpu.memref_slice %arg7[%dma_start3A_78, %dma_start3A_79] : memref<800x64xf32, #tpu.memory_space<vmem>> -> memref<200x64xf32, #tpu.memory_space<vmem>>
    %dma_start3A_81 = arith.constant 0 : i32
    %dma_start3A_82 = tpu.memref_slice %arg4[%mul3A_77, %dma_start3A_81] : memref<212992x64xf32, #tpu.memory_space<hbm>> -> memref<200x64xf32, #tpu.memory_space<hbm>>
    %dma_start3A_83 = arith.constant 0 : i32
    %dma_start3A_84 = tpu.memref_slice %arg4[%mul3A_77, %dma_start3A_83] : memref<212992x64xf32, #tpu.memory_space<hbm>> -> memref<200x64xf32, #tpu.memory_space<hbm>>
    %dma_start3A_85 = arith.constant 600 : i32
    %dma_start3A_86 = arith.constant 0 : i32
    %dma_start3A_87 = tpu.memref_slice %arg7[%dma_start3A_85, %dma_start3A_86] : memref<800x64xf32, #tpu.memory_space<vmem>> -> memref<200x64xf32, #tpu.memory_space<vmem>>
    tpu.enqueue_dma source(%dma_start3A_87 : memref<200x64xf32, #tpu.memory_space<vmem>>) target(%dma_start3A_84 : memref<200x64xf32, #tpu.memory_space<hbm>>) target_semaphore(%arg11 : memref<!tpu.dma_semaphore, #tpu.memory_space<semaphore_mem>>)
    %add3A_88 = arith.constant 1600 : i32
    %add3A_89 = arith.addi %mul3A_4, %add3A_88 : i32
    %dma_wait3A_90 = arith.constant 600 : i32
    %dma_wait3A_91 = arith.constant 0 : i32
    %dma_wait3A_92 = tpu.memref_slice %arg7[%dma_wait3A_90, %dma_wait3A_91] : memref<800x64xf32, #tpu.memory_space<vmem>> -> memref<200x64xf32, #tpu.memory_space<vmem>>
    %dma_wait3A_93 = arith.constant 0 : i32
    %dma_wait3A_94 = tpu.memref_slice %arg4[%mul3A_77, %dma_wait3A_93] : memref<212992x64xf32, #tpu.memory_space<hbm>> -> memref<200x64xf32, #tpu.memory_space<hbm>>
    %dma_wait3A_95 = arith.constant 0 : i32
    %dma_wait3A_96 = tpu.memref_slice %arg4[%mul3A_77, %dma_wait3A_95] : memref<212992x64xf32, #tpu.memory_space<hbm>> -> memref<200x64xf32, #tpu.memory_space<hbm>>
    %dma_wait3A_97 = arith.constant 600 : i32
    %dma_wait3A_98 = arith.constant 0 : i32
    %dma_wait3A_99 = tpu.memref_slice %arg7[%dma_wait3A_97, %dma_wait3A_98] : memref<800x64xf32, #tpu.memory_space<vmem>> -> memref<200x64xf32, #tpu.memory_space<vmem>>
    tpu.wait_dma2 semaphore(%arg11 : memref<!tpu.dma_semaphore, #tpu.memory_space<semaphore_mem>>) src(%dma_wait3A_99 : memref<200x64xf32, #tpu.memory_space<vmem>>) dst(%dma_wait3A_96 : memref<200x64xf32, #tpu.memory_space<hbm>>)
    %dma_wait3A_100 = arith.constant 600 : i32
    %dma_wait3A_101 = arith.constant 0 : i32
    %dma_wait3A_102 = tpu.memref_slice %arg7[%dma_wait3A_100, %dma_wait3A_101] : memref<800x64xf32, #tpu.memory_space<vmem>> -> memref<200x64xf32, #tpu.memory_space<vmem>>
    %dma_wait3A_103 = arith.constant 0 : i32
    %dma_wait3A_104 = tpu.memref_slice %arg4[%mul3A_77, %dma_wait3A_103] : memref<212992x64xf32, #tpu.memory_space<hbm>> -> memref<200x64xf32, #tpu.memory_space<hbm>>
    %dma_wait3A_105 = arith.constant 0 : i32
    %dma_wait3A_106 = tpu.memref_slice %arg4[%mul3A_77, %dma_wait3A_105] : memref<212992x64xf32, #tpu.memory_space<hbm>> -> memref<200x64xf32, #tpu.memory_space<hbm>>
    %dma_wait3A_107 = arith.constant 600 : i32
    %dma_wait3A_108 = arith.constant 0 : i32
    %dma_wait3A_109 = tpu.memref_slice %arg7[%dma_wait3A_107, %dma_wait3A_108] : memref<800x64xf32, #tpu.memory_space<vmem>> -> memref<200x64xf32, #tpu.memory_space<vmem>>
    tpu.wait_dma2 semaphore(%arg11 : memref<!tpu.dma_semaphore, #tpu.memory_space<semaphore_mem>>) src(%dma_wait3A_109 : memref<200x64xf32, #tpu.memory_space<vmem>>) dst(%dma_wait3A_106 : memref<200x64xf32, #tpu.memory_space<hbm>>)
    %dma_wait3A_110 = arith.constant 600 : i32
    %dma_wait3A_111 = arith.constant 0 : i32
    %dma_wait3A_112 = tpu.memref_slice %arg7[%dma_wait3A_110, %dma_wait3A_111] : memref<800x64xf32, #tpu.memory_space<vmem>> -> memref<200x64xf32, #tpu.memory_space<vmem>>
    %dma_wait3A_113 = arith.constant 0 : i32
    %dma_wait3A_114 = tpu.memref_slice %arg4[%mul3A_77, %dma_wait3A_113] : memref<212992x64xf32, #tpu.memory_space<hbm>> -> memref<200x64xf32, #tpu.memory_space<hbm>>
    %dma_wait3A_115 = arith.constant 0 : i32
    %dma_wait3A_116 = tpu.memref_slice %arg4[%mul3A_77, %dma_wait3A_115] : memref<212992x64xf32, #tpu.memory_space<hbm>> -> memref<200x64xf32, #tpu.memory_space<hbm>>
    %dma_wait3A_117 = arith.constant 600 : i32
    %dma_wait3A_118 = arith.constant 0 : i32
    %dma_wait3A_119 = tpu.memref_slice %arg7[%dma_wait3A_117, %dma_wait3A_118] : memref<800x64xf32, #tpu.memory_space<vmem>> -> memref<200x64xf32, #tpu.memory_space<vmem>>
    tpu.wait_dma2 semaphore(%arg11 : memref<!tpu.dma_semaphore, #tpu.memory_space<semaphore_mem>>) src(%dma_wait3A_119 : memref<200x64xf32, #tpu.memory_space<vmem>>) dst(%dma_wait3A_116 : memref<200x64xf32, #tpu.memory_space<hbm>>)
    %dma_wait3A_120 = arith.constant 600 : i32
    %dma_wait3A_121 = arith.constant 0 : i32
    %dma_wait3A_122 = tpu.memref_slice %arg7[%dma_wait3A_120, %dma_wait3A_121] : memref<800x64xf32, #tpu.memory_space<vmem>> -> memref<200x64xf32, #tpu.memory_space<vmem>>
    %dma_wait3A_123 = arith.constant 0 : i32
    %dma_wait3A_124 = tpu.memref_slice %arg4[%mul3A_77, %dma_wait3A_123] : memref<212992x64xf32, #tpu.memory_space<hbm>> -> memref<200x64xf32, #tpu.memory_space<hbm>>
    %dma_wait3A_125 = arith.constant 0 : i32
    %dma_wait3A_126 = tpu.memref_slice %arg4[%mul3A_77, %dma_wait3A_125] : memref<212992x64xf32, #tpu.memory_space<hbm>> -> memref<200x64xf32, #tpu.memory_space<hbm>>
    %dma_wait3A_127 = arith.constant 600 : i32
    %dma_wait3A_128 = arith.constant 0 : i32
    %dma_wait3A_129 = tpu.memref_slice %arg7[%dma_wait3A_127, %dma_wait3A_128] : memref<800x64xf32, #tpu.memory_space<vmem>> -> memref<200x64xf32, #tpu.memory_space<vmem>>
    tpu.wait_dma2 semaphore(%arg11 : memref<!tpu.dma_semaphore, #tpu.memory_space<semaphore_mem>>) src(%dma_wait3A_129 : memref<200x64xf32, #tpu.memory_space<vmem>>) dst(%dma_wait3A_126 : memref<200x64xf32, #tpu.memory_space<hbm>>)
    "tpu.region"() ({
      %run_scoped3A = tpu.sem_alloc : memref<!tpu.dma_semaphore, #tpu.memory_space<semaphore_mem>>
      %dma_start3A_963 = tpu.memref_slice %arg2[%add3A_89] : memref<204800xi32, #tpu.memory_space<hbm>> -> memref<800xi32, #tpu.memory_space<hbm>>
      %dma_start3A_964 = tpu.memref_slice %arg2[%add3A_89] : memref<204800xi32, #tpu.memory_space<hbm>> -> memref<800xi32, #tpu.memory_space<hbm>>
      tpu.enqueue_dma source(%dma_start3A_964 : memref<800xi32, #tpu.memory_space<hbm>>) target(%arg5 : memref<800xi32, #tpu.memory_space<vmem>>) target_semaphore(%run_scoped3A : memref<!tpu.dma_semaphore, #tpu.memory_space<semaphore_mem>>)
      %dma_wait3A_965 = tpu.memref_slice %arg2[%add3A_89] : memref<204800xi32, #tpu.memory_space<hbm>> -> memref<800xi32, #tpu.memory_space<hbm>>
      %dma_wait3A_966 = tpu.memref_slice %arg2[%add3A_89] : memref<204800xi32, #tpu.memory_space<hbm>> -> memref<800xi32, #tpu.memory_space<hbm>>
      tpu.wait_dma2 semaphore(%run_scoped3A : memref<!tpu.dma_semaphore, #tpu.memory_space<semaphore_mem>>) src(%dma_wait3A_966 : memref<800xi32, #tpu.memory_space<hbm>>) dst(%arg5 : memref<800xi32, #tpu.memory_space<vmem>>)
      tpu.yield
    }) : () -> ()
    %dma_start3A_130 = arith.constant 0 : i32
    %dma_start3A_131 = arith.constant 0 : i32
    %dma_start3A_132 = tpu.memref_slice %arg3[%dma_start3A_130, %dma_start3A_131] : memref<200000x64xf32, #tpu.memory_space<hbm>> -> memref<200000x64xf32, #tpu.memory_space<hbm>>
    tpu.enqueue_indirect_dma source(%dma_start3A_132 : memref<200000x64xf32, #tpu.memory_space<hbm>>) target(%arg7 : memref<800x64xf32, #tpu.memory_space<vmem>>) offsets(%arg5 : memref<800xi32, #tpu.memory_space<vmem>>) semaphore(%arg9 : memref<!tpu.dma_semaphore, #tpu.memory_space<semaphore_mem>>)
    %dma_wait3A_133 = arith.constant 0 : i32
    %dma_wait3A_134 = arith.constant 0 : i32
    %dma_wait3A_135 = tpu.memref_slice %arg3[%dma_wait3A_133, %dma_wait3A_134] : memref<200000x64xf32, #tpu.memory_space<hbm>> -> memref<200000x64xf32, #tpu.memory_space<hbm>>
    tpu.wait_indirect_dma semaphore(%arg10 : memref<!tpu.dma_semaphore, #tpu.memory_space<semaphore_mem>>) src(%dma_wait3A_135 : memref<200000x64xf32, #tpu.memory_space<hbm>>) dst(%arg8 : memref<800x64xf32, #tpu.memory_space<vmem>>)
    %mul3A_136 = arith.constant 32 : i32
    %mul3A_137 = arith.muli %add3A, %mul3A_136 : i32
    %add3A_138 = arith.constant 4 : i32
    %add3A_139 = arith.addi %mul3A_137, %add3A_138 : i32
    %add3A_140 = arith.constant 0 : i32
    %add3A_141 = arith.addi %add3A_139, %add3A_140 : i32
    %mul3A_142 = arith.constant 208 : i32
    %mul3A_143 = arith.muli %add3A_141, %mul3A_142 : i32
    %dma_start3A_144 = arith.constant 0 : i32
    %dma_start3A_145 = arith.constant 0 : i32
    %dma_start3A_146 = tpu.memref_slice %arg8[%dma_start3A_144, %dma_start3A_145] : memref<800x64xf32, #tpu.memory_space<vmem>> -> memref<200x64xf32, #tpu.memory_space<vmem>>
    %dma_start3A_147 = arith.constant 0 : i32
    %dma_start3A_148 = tpu.memref_slice %arg4[%mul3A_143, %dma_start3A_147] : memref<212992x64xf32, #tpu.memory_space<hbm>> -> memref<200x64xf32, #tpu.memory_space<hbm>>
    %dma_start3A_149 = arith.constant 0 : i32
    %dma_start3A_150 = tpu.memref_slice %arg4[%mul3A_143, %dma_start3A_149] : memref<212992x64xf32, #tpu.memory_space<hbm>> -> memref<200x64xf32, #tpu.memory_space<hbm>>
    %dma_start3A_151 = arith.constant 0 : i32
    %dma_start3A_152 = arith.constant 0 : i32
    %dma_start3A_153 = tpu.memref_slice %arg8[%dma_start3A_151, %dma_start3A_152] : memref<800x64xf32, #tpu.memory_space<vmem>> -> memref<200x64xf32, #tpu.memory_space<vmem>>
    tpu.enqueue_dma source(%dma_start3A_153 : memref<200x64xf32, #tpu.memory_space<vmem>>) target(%dma_start3A_150 : memref<200x64xf32, #tpu.memory_space<hbm>>) target_semaphore(%arg12 : memref<!tpu.dma_semaphore, #tpu.memory_space<semaphore_mem>>)
    %mul3A_154 = arith.constant 32 : i32
    %mul3A_155 = arith.muli %add3A, %mul3A_154 : i32
    %add3A_156 = arith.constant 4 : i32
    %add3A_157 = arith.addi %mul3A_155, %add3A_156 : i32
    %add3A_158 = arith.constant 1 : i32
    %add3A_159 = arith.addi %add3A_157, %add3A_158 : i32
    %mul3A_160 = arith.constant 208 : i32
    %mul3A_161 = arith.muli %add3A_159, %mul3A_160 : i32
    %dma_start3A_162 = arith.constant 200 : i32
    %dma_start3A_163 = arith.constant 0 : i32
    %dma_start3A_164 = tpu.memref_slice %arg8[%dma_start3A_162, %dma_start3A_163] : memref<800x64xf32, #tpu.memory_space<vmem>> -> memref<200x64xf32, #tpu.memory_space<vmem>>
    %dma_start3A_165 = arith.constant 0 : i32
    %dma_start3A_166 = tpu.memref_slice %arg4[%mul3A_161, %dma_start3A_165] : memref<212992x64xf32, #tpu.memory_space<hbm>> -> memref<200x64xf32, #tpu.memory_space<hbm>>
    %dma_start3A_167 = arith.constant 0 : i32
    %dma_start3A_168 = tpu.memref_slice %arg4[%mul3A_161, %dma_start3A_167] : memref<212992x64xf32, #tpu.memory_space<hbm>> -> memref<200x64xf32, #tpu.memory_space<hbm>>
    %dma_start3A_169 = arith.constant 200 : i32
    %dma_start3A_170 = arith.constant 0 : i32
    %dma_start3A_171 = tpu.memref_slice %arg8[%dma_start3A_169, %dma_start3A_170] : memref<800x64xf32, #tpu.memory_space<vmem>> -> memref<200x64xf32, #tpu.memory_space<vmem>>
    tpu.enqueue_dma source(%dma_start3A_171 : memref<200x64xf32, #tpu.memory_space<vmem>>) target(%dma_start3A_168 : memref<200x64xf32, #tpu.memory_space<hbm>>) target_semaphore(%arg12 : memref<!tpu.dma_semaphore, #tpu.memory_space<semaphore_mem>>)
    %mul3A_172 = arith.constant 32 : i32
    %mul3A_173 = arith.muli %add3A, %mul3A_172 : i32
    %add3A_174 = arith.constant 4 : i32
    %add3A_175 = arith.addi %mul3A_173, %add3A_174 : i32
    %add3A_176 = arith.constant 2 : i32
    %add3A_177 = arith.addi %add3A_175, %add3A_176 : i32
    %mul3A_178 = arith.constant 208 : i32
    %mul3A_179 = arith.muli %add3A_177, %mul3A_178 : i32
    %dma_start3A_180 = arith.constant 400 : i32
    %dma_start3A_181 = arith.constant 0 : i32
    %dma_start3A_182 = tpu.memref_slice %arg8[%dma_start3A_180, %dma_start3A_181] : memref<800x64xf32, #tpu.memory_space<vmem>> -> memref<200x64xf32, #tpu.memory_space<vmem>>
    %dma_start3A_183 = arith.constant 0 : i32
    %dma_start3A_184 = tpu.memref_slice %arg4[%mul3A_179, %dma_start3A_183] : memref<212992x64xf32, #tpu.memory_space<hbm>> -> memref<200x64xf32, #tpu.memory_space<hbm>>
    %dma_start3A_185 = arith.constant 0 : i32
    %dma_start3A_186 = tpu.memref_slice %arg4[%mul3A_179, %dma_start3A_185] : memref<212992x64xf32, #tpu.memory_space<hbm>> -> memref<200x64xf32, #tpu.memory_space<hbm>>
    %dma_start3A_187 = arith.constant 400 : i32
    %dma_start3A_188 = arith.constant 0 : i32
    %dma_start3A_189 = tpu.memref_slice %arg8[%dma_start3A_187, %dma_start3A_188] : memref<800x64xf32, #tpu.memory_space<vmem>> -> memref<200x64xf32, #tpu.memory_space<vmem>>
    tpu.enqueue_dma source(%dma_start3A_189 : memref<200x64xf32, #tpu.memory_space<vmem>>) target(%dma_start3A_186 : memref<200x64xf32, #tpu.memory_space<hbm>>) target_semaphore(%arg12 : memref<!tpu.dma_semaphore, #tpu.memory_space<semaphore_mem>>)
    %mul3A_190 = arith.constant 32 : i32
    %mul3A_191 = arith.muli %add3A, %mul3A_190 : i32
    %add3A_192 = arith.constant 4 : i32
    %add3A_193 = arith.addi %mul3A_191, %add3A_192 : i32
    %add3A_194 = arith.constant 3 : i32
    %add3A_195 = arith.addi %add3A_193, %add3A_194 : i32
    %mul3A_196 = arith.constant 208 : i32
    %mul3A_197 = arith.muli %add3A_195, %mul3A_196 : i32
    %dma_start3A_198 = arith.constant 600 : i32
    %dma_start3A_199 = arith.constant 0 : i32
    %dma_start3A_200 = tpu.memref_slice %arg8[%dma_start3A_198, %dma_start3A_199] : memref<800x64xf32, #tpu.memory_space<vmem>> -> memref<200x64xf32, #tpu.memory_space<vmem>>
    %dma_start3A_201 = arith.constant 0 : i32
    %dma_start3A_202 = tpu.memref_slice %arg4[%mul3A_197, %dma_start3A_201] : memref<212992x64xf32, #tpu.memory_space<hbm>> -> memref<200x64xf32, #tpu.memory_space<hbm>>
    %dma_start3A_203 = arith.constant 0 : i32
    %dma_start3A_204 = tpu.memref_slice %arg4[%mul3A_197, %dma_start3A_203] : memref<212992x64xf32, #tpu.memory_space<hbm>> -> memref<200x64xf32, #tpu.memory_space<hbm>>
    %dma_start3A_205 = arith.constant 600 : i32
    %dma_start3A_206 = arith.constant 0 : i32
    %dma_start3A_207 = tpu.memref_slice %arg8[%dma_start3A_205, %dma_start3A_206] : memref<800x64xf32, #tpu.memory_space<vmem>> -> memref<200x64xf32, #tpu.memory_space<vmem>>
    tpu.enqueue_dma source(%dma_start3A_207 : memref<200x64xf32, #tpu.memory_space<vmem>>) target(%dma_start3A_204 : memref<200x64xf32, #tpu.memory_space<hbm>>) target_semaphore(%arg12 : memref<!tpu.dma_semaphore, #tpu.memory_space<semaphore_mem>>)
    %add3A_208 = arith.constant 2400 : i32
    %add3A_209 = arith.addi %mul3A_4, %add3A_208 : i32
    %dma_wait3A_210 = arith.constant 600 : i32
    %dma_wait3A_211 = arith.constant 0 : i32
    %dma_wait3A_212 = tpu.memref_slice %arg8[%dma_wait3A_210, %dma_wait3A_211] : memref<800x64xf32, #tpu.memory_space<vmem>> -> memref<200x64xf32, #tpu.memory_space<vmem>>
    %dma_wait3A_213 = arith.constant 0 : i32
    %dma_wait3A_214 = tpu.memref_slice %arg4[%mul3A_197, %dma_wait3A_213] : memref<212992x64xf32, #tpu.memory_space<hbm>> -> memref<200x64xf32, #tpu.memory_space<hbm>>
    %dma_wait3A_215 = arith.constant 0 : i32
    %dma_wait3A_216 = tpu.memref_slice %arg4[%mul3A_197, %dma_wait3A_215] : memref<212992x64xf32, #tpu.memory_space<hbm>> -> memref<200x64xf32, #tpu.memory_space<hbm>>
    %dma_wait3A_217 = arith.constant 600 : i32
    %dma_wait3A_218 = arith.constant 0 : i32
    %dma_wait3A_219 = tpu.memref_slice %arg8[%dma_wait3A_217, %dma_wait3A_218] : memref<800x64xf32, #tpu.memory_space<vmem>> -> memref<200x64xf32, #tpu.memory_space<vmem>>
    tpu.wait_dma2 semaphore(%arg12 : memref<!tpu.dma_semaphore, #tpu.memory_space<semaphore_mem>>) src(%dma_wait3A_219 : memref<200x64xf32, #tpu.memory_space<vmem>>) dst(%dma_wait3A_216 : memref<200x64xf32, #tpu.memory_space<hbm>>)
    %dma_wait3A_220 = arith.constant 600 : i32
    %dma_wait3A_221 = arith.constant 0 : i32
    %dma_wait3A_222 = tpu.memref_slice %arg8[%dma_wait3A_220, %dma_wait3A_221] : memref<800x64xf32, #tpu.memory_space<vmem>> -> memref<200x64xf32, #tpu.memory_space<vmem>>
    %dma_wait3A_223 = arith.constant 0 : i32
    %dma_wait3A_224 = tpu.memref_slice %arg4[%mul3A_197, %dma_wait3A_223] : memref<212992x64xf32, #tpu.memory_space<hbm>> -> memref<200x64xf32, #tpu.memory_space<hbm>>
    %dma_wait3A_225 = arith.constant 0 : i32
    %dma_wait3A_226 = tpu.memref_slice %arg4[%mul3A_197, %dma_wait3A_225] : memref<212992x64xf32, #tpu.memory_space<hbm>> -> memref<200x64xf32, #tpu.memory_space<hbm>>
    %dma_wait3A_227 = arith.constant 600 : i32
    %dma_wait3A_228 = arith.constant 0 : i32
    %dma_wait3A_229 = tpu.memref_slice %arg8[%dma_wait3A_227, %dma_wait3A_228] : memref<800x64xf32, #tpu.memory_space<vmem>> -> memref<200x64xf32, #tpu.memory_space<vmem>>
    tpu.wait_dma2 semaphore(%arg12 : memref<!tpu.dma_semaphore, #tpu.memory_space<semaphore_mem>>) src(%dma_wait3A_229 : memref<200x64xf32, #tpu.memory_space<vmem>>) dst(%dma_wait3A_226 : memref<200x64xf32, #tpu.memory_space<hbm>>)
    %dma_wait3A_230 = arith.constant 600 : i32
    %dma_wait3A_231 = arith.constant 0 : i32
    %dma_wait3A_232 = tpu.memref_slice %arg8[%dma_wait3A_230, %dma_wait3A_231] : memref<800x64xf32, #tpu.memory_space<vmem>> -> memref<200x64xf32, #tpu.memory_space<vmem>>
    %dma_wait3A_233 = arith.constant 0 : i32
    %dma_wait3A_234 = tpu.memref_slice %arg4[%mul3A_197, %dma_wait3A_233] : memref<212992x64xf32, #tpu.memory_space<hbm>> -> memref<200x64xf32, #tpu.memory_space<hbm>>
    %dma_wait3A_235 = arith.constant 0 : i32
    %dma_wait3A_236 = tpu.memref_slice %arg4[%mul3A_197, %dma_wait3A_235] : memref<212992x64xf32, #tpu.memory_space<hbm>> -> memref<200x64xf32, #tpu.memory_space<hbm>>
    %dma_wait3A_237 = arith.constant 600 : i32
    %dma_wait3A_238 = arith.constant 0 : i32
    %dma_wait3A_239 = tpu.memref_slice %arg8[%dma_wait3A_237, %dma_wait3A_238] : memref<800x64xf32, #tpu.memory_space<vmem>> -> memref<200x64xf32, #tpu.memory_space<vmem>>
    tpu.wait_dma2 semaphore(%arg12 : memref<!tpu.dma_semaphore, #tpu.memory_space<semaphore_mem>>) src(%dma_wait3A_239 : memref<200x64xf32, #tpu.memory_space<vmem>>) dst(%dma_wait3A_236 : memref<200x64xf32, #tpu.memory_space<hbm>>)
    %dma_wait3A_240 = arith.constant 600 : i32
    %dma_wait3A_241 = arith.constant 0 : i32
    %dma_wait3A_242 = tpu.memref_slice %arg8[%dma_wait3A_240, %dma_wait3A_241] : memref<800x64xf32, #tpu.memory_space<vmem>> -> memref<200x64xf32, #tpu.memory_space<vmem>>
    %dma_wait3A_243 = arith.constant 0 : i32
    %dma_wait3A_244 = tpu.memref_slice %arg4[%mul3A_197, %dma_wait3A_243] : memref<212992x64xf32, #tpu.memory_space<hbm>> -> memref<200x64xf32, #tpu.memory_space<hbm>>
    %dma_wait3A_245 = arith.constant 0 : i32
    %dma_wait3A_246 = tpu.memref_slice %arg4[%mul3A_197, %dma_wait3A_245] : memref<212992x64xf32, #tpu.memory_space<hbm>> -> memref<200x64xf32, #tpu.memory_space<hbm>>
    %dma_wait3A_247 = arith.constant 600 : i32
    %dma_wait3A_248 = arith.constant 0 : i32
    %dma_wait3A_249 = tpu.memref_slice %arg8[%dma_wait3A_247, %dma_wait3A_248] : memref<800x64xf32, #tpu.memory_space<vmem>> -> memref<200x64xf32, #tpu.memory_space<vmem>>
    tpu.wait_dma2 semaphore(%arg12 : memref<!tpu.dma_semaphore, #tpu.memory_space<semaphore_mem>>) src(%dma_wait3A_249 : memref<200x64xf32, #tpu.memory_space<vmem>>) dst(%dma_wait3A_246 : memref<200x64xf32, #tpu.memory_space<hbm>>)
    "tpu.region"() ({
      %run_scoped3A = tpu.sem_alloc : memref<!tpu.dma_semaphore, #tpu.memory_space<semaphore_mem>>
      %dma_start3A_963 = tpu.memref_slice %arg2[%add3A_209] : memref<204800xi32, #tpu.memory_space<hbm>> -> memref<800xi32, #tpu.memory_space<hbm>>
      %dma_start3A_964 = tpu.memref_slice %arg2[%add3A_209] : memref<204800xi32, #tpu.memory_space<hbm>> -> memref<800xi32, #tpu.memory_space<hbm>>
      tpu.enqueue_dma source(%dma_start3A_964 : memref<800xi32, #tpu.memory_space<hbm>>) target(%arg6 : memref<800xi32, #tpu.memory_space<vmem>>) target_semaphore(%run_scoped3A : memref<!tpu.dma_semaphore, #tpu.memory_space<semaphore_mem>>)
      %dma_wait3A_965 = tpu.memref_slice %arg2[%add3A_209] : memref<204800xi32, #tpu.memory_space<hbm>> -> memref<800xi32, #tpu.memory_space<hbm>>
      %dma_wait3A_966 = tpu.memref_slice %arg2[%add3A_209] : memref<204800xi32, #tpu.memory_space<hbm>> -> memref<800xi32, #tpu.memory_space<hbm>>
      tpu.wait_dma2 semaphore(%run_scoped3A : memref<!tpu.dma_semaphore, #tpu.memory_space<semaphore_mem>>) src(%dma_wait3A_966 : memref<800xi32, #tpu.memory_space<hbm>>) dst(%arg6 : memref<800xi32, #tpu.memory_space<vmem>>)
      tpu.yield
    }) : () -> ()
    %dma_start3A_250 = arith.constant 0 : i32
    %dma_start3A_251 = arith.constant 0 : i32
    %dma_start3A_252 = tpu.memref_slice %arg3[%dma_start3A_250, %dma_start3A_251] : memref<200000x64xf32, #tpu.memory_space<hbm>> -> memref<200000x64xf32, #tpu.memory_space<hbm>>
    tpu.enqueue_indirect_dma source(%dma_start3A_252 : memref<200000x64xf32, #tpu.memory_space<hbm>>) target(%arg8 : memref<800x64xf32, #tpu.memory_space<vmem>>) offsets(%arg6 : memref<800xi32, #tpu.memory_space<vmem>>) semaphore(%arg10 : memref<!tpu.dma_semaphore, #tpu.memory_space<semaphore_mem>>)
    %dma_wait3A_253 = arith.constant 0 : i32
    %dma_wait3A_254 = arith.constant 0 : i32
    %dma_wait3A_255 = tpu.memref_slice %arg3[%dma_wait3A_253, %dma_wait3A_254] : memref<200000x64xf32, #tpu.memory_space<hbm>> -> memref<200000x64xf32, #tpu.memory_space<hbm>>
    tpu.wait_indirect_dma semaphore(%arg9 : memref<!tpu.dma_semaphore, #tpu.memory_space<semaphore_mem>>) src(%dma_wait3A_255 : memref<200000x64xf32, #tpu.memory_space<hbm>>) dst(%arg7 : memref<800x64xf32, #tpu.memory_space<vmem>>)
    %mul3A_256 = arith.constant 32 : i32
    %mul3A_257 = arith.muli %add3A, %mul3A_256 : i32
    %add3A_258 = arith.constant 8 : i32
    %add3A_259 = arith.addi %mul3A_257, %add3A_258 : i32
    %add3A_260 = arith.constant 0 : i32
    %add3A_261 = arith.addi %add3A_259, %add3A_260 : i32
    %mul3A_262 = arith.constant 208 : i32
    %mul3A_263 = arith.muli %add3A_261, %mul3A_262 : i32
    %dma_start3A_264 = arith.constant 0 : i32
    %dma_start3A_265 = arith.constant 0 : i32
    %dma_start3A_266 = tpu.memref_slice %arg7[%dma_start3A_264, %dma_start3A_265] : memref<800x64xf32, #tpu.memory_space<vmem>> -> memref<200x64xf32, #tpu.memory_space<vmem>>
    %dma_start3A_267 = arith.constant 0 : i32
    %dma_start3A_268 = tpu.memref_slice %arg4[%mul3A_263, %dma_start3A_267] : memref<212992x64xf32, #tpu.memory_space<hbm>> -> memref<200x64xf32, #tpu.memory_space<hbm>>
    %dma_start3A_269 = arith.constant 0 : i32
    %dma_start3A_270 = tpu.memref_slice %arg4[%mul3A_263, %dma_start3A_269] : memref<212992x64xf32, #tpu.memory_space<hbm>> -> memref<200x64xf32, #tpu.memory_space<hbm>>
    %dma_start3A_271 = arith.constant 0 : i32
    %dma_start3A_272 = arith.constant 0 : i32
    %dma_start3A_273 = tpu.memref_slice %arg7[%dma_start3A_271, %dma_start3A_272] : memref<800x64xf32, #tpu.memory_space<vmem>> -> memref<200x64xf32, #tpu.memory_space<vmem>>
    tpu.enqueue_dma source(%dma_start3A_273 : memref<200x64xf32, #tpu.memory_space<vmem>>) target(%dma_start3A_270 : memref<200x64xf32, #tpu.memory_space<hbm>>) target_semaphore(%arg11 : memref<!tpu.dma_semaphore, #tpu.memory_space<semaphore_mem>>)
    %mul3A_274 = arith.constant 32 : i32
    %mul3A_275 = arith.muli %add3A, %mul3A_274 : i32
    %add3A_276 = arith.constant 8 : i32
    %add3A_277 = arith.addi %mul3A_275, %add3A_276 : i32
    %add3A_278 = arith.constant 1 : i32
    %add3A_279 = arith.addi %add3A_277, %add3A_278 : i32
    %mul3A_280 = arith.constant 208 : i32
    %mul3A_281 = arith.muli %add3A_279, %mul3A_280 : i32
    %dma_start3A_282 = arith.constant 200 : i32
    %dma_start3A_283 = arith.constant 0 : i32
    %dma_start3A_284 = tpu.memref_slice %arg7[%dma_start3A_282, %dma_start3A_283] : memref<800x64xf32, #tpu.memory_space<vmem>> -> memref<200x64xf32, #tpu.memory_space<vmem>>
    %dma_start3A_285 = arith.constant 0 : i32
    %dma_start3A_286 = tpu.memref_slice %arg4[%mul3A_281, %dma_start3A_285] : memref<212992x64xf32, #tpu.memory_space<hbm>> -> memref<200x64xf32, #tpu.memory_space<hbm>>
    %dma_start3A_287 = arith.constant 0 : i32
    %dma_start3A_288 = tpu.memref_slice %arg4[%mul3A_281, %dma_start3A_287] : memref<212992x64xf32, #tpu.memory_space<hbm>> -> memref<200x64xf32, #tpu.memory_space<hbm>>
    %dma_start3A_289 = arith.constant 200 : i32
    %dma_start3A_290 = arith.constant 0 : i32
    %dma_start3A_291 = tpu.memref_slice %arg7[%dma_start3A_289, %dma_start3A_290] : memref<800x64xf32, #tpu.memory_space<vmem>> -> memref<200x64xf32, #tpu.memory_space<vmem>>
    tpu.enqueue_dma source(%dma_start3A_291 : memref<200x64xf32, #tpu.memory_space<vmem>>) target(%dma_start3A_288 : memref<200x64xf32, #tpu.memory_space<hbm>>) target_semaphore(%arg11 : memref<!tpu.dma_semaphore, #tpu.memory_space<semaphore_mem>>)
    %mul3A_292 = arith.constant 32 : i32
    %mul3A_293 = arith.muli %add3A, %mul3A_292 : i32
    %add3A_294 = arith.constant 8 : i32
    %add3A_295 = arith.addi %mul3A_293, %add3A_294 : i32
    %add3A_296 = arith.constant 2 : i32
    %add3A_297 = arith.addi %add3A_295, %add3A_296 : i32
    %mul3A_298 = arith.constant 208 : i32
    %mul3A_299 = arith.muli %add3A_297, %mul3A_298 : i32
    %dma_start3A_300 = arith.constant 400 : i32
    %dma_start3A_301 = arith.constant 0 : i32
    %dma_start3A_302 = tpu.memref_slice %arg7[%dma_start3A_300, %dma_start3A_301] : memref<800x64xf32, #tpu.memory_space<vmem>> -> memref<200x64xf32, #tpu.memory_space<vmem>>
    %dma_start3A_303 = arith.constant 0 : i32
    %dma_start3A_304 = tpu.memref_slice %arg4[%mul3A_299, %dma_start3A_303] : memref<212992x64xf32, #tpu.memory_space<hbm>> -> memref<200x64xf32, #tpu.memory_space<hbm>>
    %dma_start3A_305 = arith.constant 0 : i32
    %dma_start3A_306 = tpu.memref_slice %arg4[%mul3A_299, %dma_start3A_305] : memref<212992x64xf32, #tpu.memory_space<hbm>> -> memref<200x64xf32, #tpu.memory_space<hbm>>
    %dma_start3A_307 = arith.constant 400 : i32
    %dma_start3A_308 = arith.constant 0 : i32
    %dma_start3A_309 = tpu.memref_slice %arg7[%dma_start3A_307, %dma_start3A_308] : memref<800x64xf32, #tpu.memory_space<vmem>> -> memref<200x64xf32, #tpu.memory_space<vmem>>
    tpu.enqueue_dma source(%dma_start3A_309 : memref<200x64xf32, #tpu.memory_space<vmem>>) target(%dma_start3A_306 : memref<200x64xf32, #tpu.memory_space<hbm>>) target_semaphore(%arg11 : memref<!tpu.dma_semaphore, #tpu.memory_space<semaphore_mem>>)
    %mul3A_310 = arith.constant 32 : i32
    %mul3A_311 = arith.muli %add3A, %mul3A_310 : i32
    %add3A_312 = arith.constant 8 : i32
    %add3A_313 = arith.addi %mul3A_311, %add3A_312 : i32
    %add3A_314 = arith.constant 3 : i32
    %add3A_315 = arith.addi %add3A_313, %add3A_314 : i32
    %mul3A_316 = arith.constant 208 : i32
    %mul3A_317 = arith.muli %add3A_315, %mul3A_316 : i32
    %dma_start3A_318 = arith.constant 600 : i32
    %dma_start3A_319 = arith.constant 0 : i32
    %dma_start3A_320 = tpu.memref_slice %arg7[%dma_start3A_318, %dma_start3A_319] : memref<800x64xf32, #tpu.memory_space<vmem>> -> memref<200x64xf32, #tpu.memory_space<vmem>>
    %dma_start3A_321 = arith.constant 0 : i32
    %dma_start3A_322 = tpu.memref_slice %arg4[%mul3A_317, %dma_start3A_321] : memref<212992x64xf32, #tpu.memory_space<hbm>> -> memref<200x64xf32, #tpu.memory_space<hbm>>
    %dma_start3A_323 = arith.constant 0 : i32
    %dma_start3A_324 = tpu.memref_slice %arg4[%mul3A_317, %dma_start3A_323] : memref<212992x64xf32, #tpu.memory_space<hbm>> -> memref<200x64xf32, #tpu.memory_space<hbm>>
    %dma_start3A_325 = arith.constant 600 : i32
    %dma_start3A_326 = arith.constant 0 : i32
    %dma_start3A_327 = tpu.memref_slice %arg7[%dma_start3A_325, %dma_start3A_326] : memref<800x64xf32, #tpu.memory_space<vmem>> -> memref<200x64xf32, #tpu.memory_space<vmem>>
    tpu.enqueue_dma source(%dma_start3A_327 : memref<200x64xf32, #tpu.memory_space<vmem>>) target(%dma_start3A_324 : memref<200x64xf32, #tpu.memory_space<hbm>>) target_semaphore(%arg11 : memref<!tpu.dma_semaphore, #tpu.memory_space<semaphore_mem>>)
    %add3A_328 = arith.constant 3200 : i32
    %add3A_329 = arith.addi %mul3A_4, %add3A_328 : i32
    %dma_wait3A_330 = arith.constant 600 : i32
    %dma_wait3A_331 = arith.constant 0 : i32
    %dma_wait3A_332 = tpu.memref_slice %arg7[%dma_wait3A_330, %dma_wait3A_331] : memref<800x64xf32, #tpu.memory_space<vmem>> -> memref<200x64xf32, #tpu.memory_space<vmem>>
    %dma_wait3A_333 = arith.constant 0 : i32
    %dma_wait3A_334 = tpu.memref_slice %arg4[%mul3A_317, %dma_wait3A_333] : memref<212992x64xf32, #tpu.memory_space<hbm>> -> memref<200x64xf32, #tpu.memory_space<hbm>>
    %dma_wait3A_335 = arith.constant 0 : i32
    %dma_wait3A_336 = tpu.memref_slice %arg4[%mul3A_317, %dma_wait3A_335] : memref<212992x64xf32, #tpu.memory_space<hbm>> -> memref<200x64xf32, #tpu.memory_space<hbm>>
    %dma_wait3A_337 = arith.constant 600 : i32
    %dma_wait3A_338 = arith.constant 0 : i32
    %dma_wait3A_339 = tpu.memref_slice %arg7[%dma_wait3A_337, %dma_wait3A_338] : memref<800x64xf32, #tpu.memory_space<vmem>> -> memref<200x64xf32, #tpu.memory_space<vmem>>
    tpu.wait_dma2 semaphore(%arg11 : memref<!tpu.dma_semaphore, #tpu.memory_space<semaphore_mem>>) src(%dma_wait3A_339 : memref<200x64xf32, #tpu.memory_space<vmem>>) dst(%dma_wait3A_336 : memref<200x64xf32, #tpu.memory_space<hbm>>)
    %dma_wait3A_340 = arith.constant 600 : i32
    %dma_wait3A_341 = arith.constant 0 : i32
    %dma_wait3A_342 = tpu.memref_slice %arg7[%dma_wait3A_340, %dma_wait3A_341] : memref<800x64xf32, #tpu.memory_space<vmem>> -> memref<200x64xf32, #tpu.memory_space<vmem>>
    %dma_wait3A_343 = arith.constant 0 : i32
    %dma_wait3A_344 = tpu.memref_slice %arg4[%mul3A_317, %dma_wait3A_343] : memref<212992x64xf32, #tpu.memory_space<hbm>> -> memref<200x64xf32, #tpu.memory_space<hbm>>
    %dma_wait3A_345 = arith.constant 0 : i32
    %dma_wait3A_346 = tpu.memref_slice %arg4[%mul3A_317, %dma_wait3A_345] : memref<212992x64xf32, #tpu.memory_space<hbm>> -> memref<200x64xf32, #tpu.memory_space<hbm>>
    %dma_wait3A_347 = arith.constant 600 : i32
    %dma_wait3A_348 = arith.constant 0 : i32
    %dma_wait3A_349 = tpu.memref_slice %arg7[%dma_wait3A_347, %dma_wait3A_348] : memref<800x64xf32, #tpu.memory_space<vmem>> -> memref<200x64xf32, #tpu.memory_space<vmem>>
    tpu.wait_dma2 semaphore(%arg11 : memref<!tpu.dma_semaphore, #tpu.memory_space<semaphore_mem>>) src(%dma_wait3A_349 : memref<200x64xf32, #tpu.memory_space<vmem>>) dst(%dma_wait3A_346 : memref<200x64xf32, #tpu.memory_space<hbm>>)
    %dma_wait3A_350 = arith.constant 600 : i32
    %dma_wait3A_351 = arith.constant 0 : i32
    %dma_wait3A_352 = tpu.memref_slice %arg7[%dma_wait3A_350, %dma_wait3A_351] : memref<800x64xf32, #tpu.memory_space<vmem>> -> memref<200x64xf32, #tpu.memory_space<vmem>>
    %dma_wait3A_353 = arith.constant 0 : i32
    %dma_wait3A_354 = tpu.memref_slice %arg4[%mul3A_317, %dma_wait3A_353] : memref<212992x64xf32, #tpu.memory_space<hbm>> -> memref<200x64xf32, #tpu.memory_space<hbm>>
    %dma_wait3A_355 = arith.constant 0 : i32
    %dma_wait3A_356 = tpu.memref_slice %arg4[%mul3A_317, %dma_wait3A_355] : memref<212992x64xf32, #tpu.memory_space<hbm>> -> memref<200x64xf32, #tpu.memory_space<hbm>>
    %dma_wait3A_357 = arith.constant 600 : i32
    %dma_wait3A_358 = arith.constant 0 : i32
    %dma_wait3A_359 = tpu.memref_slice %arg7[%dma_wait3A_357, %dma_wait3A_358] : memref<800x64xf32, #tpu.memory_space<vmem>> -> memref<200x64xf32, #tpu.memory_space<vmem>>
    tpu.wait_dma2 semaphore(%arg11 : memref<!tpu.dma_semaphore, #tpu.memory_space<semaphore_mem>>) src(%dma_wait3A_359 : memref<200x64xf32, #tpu.memory_space<vmem>>) dst(%dma_wait3A_356 : memref<200x64xf32, #tpu.memory_space<hbm>>)
    %dma_wait3A_360 = arith.constant 600 : i32
    %dma_wait3A_361 = arith.constant 0 : i32
    %dma_wait3A_362 = tpu.memref_slice %arg7[%dma_wait3A_360, %dma_wait3A_361] : memref<800x64xf32, #tpu.memory_space<vmem>> -> memref<200x64xf32, #tpu.memory_space<vmem>>
    %dma_wait3A_363 = arith.constant 0 : i32
    %dma_wait3A_364 = tpu.memref_slice %arg4[%mul3A_317, %dma_wait3A_363] : memref<212992x64xf32, #tpu.memory_space<hbm>> -> memref<200x64xf32, #tpu.memory_space<hbm>>
    %dma_wait3A_365 = arith.constant 0 : i32
    %dma_wait3A_366 = tpu.memref_slice %arg4[%mul3A_317, %dma_wait3A_365] : memref<212992x64xf32, #tpu.memory_space<hbm>> -> memref<200x64xf32, #tpu.memory_space<hbm>>
    %dma_wait3A_367 = arith.constant 600 : i32
    %dma_wait3A_368 = arith.constant 0 : i32
    %dma_wait3A_369 = tpu.memref_slice %arg7[%dma_wait3A_367, %dma_wait3A_368] : memref<800x64xf32, #tpu.memory_space<vmem>> -> memref<200x64xf32, #tpu.memory_space<vmem>>
    tpu.wait_dma2 semaphore(%arg11 : memref<!tpu.dma_semaphore, #tpu.memory_space<semaphore_mem>>) src(%dma_wait3A_369 : memref<200x64xf32, #tpu.memory_space<vmem>>) dst(%dma_wait3A_366 : memref<200x64xf32, #tpu.memory_space<hbm>>)
    "tpu.region"() ({
      %run_scoped3A = tpu.sem_alloc : memref<!tpu.dma_semaphore, #tpu.memory_space<semaphore_mem>>
      %dma_start3A_963 = tpu.memref_slice %arg2[%add3A_329] : memref<204800xi32, #tpu.memory_space<hbm>> -> memref<800xi32, #tpu.memory_space<hbm>>
      %dma_start3A_964 = tpu.memref_slice %arg2[%add3A_329] : memref<204800xi32, #tpu.memory_space<hbm>> -> memref<800xi32, #tpu.memory_space<hbm>>
      tpu.enqueue_dma source(%dma_start3A_964 : memref<800xi32, #tpu.memory_space<hbm>>) target(%arg5 : memref<800xi32, #tpu.memory_space<vmem>>) target_semaphore(%run_scoped3A : memref<!tpu.dma_semaphore, #tpu.memory_space<semaphore_mem>>)
      %dma_wait3A_965 = tpu.memref_slice %arg2[%add3A_329] : memref<204800xi32, #tpu.memory_space<hbm>> -> memref<800xi32, #tpu.memory_space<hbm>>
      %dma_wait3A_966 = tpu.memref_slice %arg2[%add3A_329] : memref<204800xi32, #tpu.memory_space<hbm>> -> memref<800xi32, #tpu.memory_space<hbm>>
      tpu.wait_dma2 semaphore(%run_scoped3A : memref<!tpu.dma_semaphore, #tpu.memory_space<semaphore_mem>>) src(%dma_wait3A_966 : memref<800xi32, #tpu.memory_space<hbm>>) dst(%arg5 : memref<800xi32, #tpu.memory_space<vmem>>)
      tpu.yield
    }) : () -> ()
    %dma_start3A_370 = arith.constant 0 : i32
    %dma_start3A_371 = arith.constant 0 : i32
    %dma_start3A_372 = tpu.memref_slice %arg3[%dma_start3A_370, %dma_start3A_371] : memref<200000x64xf32, #tpu.memory_space<hbm>> -> memref<200000x64xf32, #tpu.memory_space<hbm>>
    tpu.enqueue_indirect_dma source(%dma_start3A_372 : memref<200000x64xf32, #tpu.memory_space<hbm>>) target(%arg7 : memref<800x64xf32, #tpu.memory_space<vmem>>) offsets(%arg5 : memref<800xi32, #tpu.memory_space<vmem>>) semaphore(%arg9 : memref<!tpu.dma_semaphore, #tpu.memory_space<semaphore_mem>>)
    %dma_wait3A_373 = arith.constant 0 : i32
    %dma_wait3A_374 = arith.constant 0 : i32
    %dma_wait3A_375 = tpu.memref_slice %arg3[%dma_wait3A_373, %dma_wait3A_374] : memref<200000x64xf32, #tpu.memory_space<hbm>> -> memref<200000x64xf32, #tpu.memory_space<hbm>>
    tpu.wait_indirect_dma semaphore(%arg10 : memref<!tpu.dma_semaphore, #tpu.memory_space<semaphore_mem>>) src(%dma_wait3A_375 : memref<200000x64xf32, #tpu.memory_space<hbm>>) dst(%arg8 : memref<800x64xf32, #tpu.memory_space<vmem>>)
    %mul3A_376 = arith.constant 32 : i32
    %mul3A_377 = arith.muli %add3A, %mul3A_376 : i32
    %add3A_378 = arith.constant 12 : i32
    %add3A_379 = arith.addi %mul3A_377, %add3A_378 : i32
    %add3A_380 = arith.constant 0 : i32
    %add3A_381 = arith.addi %add3A_379, %add3A_380 : i32
    %mul3A_382 = arith.constant 208 : i32
    %mul3A_383 = arith.muli %add3A_381, %mul3A_382 : i32
    %dma_start3A_384 = arith.constant 0 : i32
    %dma_start3A_385 = arith.constant 0 : i32
    %dma_start3A_386 = tpu.memref_slice %arg8[%dma_start3A_384, %dma_start3A_385] : memref<800x64xf32, #tpu.memory_space<vmem>> -> memref<200x64xf32, #tpu.memory_space<vmem>>
    %dma_start3A_387 = arith.constant 0 : i32
    %dma_start3A_388 = tpu.memref_slice %arg4[%mul3A_383, %dma_start3A_387] : memref<212992x64xf32, #tpu.memory_space<hbm>> -> memref<200x64xf32, #tpu.memory_space<hbm>>
    %dma_start3A_389 = arith.constant 0 : i32
    %dma_start3A_390 = tpu.memref_slice %arg4[%mul3A_383, %dma_start3A_389] : memref<212992x64xf32, #tpu.memory_space<hbm>> -> memref<200x64xf32, #tpu.memory_space<hbm>>
    %dma_start3A_391 = arith.constant 0 : i32
    %dma_start3A_392 = arith.constant 0 : i32
    %dma_start3A_393 = tpu.memref_slice %arg8[%dma_start3A_391, %dma_start3A_392] : memref<800x64xf32, #tpu.memory_space<vmem>> -> memref<200x64xf32, #tpu.memory_space<vmem>>
    tpu.enqueue_dma source(%dma_start3A_393 : memref<200x64xf32, #tpu.memory_space<vmem>>) target(%dma_start3A_390 : memref<200x64xf32, #tpu.memory_space<hbm>>) target_semaphore(%arg12 : memref<!tpu.dma_semaphore, #tpu.memory_space<semaphore_mem>>)
    %mul3A_394 = arith.constant 32 : i32
    %mul3A_395 = arith.muli %add3A, %mul3A_394 : i32
    %add3A_396 = arith.constant 12 : i32
    %add3A_397 = arith.addi %mul3A_395, %add3A_396 : i32
    %add3A_398 = arith.constant 1 : i32
    %add3A_399 = arith.addi %add3A_397, %add3A_398 : i32
    %mul3A_400 = arith.constant 208 : i32
    %mul3A_401 = arith.muli %add3A_399, %mul3A_400 : i32
    %dma_start3A_402 = arith.constant 200 : i32
    %dma_start3A_403 = arith.constant 0 : i32
    %dma_start3A_404 = tpu.memref_slice %arg8[%dma_start3A_402, %dma_start3A_403] : memref<800x64xf32, #tpu.memory_space<vmem>> -> memref<200x64xf32, #tpu.memory_space<vmem>>
    %dma_start3A_405 = arith.constant 0 : i32
    %dma_start3A_406 = tpu.memref_slice %arg4[%mul3A_401, %dma_start3A_405] : memref<212992x64xf32, #tpu.memory_space<hbm>> -> memref<200x64xf32, #tpu.memory_space<hbm>>
    %dma_start3A_407 = arith.constant 0 : i32
    %dma_start3A_408 = tpu.memref_slice %arg4[%mul3A_401, %dma_start3A_407] : memref<212992x64xf32, #tpu.memory_space<hbm>> -> memref<200x64xf32, #tpu.memory_space<hbm>>
    %dma_start3A_409 = arith.constant 200 : i32
    %dma_start3A_410 = arith.constant 0 : i32
    %dma_start3A_411 = tpu.memref_slice %arg8[%dma_start3A_409, %dma_start3A_410] : memref<800x64xf32, #tpu.memory_space<vmem>> -> memref<200x64xf32, #tpu.memory_space<vmem>>
    tpu.enqueue_dma source(%dma_start3A_411 : memref<200x64xf32, #tpu.memory_space<vmem>>) target(%dma_start3A_408 : memref<200x64xf32, #tpu.memory_space<hbm>>) target_semaphore(%arg12 : memref<!tpu.dma_semaphore, #tpu.memory_space<semaphore_mem>>)
    %mul3A_412 = arith.constant 32 : i32
    %mul3A_413 = arith.muli %add3A, %mul3A_412 : i32
    %add3A_414 = arith.constant 12 : i32
    %add3A_415 = arith.addi %mul3A_413, %add3A_414 : i32
    %add3A_416 = arith.constant 2 : i32
    %add3A_417 = arith.addi %add3A_415, %add3A_416 : i32
    %mul3A_418 = arith.constant 208 : i32
    %mul3A_419 = arith.muli %add3A_417, %mul3A_418 : i32
    %dma_start3A_420 = arith.constant 400 : i32
    %dma_start3A_421 = arith.constant 0 : i32
    %dma_start3A_422 = tpu.memref_slice %arg8[%dma_start3A_420, %dma_start3A_421] : memref<800x64xf32, #tpu.memory_space<vmem>> -> memref<200x64xf32, #tpu.memory_space<vmem>>
    %dma_start3A_423 = arith.constant 0 : i32
    %dma_start3A_424 = tpu.memref_slice %arg4[%mul3A_419, %dma_start3A_423] : memref<212992x64xf32, #tpu.memory_space<hbm>> -> memref<200x64xf32, #tpu.memory_space<hbm>>
    %dma_start3A_425 = arith.constant 0 : i32
    %dma_start3A_426 = tpu.memref_slice %arg4[%mul3A_419, %dma_start3A_425] : memref<212992x64xf32, #tpu.memory_space<hbm>> -> memref<200x64xf32, #tpu.memory_space<hbm>>
    %dma_start3A_427 = arith.constant 400 : i32
    %dma_start3A_428 = arith.constant 0 : i32
    %dma_start3A_429 = tpu.memref_slice %arg8[%dma_start3A_427, %dma_start3A_428] : memref<800x64xf32, #tpu.memory_space<vmem>> -> memref<200x64xf32, #tpu.memory_space<vmem>>
    tpu.enqueue_dma source(%dma_start3A_429 : memref<200x64xf32, #tpu.memory_space<vmem>>) target(%dma_start3A_426 : memref<200x64xf32, #tpu.memory_space<hbm>>) target_semaphore(%arg12 : memref<!tpu.dma_semaphore, #tpu.memory_space<semaphore_mem>>)
    %mul3A_430 = arith.constant 32 : i32
    %mul3A_431 = arith.muli %add3A, %mul3A_430 : i32
    %add3A_432 = arith.constant 12 : i32
    %add3A_433 = arith.addi %mul3A_431, %add3A_432 : i32
    %add3A_434 = arith.constant 3 : i32
    %add3A_435 = arith.addi %add3A_433, %add3A_434 : i32
    %mul3A_436 = arith.constant 208 : i32
    %mul3A_437 = arith.muli %add3A_435, %mul3A_436 : i32
    %dma_start3A_438 = arith.constant 600 : i32
    %dma_start3A_439 = arith.constant 0 : i32
    %dma_start3A_440 = tpu.memref_slice %arg8[%dma_start3A_438, %dma_start3A_439] : memref<800x64xf32, #tpu.memory_space<vmem>> -> memref<200x64xf32, #tpu.memory_space<vmem>>
    %dma_start3A_441 = arith.constant 0 : i32
    %dma_start3A_442 = tpu.memref_slice %arg4[%mul3A_437, %dma_start3A_441] : memref<212992x64xf32, #tpu.memory_space<hbm>> -> memref<200x64xf32, #tpu.memory_space<hbm>>
    %dma_start3A_443 = arith.constant 0 : i32
    %dma_start3A_444 = tpu.memref_slice %arg4[%mul3A_437, %dma_start3A_443] : memref<212992x64xf32, #tpu.memory_space<hbm>> -> memref<200x64xf32, #tpu.memory_space<hbm>>
    %dma_start3A_445 = arith.constant 600 : i32
    %dma_start3A_446 = arith.constant 0 : i32
    %dma_start3A_447 = tpu.memref_slice %arg8[%dma_start3A_445, %dma_start3A_446] : memref<800x64xf32, #tpu.memory_space<vmem>> -> memref<200x64xf32, #tpu.memory_space<vmem>>
    tpu.enqueue_dma source(%dma_start3A_447 : memref<200x64xf32, #tpu.memory_space<vmem>>) target(%dma_start3A_444 : memref<200x64xf32, #tpu.memory_space<hbm>>) target_semaphore(%arg12 : memref<!tpu.dma_semaphore, #tpu.memory_space<semaphore_mem>>)
    %add3A_448 = arith.constant 4000 : i32
    %add3A_449 = arith.addi %mul3A_4, %add3A_448 : i32
    %dma_wait3A_450 = arith.constant 600 : i32
    %dma_wait3A_451 = arith.constant 0 : i32
    %dma_wait3A_452 = tpu.memref_slice %arg8[%dma_wait3A_450, %dma_wait3A_451] : memref<800x64xf32, #tpu.memory_space<vmem>> -> memref<200x64xf32, #tpu.memory_space<vmem>>
    %dma_wait3A_453 = arith.constant 0 : i32
    %dma_wait3A_454 = tpu.memref_slice %arg4[%mul3A_437, %dma_wait3A_453] : memref<212992x64xf32, #tpu.memory_space<hbm>> -> memref<200x64xf32, #tpu.memory_space<hbm>>
    %dma_wait3A_455 = arith.constant 0 : i32
    %dma_wait3A_456 = tpu.memref_slice %arg4[%mul3A_437, %dma_wait3A_455] : memref<212992x64xf32, #tpu.memory_space<hbm>> -> memref<200x64xf32, #tpu.memory_space<hbm>>
    %dma_wait3A_457 = arith.constant 600 : i32
    %dma_wait3A_458 = arith.constant 0 : i32
    %dma_wait3A_459 = tpu.memref_slice %arg8[%dma_wait3A_457, %dma_wait3A_458] : memref<800x64xf32, #tpu.memory_space<vmem>> -> memref<200x64xf32, #tpu.memory_space<vmem>>
    tpu.wait_dma2 semaphore(%arg12 : memref<!tpu.dma_semaphore, #tpu.memory_space<semaphore_mem>>) src(%dma_wait3A_459 : memref<200x64xf32, #tpu.memory_space<vmem>>) dst(%dma_wait3A_456 : memref<200x64xf32, #tpu.memory_space<hbm>>)
    %dma_wait3A_460 = arith.constant 600 : i32
    %dma_wait3A_461 = arith.constant 0 : i32
    %dma_wait3A_462 = tpu.memref_slice %arg8[%dma_wait3A_460, %dma_wait3A_461] : memref<800x64xf32, #tpu.memory_space<vmem>> -> memref<200x64xf32, #tpu.memory_space<vmem>>
    %dma_wait3A_463 = arith.constant 0 : i32
    %dma_wait3A_464 = tpu.memref_slice %arg4[%mul3A_437, %dma_wait3A_463] : memref<212992x64xf32, #tpu.memory_space<hbm>> -> memref<200x64xf32, #tpu.memory_space<hbm>>
    %dma_wait3A_465 = arith.constant 0 : i32
    %dma_wait3A_466 = tpu.memref_slice %arg4[%mul3A_437, %dma_wait3A_465] : memref<212992x64xf32, #tpu.memory_space<hbm>> -> memref<200x64xf32, #tpu.memory_space<hbm>>
    %dma_wait3A_467 = arith.constant 600 : i32
    %dma_wait3A_468 = arith.constant 0 : i32
    %dma_wait3A_469 = tpu.memref_slice %arg8[%dma_wait3A_467, %dma_wait3A_468] : memref<800x64xf32, #tpu.memory_space<vmem>> -> memref<200x64xf32, #tpu.memory_space<vmem>>
    tpu.wait_dma2 semaphore(%arg12 : memref<!tpu.dma_semaphore, #tpu.memory_space<semaphore_mem>>) src(%dma_wait3A_469 : memref<200x64xf32, #tpu.memory_space<vmem>>) dst(%dma_wait3A_466 : memref<200x64xf32, #tpu.memory_space<hbm>>)
    %dma_wait3A_470 = arith.constant 600 : i32
    %dma_wait3A_471 = arith.constant 0 : i32
    %dma_wait3A_472 = tpu.memref_slice %arg8[%dma_wait3A_470, %dma_wait3A_471] : memref<800x64xf32, #tpu.memory_space<vmem>> -> memref<200x64xf32, #tpu.memory_space<vmem>>
    %dma_wait3A_473 = arith.constant 0 : i32
    %dma_wait3A_474 = tpu.memref_slice %arg4[%mul3A_437, %dma_wait3A_473] : memref<212992x64xf32, #tpu.memory_space<hbm>> -> memref<200x64xf32, #tpu.memory_space<hbm>>
    %dma_wait3A_475 = arith.constant 0 : i32
    %dma_wait3A_476 = tpu.memref_slice %arg4[%mul3A_437, %dma_wait3A_475] : memref<212992x64xf32, #tpu.memory_space<hbm>> -> memref<200x64xf32, #tpu.memory_space<hbm>>
    %dma_wait3A_477 = arith.constant 600 : i32
    %dma_wait3A_478 = arith.constant 0 : i32
    %dma_wait3A_479 = tpu.memref_slice %arg8[%dma_wait3A_477, %dma_wait3A_478] : memref<800x64xf32, #tpu.memory_space<vmem>> -> memref<200x64xf32, #tpu.memory_space<vmem>>
    tpu.wait_dma2 semaphore(%arg12 : memref<!tpu.dma_semaphore, #tpu.memory_space<semaphore_mem>>) src(%dma_wait3A_479 : memref<200x64xf32, #tpu.memory_space<vmem>>) dst(%dma_wait3A_476 : memref<200x64xf32, #tpu.memory_space<hbm>>)
    %dma_wait3A_480 = arith.constant 600 : i32
    %dma_wait3A_481 = arith.constant 0 : i32
    %dma_wait3A_482 = tpu.memref_slice %arg8[%dma_wait3A_480, %dma_wait3A_481] : memref<800x64xf32, #tpu.memory_space<vmem>> -> memref<200x64xf32, #tpu.memory_space<vmem>>
    %dma_wait3A_483 = arith.constant 0 : i32
    %dma_wait3A_484 = tpu.memref_slice %arg4[%mul3A_437, %dma_wait3A_483] : memref<212992x64xf32, #tpu.memory_space<hbm>> -> memref<200x64xf32, #tpu.memory_space<hbm>>
    %dma_wait3A_485 = arith.constant 0 : i32
    %dma_wait3A_486 = tpu.memref_slice %arg4[%mul3A_437, %dma_wait3A_485] : memref<212992x64xf32, #tpu.memory_space<hbm>> -> memref<200x64xf32, #tpu.memory_space<hbm>>
    %dma_wait3A_487 = arith.constant 600 : i32
    %dma_wait3A_488 = arith.constant 0 : i32
    %dma_wait3A_489 = tpu.memref_slice %arg8[%dma_wait3A_487, %dma_wait3A_488] : memref<800x64xf32, #tpu.memory_space<vmem>> -> memref<200x64xf32, #tpu.memory_space<vmem>>
    tpu.wait_dma2 semaphore(%arg12 : memref<!tpu.dma_semaphore, #tpu.memory_space<semaphore_mem>>) src(%dma_wait3A_489 : memref<200x64xf32, #tpu.memory_space<vmem>>) dst(%dma_wait3A_486 : memref<200x64xf32, #tpu.memory_space<hbm>>)
    "tpu.region"() ({
      %run_scoped3A = tpu.sem_alloc : memref<!tpu.dma_semaphore, #tpu.memory_space<semaphore_mem>>
      %dma_start3A_963 = tpu.memref_slice %arg2[%add3A_449] : memref<204800xi32, #tpu.memory_space<hbm>> -> memref<800xi32, #tpu.memory_space<hbm>>
      %dma_start3A_964 = tpu.memref_slice %arg2[%add3A_449] : memref<204800xi32, #tpu.memory_space<hbm>> -> memref<800xi32, #tpu.memory_space<hbm>>
      tpu.enqueue_dma source(%dma_start3A_964 : memref<800xi32, #tpu.memory_space<hbm>>) target(%arg6 : memref<800xi32, #tpu.memory_space<vmem>>) target_semaphore(%run_scoped3A : memref<!tpu.dma_semaphore, #tpu.memory_space<semaphore_mem>>)
      %dma_wait3A_965 = tpu.memref_slice %arg2[%add3A_449] : memref<204800xi32, #tpu.memory_space<hbm>> -> memref<800xi32, #tpu.memory_space<hbm>>
      %dma_wait3A_966 = tpu.memref_slice %arg2[%add3A_449] : memref<204800xi32, #tpu.memory_space<hbm>> -> memref<800xi32, #tpu.memory_space<hbm>>
      tpu.wait_dma2 semaphore(%run_scoped3A : memref<!tpu.dma_semaphore, #tpu.memory_space<semaphore_mem>>) src(%dma_wait3A_966 : memref<800xi32, #tpu.memory_space<hbm>>) dst(%arg6 : memref<800xi32, #tpu.memory_space<vmem>>)
      tpu.yield
    }) : () -> ()
    %dma_start3A_490 = arith.constant 0 : i32
    %dma_start3A_491 = arith.constant 0 : i32
    %dma_start3A_492 = tpu.memref_slice %arg3[%dma_start3A_490, %dma_start3A_491] : memref<200000x64xf32, #tpu.memory_space<hbm>> -> memref<200000x64xf32, #tpu.memory_space<hbm>>
    tpu.enqueue_indirect_dma source(%dma_start3A_492 : memref<200000x64xf32, #tpu.memory_space<hbm>>) target(%arg8 : memref<800x64xf32, #tpu.memory_space<vmem>>) offsets(%arg6 : memref<800xi32, #tpu.memory_space<vmem>>) semaphore(%arg10 : memref<!tpu.dma_semaphore, #tpu.memory_space<semaphore_mem>>)
    %dma_wait3A_493 = arith.constant 0 : i32
    %dma_wait3A_494 = arith.constant 0 : i32
    %dma_wait3A_495 = tpu.memref_slice %arg3[%dma_wait3A_493, %dma_wait3A_494] : memref<200000x64xf32, #tpu.memory_space<hbm>> -> memref<200000x64xf32, #tpu.memory_space<hbm>>
    tpu.wait_indirect_dma semaphore(%arg9 : memref<!tpu.dma_semaphore, #tpu.memory_space<semaphore_mem>>) src(%dma_wait3A_495 : memref<200000x64xf32, #tpu.memory_space<hbm>>) dst(%arg7 : memref<800x64xf32, #tpu.memory_space<vmem>>)
    %mul3A_496 = arith.constant 32 : i32
    %mul3A_497 = arith.muli %add3A, %mul3A_496 : i32
    %add3A_498 = arith.constant 16 : i32
    %add3A_499 = arith.addi %mul3A_497, %add3A_498 : i32
    %add3A_500 = arith.constant 0 : i32
    %add3A_501 = arith.addi %add3A_499, %add3A_500 : i32
    %mul3A_502 = arith.constant 208 : i32
    %mul3A_503 = arith.muli %add3A_501, %mul3A_502 : i32
    %dma_start3A_504 = arith.constant 0 : i32
    %dma_start3A_505 = arith.constant 0 : i32
    %dma_start3A_506 = tpu.memref_slice %arg7[%dma_start3A_504, %dma_start3A_505] : memref<800x64xf32, #tpu.memory_space<vmem>> -> memref<200x64xf32, #tpu.memory_space<vmem>>
    %dma_start3A_507 = arith.constant 0 : i32
    %dma_start3A_508 = tpu.memref_slice %arg4[%mul3A_503, %dma_start3A_507] : memref<212992x64xf32, #tpu.memory_space<hbm>> -> memref<200x64xf32, #tpu.memory_space<hbm>>
    %dma_start3A_509 = arith.constant 0 : i32
    %dma_start3A_510 = tpu.memref_slice %arg4[%mul3A_503, %dma_start3A_509] : memref<212992x64xf32, #tpu.memory_space<hbm>> -> memref<200x64xf32, #tpu.memory_space<hbm>>
    %dma_start3A_511 = arith.constant 0 : i32
    %dma_start3A_512 = arith.constant 0 : i32
    %dma_start3A_513 = tpu.memref_slice %arg7[%dma_start3A_511, %dma_start3A_512] : memref<800x64xf32, #tpu.memory_space<vmem>> -> memref<200x64xf32, #tpu.memory_space<vmem>>
    tpu.enqueue_dma source(%dma_start3A_513 : memref<200x64xf32, #tpu.memory_space<vmem>>) target(%dma_start3A_510 : memref<200x64xf32, #tpu.memory_space<hbm>>) target_semaphore(%arg11 : memref<!tpu.dma_semaphore, #tpu.memory_space<semaphore_mem>>)
    %mul3A_514 = arith.constant 32 : i32
    %mul3A_515 = arith.muli %add3A, %mul3A_514 : i32
    %add3A_516 = arith.constant 16 : i32
    %add3A_517 = arith.addi %mul3A_515, %add3A_516 : i32
    %add3A_518 = arith.constant 1 : i32
    %add3A_519 = arith.addi %add3A_517, %add3A_518 : i32
    %mul3A_520 = arith.constant 208 : i32
    %mul3A_521 = arith.muli %add3A_519, %mul3A_520 : i32
    %dma_start3A_522 = arith.constant 200 : i32
    %dma_start3A_523 = arith.constant 0 : i32
    %dma_start3A_524 = tpu.memref_slice %arg7[%dma_start3A_522, %dma_start3A_523] : memref<800x64xf32, #tpu.memory_space<vmem>> -> memref<200x64xf32, #tpu.memory_space<vmem>>
    %dma_start3A_525 = arith.constant 0 : i32
    %dma_start3A_526 = tpu.memref_slice %arg4[%mul3A_521, %dma_start3A_525] : memref<212992x64xf32, #tpu.memory_space<hbm>> -> memref<200x64xf32, #tpu.memory_space<hbm>>
    %dma_start3A_527 = arith.constant 0 : i32
    %dma_start3A_528 = tpu.memref_slice %arg4[%mul3A_521, %dma_start3A_527] : memref<212992x64xf32, #tpu.memory_space<hbm>> -> memref<200x64xf32, #tpu.memory_space<hbm>>
    %dma_start3A_529 = arith.constant 200 : i32
    %dma_start3A_530 = arith.constant 0 : i32
    %dma_start3A_531 = tpu.memref_slice %arg7[%dma_start3A_529, %dma_start3A_530] : memref<800x64xf32, #tpu.memory_space<vmem>> -> memref<200x64xf32, #tpu.memory_space<vmem>>
    tpu.enqueue_dma source(%dma_start3A_531 : memref<200x64xf32, #tpu.memory_space<vmem>>) target(%dma_start3A_528 : memref<200x64xf32, #tpu.memory_space<hbm>>) target_semaphore(%arg11 : memref<!tpu.dma_semaphore, #tpu.memory_space<semaphore_mem>>)
    %mul3A_532 = arith.constant 32 : i32
    %mul3A_533 = arith.muli %add3A, %mul3A_532 : i32
    %add3A_534 = arith.constant 16 : i32
    %add3A_535 = arith.addi %mul3A_533, %add3A_534 : i32
    %add3A_536 = arith.constant 2 : i32
    %add3A_537 = arith.addi %add3A_535, %add3A_536 : i32
    %mul3A_538 = arith.constant 208 : i32
    %mul3A_539 = arith.muli %add3A_537, %mul3A_538 : i32
    %dma_start3A_540 = arith.constant 400 : i32
    %dma_start3A_541 = arith.constant 0 : i32
    %dma_start3A_542 = tpu.memref_slice %arg7[%dma_start3A_540, %dma_start3A_541] : memref<800x64xf32, #tpu.memory_space<vmem>> -> memref<200x64xf32, #tpu.memory_space<vmem>>
    %dma_start3A_543 = arith.constant 0 : i32
    %dma_start3A_544 = tpu.memref_slice %arg4[%mul3A_539, %dma_start3A_543] : memref<212992x64xf32, #tpu.memory_space<hbm>> -> memref<200x64xf32, #tpu.memory_space<hbm>>
    %dma_start3A_545 = arith.constant 0 : i32
    %dma_start3A_546 = tpu.memref_slice %arg4[%mul3A_539, %dma_start3A_545] : memref<212992x64xf32, #tpu.memory_space<hbm>> -> memref<200x64xf32, #tpu.memory_space<hbm>>
    %dma_start3A_547 = arith.constant 400 : i32
    %dma_start3A_548 = arith.constant 0 : i32
    %dma_start3A_549 = tpu.memref_slice %arg7[%dma_start3A_547, %dma_start3A_548] : memref<800x64xf32, #tpu.memory_space<vmem>> -> memref<200x64xf32, #tpu.memory_space<vmem>>
    tpu.enqueue_dma source(%dma_start3A_549 : memref<200x64xf32, #tpu.memory_space<vmem>>) target(%dma_start3A_546 : memref<200x64xf32, #tpu.memory_space<hbm>>) target_semaphore(%arg11 : memref<!tpu.dma_semaphore, #tpu.memory_space<semaphore_mem>>)
    %mul3A_550 = arith.constant 32 : i32
    %mul3A_551 = arith.muli %add3A, %mul3A_550 : i32
    %add3A_552 = arith.constant 16 : i32
    %add3A_553 = arith.addi %mul3A_551, %add3A_552 : i32
    %add3A_554 = arith.constant 3 : i32
    %add3A_555 = arith.addi %add3A_553, %add3A_554 : i32
    %mul3A_556 = arith.constant 208 : i32
    %mul3A_557 = arith.muli %add3A_555, %mul3A_556 : i32
    %dma_start3A_558 = arith.constant 600 : i32
    %dma_start3A_559 = arith.constant 0 : i32
    %dma_start3A_560 = tpu.memref_slice %arg7[%dma_start3A_558, %dma_start3A_559] : memref<800x64xf32, #tpu.memory_space<vmem>> -> memref<200x64xf32, #tpu.memory_space<vmem>>
    %dma_start3A_561 = arith.constant 0 : i32
    %dma_start3A_562 = tpu.memref_slice %arg4[%mul3A_557, %dma_start3A_561] : memref<212992x64xf32, #tpu.memory_space<hbm>> -> memref<200x64xf32, #tpu.memory_space<hbm>>
    %dma_start3A_563 = arith.constant 0 : i32
    %dma_start3A_564 = tpu.memref_slice %arg4[%mul3A_557, %dma_start3A_563] : memref<212992x64xf32, #tpu.memory_space<hbm>> -> memref<200x64xf32, #tpu.memory_space<hbm>>
    %dma_start3A_565 = arith.constant 600 : i32
    %dma_start3A_566 = arith.constant 0 : i32
    %dma_start3A_567 = tpu.memref_slice %arg7[%dma_start3A_565, %dma_start3A_566] : memref<800x64xf32, #tpu.memory_space<vmem>> -> memref<200x64xf32, #tpu.memory_space<vmem>>
    tpu.enqueue_dma source(%dma_start3A_567 : memref<200x64xf32, #tpu.memory_space<vmem>>) target(%dma_start3A_564 : memref<200x64xf32, #tpu.memory_space<hbm>>) target_semaphore(%arg11 : memref<!tpu.dma_semaphore, #tpu.memory_space<semaphore_mem>>)
    %add3A_568 = arith.constant 4800 : i32
    %add3A_569 = arith.addi %mul3A_4, %add3A_568 : i32
    %dma_wait3A_570 = arith.constant 600 : i32
    %dma_wait3A_571 = arith.constant 0 : i32
    %dma_wait3A_572 = tpu.memref_slice %arg7[%dma_wait3A_570, %dma_wait3A_571] : memref<800x64xf32, #tpu.memory_space<vmem>> -> memref<200x64xf32, #tpu.memory_space<vmem>>
    %dma_wait3A_573 = arith.constant 0 : i32
    %dma_wait3A_574 = tpu.memref_slice %arg4[%mul3A_557, %dma_wait3A_573] : memref<212992x64xf32, #tpu.memory_space<hbm>> -> memref<200x64xf32, #tpu.memory_space<hbm>>
    %dma_wait3A_575 = arith.constant 0 : i32
    %dma_wait3A_576 = tpu.memref_slice %arg4[%mul3A_557, %dma_wait3A_575] : memref<212992x64xf32, #tpu.memory_space<hbm>> -> memref<200x64xf32, #tpu.memory_space<hbm>>
    %dma_wait3A_577 = arith.constant 600 : i32
    %dma_wait3A_578 = arith.constant 0 : i32
    %dma_wait3A_579 = tpu.memref_slice %arg7[%dma_wait3A_577, %dma_wait3A_578] : memref<800x64xf32, #tpu.memory_space<vmem>> -> memref<200x64xf32, #tpu.memory_space<vmem>>
    tpu.wait_dma2 semaphore(%arg11 : memref<!tpu.dma_semaphore, #tpu.memory_space<semaphore_mem>>) src(%dma_wait3A_579 : memref<200x64xf32, #tpu.memory_space<vmem>>) dst(%dma_wait3A_576 : memref<200x64xf32, #tpu.memory_space<hbm>>)
    %dma_wait3A_580 = arith.constant 600 : i32
    %dma_wait3A_581 = arith.constant 0 : i32
    %dma_wait3A_582 = tpu.memref_slice %arg7[%dma_wait3A_580, %dma_wait3A_581] : memref<800x64xf32, #tpu.memory_space<vmem>> -> memref<200x64xf32, #tpu.memory_space<vmem>>
    %dma_wait3A_583 = arith.constant 0 : i32
    %dma_wait3A_584 = tpu.memref_slice %arg4[%mul3A_557, %dma_wait3A_583] : memref<212992x64xf32, #tpu.memory_space<hbm>> -> memref<200x64xf32, #tpu.memory_space<hbm>>
    %dma_wait3A_585 = arith.constant 0 : i32
    %dma_wait3A_586 = tpu.memref_slice %arg4[%mul3A_557, %dma_wait3A_585] : memref<212992x64xf32, #tpu.memory_space<hbm>> -> memref<200x64xf32, #tpu.memory_space<hbm>>
    %dma_wait3A_587 = arith.constant 600 : i32
    %dma_wait3A_588 = arith.constant 0 : i32
    %dma_wait3A_589 = tpu.memref_slice %arg7[%dma_wait3A_587, %dma_wait3A_588] : memref<800x64xf32, #tpu.memory_space<vmem>> -> memref<200x64xf32, #tpu.memory_space<vmem>>
    tpu.wait_dma2 semaphore(%arg11 : memref<!tpu.dma_semaphore, #tpu.memory_space<semaphore_mem>>) src(%dma_wait3A_589 : memref<200x64xf32, #tpu.memory_space<vmem>>) dst(%dma_wait3A_586 : memref<200x64xf32, #tpu.memory_space<hbm>>)
    %dma_wait3A_590 = arith.constant 600 : i32
    %dma_wait3A_591 = arith.constant 0 : i32
    %dma_wait3A_592 = tpu.memref_slice %arg7[%dma_wait3A_590, %dma_wait3A_591] : memref<800x64xf32, #tpu.memory_space<vmem>> -> memref<200x64xf32, #tpu.memory_space<vmem>>
    %dma_wait3A_593 = arith.constant 0 : i32
    %dma_wait3A_594 = tpu.memref_slice %arg4[%mul3A_557, %dma_wait3A_593] : memref<212992x64xf32, #tpu.memory_space<hbm>> -> memref<200x64xf32, #tpu.memory_space<hbm>>
    %dma_wait3A_595 = arith.constant 0 : i32
    %dma_wait3A_596 = tpu.memref_slice %arg4[%mul3A_557, %dma_wait3A_595] : memref<212992x64xf32, #tpu.memory_space<hbm>> -> memref<200x64xf32, #tpu.memory_space<hbm>>
    %dma_wait3A_597 = arith.constant 600 : i32
    %dma_wait3A_598 = arith.constant 0 : i32
    %dma_wait3A_599 = tpu.memref_slice %arg7[%dma_wait3A_597, %dma_wait3A_598] : memref<800x64xf32, #tpu.memory_space<vmem>> -> memref<200x64xf32, #tpu.memory_space<vmem>>
    tpu.wait_dma2 semaphore(%arg11 : memref<!tpu.dma_semaphore, #tpu.memory_space<semaphore_mem>>) src(%dma_wait3A_599 : memref<200x64xf32, #tpu.memory_space<vmem>>) dst(%dma_wait3A_596 : memref<200x64xf32, #tpu.memory_space<hbm>>)
    %dma_wait3A_600 = arith.constant 600 : i32
    %dma_wait3A_601 = arith.constant 0 : i32
    %dma_wait3A_602 = tpu.memref_slice %arg7[%dma_wait3A_600, %dma_wait3A_601] : memref<800x64xf32, #tpu.memory_space<vmem>> -> memref<200x64xf32, #tpu.memory_space<vmem>>
    %dma_wait3A_603 = arith.constant 0 : i32
    %dma_wait3A_604 = tpu.memref_slice %arg4[%mul3A_557, %dma_wait3A_603] : memref<212992x64xf32, #tpu.memory_space<hbm>> -> memref<200x64xf32, #tpu.memory_space<hbm>>
    %dma_wait3A_605 = arith.constant 0 : i32
    %dma_wait3A_606 = tpu.memref_slice %arg4[%mul3A_557, %dma_wait3A_605] : memref<212992x64xf32, #tpu.memory_space<hbm>> -> memref<200x64xf32, #tpu.memory_space<hbm>>
    %dma_wait3A_607 = arith.constant 600 : i32
    %dma_wait3A_608 = arith.constant 0 : i32
    %dma_wait3A_609 = tpu.memref_slice %arg7[%dma_wait3A_607, %dma_wait3A_608] : memref<800x64xf32, #tpu.memory_space<vmem>> -> memref<200x64xf32, #tpu.memory_space<vmem>>
    tpu.wait_dma2 semaphore(%arg11 : memref<!tpu.dma_semaphore, #tpu.memory_space<semaphore_mem>>) src(%dma_wait3A_609 : memref<200x64xf32, #tpu.memory_space<vmem>>) dst(%dma_wait3A_606 : memref<200x64xf32, #tpu.memory_space<hbm>>)
    "tpu.region"() ({
      %run_scoped3A = tpu.sem_alloc : memref<!tpu.dma_semaphore, #tpu.memory_space<semaphore_mem>>
      %dma_start3A_963 = tpu.memref_slice %arg2[%add3A_569] : memref<204800xi32, #tpu.memory_space<hbm>> -> memref<800xi32, #tpu.memory_space<hbm>>
      %dma_start3A_964 = tpu.memref_slice %arg2[%add3A_569] : memref<204800xi32, #tpu.memory_space<hbm>> -> memref<800xi32, #tpu.memory_space<hbm>>
      tpu.enqueue_dma source(%dma_start3A_964 : memref<800xi32, #tpu.memory_space<hbm>>) target(%arg5 : memref<800xi32, #tpu.memory_space<vmem>>) target_semaphore(%run_scoped3A : memref<!tpu.dma_semaphore, #tpu.memory_space<semaphore_mem>>)
      %dma_wait3A_965 = tpu.memref_slice %arg2[%add3A_569] : memref<204800xi32, #tpu.memory_space<hbm>> -> memref<800xi32, #tpu.memory_space<hbm>>
      %dma_wait3A_966 = tpu.memref_slice %arg2[%add3A_569] : memref<204800xi32, #tpu.memory_space<hbm>> -> memref<800xi32, #tpu.memory_space<hbm>>
      tpu.wait_dma2 semaphore(%run_scoped3A : memref<!tpu.dma_semaphore, #tpu.memory_space<semaphore_mem>>) src(%dma_wait3A_966 : memref<800xi32, #tpu.memory_space<hbm>>) dst(%arg5 : memref<800xi32, #tpu.memory_space<vmem>>)
      tpu.yield
    }) : () -> ()
    %dma_start3A_610 = arith.constant 0 : i32
    %dma_start3A_611 = arith.constant 0 : i32
    %dma_start3A_612 = tpu.memref_slice %arg3[%dma_start3A_610, %dma_start3A_611] : memref<200000x64xf32, #tpu.memory_space<hbm>> -> memref<200000x64xf32, #tpu.memory_space<hbm>>
    tpu.enqueue_indirect_dma source(%dma_start3A_612 : memref<200000x64xf32, #tpu.memory_space<hbm>>) target(%arg7 : memref<800x64xf32, #tpu.memory_space<vmem>>) offsets(%arg5 : memref<800xi32, #tpu.memory_space<vmem>>) semaphore(%arg9 : memref<!tpu.dma_semaphore, #tpu.memory_space<semaphore_mem>>)
    %dma_wait3A_613 = arith.constant 0 : i32
    %dma_wait3A_614 = arith.constant 0 : i32
    %dma_wait3A_615 = tpu.memref_slice %arg3[%dma_wait3A_613, %dma_wait3A_614] : memref<200000x64xf32, #tpu.memory_space<hbm>> -> memref<200000x64xf32, #tpu.memory_space<hbm>>
    tpu.wait_indirect_dma semaphore(%arg10 : memref<!tpu.dma_semaphore, #tpu.memory_space<semaphore_mem>>) src(%dma_wait3A_615 : memref<200000x64xf32, #tpu.memory_space<hbm>>) dst(%arg8 : memref<800x64xf32, #tpu.memory_space<vmem>>)
    %mul3A_616 = arith.constant 32 : i32
    %mul3A_617 = arith.muli %add3A, %mul3A_616 : i32
    %add3A_618 = arith.constant 20 : i32
    %add3A_619 = arith.addi %mul3A_617, %add3A_618 : i32
    %add3A_620 = arith.constant 0 : i32
    %add3A_621 = arith.addi %add3A_619, %add3A_620 : i32
    %mul3A_622 = arith.constant 208 : i32
    %mul3A_623 = arith.muli %add3A_621, %mul3A_622 : i32
    %dma_start3A_624 = arith.constant 0 : i32
    %dma_start3A_625 = arith.constant 0 : i32
    %dma_start3A_626 = tpu.memref_slice %arg8[%dma_start3A_624, %dma_start3A_625] : memref<800x64xf32, #tpu.memory_space<vmem>> -> memref<200x64xf32, #tpu.memory_space<vmem>>
    %dma_start3A_627 = arith.constant 0 : i32
    %dma_start3A_628 = tpu.memref_slice %arg4[%mul3A_623, %dma_start3A_627] : memref<212992x64xf32, #tpu.memory_space<hbm>> -> memref<200x64xf32, #tpu.memory_space<hbm>>
    %dma_start3A_629 = arith.constant 0 : i32
    %dma_start3A_630 = tpu.memref_slice %arg4[%mul3A_623, %dma_start3A_629] : memref<212992x64xf32, #tpu.memory_space<hbm>> -> memref<200x64xf32, #tpu.memory_space<hbm>>
    %dma_start3A_631 = arith.constant 0 : i32
    %dma_start3A_632 = arith.constant 0 : i32
    %dma_start3A_633 = tpu.memref_slice %arg8[%dma_start3A_631, %dma_start3A_632] : memref<800x64xf32, #tpu.memory_space<vmem>> -> memref<200x64xf32, #tpu.memory_space<vmem>>
    tpu.enqueue_dma source(%dma_start3A_633 : memref<200x64xf32, #tpu.memory_space<vmem>>) target(%dma_start3A_630 : memref<200x64xf32, #tpu.memory_space<hbm>>) target_semaphore(%arg12 : memref<!tpu.dma_semaphore, #tpu.memory_space<semaphore_mem>>)
    %mul3A_634 = arith.constant 32 : i32
    %mul3A_635 = arith.muli %add3A, %mul3A_634 : i32
    %add3A_636 = arith.constant 20 : i32
    %add3A_637 = arith.addi %mul3A_635, %add3A_636 : i32
    %add3A_638 = arith.constant 1 : i32
    %add3A_639 = arith.addi %add3A_637, %add3A_638 : i32
    %mul3A_640 = arith.constant 208 : i32
    %mul3A_641 = arith.muli %add3A_639, %mul3A_640 : i32
    %dma_start3A_642 = arith.constant 200 : i32
    %dma_start3A_643 = arith.constant 0 : i32
    %dma_start3A_644 = tpu.memref_slice %arg8[%dma_start3A_642, %dma_start3A_643] : memref<800x64xf32, #tpu.memory_space<vmem>> -> memref<200x64xf32, #tpu.memory_space<vmem>>
    %dma_start3A_645 = arith.constant 0 : i32
    %dma_start3A_646 = tpu.memref_slice %arg4[%mul3A_641, %dma_start3A_645] : memref<212992x64xf32, #tpu.memory_space<hbm>> -> memref<200x64xf32, #tpu.memory_space<hbm>>
    %dma_start3A_647 = arith.constant 0 : i32
    %dma_start3A_648 = tpu.memref_slice %arg4[%mul3A_641, %dma_start3A_647] : memref<212992x64xf32, #tpu.memory_space<hbm>> -> memref<200x64xf32, #tpu.memory_space<hbm>>
    %dma_start3A_649 = arith.constant 200 : i32
    %dma_start3A_650 = arith.constant 0 : i32
    %dma_start3A_651 = tpu.memref_slice %arg8[%dma_start3A_649, %dma_start3A_650] : memref<800x64xf32, #tpu.memory_space<vmem>> -> memref<200x64xf32, #tpu.memory_space<vmem>>
    tpu.enqueue_dma source(%dma_start3A_651 : memref<200x64xf32, #tpu.memory_space<vmem>>) target(%dma_start3A_648 : memref<200x64xf32, #tpu.memory_space<hbm>>) target_semaphore(%arg12 : memref<!tpu.dma_semaphore, #tpu.memory_space<semaphore_mem>>)
    %mul3A_652 = arith.constant 32 : i32
    %mul3A_653 = arith.muli %add3A, %mul3A_652 : i32
    %add3A_654 = arith.constant 20 : i32
    %add3A_655 = arith.addi %mul3A_653, %add3A_654 : i32
    %add3A_656 = arith.constant 2 : i32
    %add3A_657 = arith.addi %add3A_655, %add3A_656 : i32
    %mul3A_658 = arith.constant 208 : i32
    %mul3A_659 = arith.muli %add3A_657, %mul3A_658 : i32
    %dma_start3A_660 = arith.constant 400 : i32
    %dma_start3A_661 = arith.constant 0 : i32
    %dma_start3A_662 = tpu.memref_slice %arg8[%dma_start3A_660, %dma_start3A_661] : memref<800x64xf32, #tpu.memory_space<vmem>> -> memref<200x64xf32, #tpu.memory_space<vmem>>
    %dma_start3A_663 = arith.constant 0 : i32
    %dma_start3A_664 = tpu.memref_slice %arg4[%mul3A_659, %dma_start3A_663] : memref<212992x64xf32, #tpu.memory_space<hbm>> -> memref<200x64xf32, #tpu.memory_space<hbm>>
    %dma_start3A_665 = arith.constant 0 : i32
    %dma_start3A_666 = tpu.memref_slice %arg4[%mul3A_659, %dma_start3A_665] : memref<212992x64xf32, #tpu.memory_space<hbm>> -> memref<200x64xf32, #tpu.memory_space<hbm>>
    %dma_start3A_667 = arith.constant 400 : i32
    %dma_start3A_668 = arith.constant 0 : i32
    %dma_start3A_669 = tpu.memref_slice %arg8[%dma_start3A_667, %dma_start3A_668] : memref<800x64xf32, #tpu.memory_space<vmem>> -> memref<200x64xf32, #tpu.memory_space<vmem>>
    tpu.enqueue_dma source(%dma_start3A_669 : memref<200x64xf32, #tpu.memory_space<vmem>>) target(%dma_start3A_666 : memref<200x64xf32, #tpu.memory_space<hbm>>) target_semaphore(%arg12 : memref<!tpu.dma_semaphore, #tpu.memory_space<semaphore_mem>>)
    %mul3A_670 = arith.constant 32 : i32
    %mul3A_671 = arith.muli %add3A, %mul3A_670 : i32
    %add3A_672 = arith.constant 20 : i32
    %add3A_673 = arith.addi %mul3A_671, %add3A_672 : i32
    %add3A_674 = arith.constant 3 : i32
    %add3A_675 = arith.addi %add3A_673, %add3A_674 : i32
    %mul3A_676 = arith.constant 208 : i32
    %mul3A_677 = arith.muli %add3A_675, %mul3A_676 : i32
    %dma_start3A_678 = arith.constant 600 : i32
    %dma_start3A_679 = arith.constant 0 : i32
    %dma_start3A_680 = tpu.memref_slice %arg8[%dma_start3A_678, %dma_start3A_679] : memref<800x64xf32, #tpu.memory_space<vmem>> -> memref<200x64xf32, #tpu.memory_space<vmem>>
    %dma_start3A_681 = arith.constant 0 : i32
    %dma_start3A_682 = tpu.memref_slice %arg4[%mul3A_677, %dma_start3A_681] : memref<212992x64xf32, #tpu.memory_space<hbm>> -> memref<200x64xf32, #tpu.memory_space<hbm>>
    %dma_start3A_683 = arith.constant 0 : i32
    %dma_start3A_684 = tpu.memref_slice %arg4[%mul3A_677, %dma_start3A_683] : memref<212992x64xf32, #tpu.memory_space<hbm>> -> memref<200x64xf32, #tpu.memory_space<hbm>>
    %dma_start3A_685 = arith.constant 600 : i32
    %dma_start3A_686 = arith.constant 0 : i32
    %dma_start3A_687 = tpu.memref_slice %arg8[%dma_start3A_685, %dma_start3A_686] : memref<800x64xf32, #tpu.memory_space<vmem>> -> memref<200x64xf32, #tpu.memory_space<vmem>>
    tpu.enqueue_dma source(%dma_start3A_687 : memref<200x64xf32, #tpu.memory_space<vmem>>) target(%dma_start3A_684 : memref<200x64xf32, #tpu.memory_space<hbm>>) target_semaphore(%arg12 : memref<!tpu.dma_semaphore, #tpu.memory_space<semaphore_mem>>)
    %add3A_688 = arith.constant 5600 : i32
    %add3A_689 = arith.addi %mul3A_4, %add3A_688 : i32
    %dma_wait3A_690 = arith.constant 600 : i32
    %dma_wait3A_691 = arith.constant 0 : i32
    %dma_wait3A_692 = tpu.memref_slice %arg8[%dma_wait3A_690, %dma_wait3A_691] : memref<800x64xf32, #tpu.memory_space<vmem>> -> memref<200x64xf32, #tpu.memory_space<vmem>>
    %dma_wait3A_693 = arith.constant 0 : i32
    %dma_wait3A_694 = tpu.memref_slice %arg4[%mul3A_677, %dma_wait3A_693] : memref<212992x64xf32, #tpu.memory_space<hbm>> -> memref<200x64xf32, #tpu.memory_space<hbm>>
    %dma_wait3A_695 = arith.constant 0 : i32
    %dma_wait3A_696 = tpu.memref_slice %arg4[%mul3A_677, %dma_wait3A_695] : memref<212992x64xf32, #tpu.memory_space<hbm>> -> memref<200x64xf32, #tpu.memory_space<hbm>>
    %dma_wait3A_697 = arith.constant 600 : i32
    %dma_wait3A_698 = arith.constant 0 : i32
    %dma_wait3A_699 = tpu.memref_slice %arg8[%dma_wait3A_697, %dma_wait3A_698] : memref<800x64xf32, #tpu.memory_space<vmem>> -> memref<200x64xf32, #tpu.memory_space<vmem>>
    tpu.wait_dma2 semaphore(%arg12 : memref<!tpu.dma_semaphore, #tpu.memory_space<semaphore_mem>>) src(%dma_wait3A_699 : memref<200x64xf32, #tpu.memory_space<vmem>>) dst(%dma_wait3A_696 : memref<200x64xf32, #tpu.memory_space<hbm>>)
    %dma_wait3A_700 = arith.constant 600 : i32
    %dma_wait3A_701 = arith.constant 0 : i32
    %dma_wait3A_702 = tpu.memref_slice %arg8[%dma_wait3A_700, %dma_wait3A_701] : memref<800x64xf32, #tpu.memory_space<vmem>> -> memref<200x64xf32, #tpu.memory_space<vmem>>
    %dma_wait3A_703 = arith.constant 0 : i32
    %dma_wait3A_704 = tpu.memref_slice %arg4[%mul3A_677, %dma_wait3A_703] : memref<212992x64xf32, #tpu.memory_space<hbm>> -> memref<200x64xf32, #tpu.memory_space<hbm>>
    %dma_wait3A_705 = arith.constant 0 : i32
    %dma_wait3A_706 = tpu.memref_slice %arg4[%mul3A_677, %dma_wait3A_705] : memref<212992x64xf32, #tpu.memory_space<hbm>> -> memref<200x64xf32, #tpu.memory_space<hbm>>
    %dma_wait3A_707 = arith.constant 600 : i32
    %dma_wait3A_708 = arith.constant 0 : i32
    %dma_wait3A_709 = tpu.memref_slice %arg8[%dma_wait3A_707, %dma_wait3A_708] : memref<800x64xf32, #tpu.memory_space<vmem>> -> memref<200x64xf32, #tpu.memory_space<vmem>>
    tpu.wait_dma2 semaphore(%arg12 : memref<!tpu.dma_semaphore, #tpu.memory_space<semaphore_mem>>) src(%dma_wait3A_709 : memref<200x64xf32, #tpu.memory_space<vmem>>) dst(%dma_wait3A_706 : memref<200x64xf32, #tpu.memory_space<hbm>>)
    %dma_wait3A_710 = arith.constant 600 : i32
    %dma_wait3A_711 = arith.constant 0 : i32
    %dma_wait3A_712 = tpu.memref_slice %arg8[%dma_wait3A_710, %dma_wait3A_711] : memref<800x64xf32, #tpu.memory_space<vmem>> -> memref<200x64xf32, #tpu.memory_space<vmem>>
    %dma_wait3A_713 = arith.constant 0 : i32
    %dma_wait3A_714 = tpu.memref_slice %arg4[%mul3A_677, %dma_wait3A_713] : memref<212992x64xf32, #tpu.memory_space<hbm>> -> memref<200x64xf32, #tpu.memory_space<hbm>>
    %dma_wait3A_715 = arith.constant 0 : i32
    %dma_wait3A_716 = tpu.memref_slice %arg4[%mul3A_677, %dma_wait3A_715] : memref<212992x64xf32, #tpu.memory_space<hbm>> -> memref<200x64xf32, #tpu.memory_space<hbm>>
    %dma_wait3A_717 = arith.constant 600 : i32
    %dma_wait3A_718 = arith.constant 0 : i32
    %dma_wait3A_719 = tpu.memref_slice %arg8[%dma_wait3A_717, %dma_wait3A_718] : memref<800x64xf32, #tpu.memory_space<vmem>> -> memref<200x64xf32, #tpu.memory_space<vmem>>
    tpu.wait_dma2 semaphore(%arg12 : memref<!tpu.dma_semaphore, #tpu.memory_space<semaphore_mem>>) src(%dma_wait3A_719 : memref<200x64xf32, #tpu.memory_space<vmem>>) dst(%dma_wait3A_716 : memref<200x64xf32, #tpu.memory_space<hbm>>)
    %dma_wait3A_720 = arith.constant 600 : i32
    %dma_wait3A_721 = arith.constant 0 : i32
    %dma_wait3A_722 = tpu.memref_slice %arg8[%dma_wait3A_720, %dma_wait3A_721] : memref<800x64xf32, #tpu.memory_space<vmem>> -> memref<200x64xf32, #tpu.memory_space<vmem>>
    %dma_wait3A_723 = arith.constant 0 : i32
    %dma_wait3A_724 = tpu.memref_slice %arg4[%mul3A_677, %dma_wait3A_723] : memref<212992x64xf32, #tpu.memory_space<hbm>> -> memref<200x64xf32, #tpu.memory_space<hbm>>
    %dma_wait3A_725 = arith.constant 0 : i32
    %dma_wait3A_726 = tpu.memref_slice %arg4[%mul3A_677, %dma_wait3A_725] : memref<212992x64xf32, #tpu.memory_space<hbm>> -> memref<200x64xf32, #tpu.memory_space<hbm>>
    %dma_wait3A_727 = arith.constant 600 : i32
    %dma_wait3A_728 = arith.constant 0 : i32
    %dma_wait3A_729 = tpu.memref_slice %arg8[%dma_wait3A_727, %dma_wait3A_728] : memref<800x64xf32, #tpu.memory_space<vmem>> -> memref<200x64xf32, #tpu.memory_space<vmem>>
    tpu.wait_dma2 semaphore(%arg12 : memref<!tpu.dma_semaphore, #tpu.memory_space<semaphore_mem>>) src(%dma_wait3A_729 : memref<200x64xf32, #tpu.memory_space<vmem>>) dst(%dma_wait3A_726 : memref<200x64xf32, #tpu.memory_space<hbm>>)
    "tpu.region"() ({
      %run_scoped3A = tpu.sem_alloc : memref<!tpu.dma_semaphore, #tpu.memory_space<semaphore_mem>>
      %dma_start3A_963 = tpu.memref_slice %arg2[%add3A_689] : memref<204800xi32, #tpu.memory_space<hbm>> -> memref<800xi32, #tpu.memory_space<hbm>>
      %dma_start3A_964 = tpu.memref_slice %arg2[%add3A_689] : memref<204800xi32, #tpu.memory_space<hbm>> -> memref<800xi32, #tpu.memory_space<hbm>>
      tpu.enqueue_dma source(%dma_start3A_964 : memref<800xi32, #tpu.memory_space<hbm>>) target(%arg6 : memref<800xi32, #tpu.memory_space<vmem>>) target_semaphore(%run_scoped3A : memref<!tpu.dma_semaphore, #tpu.memory_space<semaphore_mem>>)
      %dma_wait3A_965 = tpu.memref_slice %arg2[%add3A_689] : memref<204800xi32, #tpu.memory_space<hbm>> -> memref<800xi32, #tpu.memory_space<hbm>>
      %dma_wait3A_966 = tpu.memref_slice %arg2[%add3A_689] : memref<204800xi32, #tpu.memory_space<hbm>> -> memref<800xi32, #tpu.memory_space<hbm>>
      tpu.wait_dma2 semaphore(%run_scoped3A : memref<!tpu.dma_semaphore, #tpu.memory_space<semaphore_mem>>) src(%dma_wait3A_966 : memref<800xi32, #tpu.memory_space<hbm>>) dst(%arg6 : memref<800xi32, #tpu.memory_space<vmem>>)
      tpu.yield
    }) : () -> ()
    %dma_start3A_730 = arith.constant 0 : i32
    %dma_start3A_731 = arith.constant 0 : i32
    %dma_start3A_732 = tpu.memref_slice %arg3[%dma_start3A_730, %dma_start3A_731] : memref<200000x64xf32, #tpu.memory_space<hbm>> -> memref<200000x64xf32, #tpu.memory_space<hbm>>
    tpu.enqueue_indirect_dma source(%dma_start3A_732 : memref<200000x64xf32, #tpu.memory_space<hbm>>) target(%arg8 : memref<800x64xf32, #tpu.memory_space<vmem>>) offsets(%arg6 : memref<800xi32, #tpu.memory_space<vmem>>) semaphore(%arg10 : memref<!tpu.dma_semaphore, #tpu.memory_space<semaphore_mem>>)
    %dma_wait3A_733 = arith.constant 0 : i32
    %dma_wait3A_734 = arith.constant 0 : i32
    %dma_wait3A_735 = tpu.memref_slice %arg3[%dma_wait3A_733, %dma_wait3A_734] : memref<200000x64xf32, #tpu.memory_space<hbm>> -> memref<200000x64xf32, #tpu.memory_space<hbm>>
    tpu.wait_indirect_dma semaphore(%arg9 : memref<!tpu.dma_semaphore, #tpu.memory_space<semaphore_mem>>) src(%dma_wait3A_735 : memref<200000x64xf32, #tpu.memory_space<hbm>>) dst(%arg7 : memref<800x64xf32, #tpu.memory_space<vmem>>)
    %mul3A_736 = arith.constant 32 : i32
    %mul3A_737 = arith.muli %add3A, %mul3A_736 : i32
    %add3A_738 = arith.constant 24 : i32
    %add3A_739 = arith.addi %mul3A_737, %add3A_738 : i32
    %add3A_740 = arith.constant 0 : i32
    %add3A_741 = arith.addi %add3A_739, %add3A_740 : i32
    %mul3A_742 = arith.constant 208 : i32
    %mul3A_743 = arith.muli %add3A_741, %mul3A_742 : i32
    %dma_start3A_744 = arith.constant 0 : i32
    %dma_start3A_745 = arith.constant 0 : i32
    %dma_start3A_746 = tpu.memref_slice %arg7[%dma_start3A_744, %dma_start3A_745] : memref<800x64xf32, #tpu.memory_space<vmem>> -> memref<200x64xf32, #tpu.memory_space<vmem>>
    %dma_start3A_747 = arith.constant 0 : i32
    %dma_start3A_748 = tpu.memref_slice %arg4[%mul3A_743, %dma_start3A_747] : memref<212992x64xf32, #tpu.memory_space<hbm>> -> memref<200x64xf32, #tpu.memory_space<hbm>>
    %dma_start3A_749 = arith.constant 0 : i32
    %dma_start3A_750 = tpu.memref_slice %arg4[%mul3A_743, %dma_start3A_749] : memref<212992x64xf32, #tpu.memory_space<hbm>> -> memref<200x64xf32, #tpu.memory_space<hbm>>
    %dma_start3A_751 = arith.constant 0 : i32
    %dma_start3A_752 = arith.constant 0 : i32
    %dma_start3A_753 = tpu.memref_slice %arg7[%dma_start3A_751, %dma_start3A_752] : memref<800x64xf32, #tpu.memory_space<vmem>> -> memref<200x64xf32, #tpu.memory_space<vmem>>
    tpu.enqueue_dma source(%dma_start3A_753 : memref<200x64xf32, #tpu.memory_space<vmem>>) target(%dma_start3A_750 : memref<200x64xf32, #tpu.memory_space<hbm>>) target_semaphore(%arg11 : memref<!tpu.dma_semaphore, #tpu.memory_space<semaphore_mem>>)
    %mul3A_754 = arith.constant 32 : i32
    %mul3A_755 = arith.muli %add3A, %mul3A_754 : i32
    %add3A_756 = arith.constant 24 : i32
    %add3A_757 = arith.addi %mul3A_755, %add3A_756 : i32
    %add3A_758 = arith.constant 1 : i32
    %add3A_759 = arith.addi %add3A_757, %add3A_758 : i32
    %mul3A_760 = arith.constant 208 : i32
    %mul3A_761 = arith.muli %add3A_759, %mul3A_760 : i32
    %dma_start3A_762 = arith.constant 200 : i32
    %dma_start3A_763 = arith.constant 0 : i32
    %dma_start3A_764 = tpu.memref_slice %arg7[%dma_start3A_762, %dma_start3A_763] : memref<800x64xf32, #tpu.memory_space<vmem>> -> memref<200x64xf32, #tpu.memory_space<vmem>>
    %dma_start3A_765 = arith.constant 0 : i32
    %dma_start3A_766 = tpu.memref_slice %arg4[%mul3A_761, %dma_start3A_765] : memref<212992x64xf32, #tpu.memory_space<hbm>> -> memref<200x64xf32, #tpu.memory_space<hbm>>
    %dma_start3A_767 = arith.constant 0 : i32
    %dma_start3A_768 = tpu.memref_slice %arg4[%mul3A_761, %dma_start3A_767] : memref<212992x64xf32, #tpu.memory_space<hbm>> -> memref<200x64xf32, #tpu.memory_space<hbm>>
    %dma_start3A_769 = arith.constant 200 : i32
    %dma_start3A_770 = arith.constant 0 : i32
    %dma_start3A_771 = tpu.memref_slice %arg7[%dma_start3A_769, %dma_start3A_770] : memref<800x64xf32, #tpu.memory_space<vmem>> -> memref<200x64xf32, #tpu.memory_space<vmem>>
    tpu.enqueue_dma source(%dma_start3A_771 : memref<200x64xf32, #tpu.memory_space<vmem>>) target(%dma_start3A_768 : memref<200x64xf32, #tpu.memory_space<hbm>>) target_semaphore(%arg11 : memref<!tpu.dma_semaphore, #tpu.memory_space<semaphore_mem>>)
    %mul3A_772 = arith.constant 32 : i32
    %mul3A_773 = arith.muli %add3A, %mul3A_772 : i32
    %add3A_774 = arith.constant 24 : i32
    %add3A_775 = arith.addi %mul3A_773, %add3A_774 : i32
    %add3A_776 = arith.constant 2 : i32
    %add3A_777 = arith.addi %add3A_775, %add3A_776 : i32
    %mul3A_778 = arith.constant 208 : i32
    %mul3A_779 = arith.muli %add3A_777, %mul3A_778 : i32
    %dma_start3A_780 = arith.constant 400 : i32
    %dma_start3A_781 = arith.constant 0 : i32
    %dma_start3A_782 = tpu.memref_slice %arg7[%dma_start3A_780, %dma_start3A_781] : memref<800x64xf32, #tpu.memory_space<vmem>> -> memref<200x64xf32, #tpu.memory_space<vmem>>
    %dma_start3A_783 = arith.constant 0 : i32
    %dma_start3A_784 = tpu.memref_slice %arg4[%mul3A_779, %dma_start3A_783] : memref<212992x64xf32, #tpu.memory_space<hbm>> -> memref<200x64xf32, #tpu.memory_space<hbm>>
    %dma_start3A_785 = arith.constant 0 : i32
    %dma_start3A_786 = tpu.memref_slice %arg4[%mul3A_779, %dma_start3A_785] : memref<212992x64xf32, #tpu.memory_space<hbm>> -> memref<200x64xf32, #tpu.memory_space<hbm>>
    %dma_start3A_787 = arith.constant 400 : i32
    %dma_start3A_788 = arith.constant 0 : i32
    %dma_start3A_789 = tpu.memref_slice %arg7[%dma_start3A_787, %dma_start3A_788] : memref<800x64xf32, #tpu.memory_space<vmem>> -> memref<200x64xf32, #tpu.memory_space<vmem>>
    tpu.enqueue_dma source(%dma_start3A_789 : memref<200x64xf32, #tpu.memory_space<vmem>>) target(%dma_start3A_786 : memref<200x64xf32, #tpu.memory_space<hbm>>) target_semaphore(%arg11 : memref<!tpu.dma_semaphore, #tpu.memory_space<semaphore_mem>>)
    %mul3A_790 = arith.constant 32 : i32
    %mul3A_791 = arith.muli %add3A, %mul3A_790 : i32
    %add3A_792 = arith.constant 24 : i32
    %add3A_793 = arith.addi %mul3A_791, %add3A_792 : i32
    %add3A_794 = arith.constant 3 : i32
    %add3A_795 = arith.addi %add3A_793, %add3A_794 : i32
    %mul3A_796 = arith.constant 208 : i32
    %mul3A_797 = arith.muli %add3A_795, %mul3A_796 : i32
    %dma_start3A_798 = arith.constant 600 : i32
    %dma_start3A_799 = arith.constant 0 : i32
    %dma_start3A_800 = tpu.memref_slice %arg7[%dma_start3A_798, %dma_start3A_799] : memref<800x64xf32, #tpu.memory_space<vmem>> -> memref<200x64xf32, #tpu.memory_space<vmem>>
    %dma_start3A_801 = arith.constant 0 : i32
    %dma_start3A_802 = tpu.memref_slice %arg4[%mul3A_797, %dma_start3A_801] : memref<212992x64xf32, #tpu.memory_space<hbm>> -> memref<200x64xf32, #tpu.memory_space<hbm>>
    %dma_start3A_803 = arith.constant 0 : i32
    %dma_start3A_804 = tpu.memref_slice %arg4[%mul3A_797, %dma_start3A_803] : memref<212992x64xf32, #tpu.memory_space<hbm>> -> memref<200x64xf32, #tpu.memory_space<hbm>>
    %dma_start3A_805 = arith.constant 600 : i32
    %dma_start3A_806 = arith.constant 0 : i32
    %dma_start3A_807 = tpu.memref_slice %arg7[%dma_start3A_805, %dma_start3A_806] : memref<800x64xf32, #tpu.memory_space<vmem>> -> memref<200x64xf32, #tpu.memory_space<vmem>>
    tpu.enqueue_dma source(%dma_start3A_807 : memref<200x64xf32, #tpu.memory_space<vmem>>) target(%dma_start3A_804 : memref<200x64xf32, #tpu.memory_space<hbm>>) target_semaphore(%arg11 : memref<!tpu.dma_semaphore, #tpu.memory_space<semaphore_mem>>)
    %dma_wait3A_808 = arith.constant 0 : i32
    %dma_wait3A_809 = arith.constant 0 : i32
    %dma_wait3A_810 = tpu.memref_slice %arg3[%dma_wait3A_808, %dma_wait3A_809] : memref<200000x64xf32, #tpu.memory_space<hbm>> -> memref<200000x64xf32, #tpu.memory_space<hbm>>
    tpu.wait_indirect_dma semaphore(%arg10 : memref<!tpu.dma_semaphore, #tpu.memory_space<semaphore_mem>>) src(%dma_wait3A_810 : memref<200000x64xf32, #tpu.memory_space<hbm>>) dst(%arg8 : memref<800x64xf32, #tpu.memory_space<vmem>>)
    %mul3A_811 = arith.constant 32 : i32
    %mul3A_812 = arith.muli %add3A, %mul3A_811 : i32
    %add3A_813 = arith.constant 28 : i32
    %add3A_814 = arith.addi %mul3A_812, %add3A_813 : i32
    %add3A_815 = arith.constant 0 : i32
    %add3A_816 = arith.addi %add3A_814, %add3A_815 : i32
    %mul3A_817 = arith.constant 208 : i32
    %mul3A_818 = arith.muli %add3A_816, %mul3A_817 : i32
    %dma_start3A_819 = arith.constant 0 : i32
    %dma_start3A_820 = arith.constant 0 : i32
    %dma_start3A_821 = tpu.memref_slice %arg8[%dma_start3A_819, %dma_start3A_820] : memref<800x64xf32, #tpu.memory_space<vmem>> -> memref<200x64xf32, #tpu.memory_space<vmem>>
    %dma_start3A_822 = arith.constant 0 : i32
    %dma_start3A_823 = tpu.memref_slice %arg4[%mul3A_818, %dma_start3A_822] : memref<212992x64xf32, #tpu.memory_space<hbm>> -> memref<200x64xf32, #tpu.memory_space<hbm>>
    %dma_start3A_824 = arith.constant 0 : i32
    %dma_start3A_825 = tpu.memref_slice %arg4[%mul3A_818, %dma_start3A_824] : memref<212992x64xf32, #tpu.memory_space<hbm>> -> memref<200x64xf32, #tpu.memory_space<hbm>>
    %dma_start3A_826 = arith.constant 0 : i32
    %dma_start3A_827 = arith.constant 0 : i32
    %dma_start3A_828 = tpu.memref_slice %arg8[%dma_start3A_826, %dma_start3A_827] : memref<800x64xf32, #tpu.memory_space<vmem>> -> memref<200x64xf32, #tpu.memory_space<vmem>>
    tpu.enqueue_dma source(%dma_start3A_828 : memref<200x64xf32, #tpu.memory_space<vmem>>) target(%dma_start3A_825 : memref<200x64xf32, #tpu.memory_space<hbm>>) target_semaphore(%arg12 : memref<!tpu.dma_semaphore, #tpu.memory_space<semaphore_mem>>)
    %mul3A_829 = arith.constant 32 : i32
    %mul3A_830 = arith.muli %add3A, %mul3A_829 : i32
    %add3A_831 = arith.constant 28 : i32
    %add3A_832 = arith.addi %mul3A_830, %add3A_831 : i32
    %add3A_833 = arith.constant 1 : i32
    %add3A_834 = arith.addi %add3A_832, %add3A_833 : i32
    %mul3A_835 = arith.constant 208 : i32
    %mul3A_836 = arith.muli %add3A_834, %mul3A_835 : i32
    %dma_start3A_837 = arith.constant 200 : i32
    %dma_start3A_838 = arith.constant 0 : i32
    %dma_start3A_839 = tpu.memref_slice %arg8[%dma_start3A_837, %dma_start3A_838] : memref<800x64xf32, #tpu.memory_space<vmem>> -> memref<200x64xf32, #tpu.memory_space<vmem>>
    %dma_start3A_840 = arith.constant 0 : i32
    %dma_start3A_841 = tpu.memref_slice %arg4[%mul3A_836, %dma_start3A_840] : memref<212992x64xf32, #tpu.memory_space<hbm>> -> memref<200x64xf32, #tpu.memory_space<hbm>>
    %dma_start3A_842 = arith.constant 0 : i32
    %dma_start3A_843 = tpu.memref_slice %arg4[%mul3A_836, %dma_start3A_842] : memref<212992x64xf32, #tpu.memory_space<hbm>> -> memref<200x64xf32, #tpu.memory_space<hbm>>
    %dma_start3A_844 = arith.constant 200 : i32
    %dma_start3A_845 = arith.constant 0 : i32
    %dma_start3A_846 = tpu.memref_slice %arg8[%dma_start3A_844, %dma_start3A_845] : memref<800x64xf32, #tpu.memory_space<vmem>> -> memref<200x64xf32, #tpu.memory_space<vmem>>
    tpu.enqueue_dma source(%dma_start3A_846 : memref<200x64xf32, #tpu.memory_space<vmem>>) target(%dma_start3A_843 : memref<200x64xf32, #tpu.memory_space<hbm>>) target_semaphore(%arg12 : memref<!tpu.dma_semaphore, #tpu.memory_space<semaphore_mem>>)
    %mul3A_847 = arith.constant 32 : i32
    %mul3A_848 = arith.muli %add3A, %mul3A_847 : i32
    %add3A_849 = arith.constant 28 : i32
    %add3A_850 = arith.addi %mul3A_848, %add3A_849 : i32
    %add3A_851 = arith.constant 2 : i32
    %add3A_852 = arith.addi %add3A_850, %add3A_851 : i32
    %mul3A_853 = arith.constant 208 : i32
    %mul3A_854 = arith.muli %add3A_852, %mul3A_853 : i32
    %dma_start3A_855 = arith.constant 400 : i32
    %dma_start3A_856 = arith.constant 0 : i32
    %dma_start3A_857 = tpu.memref_slice %arg8[%dma_start3A_855, %dma_start3A_856] : memref<800x64xf32, #tpu.memory_space<vmem>> -> memref<200x64xf32, #tpu.memory_space<vmem>>
    %dma_start3A_858 = arith.constant 0 : i32
    %dma_start3A_859 = tpu.memref_slice %arg4[%mul3A_854, %dma_start3A_858] : memref<212992x64xf32, #tpu.memory_space<hbm>> -> memref<200x64xf32, #tpu.memory_space<hbm>>
    %dma_start3A_860 = arith.constant 0 : i32
    %dma_start3A_861 = tpu.memref_slice %arg4[%mul3A_854, %dma_start3A_860] : memref<212992x64xf32, #tpu.memory_space<hbm>> -> memref<200x64xf32, #tpu.memory_space<hbm>>
    %dma_start3A_862 = arith.constant 400 : i32
    %dma_start3A_863 = arith.constant 0 : i32
    %dma_start3A_864 = tpu.memref_slice %arg8[%dma_start3A_862, %dma_start3A_863] : memref<800x64xf32, #tpu.memory_space<vmem>> -> memref<200x64xf32, #tpu.memory_space<vmem>>
    tpu.enqueue_dma source(%dma_start3A_864 : memref<200x64xf32, #tpu.memory_space<vmem>>) target(%dma_start3A_861 : memref<200x64xf32, #tpu.memory_space<hbm>>) target_semaphore(%arg12 : memref<!tpu.dma_semaphore, #tpu.memory_space<semaphore_mem>>)
    %mul3A_865 = arith.constant 32 : i32
    %mul3A_866 = arith.muli %add3A, %mul3A_865 : i32
    %add3A_867 = arith.constant 28 : i32
    %add3A_868 = arith.addi %mul3A_866, %add3A_867 : i32
    %add3A_869 = arith.constant 3 : i32
    %add3A_870 = arith.addi %add3A_868, %add3A_869 : i32
    %mul3A_871 = arith.constant 208 : i32
    %mul3A_872 = arith.muli %add3A_870, %mul3A_871 : i32
    %dma_start3A_873 = arith.constant 600 : i32
    %dma_start3A_874 = arith.constant 0 : i32
    %dma_start3A_875 = tpu.memref_slice %arg8[%dma_start3A_873, %dma_start3A_874] : memref<800x64xf32, #tpu.memory_space<vmem>> -> memref<200x64xf32, #tpu.memory_space<vmem>>
    %dma_start3A_876 = arith.constant 0 : i32
    %dma_start3A_877 = tpu.memref_slice %arg4[%mul3A_872, %dma_start3A_876] : memref<212992x64xf32, #tpu.memory_space<hbm>> -> memref<200x64xf32, #tpu.memory_space<hbm>>
    %dma_start3A_878 = arith.constant 0 : i32
    %dma_start3A_879 = tpu.memref_slice %arg4[%mul3A_872, %dma_start3A_878] : memref<212992x64xf32, #tpu.memory_space<hbm>> -> memref<200x64xf32, #tpu.memory_space<hbm>>
    %dma_start3A_880 = arith.constant 600 : i32
    %dma_start3A_881 = arith.constant 0 : i32
    %dma_start3A_882 = tpu.memref_slice %arg8[%dma_start3A_880, %dma_start3A_881] : memref<800x64xf32, #tpu.memory_space<vmem>> -> memref<200x64xf32, #tpu.memory_space<vmem>>
    tpu.enqueue_dma source(%dma_start3A_882 : memref<200x64xf32, #tpu.memory_space<vmem>>) target(%dma_start3A_879 : memref<200x64xf32, #tpu.memory_space<hbm>>) target_semaphore(%arg12 : memref<!tpu.dma_semaphore, #tpu.memory_space<semaphore_mem>>)
    %dma_wait3A_883 = arith.constant 600 : i32
    %dma_wait3A_884 = arith.constant 0 : i32
    %dma_wait3A_885 = tpu.memref_slice %arg7[%dma_wait3A_883, %dma_wait3A_884] : memref<800x64xf32, #tpu.memory_space<vmem>> -> memref<200x64xf32, #tpu.memory_space<vmem>>
    %dma_wait3A_886 = arith.constant 0 : i32
    %dma_wait3A_887 = tpu.memref_slice %arg4[%mul3A_797, %dma_wait3A_886] : memref<212992x64xf32, #tpu.memory_space<hbm>> -> memref<200x64xf32, #tpu.memory_space<hbm>>
    %dma_wait3A_888 = arith.constant 0 : i32
    %dma_wait3A_889 = tpu.memref_slice %arg4[%mul3A_797, %dma_wait3A_888] : memref<212992x64xf32, #tpu.memory_space<hbm>> -> memref<200x64xf32, #tpu.memory_space<hbm>>
    %dma_wait3A_890 = arith.constant 600 : i32
    %dma_wait3A_891 = arith.constant 0 : i32
    %dma_wait3A_892 = tpu.memref_slice %arg7[%dma_wait3A_890, %dma_wait3A_891] : memref<800x64xf32, #tpu.memory_space<vmem>> -> memref<200x64xf32, #tpu.memory_space<vmem>>
    tpu.wait_dma2 semaphore(%arg11 : memref<!tpu.dma_semaphore, #tpu.memory_space<semaphore_mem>>) src(%dma_wait3A_892 : memref<200x64xf32, #tpu.memory_space<vmem>>) dst(%dma_wait3A_889 : memref<200x64xf32, #tpu.memory_space<hbm>>)
    %dma_wait3A_893 = arith.constant 600 : i32
    %dma_wait3A_894 = arith.constant 0 : i32
    %dma_wait3A_895 = tpu.memref_slice %arg7[%dma_wait3A_893, %dma_wait3A_894] : memref<800x64xf32, #tpu.memory_space<vmem>> -> memref<200x64xf32, #tpu.memory_space<vmem>>
    %dma_wait3A_896 = arith.constant 0 : i32
    %dma_wait3A_897 = tpu.memref_slice %arg4[%mul3A_797, %dma_wait3A_896] : memref<212992x64xf32, #tpu.memory_space<hbm>> -> memref<200x64xf32, #tpu.memory_space<hbm>>
    %dma_wait3A_898 = arith.constant 0 : i32
    %dma_wait3A_899 = tpu.memref_slice %arg4[%mul3A_797, %dma_wait3A_898] : memref<212992x64xf32, #tpu.memory_space<hbm>> -> memref<200x64xf32, #tpu.memory_space<hbm>>
    %dma_wait3A_900 = arith.constant 600 : i32
    %dma_wait3A_901 = arith.constant 0 : i32
    %dma_wait3A_902 = tpu.memref_slice %arg7[%dma_wait3A_900, %dma_wait3A_901] : memref<800x64xf32, #tpu.memory_space<vmem>> -> memref<200x64xf32, #tpu.memory_space<vmem>>
    tpu.wait_dma2 semaphore(%arg11 : memref<!tpu.dma_semaphore, #tpu.memory_space<semaphore_mem>>) src(%dma_wait3A_902 : memref<200x64xf32, #tpu.memory_space<vmem>>) dst(%dma_wait3A_899 : memref<200x64xf32, #tpu.memory_space<hbm>>)
    %dma_wait3A_903 = arith.constant 600 : i32
    %dma_wait3A_904 = arith.constant 0 : i32
    %dma_wait3A_905 = tpu.memref_slice %arg7[%dma_wait3A_903, %dma_wait3A_904] : memref<800x64xf32, #tpu.memory_space<vmem>> -> memref<200x64xf32, #tpu.memory_space<vmem>>
    %dma_wait3A_906 = arith.constant 0 : i32
    %dma_wait3A_907 = tpu.memref_slice %arg4[%mul3A_797, %dma_wait3A_906] : memref<212992x64xf32, #tpu.memory_space<hbm>> -> memref<200x64xf32, #tpu.memory_space<hbm>>
    %dma_wait3A_908 = arith.constant 0 : i32
    %dma_wait3A_909 = tpu.memref_slice %arg4[%mul3A_797, %dma_wait3A_908] : memref<212992x64xf32, #tpu.memory_space<hbm>> -> memref<200x64xf32, #tpu.memory_space<hbm>>
    %dma_wait3A_910 = arith.constant 600 : i32
    %dma_wait3A_911 = arith.constant 0 : i32
    %dma_wait3A_912 = tpu.memref_slice %arg7[%dma_wait3A_910, %dma_wait3A_911] : memref<800x64xf32, #tpu.memory_space<vmem>> -> memref<200x64xf32, #tpu.memory_space<vmem>>
    tpu.wait_dma2 semaphore(%arg11 : memref<!tpu.dma_semaphore, #tpu.memory_space<semaphore_mem>>) src(%dma_wait3A_912 : memref<200x64xf32, #tpu.memory_space<vmem>>) dst(%dma_wait3A_909 : memref<200x64xf32, #tpu.memory_space<hbm>>)
    %dma_wait3A_913 = arith.constant 600 : i32
    %dma_wait3A_914 = arith.constant 0 : i32
    %dma_wait3A_915 = tpu.memref_slice %arg7[%dma_wait3A_913, %dma_wait3A_914] : memref<800x64xf32, #tpu.memory_space<vmem>> -> memref<200x64xf32, #tpu.memory_space<vmem>>
    %dma_wait3A_916 = arith.constant 0 : i32
    %dma_wait3A_917 = tpu.memref_slice %arg4[%mul3A_797, %dma_wait3A_916] : memref<212992x64xf32, #tpu.memory_space<hbm>> -> memref<200x64xf32, #tpu.memory_space<hbm>>
    %dma_wait3A_918 = arith.constant 0 : i32
    %dma_wait3A_919 = tpu.memref_slice %arg4[%mul3A_797, %dma_wait3A_918] : memref<212992x64xf32, #tpu.memory_space<hbm>> -> memref<200x64xf32, #tpu.memory_space<hbm>>
    %dma_wait3A_920 = arith.constant 600 : i32
    %dma_wait3A_921 = arith.constant 0 : i32
    %dma_wait3A_922 = tpu.memref_slice %arg7[%dma_wait3A_920, %dma_wait3A_921] : memref<800x64xf32, #tpu.memory_space<vmem>> -> memref<200x64xf32, #tpu.memory_space<vmem>>
    tpu.wait_dma2 semaphore(%arg11 : memref<!tpu.dma_semaphore, #tpu.memory_space<semaphore_mem>>) src(%dma_wait3A_922 : memref<200x64xf32, #tpu.memory_space<vmem>>) dst(%dma_wait3A_919 : memref<200x64xf32, #tpu.memory_space<hbm>>)
    %dma_wait3A_923 = arith.constant 600 : i32
    %dma_wait3A_924 = arith.constant 0 : i32
    %dma_wait3A_925 = tpu.memref_slice %arg8[%dma_wait3A_923, %dma_wait3A_924] : memref<800x64xf32, #tpu.memory_space<vmem>> -> memref<200x64xf32, #tpu.memory_space<vmem>>
    %dma_wait3A_926 = arith.constant 0 : i32
    %dma_wait3A_927 = tpu.memref_slice %arg4[%mul3A_872, %dma_wait3A_926] : memref<212992x64xf32, #tpu.memory_space<hbm>> -> memref<200x64xf32, #tpu.memory_space<hbm>>
    %dma_wait3A_928 = arith.constant 0 : i32
    %dma_wait3A_929 = tpu.memref_slice %arg4[%mul3A_872, %dma_wait3A_928] : memref<212992x64xf32, #tpu.memory_space<hbm>> -> memref<200x64xf32, #tpu.memory_space<hbm>>
    %dma_wait3A_930 = arith.constant 600 : i32
    %dma_wait3A_931 = arith.constant 0 : i32
    %dma_wait3A_932 = tpu.memref_slice %arg8[%dma_wait3A_930, %dma_wait3A_931] : memref<800x64xf32, #tpu.memory_space<vmem>> -> memref<200x64xf32, #tpu.memory_space<vmem>>
    tpu.wait_dma2 semaphore(%arg12 : memref<!tpu.dma_semaphore, #tpu.memory_space<semaphore_mem>>) src(%dma_wait3A_932 : memref<200x64xf32, #tpu.memory_space<vmem>>) dst(%dma_wait3A_929 : memref<200x64xf32, #tpu.memory_space<hbm>>)
    %dma_wait3A_933 = arith.constant 600 : i32
    %dma_wait3A_934 = arith.constant 0 : i32
    %dma_wait3A_935 = tpu.memref_slice %arg8[%dma_wait3A_933, %dma_wait3A_934] : memref<800x64xf32, #tpu.memory_space<vmem>> -> memref<200x64xf32, #tpu.memory_space<vmem>>
    %dma_wait3A_936 = arith.constant 0 : i32
    %dma_wait3A_937 = tpu.memref_slice %arg4[%mul3A_872, %dma_wait3A_936] : memref<212992x64xf32, #tpu.memory_space<hbm>> -> memref<200x64xf32, #tpu.memory_space<hbm>>
    %dma_wait3A_938 = arith.constant 0 : i32
    %dma_wait3A_939 = tpu.memref_slice %arg4[%mul3A_872, %dma_wait3A_938] : memref<212992x64xf32, #tpu.memory_space<hbm>> -> memref<200x64xf32, #tpu.memory_space<hbm>>
    %dma_wait3A_940 = arith.constant 600 : i32
    %dma_wait3A_941 = arith.constant 0 : i32
    %dma_wait3A_942 = tpu.memref_slice %arg8[%dma_wait3A_940, %dma_wait3A_941] : memref<800x64xf32, #tpu.memory_space<vmem>> -> memref<200x64xf32, #tpu.memory_space<vmem>>
    tpu.wait_dma2 semaphore(%arg12 : memref<!tpu.dma_semaphore, #tpu.memory_space<semaphore_mem>>) src(%dma_wait3A_942 : memref<200x64xf32, #tpu.memory_space<vmem>>) dst(%dma_wait3A_939 : memref<200x64xf32, #tpu.memory_space<hbm>>)
    %dma_wait3A_943 = arith.constant 600 : i32
    %dma_wait3A_944 = arith.constant 0 : i32
    %dma_wait3A_945 = tpu.memref_slice %arg8[%dma_wait3A_943, %dma_wait3A_944] : memref<800x64xf32, #tpu.memory_space<vmem>> -> memref<200x64xf32, #tpu.memory_space<vmem>>
    %dma_wait3A_946 = arith.constant 0 : i32
    %dma_wait3A_947 = tpu.memref_slice %arg4[%mul3A_872, %dma_wait3A_946] : memref<212992x64xf32, #tpu.memory_space<hbm>> -> memref<200x64xf32, #tpu.memory_space<hbm>>
    %dma_wait3A_948 = arith.constant 0 : i32
    %dma_wait3A_949 = tpu.memref_slice %arg4[%mul3A_872, %dma_wait3A_948] : memref<212992x64xf32, #tpu.memory_space<hbm>> -> memref<200x64xf32, #tpu.memory_space<hbm>>
    %dma_wait3A_950 = arith.constant 600 : i32
    %dma_wait3A_951 = arith.constant 0 : i32
    %dma_wait3A_952 = tpu.memref_slice %arg8[%dma_wait3A_950, %dma_wait3A_951] : memref<800x64xf32, #tpu.memory_space<vmem>> -> memref<200x64xf32, #tpu.memory_space<vmem>>
    tpu.wait_dma2 semaphore(%arg12 : memref<!tpu.dma_semaphore, #tpu.memory_space<semaphore_mem>>) src(%dma_wait3A_952 : memref<200x64xf32, #tpu.memory_space<vmem>>) dst(%dma_wait3A_949 : memref<200x64xf32, #tpu.memory_space<hbm>>)
    %dma_wait3A_953 = arith.constant 600 : i32
    %dma_wait3A_954 = arith.constant 0 : i32
    %dma_wait3A_955 = tpu.memref_slice %arg8[%dma_wait3A_953, %dma_wait3A_954] : memref<800x64xf32, #tpu.memory_space<vmem>> -> memref<200x64xf32, #tpu.memory_space<vmem>>
    %dma_wait3A_956 = arith.constant 0 : i32
    %dma_wait3A_957 = tpu.memref_slice %arg4[%mul3A_872, %dma_wait3A_956] : memref<212992x64xf32, #tpu.memory_space<hbm>> -> memref<200x64xf32, #tpu.memory_space<hbm>>
    %dma_wait3A_958 = arith.constant 0 : i32
    %dma_wait3A_959 = tpu.memref_slice %arg4[%mul3A_872, %dma_wait3A_958] : memref<212992x64xf32, #tpu.memory_space<hbm>> -> memref<200x64xf32, #tpu.memory_space<hbm>>
    %dma_wait3A_960 = arith.constant 600 : i32
    %dma_wait3A_961 = arith.constant 0 : i32
    %dma_wait3A_962 = tpu.memref_slice %arg8[%dma_wait3A_960, %dma_wait3A_961] : memref<800x64xf32, #tpu.memory_space<vmem>> -> memref<200x64xf32, #tpu.memory_space<vmem>>
    tpu.wait_dma2 semaphore(%arg12 : memref<!tpu.dma_semaphore, #tpu.memory_space<semaphore_mem>>) src(%dma_wait3A_962 : memref<200x64xf32, #tpu.memory_space<vmem>>) dst(%dma_wait3A_959 : memref<200x64xf32, #tpu.memory_space<hbm>>)
    return
  }
}

module attributes {stable_mosaic.version = 14 : i64} {
  func.func @_tc_body(%arg0: i32, %arg1: memref<128x104x128xf32, #tpu.memory_space<vmem>>, %arg2: memref<100x128xf32, #tpu.memory_space<vmem>>, %arg3: memref<200x64x128xf32, #tpu.memory_space<vmem>>) attributes {dimension_semantics = [#tpu.dimension_semantics<arbitrary>], iteration_bounds = array<i64: 8>, scalar_prefetch = 0 : i64, scratch_operands = 0 : i64, tpu.core_type = #tpu.core_type<tc>, window_params = [{transform_indices = @transform_0, window_bounds = array<i64: 128, 104, 128>}, {pipeline_mode = #tpu.pipeline_mode<synchronous>, transform_indices = @transform_1, window_bounds = array<i64: 100, 128>}, {transform_indices = @transform_2, window_bounds = array<i64: 200, 64, 128>}]} {
    %get3A = arith.constant 0 : index
    %get3A_0 = arith.constant 0 : index
    %get3A_1 = arith.constant 0 : index
    %get3A_2 = vector.load %arg1[%get3A, %get3A_0, %get3A_1] : memref<128x104x128xf32, #tpu.memory_space<vmem>>, vector<128x100x128xf32>
    %get3A_3 = arith.constant 0 : index
    %get3A_4 = arith.constant 0 : index
    %get3A_5 = vector.load %arg2[%get3A_3, %get3A_4] : memref<100x128xf32, #tpu.memory_space<vmem>>, vector<100x128xf32>
    %broadcast_in_dim3A = vector.shape_cast %get3A_5 : vector<100x128xf32> to vector<1x100x128xf32>
    %add3A = vector.broadcast %broadcast_in_dim3A : vector<1x100x128xf32> to vector<128x100x128xf32>
    %add3A_6 = arith.addf %get3A_2, %add3A : vector<128x100x128xf32>
    %slice3A = vector.extract_strided_slice %add3A_6 {offsets = [0, 0, 0], sizes = [128, 1, 128], strides = [1, 1, 1]} : vector<128x100x128xf32> to vector<128x1x128xf32>
    %squeeze3A = vector.shape_cast %slice3A : vector<128x1x128xf32> to vector<128x128xf32>
    %transpose3A = tpu.transpose %squeeze3A, [1, 0] : vector<128x128xf32> -> vector<128x128xf32>
    %slice3A_7 = vector.extract_strided_slice %transpose3A {offsets = [0, 0], sizes = [64, 128], strides = [1, 1]} : vector<128x128xf32> to vector<64x128xf32>
    %swap3A = arith.constant 0 : index
    %swap3A_8 = arith.constant 0 : index
    %swap3A_9 = arith.constant 0 : index
    %swap3A_10 = vector.load %arg3[%swap3A, %swap3A_8, %swap3A_9] : memref<200x64x128xf32, #tpu.memory_space<vmem>>, vector<1x64x128xf32>
    %swap3A_11 = vector.shape_cast %swap3A_10 : vector<1x64x128xf32> to vector<64x128xf32>
    %swap3A_12 = vector.shape_cast %slice3A_7 : vector<64x128xf32> to vector<1x64x128xf32>
    tpu.vector_store %arg3[%swap3A, %swap3A_8, %swap3A_9], %swap3A_12 {strides = array<i32>} : memref<200x64x128xf32, #tpu.memory_space<vmem>>, vector<1x64x128xf32>,
    %slice3A_13 = vector.extract_strided_slice %transpose3A {offsets = [64, 0], sizes = [64, 128], strides = [1, 1]} : vector<128x128xf32> to vector<64x128xf32>
    %swap3A_14 = arith.constant 1 : index
    %swap3A_15 = arith.constant 0 : index
    %swap3A_16 = arith.constant 0 : index
    %swap3A_17 = vector.load %arg3[%swap3A_14, %swap3A_15, %swap3A_16] : memref<200x64x128xf32, #tpu.memory_space<vmem>>, vector<1x64x128xf32>
    %swap3A_18 = vector.shape_cast %swap3A_17 : vector<1x64x128xf32> to vector<64x128xf32>
    %swap3A_19 = vector.shape_cast %slice3A_13 : vector<64x128xf32> to vector<1x64x128xf32>
    tpu.vector_store %arg3[%swap3A_14, %swap3A_15, %swap3A_16], %swap3A_19 {strides = array<i32>} : memref<200x64x128xf32, #tpu.memory_space<vmem>>, vector<1x64x128xf32>,
    %slice3A_20 = vector.extract_strided_slice %add3A_6 {offsets = [0, 1, 0], sizes = [128, 1, 128], strides = [1, 1, 1]} : vector<128x100x128xf32> to vector<128x1x128xf32>
    %squeeze3A_21 = vector.shape_cast %slice3A_20 : vector<128x1x128xf32> to vector<128x128xf32>
    %transpose3A_22 = tpu.transpose %squeeze3A_21, [1, 0] : vector<128x128xf32> -> vector<128x128xf32>
    %slice3A_23 = vector.extract_strided_slice %transpose3A_22 {offsets = [0, 0], sizes = [64, 128], strides = [1, 1]} : vector<128x128xf32> to vector<64x128xf32>
    %swap3A_24 = arith.constant 2 : index
    %swap3A_25 = arith.constant 0 : index
    %swap3A_26 = arith.constant 0 : index
    %swap3A_27 = vector.load %arg3[%swap3A_24, %swap3A_25, %swap3A_26] : memref<200x64x128xf32, #tpu.memory_space<vmem>>, vector<1x64x128xf32>
    %swap3A_28 = vector.shape_cast %swap3A_27 : vector<1x64x128xf32> to vector<64x128xf32>
    %swap3A_29 = vector.shape_cast %slice3A_23 : vector<64x128xf32> to vector<1x64x128xf32>
    tpu.vector_store %arg3[%swap3A_24, %swap3A_25, %swap3A_26], %swap3A_29 {strides = array<i32>} : memref<200x64x128xf32, #tpu.memory_space<vmem>>, vector<1x64x128xf32>,
    %slice3A_30 = vector.extract_strided_slice %transpose3A_22 {offsets = [64, 0], sizes = [64, 128], strides = [1, 1]} : vector<128x128xf32> to vector<64x128xf32>
    %swap3A_31 = arith.constant 3 : index
    %swap3A_32 = arith.constant 0 : index
    %swap3A_33 = arith.constant 0 : index
    %swap3A_34 = vector.load %arg3[%swap3A_31, %swap3A_32, %swap3A_33] : memref<200x64x128xf32, #tpu.memory_space<vmem>>, vector<1x64x128xf32>
    %swap3A_35 = vector.shape_cast %swap3A_34 : vector<1x64x128xf32> to vector<64x128xf32>
    %swap3A_36 = vector.shape_cast %slice3A_30 : vector<64x128xf32> to vector<1x64x128xf32>
    tpu.vector_store %arg3[%swap3A_31, %swap3A_32, %swap3A_33], %swap3A_36 {strides = array<i32>} : memref<200x64x128xf32, #tpu.memory_space<vmem>>, vector<1x64x128xf32>,
    %slice3A_37 = vector.extract_strided_slice %add3A_6 {offsets = [0, 2, 0], sizes = [128, 1, 128], strides = [1, 1, 1]} : vector<128x100x128xf32> to vector<128x1x128xf32>
    %squeeze3A_38 = vector.shape_cast %slice3A_37 : vector<128x1x128xf32> to vector<128x128xf32>
    %transpose3A_39 = tpu.transpose %squeeze3A_38, [1, 0] : vector<128x128xf32> -> vector<128x128xf32>
    %slice3A_40 = vector.extract_strided_slice %transpose3A_39 {offsets = [0, 0], sizes = [64, 128], strides = [1, 1]} : vector<128x128xf32> to vector<64x128xf32>
    %swap3A_41 = arith.constant 4 : index
    %swap3A_42 = arith.constant 0 : index
    %swap3A_43 = arith.constant 0 : index
    %swap3A_44 = vector.load %arg3[%swap3A_41, %swap3A_42, %swap3A_43] : memref<200x64x128xf32, #tpu.memory_space<vmem>>, vector<1x64x128xf32>
    %swap3A_45 = vector.shape_cast %swap3A_44 : vector<1x64x128xf32> to vector<64x128xf32>
    %swap3A_46 = vector.shape_cast %slice3A_40 : vector<64x128xf32> to vector<1x64x128xf32>
    tpu.vector_store %arg3[%swap3A_41, %swap3A_42, %swap3A_43], %swap3A_46 {strides = array<i32>} : memref<200x64x128xf32, #tpu.memory_space<vmem>>, vector<1x64x128xf32>,
    %slice3A_47 = vector.extract_strided_slice %transpose3A_39 {offsets = [64, 0], sizes = [64, 128], strides = [1, 1]} : vector<128x128xf32> to vector<64x128xf32>
    %swap3A_48 = arith.constant 5 : index
    %swap3A_49 = arith.constant 0 : index
    %swap3A_50 = arith.constant 0 : index
    %swap3A_51 = vector.load %arg3[%swap3A_48, %swap3A_49, %swap3A_50] : memref<200x64x128xf32, #tpu.memory_space<vmem>>, vector<1x64x128xf32>
    %swap3A_52 = vector.shape_cast %swap3A_51 : vector<1x64x128xf32> to vector<64x128xf32>
    %swap3A_53 = vector.shape_cast %slice3A_47 : vector<64x128xf32> to vector<1x64x128xf32>
    tpu.vector_store %arg3[%swap3A_48, %swap3A_49, %swap3A_50], %swap3A_53 {strides = array<i32>} : memref<200x64x128xf32, #tpu.memory_space<vmem>>, vector<1x64x128xf32>,
    %slice3A_54 = vector.extract_strided_slice %add3A_6 {offsets = [0, 3, 0], sizes = [128, 1, 128], strides = [1, 1, 1]} : vector<128x100x128xf32> to vector<128x1x128xf32>
    %squeeze3A_55 = vector.shape_cast %slice3A_54 : vector<128x1x128xf32> to vector<128x128xf32>
    %transpose3A_56 = tpu.transpose %squeeze3A_55, [1, 0] : vector<128x128xf32> -> vector<128x128xf32>
    %slice3A_57 = vector.extract_strided_slice %transpose3A_56 {offsets = [0, 0], sizes = [64, 128], strides = [1, 1]} : vector<128x128xf32> to vector<64x128xf32>
    %swap3A_58 = arith.constant 6 : index
    %swap3A_59 = arith.constant 0 : index
    %swap3A_60 = arith.constant 0 : index
    %swap3A_61 = vector.load %arg3[%swap3A_58, %swap3A_59, %swap3A_60] : memref<200x64x128xf32, #tpu.memory_space<vmem>>, vector<1x64x128xf32>
    %swap3A_62 = vector.shape_cast %swap3A_61 : vector<1x64x128xf32> to vector<64x128xf32>
    %swap3A_63 = vector.shape_cast %slice3A_57 : vector<64x128xf32> to vector<1x64x128xf32>
    tpu.vector_store %arg3[%swap3A_58, %swap3A_59, %swap3A_60], %swap3A_63 {strides = array<i32>} : memref<200x64x128xf32, #tpu.memory_space<vmem>>, vector<1x64x128xf32>,
    %slice3A_64 = vector.extract_strided_slice %transpose3A_56 {offsets = [64, 0], sizes = [64, 128], strides = [1, 1]} : vector<128x128xf32> to vector<64x128xf32>
    %swap3A_65 = arith.constant 7 : index
    %swap3A_66 = arith.constant 0 : index
    %swap3A_67 = arith.constant 0 : index
    %swap3A_68 = vector.load %arg3[%swap3A_65, %swap3A_66, %swap3A_67] : memref<200x64x128xf32, #tpu.memory_space<vmem>>, vector<1x64x128xf32>
    %swap3A_69 = vector.shape_cast %swap3A_68 : vector<1x64x128xf32> to vector<64x128xf32>
    %swap3A_70 = vector.shape_cast %slice3A_64 : vector<64x128xf32> to vector<1x64x128xf32>
    tpu.vector_store %arg3[%swap3A_65, %swap3A_66, %swap3A_67], %swap3A_70 {strides = array<i32>} : memref<200x64x128xf32, #tpu.memory_space<vmem>>, vector<1x64x128xf32>,
    %slice3A_71 = vector.extract_strided_slice %add3A_6 {offsets = [0, 4, 0], sizes = [128, 1, 128], strides = [1, 1, 1]} : vector<128x100x128xf32> to vector<128x1x128xf32>
    %squeeze3A_72 = vector.shape_cast %slice3A_71 : vector<128x1x128xf32> to vector<128x128xf32>
    %transpose3A_73 = tpu.transpose %squeeze3A_72, [1, 0] : vector<128x128xf32> -> vector<128x128xf32>
    %slice3A_74 = vector.extract_strided_slice %transpose3A_73 {offsets = [0, 0], sizes = [64, 128], strides = [1, 1]} : vector<128x128xf32> to vector<64x128xf32>
    %swap3A_75 = arith.constant 8 : index
    %swap3A_76 = arith.constant 0 : index
    %swap3A_77 = arith.constant 0 : index
    %swap3A_78 = vector.load %arg3[%swap3A_75, %swap3A_76, %swap3A_77] : memref<200x64x128xf32, #tpu.memory_space<vmem>>, vector<1x64x128xf32>
    %swap3A_79 = vector.shape_cast %swap3A_78 : vector<1x64x128xf32> to vector<64x128xf32>
    %swap3A_80 = vector.shape_cast %slice3A_74 : vector<64x128xf32> to vector<1x64x128xf32>
    tpu.vector_store %arg3[%swap3A_75, %swap3A_76, %swap3A_77], %swap3A_80 {strides = array<i32>} : memref<200x64x128xf32, #tpu.memory_space<vmem>>, vector<1x64x128xf32>,
    %slice3A_81 = vector.extract_strided_slice %transpose3A_73 {offsets = [64, 0], sizes = [64, 128], strides = [1, 1]} : vector<128x128xf32> to vector<64x128xf32>
    %swap3A_82 = arith.constant 9 : index
    %swap3A_83 = arith.constant 0 : index
    %swap3A_84 = arith.constant 0 : index
    %swap3A_85 = vector.load %arg3[%swap3A_82, %swap3A_83, %swap3A_84] : memref<200x64x128xf32, #tpu.memory_space<vmem>>, vector<1x64x128xf32>
    %swap3A_86 = vector.shape_cast %swap3A_85 : vector<1x64x128xf32> to vector<64x128xf32>
    %swap3A_87 = vector.shape_cast %slice3A_81 : vector<64x128xf32> to vector<1x64x128xf32>
    tpu.vector_store %arg3[%swap3A_82, %swap3A_83, %swap3A_84], %swap3A_87 {strides = array<i32>} : memref<200x64x128xf32, #tpu.memory_space<vmem>>, vector<1x64x128xf32>,
    %slice3A_88 = vector.extract_strided_slice %add3A_6 {offsets = [0, 5, 0], sizes = [128, 1, 128], strides = [1, 1, 1]} : vector<128x100x128xf32> to vector<128x1x128xf32>
    %squeeze3A_89 = vector.shape_cast %slice3A_88 : vector<128x1x128xf32> to vector<128x128xf32>
    %transpose3A_90 = tpu.transpose %squeeze3A_89, [1, 0] : vector<128x128xf32> -> vector<128x128xf32>
    %slice3A_91 = vector.extract_strided_slice %transpose3A_90 {offsets = [0, 0], sizes = [64, 128], strides = [1, 1]} : vector<128x128xf32> to vector<64x128xf32>
    %swap3A_92 = arith.constant 10 : index
    %swap3A_93 = arith.constant 0 : index
    %swap3A_94 = arith.constant 0 : index
    %swap3A_95 = vector.load %arg3[%swap3A_92, %swap3A_93, %swap3A_94] : memref<200x64x128xf32, #tpu.memory_space<vmem>>, vector<1x64x128xf32>
    %swap3A_96 = vector.shape_cast %swap3A_95 : vector<1x64x128xf32> to vector<64x128xf32>
    %swap3A_97 = vector.shape_cast %slice3A_91 : vector<64x128xf32> to vector<1x64x128xf32>
    tpu.vector_store %arg3[%swap3A_92, %swap3A_93, %swap3A_94], %swap3A_97 {strides = array<i32>} : memref<200x64x128xf32, #tpu.memory_space<vmem>>, vector<1x64x128xf32>,
    %slice3A_98 = vector.extract_strided_slice %transpose3A_90 {offsets = [64, 0], sizes = [64, 128], strides = [1, 1]} : vector<128x128xf32> to vector<64x128xf32>
    %swap3A_99 = arith.constant 11 : index
    %swap3A_100 = arith.constant 0 : index
    %swap3A_101 = arith.constant 0 : index
    %swap3A_102 = vector.load %arg3[%swap3A_99, %swap3A_100, %swap3A_101] : memref<200x64x128xf32, #tpu.memory_space<vmem>>, vector<1x64x128xf32>
    %swap3A_103 = vector.shape_cast %swap3A_102 : vector<1x64x128xf32> to vector<64x128xf32>
    %swap3A_104 = vector.shape_cast %slice3A_98 : vector<64x128xf32> to vector<1x64x128xf32>
    tpu.vector_store %arg3[%swap3A_99, %swap3A_100, %swap3A_101], %swap3A_104 {strides = array<i32>} : memref<200x64x128xf32, #tpu.memory_space<vmem>>, vector<1x64x128xf32>,
    %slice3A_105 = vector.extract_strided_slice %add3A_6 {offsets = [0, 6, 0], sizes = [128, 1, 128], strides = [1, 1, 1]} : vector<128x100x128xf32> to vector<128x1x128xf32>
    %squeeze3A_106 = vector.shape_cast %slice3A_105 : vector<128x1x128xf32> to vector<128x128xf32>
    %transpose3A_107 = tpu.transpose %squeeze3A_106, [1, 0] : vector<128x128xf32> -> vector<128x128xf32>
    %slice3A_108 = vector.extract_strided_slice %transpose3A_107 {offsets = [0, 0], sizes = [64, 128], strides = [1, 1]} : vector<128x128xf32> to vector<64x128xf32>
    %swap3A_109 = arith.constant 12 : index
    %swap3A_110 = arith.constant 0 : index
    %swap3A_111 = arith.constant 0 : index
    %swap3A_112 = vector.load %arg3[%swap3A_109, %swap3A_110, %swap3A_111] : memref<200x64x128xf32, #tpu.memory_space<vmem>>, vector<1x64x128xf32>
    %swap3A_113 = vector.shape_cast %swap3A_112 : vector<1x64x128xf32> to vector<64x128xf32>
    %swap3A_114 = vector.shape_cast %slice3A_108 : vector<64x128xf32> to vector<1x64x128xf32>
    tpu.vector_store %arg3[%swap3A_109, %swap3A_110, %swap3A_111], %swap3A_114 {strides = array<i32>} : memref<200x64x128xf32, #tpu.memory_space<vmem>>, vector<1x64x128xf32>,
    %slice3A_115 = vector.extract_strided_slice %transpose3A_107 {offsets = [64, 0], sizes = [64, 128], strides = [1, 1]} : vector<128x128xf32> to vector<64x128xf32>
    %swap3A_116 = arith.constant 13 : index
    %swap3A_117 = arith.constant 0 : index
    %swap3A_118 = arith.constant 0 : index
    %swap3A_119 = vector.load %arg3[%swap3A_116, %swap3A_117, %swap3A_118] : memref<200x64x128xf32, #tpu.memory_space<vmem>>, vector<1x64x128xf32>
    %swap3A_120 = vector.shape_cast %swap3A_119 : vector<1x64x128xf32> to vector<64x128xf32>
    %swap3A_121 = vector.shape_cast %slice3A_115 : vector<64x128xf32> to vector<1x64x128xf32>
    tpu.vector_store %arg3[%swap3A_116, %swap3A_117, %swap3A_118], %swap3A_121 {strides = array<i32>} : memref<200x64x128xf32, #tpu.memory_space<vmem>>, vector<1x64x128xf32>,
    %slice3A_122 = vector.extract_strided_slice %add3A_6 {offsets = [0, 7, 0], sizes = [128, 1, 128], strides = [1, 1, 1]} : vector<128x100x128xf32> to vector<128x1x128xf32>
    %squeeze3A_123 = vector.shape_cast %slice3A_122 : vector<128x1x128xf32> to vector<128x128xf32>
    %transpose3A_124 = tpu.transpose %squeeze3A_123, [1, 0] : vector<128x128xf32> -> vector<128x128xf32>
    %slice3A_125 = vector.extract_strided_slice %transpose3A_124 {offsets = [0, 0], sizes = [64, 128], strides = [1, 1]} : vector<128x128xf32> to vector<64x128xf32>
    %swap3A_126 = arith.constant 14 : index
    %swap3A_127 = arith.constant 0 : index
    %swap3A_128 = arith.constant 0 : index
    %swap3A_129 = vector.load %arg3[%swap3A_126, %swap3A_127, %swap3A_128] : memref<200x64x128xf32, #tpu.memory_space<vmem>>, vector<1x64x128xf32>
    %swap3A_130 = vector.shape_cast %swap3A_129 : vector<1x64x128xf32> to vector<64x128xf32>
    %swap3A_131 = vector.shape_cast %slice3A_125 : vector<64x128xf32> to vector<1x64x128xf32>
    tpu.vector_store %arg3[%swap3A_126, %swap3A_127, %swap3A_128], %swap3A_131 {strides = array<i32>} : memref<200x64x128xf32, #tpu.memory_space<vmem>>, vector<1x64x128xf32>,
    %slice3A_132 = vector.extract_strided_slice %transpose3A_124 {offsets = [64, 0], sizes = [64, 128], strides = [1, 1]} : vector<128x128xf32> to vector<64x128xf32>
    %swap3A_133 = arith.constant 15 : index
    %swap3A_134 = arith.constant 0 : index
    %swap3A_135 = arith.constant 0 : index
    %swap3A_136 = vector.load %arg3[%swap3A_133, %swap3A_134, %swap3A_135] : memref<200x64x128xf32, #tpu.memory_space<vmem>>, vector<1x64x128xf32>
    %swap3A_137 = vector.shape_cast %swap3A_136 : vector<1x64x128xf32> to vector<64x128xf32>
    %swap3A_138 = vector.shape_cast %slice3A_132 : vector<64x128xf32> to vector<1x64x128xf32>
    tpu.vector_store %arg3[%swap3A_133, %swap3A_134, %swap3A_135], %swap3A_138 {strides = array<i32>} : memref<200x64x128xf32, #tpu.memory_space<vmem>>, vector<1x64x128xf32>,
    %slice3A_139 = vector.extract_strided_slice %add3A_6 {offsets = [0, 8, 0], sizes = [128, 1, 128], strides = [1, 1, 1]} : vector<128x100x128xf32> to vector<128x1x128xf32>
    %squeeze3A_140 = vector.shape_cast %slice3A_139 : vector<128x1x128xf32> to vector<128x128xf32>
    %transpose3A_141 = tpu.transpose %squeeze3A_140, [1, 0] : vector<128x128xf32> -> vector<128x128xf32>
    %slice3A_142 = vector.extract_strided_slice %transpose3A_141 {offsets = [0, 0], sizes = [64, 128], strides = [1, 1]} : vector<128x128xf32> to vector<64x128xf32>
    %swap3A_143 = arith.constant 16 : index
    %swap3A_144 = arith.constant 0 : index
    %swap3A_145 = arith.constant 0 : index
    %swap3A_146 = vector.load %arg3[%swap3A_143, %swap3A_144, %swap3A_145] : memref<200x64x128xf32, #tpu.memory_space<vmem>>, vector<1x64x128xf32>
    %swap3A_147 = vector.shape_cast %swap3A_146 : vector<1x64x128xf32> to vector<64x128xf32>
    %swap3A_148 = vector.shape_cast %slice3A_142 : vector<64x128xf32> to vector<1x64x128xf32>
    tpu.vector_store %arg3[%swap3A_143, %swap3A_144, %swap3A_145], %swap3A_148 {strides = array<i32>} : memref<200x64x128xf32, #tpu.memory_space<vmem>>, vector<1x64x128xf32>,
    %slice3A_149 = vector.extract_strided_slice %transpose3A_141 {offsets = [64, 0], sizes = [64, 128], strides = [1, 1]} : vector<128x128xf32> to vector<64x128xf32>
    %swap3A_150 = arith.constant 17 : index
    %swap3A_151 = arith.constant 0 : index
    %swap3A_152 = arith.constant 0 : index
    %swap3A_153 = vector.load %arg3[%swap3A_150, %swap3A_151, %swap3A_152] : memref<200x64x128xf32, #tpu.memory_space<vmem>>, vector<1x64x128xf32>
    %swap3A_154 = vector.shape_cast %swap3A_153 : vector<1x64x128xf32> to vector<64x128xf32>
    %swap3A_155 = vector.shape_cast %slice3A_149 : vector<64x128xf32> to vector<1x64x128xf32>
    tpu.vector_store %arg3[%swap3A_150, %swap3A_151, %swap3A_152], %swap3A_155 {strides = array<i32>} : memref<200x64x128xf32, #tpu.memory_space<vmem>>, vector<1x64x128xf32>,
    %slice3A_156 = vector.extract_strided_slice %add3A_6 {offsets = [0, 9, 0], sizes = [128, 1, 128], strides = [1, 1, 1]} : vector<128x100x128xf32> to vector<128x1x128xf32>
    %squeeze3A_157 = vector.shape_cast %slice3A_156 : vector<128x1x128xf32> to vector<128x128xf32>
    %transpose3A_158 = tpu.transpose %squeeze3A_157, [1, 0] : vector<128x128xf32> -> vector<128x128xf32>
    %slice3A_159 = vector.extract_strided_slice %transpose3A_158 {offsets = [0, 0], sizes = [64, 128], strides = [1, 1]} : vector<128x128xf32> to vector<64x128xf32>
    %swap3A_160 = arith.constant 18 : index
    %swap3A_161 = arith.constant 0 : index
    %swap3A_162 = arith.constant 0 : index
    %swap3A_163 = vector.load %arg3[%swap3A_160, %swap3A_161, %swap3A_162] : memref<200x64x128xf32, #tpu.memory_space<vmem>>, vector<1x64x128xf32>
    %swap3A_164 = vector.shape_cast %swap3A_163 : vector<1x64x128xf32> to vector<64x128xf32>
    %swap3A_165 = vector.shape_cast %slice3A_159 : vector<64x128xf32> to vector<1x64x128xf32>
    tpu.vector_store %arg3[%swap3A_160, %swap3A_161, %swap3A_162], %swap3A_165 {strides = array<i32>} : memref<200x64x128xf32, #tpu.memory_space<vmem>>, vector<1x64x128xf32>,
    %slice3A_166 = vector.extract_strided_slice %transpose3A_158 {offsets = [64, 0], sizes = [64, 128], strides = [1, 1]} : vector<128x128xf32> to vector<64x128xf32>
    %swap3A_167 = arith.constant 19 : index
    %swap3A_168 = arith.constant 0 : index
    %swap3A_169 = arith.constant 0 : index
    %swap3A_170 = vector.load %arg3[%swap3A_167, %swap3A_168, %swap3A_169] : memref<200x64x128xf32, #tpu.memory_space<vmem>>, vector<1x64x128xf32>
    %swap3A_171 = vector.shape_cast %swap3A_170 : vector<1x64x128xf32> to vector<64x128xf32>
    %swap3A_172 = vector.shape_cast %slice3A_166 : vector<64x128xf32> to vector<1x64x128xf32>
    tpu.vector_store %arg3[%swap3A_167, %swap3A_168, %swap3A_169], %swap3A_172 {strides = array<i32>} : memref<200x64x128xf32, #tpu.memory_space<vmem>>, vector<1x64x128xf32>,
    %slice3A_173 = vector.extract_strided_slice %add3A_6 {offsets = [0, 10, 0], sizes = [128, 1, 128], strides = [1, 1, 1]} : vector<128x100x128xf32> to vector<128x1x128xf32>
    %squeeze3A_174 = vector.shape_cast %slice3A_173 : vector<128x1x128xf32> to vector<128x128xf32>
    %transpose3A_175 = tpu.transpose %squeeze3A_174, [1, 0] : vector<128x128xf32> -> vector<128x128xf32>
    %slice3A_176 = vector.extract_strided_slice %transpose3A_175 {offsets = [0, 0], sizes = [64, 128], strides = [1, 1]} : vector<128x128xf32> to vector<64x128xf32>
    %swap3A_177 = arith.constant 20 : index
    %swap3A_178 = arith.constant 0 : index
    %swap3A_179 = arith.constant 0 : index
    %swap3A_180 = vector.load %arg3[%swap3A_177, %swap3A_178, %swap3A_179] : memref<200x64x128xf32, #tpu.memory_space<vmem>>, vector<1x64x128xf32>
    %swap3A_181 = vector.shape_cast %swap3A_180 : vector<1x64x128xf32> to vector<64x128xf32>
    %swap3A_182 = vector.shape_cast %slice3A_176 : vector<64x128xf32> to vector<1x64x128xf32>
    tpu.vector_store %arg3[%swap3A_177, %swap3A_178, %swap3A_179], %swap3A_182 {strides = array<i32>} : memref<200x64x128xf32, #tpu.memory_space<vmem>>, vector<1x64x128xf32>,
    %slice3A_183 = vector.extract_strided_slice %transpose3A_175 {offsets = [64, 0], sizes = [64, 128], strides = [1, 1]} : vector<128x128xf32> to vector<64x128xf32>
    %swap3A_184 = arith.constant 21 : index
    %swap3A_185 = arith.constant 0 : index
    %swap3A_186 = arith.constant 0 : index
    %swap3A_187 = vector.load %arg3[%swap3A_184, %swap3A_185, %swap3A_186] : memref<200x64x128xf32, #tpu.memory_space<vmem>>, vector<1x64x128xf32>
    %swap3A_188 = vector.shape_cast %swap3A_187 : vector<1x64x128xf32> to vector<64x128xf32>
    %swap3A_189 = vector.shape_cast %slice3A_183 : vector<64x128xf32> to vector<1x64x128xf32>
    tpu.vector_store %arg3[%swap3A_184, %swap3A_185, %swap3A_186], %swap3A_189 {strides = array<i32>} : memref<200x64x128xf32, #tpu.memory_space<vmem>>, vector<1x64x128xf32>,
    %slice3A_190 = vector.extract_strided_slice %add3A_6 {offsets = [0, 11, 0], sizes = [128, 1, 128], strides = [1, 1, 1]} : vector<128x100x128xf32> to vector<128x1x128xf32>
    %squeeze3A_191 = vector.shape_cast %slice3A_190 : vector<128x1x128xf32> to vector<128x128xf32>
    %transpose3A_192 = tpu.transpose %squeeze3A_191, [1, 0] : vector<128x128xf32> -> vector<128x128xf32>
    %slice3A_193 = vector.extract_strided_slice %transpose3A_192 {offsets = [0, 0], sizes = [64, 128], strides = [1, 1]} : vector<128x128xf32> to vector<64x128xf32>
    %swap3A_194 = arith.constant 22 : index
    %swap3A_195 = arith.constant 0 : index
    %swap3A_196 = arith.constant 0 : index
    %swap3A_197 = vector.load %arg3[%swap3A_194, %swap3A_195, %swap3A_196] : memref<200x64x128xf32, #tpu.memory_space<vmem>>, vector<1x64x128xf32>
    %swap3A_198 = vector.shape_cast %swap3A_197 : vector<1x64x128xf32> to vector<64x128xf32>
    %swap3A_199 = vector.shape_cast %slice3A_193 : vector<64x128xf32> to vector<1x64x128xf32>
    tpu.vector_store %arg3[%swap3A_194, %swap3A_195, %swap3A_196], %swap3A_199 {strides = array<i32>} : memref<200x64x128xf32, #tpu.memory_space<vmem>>, vector<1x64x128xf32>,
    %slice3A_200 = vector.extract_strided_slice %transpose3A_192 {offsets = [64, 0], sizes = [64, 128], strides = [1, 1]} : vector<128x128xf32> to vector<64x128xf32>
    %swap3A_201 = arith.constant 23 : index
    %swap3A_202 = arith.constant 0 : index
    %swap3A_203 = arith.constant 0 : index
    %swap3A_204 = vector.load %arg3[%swap3A_201, %swap3A_202, %swap3A_203] : memref<200x64x128xf32, #tpu.memory_space<vmem>>, vector<1x64x128xf32>
    %swap3A_205 = vector.shape_cast %swap3A_204 : vector<1x64x128xf32> to vector<64x128xf32>
    %swap3A_206 = vector.shape_cast %slice3A_200 : vector<64x128xf32> to vector<1x64x128xf32>
    tpu.vector_store %arg3[%swap3A_201, %swap3A_202, %swap3A_203], %swap3A_206 {strides = array<i32>} : memref<200x64x128xf32, #tpu.memory_space<vmem>>, vector<1x64x128xf32>,
    %slice3A_207 = vector.extract_strided_slice %add3A_6 {offsets = [0, 12, 0], sizes = [128, 1, 128], strides = [1, 1, 1]} : vector<128x100x128xf32> to vector<128x1x128xf32>
    %squeeze3A_208 = vector.shape_cast %slice3A_207 : vector<128x1x128xf32> to vector<128x128xf32>
    %transpose3A_209 = tpu.transpose %squeeze3A_208, [1, 0] : vector<128x128xf32> -> vector<128x128xf32>
    %slice3A_210 = vector.extract_strided_slice %transpose3A_209 {offsets = [0, 0], sizes = [64, 128], strides = [1, 1]} : vector<128x128xf32> to vector<64x128xf32>
    %swap3A_211 = arith.constant 24 : index
    %swap3A_212 = arith.constant 0 : index
    %swap3A_213 = arith.constant 0 : index
    %swap3A_214 = vector.load %arg3[%swap3A_211, %swap3A_212, %swap3A_213] : memref<200x64x128xf32, #tpu.memory_space<vmem>>, vector<1x64x128xf32>
    %swap3A_215 = vector.shape_cast %swap3A_214 : vector<1x64x128xf32> to vector<64x128xf32>
    %swap3A_216 = vector.shape_cast %slice3A_210 : vector<64x128xf32> to vector<1x64x128xf32>
    tpu.vector_store %arg3[%swap3A_211, %swap3A_212, %swap3A_213], %swap3A_216 {strides = array<i32>} : memref<200x64x128xf32, #tpu.memory_space<vmem>>, vector<1x64x128xf32>,
    %slice3A_217 = vector.extract_strided_slice %transpose3A_209 {offsets = [64, 0], sizes = [64, 128], strides = [1, 1]} : vector<128x128xf32> to vector<64x128xf32>
    %swap3A_218 = arith.constant 25 : index
    %swap3A_219 = arith.constant 0 : index
    %swap3A_220 = arith.constant 0 : index
    %swap3A_221 = vector.load %arg3[%swap3A_218, %swap3A_219, %swap3A_220] : memref<200x64x128xf32, #tpu.memory_space<vmem>>, vector<1x64x128xf32>
    %swap3A_222 = vector.shape_cast %swap3A_221 : vector<1x64x128xf32> to vector<64x128xf32>
    %swap3A_223 = vector.shape_cast %slice3A_217 : vector<64x128xf32> to vector<1x64x128xf32>
    tpu.vector_store %arg3[%swap3A_218, %swap3A_219, %swap3A_220], %swap3A_223 {strides = array<i32>} : memref<200x64x128xf32, #tpu.memory_space<vmem>>, vector<1x64x128xf32>,
    %slice3A_224 = vector.extract_strided_slice %add3A_6 {offsets = [0, 13, 0], sizes = [128, 1, 128], strides = [1, 1, 1]} : vector<128x100x128xf32> to vector<128x1x128xf32>
    %squeeze3A_225 = vector.shape_cast %slice3A_224 : vector<128x1x128xf32> to vector<128x128xf32>
    %transpose3A_226 = tpu.transpose %squeeze3A_225, [1, 0] : vector<128x128xf32> -> vector<128x128xf32>
    %slice3A_227 = vector.extract_strided_slice %transpose3A_226 {offsets = [0, 0], sizes = [64, 128], strides = [1, 1]} : vector<128x128xf32> to vector<64x128xf32>
    %swap3A_228 = arith.constant 26 : index
    %swap3A_229 = arith.constant 0 : index
    %swap3A_230 = arith.constant 0 : index
    %swap3A_231 = vector.load %arg3[%swap3A_228, %swap3A_229, %swap3A_230] : memref<200x64x128xf32, #tpu.memory_space<vmem>>, vector<1x64x128xf32>
    %swap3A_232 = vector.shape_cast %swap3A_231 : vector<1x64x128xf32> to vector<64x128xf32>
    %swap3A_233 = vector.shape_cast %slice3A_227 : vector<64x128xf32> to vector<1x64x128xf32>
    tpu.vector_store %arg3[%swap3A_228, %swap3A_229, %swap3A_230], %swap3A_233 {strides = array<i32>} : memref<200x64x128xf32, #tpu.memory_space<vmem>>, vector<1x64x128xf32>,
    %slice3A_234 = vector.extract_strided_slice %transpose3A_226 {offsets = [64, 0], sizes = [64, 128], strides = [1, 1]} : vector<128x128xf32> to vector<64x128xf32>
    %swap3A_235 = arith.constant 27 : index
    %swap3A_236 = arith.constant 0 : index
    %swap3A_237 = arith.constant 0 : index
    %swap3A_238 = vector.load %arg3[%swap3A_235, %swap3A_236, %swap3A_237] : memref<200x64x128xf32, #tpu.memory_space<vmem>>, vector<1x64x128xf32>
    %swap3A_239 = vector.shape_cast %swap3A_238 : vector<1x64x128xf32> to vector<64x128xf32>
    %swap3A_240 = vector.shape_cast %slice3A_234 : vector<64x128xf32> to vector<1x64x128xf32>
    tpu.vector_store %arg3[%swap3A_235, %swap3A_236, %swap3A_237], %swap3A_240 {strides = array<i32>} : memref<200x64x128xf32, #tpu.memory_space<vmem>>, vector<1x64x128xf32>,
    %slice3A_241 = vector.extract_strided_slice %add3A_6 {offsets = [0, 14, 0], sizes = [128, 1, 128], strides = [1, 1, 1]} : vector<128x100x128xf32> to vector<128x1x128xf32>
    %squeeze3A_242 = vector.shape_cast %slice3A_241 : vector<128x1x128xf32> to vector<128x128xf32>
    %transpose3A_243 = tpu.transpose %squeeze3A_242, [1, 0] : vector<128x128xf32> -> vector<128x128xf32>
    %slice3A_244 = vector.extract_strided_slice %transpose3A_243 {offsets = [0, 0], sizes = [64, 128], strides = [1, 1]} : vector<128x128xf32> to vector<64x128xf32>
    %swap3A_245 = arith.constant 28 : index
    %swap3A_246 = arith.constant 0 : index
    %swap3A_247 = arith.constant 0 : index
    %swap3A_248 = vector.load %arg3[%swap3A_245, %swap3A_246, %swap3A_247] : memref<200x64x128xf32, #tpu.memory_space<vmem>>, vector<1x64x128xf32>
    %swap3A_249 = vector.shape_cast %swap3A_248 : vector<1x64x128xf32> to vector<64x128xf32>
    %swap3A_250 = vector.shape_cast %slice3A_244 : vector<64x128xf32> to vector<1x64x128xf32>
    tpu.vector_store %arg3[%swap3A_245, %swap3A_246, %swap3A_247], %swap3A_250 {strides = array<i32>} : memref<200x64x128xf32, #tpu.memory_space<vmem>>, vector<1x64x128xf32>,
    %slice3A_251 = vector.extract_strided_slice %transpose3A_243 {offsets = [64, 0], sizes = [64, 128], strides = [1, 1]} : vector<128x128xf32> to vector<64x128xf32>
    %swap3A_252 = arith.constant 29 : index
    %swap3A_253 = arith.constant 0 : index
    %swap3A_254 = arith.constant 0 : index
    %swap3A_255 = vector.load %arg3[%swap3A_252, %swap3A_253, %swap3A_254] : memref<200x64x128xf32, #tpu.memory_space<vmem>>, vector<1x64x128xf32>
    %swap3A_256 = vector.shape_cast %swap3A_255 : vector<1x64x128xf32> to vector<64x128xf32>
    %swap3A_257 = vector.shape_cast %slice3A_251 : vector<64x128xf32> to vector<1x64x128xf32>
    tpu.vector_store %arg3[%swap3A_252, %swap3A_253, %swap3A_254], %swap3A_257 {strides = array<i32>} : memref<200x64x128xf32, #tpu.memory_space<vmem>>, vector<1x64x128xf32>,
    %slice3A_258 = vector.extract_strided_slice %add3A_6 {offsets = [0, 15, 0], sizes = [128, 1, 128], strides = [1, 1, 1]} : vector<128x100x128xf32> to vector<128x1x128xf32>
    %squeeze3A_259 = vector.shape_cast %slice3A_258 : vector<128x1x128xf32> to vector<128x128xf32>
    %transpose3A_260 = tpu.transpose %squeeze3A_259, [1, 0] : vector<128x128xf32> -> vector<128x128xf32>
    %slice3A_261 = vector.extract_strided_slice %transpose3A_260 {offsets = [0, 0], sizes = [64, 128], strides = [1, 1]} : vector<128x128xf32> to vector<64x128xf32>
    %swap3A_262 = arith.constant 30 : index
    %swap3A_263 = arith.constant 0 : index
    %swap3A_264 = arith.constant 0 : index
    %swap3A_265 = vector.load %arg3[%swap3A_262, %swap3A_263, %swap3A_264] : memref<200x64x128xf32, #tpu.memory_space<vmem>>, vector<1x64x128xf32>
    %swap3A_266 = vector.shape_cast %swap3A_265 : vector<1x64x128xf32> to vector<64x128xf32>
    %swap3A_267 = vector.shape_cast %slice3A_261 : vector<64x128xf32> to vector<1x64x128xf32>
    tpu.vector_store %arg3[%swap3A_262, %swap3A_263, %swap3A_264], %swap3A_267 {strides = array<i32>} : memref<200x64x128xf32, #tpu.memory_space<vmem>>, vector<1x64x128xf32>,
    %slice3A_268 = vector.extract_strided_slice %transpose3A_260 {offsets = [64, 0], sizes = [64, 128], strides = [1, 1]} : vector<128x128xf32> to vector<64x128xf32>
    %swap3A_269 = arith.constant 31 : index
    %swap3A_270 = arith.constant 0 : index
    %swap3A_271 = arith.constant 0 : index
    %swap3A_272 = vector.load %arg3[%swap3A_269, %swap3A_270, %swap3A_271] : memref<200x64x128xf32, #tpu.memory_space<vmem>>, vector<1x64x128xf32>
    %swap3A_273 = vector.shape_cast %swap3A_272 : vector<1x64x128xf32> to vector<64x128xf32>
    %swap3A_274 = vector.shape_cast %slice3A_268 : vector<64x128xf32> to vector<1x64x128xf32>
    tpu.vector_store %arg3[%swap3A_269, %swap3A_270, %swap3A_271], %swap3A_274 {strides = array<i32>} : memref<200x64x128xf32, #tpu.memory_space<vmem>>, vector<1x64x128xf32>,
    %slice3A_275 = vector.extract_strided_slice %add3A_6 {offsets = [0, 16, 0], sizes = [128, 1, 128], strides = [1, 1, 1]} : vector<128x100x128xf32> to vector<128x1x128xf32>
    %squeeze3A_276 = vector.shape_cast %slice3A_275 : vector<128x1x128xf32> to vector<128x128xf32>
    %transpose3A_277 = tpu.transpose %squeeze3A_276, [1, 0] : vector<128x128xf32> -> vector<128x128xf32>
    %slice3A_278 = vector.extract_strided_slice %transpose3A_277 {offsets = [0, 0], sizes = [64, 128], strides = [1, 1]} : vector<128x128xf32> to vector<64x128xf32>
    %swap3A_279 = arith.constant 32 : index
    %swap3A_280 = arith.constant 0 : index
    %swap3A_281 = arith.constant 0 : index
    %swap3A_282 = vector.load %arg3[%swap3A_279, %swap3A_280, %swap3A_281] : memref<200x64x128xf32, #tpu.memory_space<vmem>>, vector<1x64x128xf32>
    %swap3A_283 = vector.shape_cast %swap3A_282 : vector<1x64x128xf32> to vector<64x128xf32>
    %swap3A_284 = vector.shape_cast %slice3A_278 : vector<64x128xf32> to vector<1x64x128xf32>
    tpu.vector_store %arg3[%swap3A_279, %swap3A_280, %swap3A_281], %swap3A_284 {strides = array<i32>} : memref<200x64x128xf32, #tpu.memory_space<vmem>>, vector<1x64x128xf32>,
    %slice3A_285 = vector.extract_strided_slice %transpose3A_277 {offsets = [64, 0], sizes = [64, 128], strides = [1, 1]} : vector<128x128xf32> to vector<64x128xf32>
    %swap3A_286 = arith.constant 33 : index
    %swap3A_287 = arith.constant 0 : index
    %swap3A_288 = arith.constant 0 : index
    %swap3A_289 = vector.load %arg3[%swap3A_286, %swap3A_287, %swap3A_288] : memref<200x64x128xf32, #tpu.memory_space<vmem>>, vector<1x64x128xf32>
    %swap3A_290 = vector.shape_cast %swap3A_289 : vector<1x64x128xf32> to vector<64x128xf32>
    %swap3A_291 = vector.shape_cast %slice3A_285 : vector<64x128xf32> to vector<1x64x128xf32>
    tpu.vector_store %arg3[%swap3A_286, %swap3A_287, %swap3A_288], %swap3A_291 {strides = array<i32>} : memref<200x64x128xf32, #tpu.memory_space<vmem>>, vector<1x64x128xf32>,
    %slice3A_292 = vector.extract_strided_slice %add3A_6 {offsets = [0, 17, 0], sizes = [128, 1, 128], strides = [1, 1, 1]} : vector<128x100x128xf32> to vector<128x1x128xf32>
    %squeeze3A_293 = vector.shape_cast %slice3A_292 : vector<128x1x128xf32> to vector<128x128xf32>
    %transpose3A_294 = tpu.transpose %squeeze3A_293, [1, 0] : vector<128x128xf32> -> vector<128x128xf32>
    %slice3A_295 = vector.extract_strided_slice %transpose3A_294 {offsets = [0, 0], sizes = [64, 128], strides = [1, 1]} : vector<128x128xf32> to vector<64x128xf32>
    %swap3A_296 = arith.constant 34 : index
    %swap3A_297 = arith.constant 0 : index
    %swap3A_298 = arith.constant 0 : index
    %swap3A_299 = vector.load %arg3[%swap3A_296, %swap3A_297, %swap3A_298] : memref<200x64x128xf32, #tpu.memory_space<vmem>>, vector<1x64x128xf32>
    %swap3A_300 = vector.shape_cast %swap3A_299 : vector<1x64x128xf32> to vector<64x128xf32>
    %swap3A_301 = vector.shape_cast %slice3A_295 : vector<64x128xf32> to vector<1x64x128xf32>
    tpu.vector_store %arg3[%swap3A_296, %swap3A_297, %swap3A_298], %swap3A_301 {strides = array<i32>} : memref<200x64x128xf32, #tpu.memory_space<vmem>>, vector<1x64x128xf32>,
    %slice3A_302 = vector.extract_strided_slice %transpose3A_294 {offsets = [64, 0], sizes = [64, 128], strides = [1, 1]} : vector<128x128xf32> to vector<64x128xf32>
    %swap3A_303 = arith.constant 35 : index
    %swap3A_304 = arith.constant 0 : index
    %swap3A_305 = arith.constant 0 : index
    %swap3A_306 = vector.load %arg3[%swap3A_303, %swap3A_304, %swap3A_305] : memref<200x64x128xf32, #tpu.memory_space<vmem>>, vector<1x64x128xf32>
    %swap3A_307 = vector.shape_cast %swap3A_306 : vector<1x64x128xf32> to vector<64x128xf32>
    %swap3A_308 = vector.shape_cast %slice3A_302 : vector<64x128xf32> to vector<1x64x128xf32>
    tpu.vector_store %arg3[%swap3A_303, %swap3A_304, %swap3A_305], %swap3A_308 {strides = array<i32>} : memref<200x64x128xf32, #tpu.memory_space<vmem>>, vector<1x64x128xf32>,
    %slice3A_309 = vector.extract_strided_slice %add3A_6 {offsets = [0, 18, 0], sizes = [128, 1, 128], strides = [1, 1, 1]} : vector<128x100x128xf32> to vector<128x1x128xf32>
    %squeeze3A_310 = vector.shape_cast %slice3A_309 : vector<128x1x128xf32> to vector<128x128xf32>
    %transpose3A_311 = tpu.transpose %squeeze3A_310, [1, 0] : vector<128x128xf32> -> vector<128x128xf32>
    %slice3A_312 = vector.extract_strided_slice %transpose3A_311 {offsets = [0, 0], sizes = [64, 128], strides = [1, 1]} : vector<128x128xf32> to vector<64x128xf32>
    %swap3A_313 = arith.constant 36 : index
    %swap3A_314 = arith.constant 0 : index
    %swap3A_315 = arith.constant 0 : index
    %swap3A_316 = vector.load %arg3[%swap3A_313, %swap3A_314, %swap3A_315] : memref<200x64x128xf32, #tpu.memory_space<vmem>>, vector<1x64x128xf32>
    %swap3A_317 = vector.shape_cast %swap3A_316 : vector<1x64x128xf32> to vector<64x128xf32>
    %swap3A_318 = vector.shape_cast %slice3A_312 : vector<64x128xf32> to vector<1x64x128xf32>
    tpu.vector_store %arg3[%swap3A_313, %swap3A_314, %swap3A_315], %swap3A_318 {strides = array<i32>} : memref<200x64x128xf32, #tpu.memory_space<vmem>>, vector<1x64x128xf32>,
    %slice3A_319 = vector.extract_strided_slice %transpose3A_311 {offsets = [64, 0], sizes = [64, 128], strides = [1, 1]} : vector<128x128xf32> to vector<64x128xf32>
    %swap3A_320 = arith.constant 37 : index
    %swap3A_321 = arith.constant 0 : index
    %swap3A_322 = arith.constant 0 : index
    %swap3A_323 = vector.load %arg3[%swap3A_320, %swap3A_321, %swap3A_322] : memref<200x64x128xf32, #tpu.memory_space<vmem>>, vector<1x64x128xf32>
    %swap3A_324 = vector.shape_cast %swap3A_323 : vector<1x64x128xf32> to vector<64x128xf32>
    %swap3A_325 = vector.shape_cast %slice3A_319 : vector<64x128xf32> to vector<1x64x128xf32>
    tpu.vector_store %arg3[%swap3A_320, %swap3A_321, %swap3A_322], %swap3A_325 {strides = array<i32>} : memref<200x64x128xf32, #tpu.memory_space<vmem>>, vector<1x64x128xf32>,
    %slice3A_326 = vector.extract_strided_slice %add3A_6 {offsets = [0, 19, 0], sizes = [128, 1, 128], strides = [1, 1, 1]} : vector<128x100x128xf32> to vector<128x1x128xf32>
    %squeeze3A_327 = vector.shape_cast %slice3A_326 : vector<128x1x128xf32> to vector<128x128xf32>
    %transpose3A_328 = tpu.transpose %squeeze3A_327, [1, 0] : vector<128x128xf32> -> vector<128x128xf32>
    %slice3A_329 = vector.extract_strided_slice %transpose3A_328 {offsets = [0, 0], sizes = [64, 128], strides = [1, 1]} : vector<128x128xf32> to vector<64x128xf32>
    %swap3A_330 = arith.constant 38 : index
    %swap3A_331 = arith.constant 0 : index
    %swap3A_332 = arith.constant 0 : index
    %swap3A_333 = vector.load %arg3[%swap3A_330, %swap3A_331, %swap3A_332] : memref<200x64x128xf32, #tpu.memory_space<vmem>>, vector<1x64x128xf32>
    %swap3A_334 = vector.shape_cast %swap3A_333 : vector<1x64x128xf32> to vector<64x128xf32>
    %swap3A_335 = vector.shape_cast %slice3A_329 : vector<64x128xf32> to vector<1x64x128xf32>
    tpu.vector_store %arg3[%swap3A_330, %swap3A_331, %swap3A_332], %swap3A_335 {strides = array<i32>} : memref<200x64x128xf32, #tpu.memory_space<vmem>>, vector<1x64x128xf32>,
    %slice3A_336 = vector.extract_strided_slice %transpose3A_328 {offsets = [64, 0], sizes = [64, 128], strides = [1, 1]} : vector<128x128xf32> to vector<64x128xf32>
    %swap3A_337 = arith.constant 39 : index
    %swap3A_338 = arith.constant 0 : index
    %swap3A_339 = arith.constant 0 : index
    %swap3A_340 = vector.load %arg3[%swap3A_337, %swap3A_338, %swap3A_339] : memref<200x64x128xf32, #tpu.memory_space<vmem>>, vector<1x64x128xf32>
    %swap3A_341 = vector.shape_cast %swap3A_340 : vector<1x64x128xf32> to vector<64x128xf32>
    %swap3A_342 = vector.shape_cast %slice3A_336 : vector<64x128xf32> to vector<1x64x128xf32>
    tpu.vector_store %arg3[%swap3A_337, %swap3A_338, %swap3A_339], %swap3A_342 {strides = array<i32>} : memref<200x64x128xf32, #tpu.memory_space<vmem>>, vector<1x64x128xf32>,
    %slice3A_343 = vector.extract_strided_slice %add3A_6 {offsets = [0, 20, 0], sizes = [128, 1, 128], strides = [1, 1, 1]} : vector<128x100x128xf32> to vector<128x1x128xf32>
    %squeeze3A_344 = vector.shape_cast %slice3A_343 : vector<128x1x128xf32> to vector<128x128xf32>
    %transpose3A_345 = tpu.transpose %squeeze3A_344, [1, 0] : vector<128x128xf32> -> vector<128x128xf32>
    %slice3A_346 = vector.extract_strided_slice %transpose3A_345 {offsets = [0, 0], sizes = [64, 128], strides = [1, 1]} : vector<128x128xf32> to vector<64x128xf32>
    %swap3A_347 = arith.constant 40 : index
    %swap3A_348 = arith.constant 0 : index
    %swap3A_349 = arith.constant 0 : index
    %swap3A_350 = vector.load %arg3[%swap3A_347, %swap3A_348, %swap3A_349] : memref<200x64x128xf32, #tpu.memory_space<vmem>>, vector<1x64x128xf32>
    %swap3A_351 = vector.shape_cast %swap3A_350 : vector<1x64x128xf32> to vector<64x128xf32>
    %swap3A_352 = vector.shape_cast %slice3A_346 : vector<64x128xf32> to vector<1x64x128xf32>
    tpu.vector_store %arg3[%swap3A_347, %swap3A_348, %swap3A_349], %swap3A_352 {strides = array<i32>} : memref<200x64x128xf32, #tpu.memory_space<vmem>>, vector<1x64x128xf32>,
    %slice3A_353 = vector.extract_strided_slice %transpose3A_345 {offsets = [64, 0], sizes = [64, 128], strides = [1, 1]} : vector<128x128xf32> to vector<64x128xf32>
    %swap3A_354 = arith.constant 41 : index
    %swap3A_355 = arith.constant 0 : index
    %swap3A_356 = arith.constant 0 : index
    %swap3A_357 = vector.load %arg3[%swap3A_354, %swap3A_355, %swap3A_356] : memref<200x64x128xf32, #tpu.memory_space<vmem>>, vector<1x64x128xf32>
    %swap3A_358 = vector.shape_cast %swap3A_357 : vector<1x64x128xf32> to vector<64x128xf32>
    %swap3A_359 = vector.shape_cast %slice3A_353 : vector<64x128xf32> to vector<1x64x128xf32>
    tpu.vector_store %arg3[%swap3A_354, %swap3A_355, %swap3A_356], %swap3A_359 {strides = array<i32>} : memref<200x64x128xf32, #tpu.memory_space<vmem>>, vector<1x64x128xf32>,
    %slice3A_360 = vector.extract_strided_slice %add3A_6 {offsets = [0, 21, 0], sizes = [128, 1, 128], strides = [1, 1, 1]} : vector<128x100x128xf32> to vector<128x1x128xf32>
    %squeeze3A_361 = vector.shape_cast %slice3A_360 : vector<128x1x128xf32> to vector<128x128xf32>
    %transpose3A_362 = tpu.transpose %squeeze3A_361, [1, 0] : vector<128x128xf32> -> vector<128x128xf32>
    %slice3A_363 = vector.extract_strided_slice %transpose3A_362 {offsets = [0, 0], sizes = [64, 128], strides = [1, 1]} : vector<128x128xf32> to vector<64x128xf32>
    %swap3A_364 = arith.constant 42 : index
    %swap3A_365 = arith.constant 0 : index
    %swap3A_366 = arith.constant 0 : index
    %swap3A_367 = vector.load %arg3[%swap3A_364, %swap3A_365, %swap3A_366] : memref<200x64x128xf32, #tpu.memory_space<vmem>>, vector<1x64x128xf32>
    %swap3A_368 = vector.shape_cast %swap3A_367 : vector<1x64x128xf32> to vector<64x128xf32>
    %swap3A_369 = vector.shape_cast %slice3A_363 : vector<64x128xf32> to vector<1x64x128xf32>
    tpu.vector_store %arg3[%swap3A_364, %swap3A_365, %swap3A_366], %swap3A_369 {strides = array<i32>} : memref<200x64x128xf32, #tpu.memory_space<vmem>>, vector<1x64x128xf32>,
    %slice3A_370 = vector.extract_strided_slice %transpose3A_362 {offsets = [64, 0], sizes = [64, 128], strides = [1, 1]} : vector<128x128xf32> to vector<64x128xf32>
    %swap3A_371 = arith.constant 43 : index
    %swap3A_372 = arith.constant 0 : index
    %swap3A_373 = arith.constant 0 : index
    %swap3A_374 = vector.load %arg3[%swap3A_371, %swap3A_372, %swap3A_373] : memref<200x64x128xf32, #tpu.memory_space<vmem>>, vector<1x64x128xf32>
    %swap3A_375 = vector.shape_cast %swap3A_374 : vector<1x64x128xf32> to vector<64x128xf32>
    %swap3A_376 = vector.shape_cast %slice3A_370 : vector<64x128xf32> to vector<1x64x128xf32>
    tpu.vector_store %arg3[%swap3A_371, %swap3A_372, %swap3A_373], %swap3A_376 {strides = array<i32>} : memref<200x64x128xf32, #tpu.memory_space<vmem>>, vector<1x64x128xf32>,
    %slice3A_377 = vector.extract_strided_slice %add3A_6 {offsets = [0, 22, 0], sizes = [128, 1, 128], strides = [1, 1, 1]} : vector<128x100x128xf32> to vector<128x1x128xf32>
    %squeeze3A_378 = vector.shape_cast %slice3A_377 : vector<128x1x128xf32> to vector<128x128xf32>
    %transpose3A_379 = tpu.transpose %squeeze3A_378, [1, 0] : vector<128x128xf32> -> vector<128x128xf32>
    %slice3A_380 = vector.extract_strided_slice %transpose3A_379 {offsets = [0, 0], sizes = [64, 128], strides = [1, 1]} : vector<128x128xf32> to vector<64x128xf32>
    %swap3A_381 = arith.constant 44 : index
    %swap3A_382 = arith.constant 0 : index
    %swap3A_383 = arith.constant 0 : index
    %swap3A_384 = vector.load %arg3[%swap3A_381, %swap3A_382, %swap3A_383] : memref<200x64x128xf32, #tpu.memory_space<vmem>>, vector<1x64x128xf32>
    %swap3A_385 = vector.shape_cast %swap3A_384 : vector<1x64x128xf32> to vector<64x128xf32>
    %swap3A_386 = vector.shape_cast %slice3A_380 : vector<64x128xf32> to vector<1x64x128xf32>
    tpu.vector_store %arg3[%swap3A_381, %swap3A_382, %swap3A_383], %swap3A_386 {strides = array<i32>} : memref<200x64x128xf32, #tpu.memory_space<vmem>>, vector<1x64x128xf32>,
    %slice3A_387 = vector.extract_strided_slice %transpose3A_379 {offsets = [64, 0], sizes = [64, 128], strides = [1, 1]} : vector<128x128xf32> to vector<64x128xf32>
    %swap3A_388 = arith.constant 45 : index
    %swap3A_389 = arith.constant 0 : index
    %swap3A_390 = arith.constant 0 : index
    %swap3A_391 = vector.load %arg3[%swap3A_388, %swap3A_389, %swap3A_390] : memref<200x64x128xf32, #tpu.memory_space<vmem>>, vector<1x64x128xf32>
    %swap3A_392 = vector.shape_cast %swap3A_391 : vector<1x64x128xf32> to vector<64x128xf32>
    %swap3A_393 = vector.shape_cast %slice3A_387 : vector<64x128xf32> to vector<1x64x128xf32>
    tpu.vector_store %arg3[%swap3A_388, %swap3A_389, %swap3A_390], %swap3A_393 {strides = array<i32>} : memref<200x64x128xf32, #tpu.memory_space<vmem>>, vector<1x64x128xf32>,
    %slice3A_394 = vector.extract_strided_slice %add3A_6 {offsets = [0, 23, 0], sizes = [128, 1, 128], strides = [1, 1, 1]} : vector<128x100x128xf32> to vector<128x1x128xf32>
    %squeeze3A_395 = vector.shape_cast %slice3A_394 : vector<128x1x128xf32> to vector<128x128xf32>
    %transpose3A_396 = tpu.transpose %squeeze3A_395, [1, 0] : vector<128x128xf32> -> vector<128x128xf32>
    %slice3A_397 = vector.extract_strided_slice %transpose3A_396 {offsets = [0, 0], sizes = [64, 128], strides = [1, 1]} : vector<128x128xf32> to vector<64x128xf32>
    %swap3A_398 = arith.constant 46 : index
    %swap3A_399 = arith.constant 0 : index
    %swap3A_400 = arith.constant 0 : index
    %swap3A_401 = vector.load %arg3[%swap3A_398, %swap3A_399, %swap3A_400] : memref<200x64x128xf32, #tpu.memory_space<vmem>>, vector<1x64x128xf32>
    %swap3A_402 = vector.shape_cast %swap3A_401 : vector<1x64x128xf32> to vector<64x128xf32>
    %swap3A_403 = vector.shape_cast %slice3A_397 : vector<64x128xf32> to vector<1x64x128xf32>
    tpu.vector_store %arg3[%swap3A_398, %swap3A_399, %swap3A_400], %swap3A_403 {strides = array<i32>} : memref<200x64x128xf32, #tpu.memory_space<vmem>>, vector<1x64x128xf32>,
    %slice3A_404 = vector.extract_strided_slice %transpose3A_396 {offsets = [64, 0], sizes = [64, 128], strides = [1, 1]} : vector<128x128xf32> to vector<64x128xf32>
    %swap3A_405 = arith.constant 47 : index
    %swap3A_406 = arith.constant 0 : index
    %swap3A_407 = arith.constant 0 : index
    %swap3A_408 = vector.load %arg3[%swap3A_405, %swap3A_406, %swap3A_407] : memref<200x64x128xf32, #tpu.memory_space<vmem>>, vector<1x64x128xf32>
    %swap3A_409 = vector.shape_cast %swap3A_408 : vector<1x64x128xf32> to vector<64x128xf32>
    %swap3A_410 = vector.shape_cast %slice3A_404 : vector<64x128xf32> to vector<1x64x128xf32>
    tpu.vector_store %arg3[%swap3A_405, %swap3A_406, %swap3A_407], %swap3A_410 {strides = array<i32>} : memref<200x64x128xf32, #tpu.memory_space<vmem>>, vector<1x64x128xf32>,
    %slice3A_411 = vector.extract_strided_slice %add3A_6 {offsets = [0, 24, 0], sizes = [128, 1, 128], strides = [1, 1, 1]} : vector<128x100x128xf32> to vector<128x1x128xf32>
    %squeeze3A_412 = vector.shape_cast %slice3A_411 : vector<128x1x128xf32> to vector<128x128xf32>
    %transpose3A_413 = tpu.transpose %squeeze3A_412, [1, 0] : vector<128x128xf32> -> vector<128x128xf32>
    %slice3A_414 = vector.extract_strided_slice %transpose3A_413 {offsets = [0, 0], sizes = [64, 128], strides = [1, 1]} : vector<128x128xf32> to vector<64x128xf32>
    %swap3A_415 = arith.constant 48 : index
    %swap3A_416 = arith.constant 0 : index
    %swap3A_417 = arith.constant 0 : index
    %swap3A_418 = vector.load %arg3[%swap3A_415, %swap3A_416, %swap3A_417] : memref<200x64x128xf32, #tpu.memory_space<vmem>>, vector<1x64x128xf32>
    %swap3A_419 = vector.shape_cast %swap3A_418 : vector<1x64x128xf32> to vector<64x128xf32>
    %swap3A_420 = vector.shape_cast %slice3A_414 : vector<64x128xf32> to vector<1x64x128xf32>
    tpu.vector_store %arg3[%swap3A_415, %swap3A_416, %swap3A_417], %swap3A_420 {strides = array<i32>} : memref<200x64x128xf32, #tpu.memory_space<vmem>>, vector<1x64x128xf32>,
    %slice3A_421 = vector.extract_strided_slice %transpose3A_413 {offsets = [64, 0], sizes = [64, 128], strides = [1, 1]} : vector<128x128xf32> to vector<64x128xf32>
    %swap3A_422 = arith.constant 49 : index
    %swap3A_423 = arith.constant 0 : index
    %swap3A_424 = arith.constant 0 : index
    %swap3A_425 = vector.load %arg3[%swap3A_422, %swap3A_423, %swap3A_424] : memref<200x64x128xf32, #tpu.memory_space<vmem>>, vector<1x64x128xf32>
    %swap3A_426 = vector.shape_cast %swap3A_425 : vector<1x64x128xf32> to vector<64x128xf32>
    %swap3A_427 = vector.shape_cast %slice3A_421 : vector<64x128xf32> to vector<1x64x128xf32>
    tpu.vector_store %arg3[%swap3A_422, %swap3A_423, %swap3A_424], %swap3A_427 {strides = array<i32>} : memref<200x64x128xf32, #tpu.memory_space<vmem>>, vector<1x64x128xf32>,
    %slice3A_428 = vector.extract_strided_slice %add3A_6 {offsets = [0, 25, 0], sizes = [128, 1, 128], strides = [1, 1, 1]} : vector<128x100x128xf32> to vector<128x1x128xf32>
    %squeeze3A_429 = vector.shape_cast %slice3A_428 : vector<128x1x128xf32> to vector<128x128xf32>
    %transpose3A_430 = tpu.transpose %squeeze3A_429, [1, 0] : vector<128x128xf32> -> vector<128x128xf32>
    %slice3A_431 = vector.extract_strided_slice %transpose3A_430 {offsets = [0, 0], sizes = [64, 128], strides = [1, 1]} : vector<128x128xf32> to vector<64x128xf32>
    %swap3A_432 = arith.constant 50 : index
    %swap3A_433 = arith.constant 0 : index
    %swap3A_434 = arith.constant 0 : index
    %swap3A_435 = vector.load %arg3[%swap3A_432, %swap3A_433, %swap3A_434] : memref<200x64x128xf32, #tpu.memory_space<vmem>>, vector<1x64x128xf32>
    %swap3A_436 = vector.shape_cast %swap3A_435 : vector<1x64x128xf32> to vector<64x128xf32>
    %swap3A_437 = vector.shape_cast %slice3A_431 : vector<64x128xf32> to vector<1x64x128xf32>
    tpu.vector_store %arg3[%swap3A_432, %swap3A_433, %swap3A_434], %swap3A_437 {strides = array<i32>} : memref<200x64x128xf32, #tpu.memory_space<vmem>>, vector<1x64x128xf32>,
    %slice3A_438 = vector.extract_strided_slice %transpose3A_430 {offsets = [64, 0], sizes = [64, 128], strides = [1, 1]} : vector<128x128xf32> to vector<64x128xf32>
    %swap3A_439 = arith.constant 51 : index
    %swap3A_440 = arith.constant 0 : index
    %swap3A_441 = arith.constant 0 : index
    %swap3A_442 = vector.load %arg3[%swap3A_439, %swap3A_440, %swap3A_441] : memref<200x64x128xf32, #tpu.memory_space<vmem>>, vector<1x64x128xf32>
    %swap3A_443 = vector.shape_cast %swap3A_442 : vector<1x64x128xf32> to vector<64x128xf32>
    %swap3A_444 = vector.shape_cast %slice3A_438 : vector<64x128xf32> to vector<1x64x128xf32>
    tpu.vector_store %arg3[%swap3A_439, %swap3A_440, %swap3A_441], %swap3A_444 {strides = array<i32>} : memref<200x64x128xf32, #tpu.memory_space<vmem>>, vector<1x64x128xf32>,
    %slice3A_445 = vector.extract_strided_slice %add3A_6 {offsets = [0, 26, 0], sizes = [128, 1, 128], strides = [1, 1, 1]} : vector<128x100x128xf32> to vector<128x1x128xf32>
    %squeeze3A_446 = vector.shape_cast %slice3A_445 : vector<128x1x128xf32> to vector<128x128xf32>
    %transpose3A_447 = tpu.transpose %squeeze3A_446, [1, 0] : vector<128x128xf32> -> vector<128x128xf32>
    %slice3A_448 = vector.extract_strided_slice %transpose3A_447 {offsets = [0, 0], sizes = [64, 128], strides = [1, 1]} : vector<128x128xf32> to vector<64x128xf32>
    %swap3A_449 = arith.constant 52 : index
    %swap3A_450 = arith.constant 0 : index
    %swap3A_451 = arith.constant 0 : index
    %swap3A_452 = vector.load %arg3[%swap3A_449, %swap3A_450, %swap3A_451] : memref<200x64x128xf32, #tpu.memory_space<vmem>>, vector<1x64x128xf32>
    %swap3A_453 = vector.shape_cast %swap3A_452 : vector<1x64x128xf32> to vector<64x128xf32>
    %swap3A_454 = vector.shape_cast %slice3A_448 : vector<64x128xf32> to vector<1x64x128xf32>
    tpu.vector_store %arg3[%swap3A_449, %swap3A_450, %swap3A_451], %swap3A_454 {strides = array<i32>} : memref<200x64x128xf32, #tpu.memory_space<vmem>>, vector<1x64x128xf32>,
    %slice3A_455 = vector.extract_strided_slice %transpose3A_447 {offsets = [64, 0], sizes = [64, 128], strides = [1, 1]} : vector<128x128xf32> to vector<64x128xf32>
    %swap3A_456 = arith.constant 53 : index
    %swap3A_457 = arith.constant 0 : index
    %swap3A_458 = arith.constant 0 : index
    %swap3A_459 = vector.load %arg3[%swap3A_456, %swap3A_457, %swap3A_458] : memref<200x64x128xf32, #tpu.memory_space<vmem>>, vector<1x64x128xf32>
    %swap3A_460 = vector.shape_cast %swap3A_459 : vector<1x64x128xf32> to vector<64x128xf32>
    %swap3A_461 = vector.shape_cast %slice3A_455 : vector<64x128xf32> to vector<1x64x128xf32>
    tpu.vector_store %arg3[%swap3A_456, %swap3A_457, %swap3A_458], %swap3A_461 {strides = array<i32>} : memref<200x64x128xf32, #tpu.memory_space<vmem>>, vector<1x64x128xf32>,
    %slice3A_462 = vector.extract_strided_slice %add3A_6 {offsets = [0, 27, 0], sizes = [128, 1, 128], strides = [1, 1, 1]} : vector<128x100x128xf32> to vector<128x1x128xf32>
    %squeeze3A_463 = vector.shape_cast %slice3A_462 : vector<128x1x128xf32> to vector<128x128xf32>
    %transpose3A_464 = tpu.transpose %squeeze3A_463, [1, 0] : vector<128x128xf32> -> vector<128x128xf32>
    %slice3A_465 = vector.extract_strided_slice %transpose3A_464 {offsets = [0, 0], sizes = [64, 128], strides = [1, 1]} : vector<128x128xf32> to vector<64x128xf32>
    %swap3A_466 = arith.constant 54 : index
    %swap3A_467 = arith.constant 0 : index
    %swap3A_468 = arith.constant 0 : index
    %swap3A_469 = vector.load %arg3[%swap3A_466, %swap3A_467, %swap3A_468] : memref<200x64x128xf32, #tpu.memory_space<vmem>>, vector<1x64x128xf32>
    %swap3A_470 = vector.shape_cast %swap3A_469 : vector<1x64x128xf32> to vector<64x128xf32>
    %swap3A_471 = vector.shape_cast %slice3A_465 : vector<64x128xf32> to vector<1x64x128xf32>
    tpu.vector_store %arg3[%swap3A_466, %swap3A_467, %swap3A_468], %swap3A_471 {strides = array<i32>} : memref<200x64x128xf32, #tpu.memory_space<vmem>>, vector<1x64x128xf32>,
    %slice3A_472 = vector.extract_strided_slice %transpose3A_464 {offsets = [64, 0], sizes = [64, 128], strides = [1, 1]} : vector<128x128xf32> to vector<64x128xf32>
    %swap3A_473 = arith.constant 55 : index
    %swap3A_474 = arith.constant 0 : index
    %swap3A_475 = arith.constant 0 : index
    %swap3A_476 = vector.load %arg3[%swap3A_473, %swap3A_474, %swap3A_475] : memref<200x64x128xf32, #tpu.memory_space<vmem>>, vector<1x64x128xf32>
    %swap3A_477 = vector.shape_cast %swap3A_476 : vector<1x64x128xf32> to vector<64x128xf32>
    %swap3A_478 = vector.shape_cast %slice3A_472 : vector<64x128xf32> to vector<1x64x128xf32>
    tpu.vector_store %arg3[%swap3A_473, %swap3A_474, %swap3A_475], %swap3A_478 {strides = array<i32>} : memref<200x64x128xf32, #tpu.memory_space<vmem>>, vector<1x64x128xf32>,
    %slice3A_479 = vector.extract_strided_slice %add3A_6 {offsets = [0, 28, 0], sizes = [128, 1, 128], strides = [1, 1, 1]} : vector<128x100x128xf32> to vector<128x1x128xf32>
    %squeeze3A_480 = vector.shape_cast %slice3A_479 : vector<128x1x128xf32> to vector<128x128xf32>
    %transpose3A_481 = tpu.transpose %squeeze3A_480, [1, 0] : vector<128x128xf32> -> vector<128x128xf32>
    %slice3A_482 = vector.extract_strided_slice %transpose3A_481 {offsets = [0, 0], sizes = [64, 128], strides = [1, 1]} : vector<128x128xf32> to vector<64x128xf32>
    %swap3A_483 = arith.constant 56 : index
    %swap3A_484 = arith.constant 0 : index
    %swap3A_485 = arith.constant 0 : index
    %swap3A_486 = vector.load %arg3[%swap3A_483, %swap3A_484, %swap3A_485] : memref<200x64x128xf32, #tpu.memory_space<vmem>>, vector<1x64x128xf32>
    %swap3A_487 = vector.shape_cast %swap3A_486 : vector<1x64x128xf32> to vector<64x128xf32>
    %swap3A_488 = vector.shape_cast %slice3A_482 : vector<64x128xf32> to vector<1x64x128xf32>
    tpu.vector_store %arg3[%swap3A_483, %swap3A_484, %swap3A_485], %swap3A_488 {strides = array<i32>} : memref<200x64x128xf32, #tpu.memory_space<vmem>>, vector<1x64x128xf32>,
    %slice3A_489 = vector.extract_strided_slice %transpose3A_481 {offsets = [64, 0], sizes = [64, 128], strides = [1, 1]} : vector<128x128xf32> to vector<64x128xf32>
    %swap3A_490 = arith.constant 57 : index
    %swap3A_491 = arith.constant 0 : index
    %swap3A_492 = arith.constant 0 : index
    %swap3A_493 = vector.load %arg3[%swap3A_490, %swap3A_491, %swap3A_492] : memref<200x64x128xf32, #tpu.memory_space<vmem>>, vector<1x64x128xf32>
    %swap3A_494 = vector.shape_cast %swap3A_493 : vector<1x64x128xf32> to vector<64x128xf32>
    %swap3A_495 = vector.shape_cast %slice3A_489 : vector<64x128xf32> to vector<1x64x128xf32>
    tpu.vector_store %arg3[%swap3A_490, %swap3A_491, %swap3A_492], %swap3A_495 {strides = array<i32>} : memref<200x64x128xf32, #tpu.memory_space<vmem>>, vector<1x64x128xf32>,
    %slice3A_496 = vector.extract_strided_slice %add3A_6 {offsets = [0, 29, 0], sizes = [128, 1, 128], strides = [1, 1, 1]} : vector<128x100x128xf32> to vector<128x1x128xf32>
    %squeeze3A_497 = vector.shape_cast %slice3A_496 : vector<128x1x128xf32> to vector<128x128xf32>
    %transpose3A_498 = tpu.transpose %squeeze3A_497, [1, 0] : vector<128x128xf32> -> vector<128x128xf32>
    %slice3A_499 = vector.extract_strided_slice %transpose3A_498 {offsets = [0, 0], sizes = [64, 128], strides = [1, 1]} : vector<128x128xf32> to vector<64x128xf32>
    %swap3A_500 = arith.constant 58 : index
    %swap3A_501 = arith.constant 0 : index
    %swap3A_502 = arith.constant 0 : index
    %swap3A_503 = vector.load %arg3[%swap3A_500, %swap3A_501, %swap3A_502] : memref<200x64x128xf32, #tpu.memory_space<vmem>>, vector<1x64x128xf32>
    %swap3A_504 = vector.shape_cast %swap3A_503 : vector<1x64x128xf32> to vector<64x128xf32>
    %swap3A_505 = vector.shape_cast %slice3A_499 : vector<64x128xf32> to vector<1x64x128xf32>
    tpu.vector_store %arg3[%swap3A_500, %swap3A_501, %swap3A_502], %swap3A_505 {strides = array<i32>} : memref<200x64x128xf32, #tpu.memory_space<vmem>>, vector<1x64x128xf32>,
    %slice3A_506 = vector.extract_strided_slice %transpose3A_498 {offsets = [64, 0], sizes = [64, 128], strides = [1, 1]} : vector<128x128xf32> to vector<64x128xf32>
    %swap3A_507 = arith.constant 59 : index
    %swap3A_508 = arith.constant 0 : index
    %swap3A_509 = arith.constant 0 : index
    %swap3A_510 = vector.load %arg3[%swap3A_507, %swap3A_508, %swap3A_509] : memref<200x64x128xf32, #tpu.memory_space<vmem>>, vector<1x64x128xf32>
    %swap3A_511 = vector.shape_cast %swap3A_510 : vector<1x64x128xf32> to vector<64x128xf32>
    %swap3A_512 = vector.shape_cast %slice3A_506 : vector<64x128xf32> to vector<1x64x128xf32>
    tpu.vector_store %arg3[%swap3A_507, %swap3A_508, %swap3A_509], %swap3A_512 {strides = array<i32>} : memref<200x64x128xf32, #tpu.memory_space<vmem>>, vector<1x64x128xf32>,
    %slice3A_513 = vector.extract_strided_slice %add3A_6 {offsets = [0, 30, 0], sizes = [128, 1, 128], strides = [1, 1, 1]} : vector<128x100x128xf32> to vector<128x1x128xf32>
    %squeeze3A_514 = vector.shape_cast %slice3A_513 : vector<128x1x128xf32> to vector<128x128xf32>
    %transpose3A_515 = tpu.transpose %squeeze3A_514, [1, 0] : vector<128x128xf32> -> vector<128x128xf32>
    %slice3A_516 = vector.extract_strided_slice %transpose3A_515 {offsets = [0, 0], sizes = [64, 128], strides = [1, 1]} : vector<128x128xf32> to vector<64x128xf32>
    %swap3A_517 = arith.constant 60 : index
    %swap3A_518 = arith.constant 0 : index
    %swap3A_519 = arith.constant 0 : index
    %swap3A_520 = vector.load %arg3[%swap3A_517, %swap3A_518, %swap3A_519] : memref<200x64x128xf32, #tpu.memory_space<vmem>>, vector<1x64x128xf32>
    %swap3A_521 = vector.shape_cast %swap3A_520 : vector<1x64x128xf32> to vector<64x128xf32>
    %swap3A_522 = vector.shape_cast %slice3A_516 : vector<64x128xf32> to vector<1x64x128xf32>
    tpu.vector_store %arg3[%swap3A_517, %swap3A_518, %swap3A_519], %swap3A_522 {strides = array<i32>} : memref<200x64x128xf32, #tpu.memory_space<vmem>>, vector<1x64x128xf32>,
    %slice3A_523 = vector.extract_strided_slice %transpose3A_515 {offsets = [64, 0], sizes = [64, 128], strides = [1, 1]} : vector<128x128xf32> to vector<64x128xf32>
    %swap3A_524 = arith.constant 61 : index
    %swap3A_525 = arith.constant 0 : index
    %swap3A_526 = arith.constant 0 : index
    %swap3A_527 = vector.load %arg3[%swap3A_524, %swap3A_525, %swap3A_526] : memref<200x64x128xf32, #tpu.memory_space<vmem>>, vector<1x64x128xf32>
    %swap3A_528 = vector.shape_cast %swap3A_527 : vector<1x64x128xf32> to vector<64x128xf32>
    %swap3A_529 = vector.shape_cast %slice3A_523 : vector<64x128xf32> to vector<1x64x128xf32>
    tpu.vector_store %arg3[%swap3A_524, %swap3A_525, %swap3A_526], %swap3A_529 {strides = array<i32>} : memref<200x64x128xf32, #tpu.memory_space<vmem>>, vector<1x64x128xf32>,
    %slice3A_530 = vector.extract_strided_slice %add3A_6 {offsets = [0, 31, 0], sizes = [128, 1, 128], strides = [1, 1, 1]} : vector<128x100x128xf32> to vector<128x1x128xf32>
    %squeeze3A_531 = vector.shape_cast %slice3A_530 : vector<128x1x128xf32> to vector<128x128xf32>
    %transpose3A_532 = tpu.transpose %squeeze3A_531, [1, 0] : vector<128x128xf32> -> vector<128x128xf32>
    %slice3A_533 = vector.extract_strided_slice %transpose3A_532 {offsets = [0, 0], sizes = [64, 128], strides = [1, 1]} : vector<128x128xf32> to vector<64x128xf32>
    %swap3A_534 = arith.constant 62 : index
    %swap3A_535 = arith.constant 0 : index
    %swap3A_536 = arith.constant 0 : index
    %swap3A_537 = vector.load %arg3[%swap3A_534, %swap3A_535, %swap3A_536] : memref<200x64x128xf32, #tpu.memory_space<vmem>>, vector<1x64x128xf32>
    %swap3A_538 = vector.shape_cast %swap3A_537 : vector<1x64x128xf32> to vector<64x128xf32>
    %swap3A_539 = vector.shape_cast %slice3A_533 : vector<64x128xf32> to vector<1x64x128xf32>
    tpu.vector_store %arg3[%swap3A_534, %swap3A_535, %swap3A_536], %swap3A_539 {strides = array<i32>} : memref<200x64x128xf32, #tpu.memory_space<vmem>>, vector<1x64x128xf32>,
    %slice3A_540 = vector.extract_strided_slice %transpose3A_532 {offsets = [64, 0], sizes = [64, 128], strides = [1, 1]} : vector<128x128xf32> to vector<64x128xf32>
    %swap3A_541 = arith.constant 63 : index
    %swap3A_542 = arith.constant 0 : index
    %swap3A_543 = arith.constant 0 : index
    %swap3A_544 = vector.load %arg3[%swap3A_541, %swap3A_542, %swap3A_543] : memref<200x64x128xf32, #tpu.memory_space<vmem>>, vector<1x64x128xf32>
    %swap3A_545 = vector.shape_cast %swap3A_544 : vector<1x64x128xf32> to vector<64x128xf32>
    %swap3A_546 = vector.shape_cast %slice3A_540 : vector<64x128xf32> to vector<1x64x128xf32>
    tpu.vector_store %arg3[%swap3A_541, %swap3A_542, %swap3A_543], %swap3A_546 {strides = array<i32>} : memref<200x64x128xf32, #tpu.memory_space<vmem>>, vector<1x64x128xf32>,
    %slice3A_547 = vector.extract_strided_slice %add3A_6 {offsets = [0, 32, 0], sizes = [128, 1, 128], strides = [1, 1, 1]} : vector<128x100x128xf32> to vector<128x1x128xf32>
    %squeeze3A_548 = vector.shape_cast %slice3A_547 : vector<128x1x128xf32> to vector<128x128xf32>
    %transpose3A_549 = tpu.transpose %squeeze3A_548, [1, 0] : vector<128x128xf32> -> vector<128x128xf32>
    %slice3A_550 = vector.extract_strided_slice %transpose3A_549 {offsets = [0, 0], sizes = [64, 128], strides = [1, 1]} : vector<128x128xf32> to vector<64x128xf32>
    %swap3A_551 = arith.constant 64 : index
    %swap3A_552 = arith.constant 0 : index
    %swap3A_553 = arith.constant 0 : index
    %swap3A_554 = vector.load %arg3[%swap3A_551, %swap3A_552, %swap3A_553] : memref<200x64x128xf32, #tpu.memory_space<vmem>>, vector<1x64x128xf32>
    %swap3A_555 = vector.shape_cast %swap3A_554 : vector<1x64x128xf32> to vector<64x128xf32>
    %swap3A_556 = vector.shape_cast %slice3A_550 : vector<64x128xf32> to vector<1x64x128xf32>
    tpu.vector_store %arg3[%swap3A_551, %swap3A_552, %swap3A_553], %swap3A_556 {strides = array<i32>} : memref<200x64x128xf32, #tpu.memory_space<vmem>>, vector<1x64x128xf32>,
    %slice3A_557 = vector.extract_strided_slice %transpose3A_549 {offsets = [64, 0], sizes = [64, 128], strides = [1, 1]} : vector<128x128xf32> to vector<64x128xf32>
    %swap3A_558 = arith.constant 65 : index
    %swap3A_559 = arith.constant 0 : index
    %swap3A_560 = arith.constant 0 : index
    %swap3A_561 = vector.load %arg3[%swap3A_558, %swap3A_559, %swap3A_560] : memref<200x64x128xf32, #tpu.memory_space<vmem>>, vector<1x64x128xf32>
    %swap3A_562 = vector.shape_cast %swap3A_561 : vector<1x64x128xf32> to vector<64x128xf32>
    %swap3A_563 = vector.shape_cast %slice3A_557 : vector<64x128xf32> to vector<1x64x128xf32>
    tpu.vector_store %arg3[%swap3A_558, %swap3A_559, %swap3A_560], %swap3A_563 {strides = array<i32>} : memref<200x64x128xf32, #tpu.memory_space<vmem>>, vector<1x64x128xf32>,
    %slice3A_564 = vector.extract_strided_slice %add3A_6 {offsets = [0, 33, 0], sizes = [128, 1, 128], strides = [1, 1, 1]} : vector<128x100x128xf32> to vector<128x1x128xf32>
    %squeeze3A_565 = vector.shape_cast %slice3A_564 : vector<128x1x128xf32> to vector<128x128xf32>
    %transpose3A_566 = tpu.transpose %squeeze3A_565, [1, 0] : vector<128x128xf32> -> vector<128x128xf32>
    %slice3A_567 = vector.extract_strided_slice %transpose3A_566 {offsets = [0, 0], sizes = [64, 128], strides = [1, 1]} : vector<128x128xf32> to vector<64x128xf32>
    %swap3A_568 = arith.constant 66 : index
    %swap3A_569 = arith.constant 0 : index
    %swap3A_570 = arith.constant 0 : index
    %swap3A_571 = vector.load %arg3[%swap3A_568, %swap3A_569, %swap3A_570] : memref<200x64x128xf32, #tpu.memory_space<vmem>>, vector<1x64x128xf32>
    %swap3A_572 = vector.shape_cast %swap3A_571 : vector<1x64x128xf32> to vector<64x128xf32>
    %swap3A_573 = vector.shape_cast %slice3A_567 : vector<64x128xf32> to vector<1x64x128xf32>
    tpu.vector_store %arg3[%swap3A_568, %swap3A_569, %swap3A_570], %swap3A_573 {strides = array<i32>} : memref<200x64x128xf32, #tpu.memory_space<vmem>>, vector<1x64x128xf32>,
    %slice3A_574 = vector.extract_strided_slice %transpose3A_566 {offsets = [64, 0], sizes = [64, 128], strides = [1, 1]} : vector<128x128xf32> to vector<64x128xf32>
    %swap3A_575 = arith.constant 67 : index
    %swap3A_576 = arith.constant 0 : index
    %swap3A_577 = arith.constant 0 : index
    %swap3A_578 = vector.load %arg3[%swap3A_575, %swap3A_576, %swap3A_577] : memref<200x64x128xf32, #tpu.memory_space<vmem>>, vector<1x64x128xf32>
    %swap3A_579 = vector.shape_cast %swap3A_578 : vector<1x64x128xf32> to vector<64x128xf32>
    %swap3A_580 = vector.shape_cast %slice3A_574 : vector<64x128xf32> to vector<1x64x128xf32>
    tpu.vector_store %arg3[%swap3A_575, %swap3A_576, %swap3A_577], %swap3A_580 {strides = array<i32>} : memref<200x64x128xf32, #tpu.memory_space<vmem>>, vector<1x64x128xf32>,
    %slice3A_581 = vector.extract_strided_slice %add3A_6 {offsets = [0, 34, 0], sizes = [128, 1, 128], strides = [1, 1, 1]} : vector<128x100x128xf32> to vector<128x1x128xf32>
    %squeeze3A_582 = vector.shape_cast %slice3A_581 : vector<128x1x128xf32> to vector<128x128xf32>
    %transpose3A_583 = tpu.transpose %squeeze3A_582, [1, 0] : vector<128x128xf32> -> vector<128x128xf32>
    %slice3A_584 = vector.extract_strided_slice %transpose3A_583 {offsets = [0, 0], sizes = [64, 128], strides = [1, 1]} : vector<128x128xf32> to vector<64x128xf32>
    %swap3A_585 = arith.constant 68 : index
    %swap3A_586 = arith.constant 0 : index
    %swap3A_587 = arith.constant 0 : index
    %swap3A_588 = vector.load %arg3[%swap3A_585, %swap3A_586, %swap3A_587] : memref<200x64x128xf32, #tpu.memory_space<vmem>>, vector<1x64x128xf32>
    %swap3A_589 = vector.shape_cast %swap3A_588 : vector<1x64x128xf32> to vector<64x128xf32>
    %swap3A_590 = vector.shape_cast %slice3A_584 : vector<64x128xf32> to vector<1x64x128xf32>
    tpu.vector_store %arg3[%swap3A_585, %swap3A_586, %swap3A_587], %swap3A_590 {strides = array<i32>} : memref<200x64x128xf32, #tpu.memory_space<vmem>>, vector<1x64x128xf32>,
    %slice3A_591 = vector.extract_strided_slice %transpose3A_583 {offsets = [64, 0], sizes = [64, 128], strides = [1, 1]} : vector<128x128xf32> to vector<64x128xf32>
    %swap3A_592 = arith.constant 69 : index
    %swap3A_593 = arith.constant 0 : index
    %swap3A_594 = arith.constant 0 : index
    %swap3A_595 = vector.load %arg3[%swap3A_592, %swap3A_593, %swap3A_594] : memref<200x64x128xf32, #tpu.memory_space<vmem>>, vector<1x64x128xf32>
    %swap3A_596 = vector.shape_cast %swap3A_595 : vector<1x64x128xf32> to vector<64x128xf32>
    %swap3A_597 = vector.shape_cast %slice3A_591 : vector<64x128xf32> to vector<1x64x128xf32>
    tpu.vector_store %arg3[%swap3A_592, %swap3A_593, %swap3A_594], %swap3A_597 {strides = array<i32>} : memref<200x64x128xf32, #tpu.memory_space<vmem>>, vector<1x64x128xf32>,
    %slice3A_598 = vector.extract_strided_slice %add3A_6 {offsets = [0, 35, 0], sizes = [128, 1, 128], strides = [1, 1, 1]} : vector<128x100x128xf32> to vector<128x1x128xf32>
    %squeeze3A_599 = vector.shape_cast %slice3A_598 : vector<128x1x128xf32> to vector<128x128xf32>
    %transpose3A_600 = tpu.transpose %squeeze3A_599, [1, 0] : vector<128x128xf32> -> vector<128x128xf32>
    %slice3A_601 = vector.extract_strided_slice %transpose3A_600 {offsets = [0, 0], sizes = [64, 128], strides = [1, 1]} : vector<128x128xf32> to vector<64x128xf32>
    %swap3A_602 = arith.constant 70 : index
    %swap3A_603 = arith.constant 0 : index
    %swap3A_604 = arith.constant 0 : index
    %swap3A_605 = vector.load %arg3[%swap3A_602, %swap3A_603, %swap3A_604] : memref<200x64x128xf32, #tpu.memory_space<vmem>>, vector<1x64x128xf32>
    %swap3A_606 = vector.shape_cast %swap3A_605 : vector<1x64x128xf32> to vector<64x128xf32>
    %swap3A_607 = vector.shape_cast %slice3A_601 : vector<64x128xf32> to vector<1x64x128xf32>
    tpu.vector_store %arg3[%swap3A_602, %swap3A_603, %swap3A_604], %swap3A_607 {strides = array<i32>} : memref<200x64x128xf32, #tpu.memory_space<vmem>>, vector<1x64x128xf32>,
    %slice3A_608 = vector.extract_strided_slice %transpose3A_600 {offsets = [64, 0], sizes = [64, 128], strides = [1, 1]} : vector<128x128xf32> to vector<64x128xf32>
    %swap3A_609 = arith.constant 71 : index
    %swap3A_610 = arith.constant 0 : index
    %swap3A_611 = arith.constant 0 : index
    %swap3A_612 = vector.load %arg3[%swap3A_609, %swap3A_610, %swap3A_611] : memref<200x64x128xf32, #tpu.memory_space<vmem>>, vector<1x64x128xf32>
    %swap3A_613 = vector.shape_cast %swap3A_612 : vector<1x64x128xf32> to vector<64x128xf32>
    %swap3A_614 = vector.shape_cast %slice3A_608 : vector<64x128xf32> to vector<1x64x128xf32>
    tpu.vector_store %arg3[%swap3A_609, %swap3A_610, %swap3A_611], %swap3A_614 {strides = array<i32>} : memref<200x64x128xf32, #tpu.memory_space<vmem>>, vector<1x64x128xf32>,
    %slice3A_615 = vector.extract_strided_slice %add3A_6 {offsets = [0, 36, 0], sizes = [128, 1, 128], strides = [1, 1, 1]} : vector<128x100x128xf32> to vector<128x1x128xf32>
    %squeeze3A_616 = vector.shape_cast %slice3A_615 : vector<128x1x128xf32> to vector<128x128xf32>
    %transpose3A_617 = tpu.transpose %squeeze3A_616, [1, 0] : vector<128x128xf32> -> vector<128x128xf32>
    %slice3A_618 = vector.extract_strided_slice %transpose3A_617 {offsets = [0, 0], sizes = [64, 128], strides = [1, 1]} : vector<128x128xf32> to vector<64x128xf32>
    %swap3A_619 = arith.constant 72 : index
    %swap3A_620 = arith.constant 0 : index
    %swap3A_621 = arith.constant 0 : index
    %swap3A_622 = vector.load %arg3[%swap3A_619, %swap3A_620, %swap3A_621] : memref<200x64x128xf32, #tpu.memory_space<vmem>>, vector<1x64x128xf32>
    %swap3A_623 = vector.shape_cast %swap3A_622 : vector<1x64x128xf32> to vector<64x128xf32>
    %swap3A_624 = vector.shape_cast %slice3A_618 : vector<64x128xf32> to vector<1x64x128xf32>
    tpu.vector_store %arg3[%swap3A_619, %swap3A_620, %swap3A_621], %swap3A_624 {strides = array<i32>} : memref<200x64x128xf32, #tpu.memory_space<vmem>>, vector<1x64x128xf32>,
    %slice3A_625 = vector.extract_strided_slice %transpose3A_617 {offsets = [64, 0], sizes = [64, 128], strides = [1, 1]} : vector<128x128xf32> to vector<64x128xf32>
    %swap3A_626 = arith.constant 73 : index
    %swap3A_627 = arith.constant 0 : index
    %swap3A_628 = arith.constant 0 : index
    %swap3A_629 = vector.load %arg3[%swap3A_626, %swap3A_627, %swap3A_628] : memref<200x64x128xf32, #tpu.memory_space<vmem>>, vector<1x64x128xf32>
    %swap3A_630 = vector.shape_cast %swap3A_629 : vector<1x64x128xf32> to vector<64x128xf32>
    %swap3A_631 = vector.shape_cast %slice3A_625 : vector<64x128xf32> to vector<1x64x128xf32>
    tpu.vector_store %arg3[%swap3A_626, %swap3A_627, %swap3A_628], %swap3A_631 {strides = array<i32>} : memref<200x64x128xf32, #tpu.memory_space<vmem>>, vector<1x64x128xf32>,
    %slice3A_632 = vector.extract_strided_slice %add3A_6 {offsets = [0, 37, 0], sizes = [128, 1, 128], strides = [1, 1, 1]} : vector<128x100x128xf32> to vector<128x1x128xf32>
    %squeeze3A_633 = vector.shape_cast %slice3A_632 : vector<128x1x128xf32> to vector<128x128xf32>
    %transpose3A_634 = tpu.transpose %squeeze3A_633, [1, 0] : vector<128x128xf32> -> vector<128x128xf32>
    %slice3A_635 = vector.extract_strided_slice %transpose3A_634 {offsets = [0, 0], sizes = [64, 128], strides = [1, 1]} : vector<128x128xf32> to vector<64x128xf32>
    %swap3A_636 = arith.constant 74 : index
    %swap3A_637 = arith.constant 0 : index
    %swap3A_638 = arith.constant 0 : index
    %swap3A_639 = vector.load %arg3[%swap3A_636, %swap3A_637, %swap3A_638] : memref<200x64x128xf32, #tpu.memory_space<vmem>>, vector<1x64x128xf32>
    %swap3A_640 = vector.shape_cast %swap3A_639 : vector<1x64x128xf32> to vector<64x128xf32>
    %swap3A_641 = vector.shape_cast %slice3A_635 : vector<64x128xf32> to vector<1x64x128xf32>
    tpu.vector_store %arg3[%swap3A_636, %swap3A_637, %swap3A_638], %swap3A_641 {strides = array<i32>} : memref<200x64x128xf32, #tpu.memory_space<vmem>>, vector<1x64x128xf32>,
    %slice3A_642 = vector.extract_strided_slice %transpose3A_634 {offsets = [64, 0], sizes = [64, 128], strides = [1, 1]} : vector<128x128xf32> to vector<64x128xf32>
    %swap3A_643 = arith.constant 75 : index
    %swap3A_644 = arith.constant 0 : index
    %swap3A_645 = arith.constant 0 : index
    %swap3A_646 = vector.load %arg3[%swap3A_643, %swap3A_644, %swap3A_645] : memref<200x64x128xf32, #tpu.memory_space<vmem>>, vector<1x64x128xf32>
    %swap3A_647 = vector.shape_cast %swap3A_646 : vector<1x64x128xf32> to vector<64x128xf32>
    %swap3A_648 = vector.shape_cast %slice3A_642 : vector<64x128xf32> to vector<1x64x128xf32>
    tpu.vector_store %arg3[%swap3A_643, %swap3A_644, %swap3A_645], %swap3A_648 {strides = array<i32>} : memref<200x64x128xf32, #tpu.memory_space<vmem>>, vector<1x64x128xf32>,
    %slice3A_649 = vector.extract_strided_slice %add3A_6 {offsets = [0, 38, 0], sizes = [128, 1, 128], strides = [1, 1, 1]} : vector<128x100x128xf32> to vector<128x1x128xf32>
    %squeeze3A_650 = vector.shape_cast %slice3A_649 : vector<128x1x128xf32> to vector<128x128xf32>
    %transpose3A_651 = tpu.transpose %squeeze3A_650, [1, 0] : vector<128x128xf32> -> vector<128x128xf32>
    %slice3A_652 = vector.extract_strided_slice %transpose3A_651 {offsets = [0, 0], sizes = [64, 128], strides = [1, 1]} : vector<128x128xf32> to vector<64x128xf32>
    %swap3A_653 = arith.constant 76 : index
    %swap3A_654 = arith.constant 0 : index
    %swap3A_655 = arith.constant 0 : index
    %swap3A_656 = vector.load %arg3[%swap3A_653, %swap3A_654, %swap3A_655] : memref<200x64x128xf32, #tpu.memory_space<vmem>>, vector<1x64x128xf32>
    %swap3A_657 = vector.shape_cast %swap3A_656 : vector<1x64x128xf32> to vector<64x128xf32>
    %swap3A_658 = vector.shape_cast %slice3A_652 : vector<64x128xf32> to vector<1x64x128xf32>
    tpu.vector_store %arg3[%swap3A_653, %swap3A_654, %swap3A_655], %swap3A_658 {strides = array<i32>} : memref<200x64x128xf32, #tpu.memory_space<vmem>>, vector<1x64x128xf32>,
    %slice3A_659 = vector.extract_strided_slice %transpose3A_651 {offsets = [64, 0], sizes = [64, 128], strides = [1, 1]} : vector<128x128xf32> to vector<64x128xf32>
    %swap3A_660 = arith.constant 77 : index
    %swap3A_661 = arith.constant 0 : index
    %swap3A_662 = arith.constant 0 : index
    %swap3A_663 = vector.load %arg3[%swap3A_660, %swap3A_661, %swap3A_662] : memref<200x64x128xf32, #tpu.memory_space<vmem>>, vector<1x64x128xf32>
    %swap3A_664 = vector.shape_cast %swap3A_663 : vector<1x64x128xf32> to vector<64x128xf32>
    %swap3A_665 = vector.shape_cast %slice3A_659 : vector<64x128xf32> to vector<1x64x128xf32>
    tpu.vector_store %arg3[%swap3A_660, %swap3A_661, %swap3A_662], %swap3A_665 {strides = array<i32>} : memref<200x64x128xf32, #tpu.memory_space<vmem>>, vector<1x64x128xf32>,
    %slice3A_666 = vector.extract_strided_slice %add3A_6 {offsets = [0, 39, 0], sizes = [128, 1, 128], strides = [1, 1, 1]} : vector<128x100x128xf32> to vector<128x1x128xf32>
    %squeeze3A_667 = vector.shape_cast %slice3A_666 : vector<128x1x128xf32> to vector<128x128xf32>
    %transpose3A_668 = tpu.transpose %squeeze3A_667, [1, 0] : vector<128x128xf32> -> vector<128x128xf32>
    %slice3A_669 = vector.extract_strided_slice %transpose3A_668 {offsets = [0, 0], sizes = [64, 128], strides = [1, 1]} : vector<128x128xf32> to vector<64x128xf32>
    %swap3A_670 = arith.constant 78 : index
    %swap3A_671 = arith.constant 0 : index
    %swap3A_672 = arith.constant 0 : index
    %swap3A_673 = vector.load %arg3[%swap3A_670, %swap3A_671, %swap3A_672] : memref<200x64x128xf32, #tpu.memory_space<vmem>>, vector<1x64x128xf32>
    %swap3A_674 = vector.shape_cast %swap3A_673 : vector<1x64x128xf32> to vector<64x128xf32>
    %swap3A_675 = vector.shape_cast %slice3A_669 : vector<64x128xf32> to vector<1x64x128xf32>
    tpu.vector_store %arg3[%swap3A_670, %swap3A_671, %swap3A_672], %swap3A_675 {strides = array<i32>} : memref<200x64x128xf32, #tpu.memory_space<vmem>>, vector<1x64x128xf32>,
    %slice3A_676 = vector.extract_strided_slice %transpose3A_668 {offsets = [64, 0], sizes = [64, 128], strides = [1, 1]} : vector<128x128xf32> to vector<64x128xf32>
    %swap3A_677 = arith.constant 79 : index
    %swap3A_678 = arith.constant 0 : index
    %swap3A_679 = arith.constant 0 : index
    %swap3A_680 = vector.load %arg3[%swap3A_677, %swap3A_678, %swap3A_679] : memref<200x64x128xf32, #tpu.memory_space<vmem>>, vector<1x64x128xf32>
    %swap3A_681 = vector.shape_cast %swap3A_680 : vector<1x64x128xf32> to vector<64x128xf32>
    %swap3A_682 = vector.shape_cast %slice3A_676 : vector<64x128xf32> to vector<1x64x128xf32>
    tpu.vector_store %arg3[%swap3A_677, %swap3A_678, %swap3A_679], %swap3A_682 {strides = array<i32>} : memref<200x64x128xf32, #tpu.memory_space<vmem>>, vector<1x64x128xf32>,
    %slice3A_683 = vector.extract_strided_slice %add3A_6 {offsets = [0, 40, 0], sizes = [128, 1, 128], strides = [1, 1, 1]} : vector<128x100x128xf32> to vector<128x1x128xf32>
    %squeeze3A_684 = vector.shape_cast %slice3A_683 : vector<128x1x128xf32> to vector<128x128xf32>
    %transpose3A_685 = tpu.transpose %squeeze3A_684, [1, 0] : vector<128x128xf32> -> vector<128x128xf32>
    %slice3A_686 = vector.extract_strided_slice %transpose3A_685 {offsets = [0, 0], sizes = [64, 128], strides = [1, 1]} : vector<128x128xf32> to vector<64x128xf32>
    %swap3A_687 = arith.constant 80 : index
    %swap3A_688 = arith.constant 0 : index
    %swap3A_689 = arith.constant 0 : index
    %swap3A_690 = vector.load %arg3[%swap3A_687, %swap3A_688, %swap3A_689] : memref<200x64x128xf32, #tpu.memory_space<vmem>>, vector<1x64x128xf32>
    %swap3A_691 = vector.shape_cast %swap3A_690 : vector<1x64x128xf32> to vector<64x128xf32>
    %swap3A_692 = vector.shape_cast %slice3A_686 : vector<64x128xf32> to vector<1x64x128xf32>
    tpu.vector_store %arg3[%swap3A_687, %swap3A_688, %swap3A_689], %swap3A_692 {strides = array<i32>} : memref<200x64x128xf32, #tpu.memory_space<vmem>>, vector<1x64x128xf32>,
    %slice3A_693 = vector.extract_strided_slice %transpose3A_685 {offsets = [64, 0], sizes = [64, 128], strides = [1, 1]} : vector<128x128xf32> to vector<64x128xf32>
    %swap3A_694 = arith.constant 81 : index
    %swap3A_695 = arith.constant 0 : index
    %swap3A_696 = arith.constant 0 : index
    %swap3A_697 = vector.load %arg3[%swap3A_694, %swap3A_695, %swap3A_696] : memref<200x64x128xf32, #tpu.memory_space<vmem>>, vector<1x64x128xf32>
    %swap3A_698 = vector.shape_cast %swap3A_697 : vector<1x64x128xf32> to vector<64x128xf32>
    %swap3A_699 = vector.shape_cast %slice3A_693 : vector<64x128xf32> to vector<1x64x128xf32>
    tpu.vector_store %arg3[%swap3A_694, %swap3A_695, %swap3A_696], %swap3A_699 {strides = array<i32>} : memref<200x64x128xf32, #tpu.memory_space<vmem>>, vector<1x64x128xf32>,
    %slice3A_700 = vector.extract_strided_slice %add3A_6 {offsets = [0, 41, 0], sizes = [128, 1, 128], strides = [1, 1, 1]} : vector<128x100x128xf32> to vector<128x1x128xf32>
    %squeeze3A_701 = vector.shape_cast %slice3A_700 : vector<128x1x128xf32> to vector<128x128xf32>
    %transpose3A_702 = tpu.transpose %squeeze3A_701, [1, 0] : vector<128x128xf32> -> vector<128x128xf32>
    %slice3A_703 = vector.extract_strided_slice %transpose3A_702 {offsets = [0, 0], sizes = [64, 128], strides = [1, 1]} : vector<128x128xf32> to vector<64x128xf32>
    %swap3A_704 = arith.constant 82 : index
    %swap3A_705 = arith.constant 0 : index
    %swap3A_706 = arith.constant 0 : index
    %swap3A_707 = vector.load %arg3[%swap3A_704, %swap3A_705, %swap3A_706] : memref<200x64x128xf32, #tpu.memory_space<vmem>>, vector<1x64x128xf32>
    %swap3A_708 = vector.shape_cast %swap3A_707 : vector<1x64x128xf32> to vector<64x128xf32>
    %swap3A_709 = vector.shape_cast %slice3A_703 : vector<64x128xf32> to vector<1x64x128xf32>
    tpu.vector_store %arg3[%swap3A_704, %swap3A_705, %swap3A_706], %swap3A_709 {strides = array<i32>} : memref<200x64x128xf32, #tpu.memory_space<vmem>>, vector<1x64x128xf32>,
    %slice3A_710 = vector.extract_strided_slice %transpose3A_702 {offsets = [64, 0], sizes = [64, 128], strides = [1, 1]} : vector<128x128xf32> to vector<64x128xf32>
    %swap3A_711 = arith.constant 83 : index
    %swap3A_712 = arith.constant 0 : index
    %swap3A_713 = arith.constant 0 : index
    %swap3A_714 = vector.load %arg3[%swap3A_711, %swap3A_712, %swap3A_713] : memref<200x64x128xf32, #tpu.memory_space<vmem>>, vector<1x64x128xf32>
    %swap3A_715 = vector.shape_cast %swap3A_714 : vector<1x64x128xf32> to vector<64x128xf32>
    %swap3A_716 = vector.shape_cast %slice3A_710 : vector<64x128xf32> to vector<1x64x128xf32>
    tpu.vector_store %arg3[%swap3A_711, %swap3A_712, %swap3A_713], %swap3A_716 {strides = array<i32>} : memref<200x64x128xf32, #tpu.memory_space<vmem>>, vector<1x64x128xf32>,
    %slice3A_717 = vector.extract_strided_slice %add3A_6 {offsets = [0, 42, 0], sizes = [128, 1, 128], strides = [1, 1, 1]} : vector<128x100x128xf32> to vector<128x1x128xf32>
    %squeeze3A_718 = vector.shape_cast %slice3A_717 : vector<128x1x128xf32> to vector<128x128xf32>
    %transpose3A_719 = tpu.transpose %squeeze3A_718, [1, 0] : vector<128x128xf32> -> vector<128x128xf32>
    %slice3A_720 = vector.extract_strided_slice %transpose3A_719 {offsets = [0, 0], sizes = [64, 128], strides = [1, 1]} : vector<128x128xf32> to vector<64x128xf32>
    %swap3A_721 = arith.constant 84 : index
    %swap3A_722 = arith.constant 0 : index
    %swap3A_723 = arith.constant 0 : index
    %swap3A_724 = vector.load %arg3[%swap3A_721, %swap3A_722, %swap3A_723] : memref<200x64x128xf32, #tpu.memory_space<vmem>>, vector<1x64x128xf32>
    %swap3A_725 = vector.shape_cast %swap3A_724 : vector<1x64x128xf32> to vector<64x128xf32>
    %swap3A_726 = vector.shape_cast %slice3A_720 : vector<64x128xf32> to vector<1x64x128xf32>
    tpu.vector_store %arg3[%swap3A_721, %swap3A_722, %swap3A_723], %swap3A_726 {strides = array<i32>} : memref<200x64x128xf32, #tpu.memory_space<vmem>>, vector<1x64x128xf32>,
    %slice3A_727 = vector.extract_strided_slice %transpose3A_719 {offsets = [64, 0], sizes = [64, 128], strides = [1, 1]} : vector<128x128xf32> to vector<64x128xf32>
    %swap3A_728 = arith.constant 85 : index
    %swap3A_729 = arith.constant 0 : index
    %swap3A_730 = arith.constant 0 : index
    %swap3A_731 = vector.load %arg3[%swap3A_728, %swap3A_729, %swap3A_730] : memref<200x64x128xf32, #tpu.memory_space<vmem>>, vector<1x64x128xf32>
    %swap3A_732 = vector.shape_cast %swap3A_731 : vector<1x64x128xf32> to vector<64x128xf32>
    %swap3A_733 = vector.shape_cast %slice3A_727 : vector<64x128xf32> to vector<1x64x128xf32>
    tpu.vector_store %arg3[%swap3A_728, %swap3A_729, %swap3A_730], %swap3A_733 {strides = array<i32>} : memref<200x64x128xf32, #tpu.memory_space<vmem>>, vector<1x64x128xf32>,
    %slice3A_734 = vector.extract_strided_slice %add3A_6 {offsets = [0, 43, 0], sizes = [128, 1, 128], strides = [1, 1, 1]} : vector<128x100x128xf32> to vector<128x1x128xf32>
    %squeeze3A_735 = vector.shape_cast %slice3A_734 : vector<128x1x128xf32> to vector<128x128xf32>
    %transpose3A_736 = tpu.transpose %squeeze3A_735, [1, 0] : vector<128x128xf32> -> vector<128x128xf32>
    %slice3A_737 = vector.extract_strided_slice %transpose3A_736 {offsets = [0, 0], sizes = [64, 128], strides = [1, 1]} : vector<128x128xf32> to vector<64x128xf32>
    %swap3A_738 = arith.constant 86 : index
    %swap3A_739 = arith.constant 0 : index
    %swap3A_740 = arith.constant 0 : index
    %swap3A_741 = vector.load %arg3[%swap3A_738, %swap3A_739, %swap3A_740] : memref<200x64x128xf32, #tpu.memory_space<vmem>>, vector<1x64x128xf32>
    %swap3A_742 = vector.shape_cast %swap3A_741 : vector<1x64x128xf32> to vector<64x128xf32>
    %swap3A_743 = vector.shape_cast %slice3A_737 : vector<64x128xf32> to vector<1x64x128xf32>
    tpu.vector_store %arg3[%swap3A_738, %swap3A_739, %swap3A_740], %swap3A_743 {strides = array<i32>} : memref<200x64x128xf32, #tpu.memory_space<vmem>>, vector<1x64x128xf32>,
    %slice3A_744 = vector.extract_strided_slice %transpose3A_736 {offsets = [64, 0], sizes = [64, 128], strides = [1, 1]} : vector<128x128xf32> to vector<64x128xf32>
    %swap3A_745 = arith.constant 87 : index
    %swap3A_746 = arith.constant 0 : index
    %swap3A_747 = arith.constant 0 : index
    %swap3A_748 = vector.load %arg3[%swap3A_745, %swap3A_746, %swap3A_747] : memref<200x64x128xf32, #tpu.memory_space<vmem>>, vector<1x64x128xf32>
    %swap3A_749 = vector.shape_cast %swap3A_748 : vector<1x64x128xf32> to vector<64x128xf32>
    %swap3A_750 = vector.shape_cast %slice3A_744 : vector<64x128xf32> to vector<1x64x128xf32>
    tpu.vector_store %arg3[%swap3A_745, %swap3A_746, %swap3A_747], %swap3A_750 {strides = array<i32>} : memref<200x64x128xf32, #tpu.memory_space<vmem>>, vector<1x64x128xf32>,
    %slice3A_751 = vector.extract_strided_slice %add3A_6 {offsets = [0, 44, 0], sizes = [128, 1, 128], strides = [1, 1, 1]} : vector<128x100x128xf32> to vector<128x1x128xf32>
    %squeeze3A_752 = vector.shape_cast %slice3A_751 : vector<128x1x128xf32> to vector<128x128xf32>
    %transpose3A_753 = tpu.transpose %squeeze3A_752, [1, 0] : vector<128x128xf32> -> vector<128x128xf32>
    %slice3A_754 = vector.extract_strided_slice %transpose3A_753 {offsets = [0, 0], sizes = [64, 128], strides = [1, 1]} : vector<128x128xf32> to vector<64x128xf32>
    %swap3A_755 = arith.constant 88 : index
    %swap3A_756 = arith.constant 0 : index
    %swap3A_757 = arith.constant 0 : index
    %swap3A_758 = vector.load %arg3[%swap3A_755, %swap3A_756, %swap3A_757] : memref<200x64x128xf32, #tpu.memory_space<vmem>>, vector<1x64x128xf32>
    %swap3A_759 = vector.shape_cast %swap3A_758 : vector<1x64x128xf32> to vector<64x128xf32>
    %swap3A_760 = vector.shape_cast %slice3A_754 : vector<64x128xf32> to vector<1x64x128xf32>
    tpu.vector_store %arg3[%swap3A_755, %swap3A_756, %swap3A_757], %swap3A_760 {strides = array<i32>} : memref<200x64x128xf32, #tpu.memory_space<vmem>>, vector<1x64x128xf32>,
    %slice3A_761 = vector.extract_strided_slice %transpose3A_753 {offsets = [64, 0], sizes = [64, 128], strides = [1, 1]} : vector<128x128xf32> to vector<64x128xf32>
    %swap3A_762 = arith.constant 89 : index
    %swap3A_763 = arith.constant 0 : index
    %swap3A_764 = arith.constant 0 : index
    %swap3A_765 = vector.load %arg3[%swap3A_762, %swap3A_763, %swap3A_764] : memref<200x64x128xf32, #tpu.memory_space<vmem>>, vector<1x64x128xf32>
    %swap3A_766 = vector.shape_cast %swap3A_765 : vector<1x64x128xf32> to vector<64x128xf32>
    %swap3A_767 = vector.shape_cast %slice3A_761 : vector<64x128xf32> to vector<1x64x128xf32>
    tpu.vector_store %arg3[%swap3A_762, %swap3A_763, %swap3A_764], %swap3A_767 {strides = array<i32>} : memref<200x64x128xf32, #tpu.memory_space<vmem>>, vector<1x64x128xf32>,
    %slice3A_768 = vector.extract_strided_slice %add3A_6 {offsets = [0, 45, 0], sizes = [128, 1, 128], strides = [1, 1, 1]} : vector<128x100x128xf32> to vector<128x1x128xf32>
    %squeeze3A_769 = vector.shape_cast %slice3A_768 : vector<128x1x128xf32> to vector<128x128xf32>
    %transpose3A_770 = tpu.transpose %squeeze3A_769, [1, 0] : vector<128x128xf32> -> vector<128x128xf32>
    %slice3A_771 = vector.extract_strided_slice %transpose3A_770 {offsets = [0, 0], sizes = [64, 128], strides = [1, 1]} : vector<128x128xf32> to vector<64x128xf32>
    %swap3A_772 = arith.constant 90 : index
    %swap3A_773 = arith.constant 0 : index
    %swap3A_774 = arith.constant 0 : index
    %swap3A_775 = vector.load %arg3[%swap3A_772, %swap3A_773, %swap3A_774] : memref<200x64x128xf32, #tpu.memory_space<vmem>>, vector<1x64x128xf32>
    %swap3A_776 = vector.shape_cast %swap3A_775 : vector<1x64x128xf32> to vector<64x128xf32>
    %swap3A_777 = vector.shape_cast %slice3A_771 : vector<64x128xf32> to vector<1x64x128xf32>
    tpu.vector_store %arg3[%swap3A_772, %swap3A_773, %swap3A_774], %swap3A_777 {strides = array<i32>} : memref<200x64x128xf32, #tpu.memory_space<vmem>>, vector<1x64x128xf32>,
    %slice3A_778 = vector.extract_strided_slice %transpose3A_770 {offsets = [64, 0], sizes = [64, 128], strides = [1, 1]} : vector<128x128xf32> to vector<64x128xf32>
    %swap3A_779 = arith.constant 91 : index
    %swap3A_780 = arith.constant 0 : index
    %swap3A_781 = arith.constant 0 : index
    %swap3A_782 = vector.load %arg3[%swap3A_779, %swap3A_780, %swap3A_781] : memref<200x64x128xf32, #tpu.memory_space<vmem>>, vector<1x64x128xf32>
    %swap3A_783 = vector.shape_cast %swap3A_782 : vector<1x64x128xf32> to vector<64x128xf32>
    %swap3A_784 = vector.shape_cast %slice3A_778 : vector<64x128xf32> to vector<1x64x128xf32>
    tpu.vector_store %arg3[%swap3A_779, %swap3A_780, %swap3A_781], %swap3A_784 {strides = array<i32>} : memref<200x64x128xf32, #tpu.memory_space<vmem>>, vector<1x64x128xf32>,
    %slice3A_785 = vector.extract_strided_slice %add3A_6 {offsets = [0, 46, 0], sizes = [128, 1, 128], strides = [1, 1, 1]} : vector<128x100x128xf32> to vector<128x1x128xf32>
    %squeeze3A_786 = vector.shape_cast %slice3A_785 : vector<128x1x128xf32> to vector<128x128xf32>
    %transpose3A_787 = tpu.transpose %squeeze3A_786, [1, 0] : vector<128x128xf32> -> vector<128x128xf32>
    %slice3A_788 = vector.extract_strided_slice %transpose3A_787 {offsets = [0, 0], sizes = [64, 128], strides = [1, 1]} : vector<128x128xf32> to vector<64x128xf32>
    %swap3A_789 = arith.constant 92 : index
    %swap3A_790 = arith.constant 0 : index
    %swap3A_791 = arith.constant 0 : index
    %swap3A_792 = vector.load %arg3[%swap3A_789, %swap3A_790, %swap3A_791] : memref<200x64x128xf32, #tpu.memory_space<vmem>>, vector<1x64x128xf32>
    %swap3A_793 = vector.shape_cast %swap3A_792 : vector<1x64x128xf32> to vector<64x128xf32>
    %swap3A_794 = vector.shape_cast %slice3A_788 : vector<64x128xf32> to vector<1x64x128xf32>
    tpu.vector_store %arg3[%swap3A_789, %swap3A_790, %swap3A_791], %swap3A_794 {strides = array<i32>} : memref<200x64x128xf32, #tpu.memory_space<vmem>>, vector<1x64x128xf32>,
    %slice3A_795 = vector.extract_strided_slice %transpose3A_787 {offsets = [64, 0], sizes = [64, 128], strides = [1, 1]} : vector<128x128xf32> to vector<64x128xf32>
    %swap3A_796 = arith.constant 93 : index
    %swap3A_797 = arith.constant 0 : index
    %swap3A_798 = arith.constant 0 : index
    %swap3A_799 = vector.load %arg3[%swap3A_796, %swap3A_797, %swap3A_798] : memref<200x64x128xf32, #tpu.memory_space<vmem>>, vector<1x64x128xf32>
    %swap3A_800 = vector.shape_cast %swap3A_799 : vector<1x64x128xf32> to vector<64x128xf32>
    %swap3A_801 = vector.shape_cast %slice3A_795 : vector<64x128xf32> to vector<1x64x128xf32>
    tpu.vector_store %arg3[%swap3A_796, %swap3A_797, %swap3A_798], %swap3A_801 {strides = array<i32>} : memref<200x64x128xf32, #tpu.memory_space<vmem>>, vector<1x64x128xf32>,
    %slice3A_802 = vector.extract_strided_slice %add3A_6 {offsets = [0, 47, 0], sizes = [128, 1, 128], strides = [1, 1, 1]} : vector<128x100x128xf32> to vector<128x1x128xf32>
    %squeeze3A_803 = vector.shape_cast %slice3A_802 : vector<128x1x128xf32> to vector<128x128xf32>
    %transpose3A_804 = tpu.transpose %squeeze3A_803, [1, 0] : vector<128x128xf32> -> vector<128x128xf32>
    %slice3A_805 = vector.extract_strided_slice %transpose3A_804 {offsets = [0, 0], sizes = [64, 128], strides = [1, 1]} : vector<128x128xf32> to vector<64x128xf32>
    %swap3A_806 = arith.constant 94 : index
    %swap3A_807 = arith.constant 0 : index
    %swap3A_808 = arith.constant 0 : index
    %swap3A_809 = vector.load %arg3[%swap3A_806, %swap3A_807, %swap3A_808] : memref<200x64x128xf32, #tpu.memory_space<vmem>>, vector<1x64x128xf32>
    %swap3A_810 = vector.shape_cast %swap3A_809 : vector<1x64x128xf32> to vector<64x128xf32>
    %swap3A_811 = vector.shape_cast %slice3A_805 : vector<64x128xf32> to vector<1x64x128xf32>
    tpu.vector_store %arg3[%swap3A_806, %swap3A_807, %swap3A_808], %swap3A_811 {strides = array<i32>} : memref<200x64x128xf32, #tpu.memory_space<vmem>>, vector<1x64x128xf32>,
    %slice3A_812 = vector.extract_strided_slice %transpose3A_804 {offsets = [64, 0], sizes = [64, 128], strides = [1, 1]} : vector<128x128xf32> to vector<64x128xf32>
    %swap3A_813 = arith.constant 95 : index
    %swap3A_814 = arith.constant 0 : index
    %swap3A_815 = arith.constant 0 : index
    %swap3A_816 = vector.load %arg3[%swap3A_813, %swap3A_814, %swap3A_815] : memref<200x64x128xf32, #tpu.memory_space<vmem>>, vector<1x64x128xf32>
    %swap3A_817 = vector.shape_cast %swap3A_816 : vector<1x64x128xf32> to vector<64x128xf32>
    %swap3A_818 = vector.shape_cast %slice3A_812 : vector<64x128xf32> to vector<1x64x128xf32>
    tpu.vector_store %arg3[%swap3A_813, %swap3A_814, %swap3A_815], %swap3A_818 {strides = array<i32>} : memref<200x64x128xf32, #tpu.memory_space<vmem>>, vector<1x64x128xf32>,
    %slice3A_819 = vector.extract_strided_slice %add3A_6 {offsets = [0, 48, 0], sizes = [128, 1, 128], strides = [1, 1, 1]} : vector<128x100x128xf32> to vector<128x1x128xf32>
    %squeeze3A_820 = vector.shape_cast %slice3A_819 : vector<128x1x128xf32> to vector<128x128xf32>
    %transpose3A_821 = tpu.transpose %squeeze3A_820, [1, 0] : vector<128x128xf32> -> vector<128x128xf32>
    %slice3A_822 = vector.extract_strided_slice %transpose3A_821 {offsets = [0, 0], sizes = [64, 128], strides = [1, 1]} : vector<128x128xf32> to vector<64x128xf32>
    %swap3A_823 = arith.constant 96 : index
    %swap3A_824 = arith.constant 0 : index
    %swap3A_825 = arith.constant 0 : index
    %swap3A_826 = vector.load %arg3[%swap3A_823, %swap3A_824, %swap3A_825] : memref<200x64x128xf32, #tpu.memory_space<vmem>>, vector<1x64x128xf32>
    %swap3A_827 = vector.shape_cast %swap3A_826 : vector<1x64x128xf32> to vector<64x128xf32>
    %swap3A_828 = vector.shape_cast %slice3A_822 : vector<64x128xf32> to vector<1x64x128xf32>
    tpu.vector_store %arg3[%swap3A_823, %swap3A_824, %swap3A_825], %swap3A_828 {strides = array<i32>} : memref<200x64x128xf32, #tpu.memory_space<vmem>>, vector<1x64x128xf32>,
    %slice3A_829 = vector.extract_strided_slice %transpose3A_821 {offsets = [64, 0], sizes = [64, 128], strides = [1, 1]} : vector<128x128xf32> to vector<64x128xf32>
    %swap3A_830 = arith.constant 97 : index
    %swap3A_831 = arith.constant 0 : index
    %swap3A_832 = arith.constant 0 : index
    %swap3A_833 = vector.load %arg3[%swap3A_830, %swap3A_831, %swap3A_832] : memref<200x64x128xf32, #tpu.memory_space<vmem>>, vector<1x64x128xf32>
    %swap3A_834 = vector.shape_cast %swap3A_833 : vector<1x64x128xf32> to vector<64x128xf32>
    %swap3A_835 = vector.shape_cast %slice3A_829 : vector<64x128xf32> to vector<1x64x128xf32>
    tpu.vector_store %arg3[%swap3A_830, %swap3A_831, %swap3A_832], %swap3A_835 {strides = array<i32>} : memref<200x64x128xf32, #tpu.memory_space<vmem>>, vector<1x64x128xf32>,
    %slice3A_836 = vector.extract_strided_slice %add3A_6 {offsets = [0, 49, 0], sizes = [128, 1, 128], strides = [1, 1, 1]} : vector<128x100x128xf32> to vector<128x1x128xf32>
    %squeeze3A_837 = vector.shape_cast %slice3A_836 : vector<128x1x128xf32> to vector<128x128xf32>
    %transpose3A_838 = tpu.transpose %squeeze3A_837, [1, 0] : vector<128x128xf32> -> vector<128x128xf32>
    %slice3A_839 = vector.extract_strided_slice %transpose3A_838 {offsets = [0, 0], sizes = [64, 128], strides = [1, 1]} : vector<128x128xf32> to vector<64x128xf32>
    %swap3A_840 = arith.constant 98 : index
    %swap3A_841 = arith.constant 0 : index
    %swap3A_842 = arith.constant 0 : index
    %swap3A_843 = vector.load %arg3[%swap3A_840, %swap3A_841, %swap3A_842] : memref<200x64x128xf32, #tpu.memory_space<vmem>>, vector<1x64x128xf32>
    %swap3A_844 = vector.shape_cast %swap3A_843 : vector<1x64x128xf32> to vector<64x128xf32>
    %swap3A_845 = vector.shape_cast %slice3A_839 : vector<64x128xf32> to vector<1x64x128xf32>
    tpu.vector_store %arg3[%swap3A_840, %swap3A_841, %swap3A_842], %swap3A_845 {strides = array<i32>} : memref<200x64x128xf32, #tpu.memory_space<vmem>>, vector<1x64x128xf32>,
    %slice3A_846 = vector.extract_strided_slice %transpose3A_838 {offsets = [64, 0], sizes = [64, 128], strides = [1, 1]} : vector<128x128xf32> to vector<64x128xf32>
    %swap3A_847 = arith.constant 99 : index
    %swap3A_848 = arith.constant 0 : index
    %swap3A_849 = arith.constant 0 : index
    %swap3A_850 = vector.load %arg3[%swap3A_847, %swap3A_848, %swap3A_849] : memref<200x64x128xf32, #tpu.memory_space<vmem>>, vector<1x64x128xf32>
    %swap3A_851 = vector.shape_cast %swap3A_850 : vector<1x64x128xf32> to vector<64x128xf32>
    %swap3A_852 = vector.shape_cast %slice3A_846 : vector<64x128xf32> to vector<1x64x128xf32>
    tpu.vector_store %arg3[%swap3A_847, %swap3A_848, %swap3A_849], %swap3A_852 {strides = array<i32>} : memref<200x64x128xf32, #tpu.memory_space<vmem>>, vector<1x64x128xf32>,
    %slice3A_853 = vector.extract_strided_slice %add3A_6 {offsets = [0, 50, 0], sizes = [128, 1, 128], strides = [1, 1, 1]} : vector<128x100x128xf32> to vector<128x1x128xf32>
    %squeeze3A_854 = vector.shape_cast %slice3A_853 : vector<128x1x128xf32> to vector<128x128xf32>
    %transpose3A_855 = tpu.transpose %squeeze3A_854, [1, 0] : vector<128x128xf32> -> vector<128x128xf32>
    %slice3A_856 = vector.extract_strided_slice %transpose3A_855 {offsets = [0, 0], sizes = [64, 128], strides = [1, 1]} : vector<128x128xf32> to vector<64x128xf32>
    %swap3A_857 = arith.constant 100 : index
    %swap3A_858 = arith.constant 0 : index
    %swap3A_859 = arith.constant 0 : index
    %swap3A_860 = vector.load %arg3[%swap3A_857, %swap3A_858, %swap3A_859] : memref<200x64x128xf32, #tpu.memory_space<vmem>>, vector<1x64x128xf32>
    %swap3A_861 = vector.shape_cast %swap3A_860 : vector<1x64x128xf32> to vector<64x128xf32>
    %swap3A_862 = vector.shape_cast %slice3A_856 : vector<64x128xf32> to vector<1x64x128xf32>
    tpu.vector_store %arg3[%swap3A_857, %swap3A_858, %swap3A_859], %swap3A_862 {strides = array<i32>} : memref<200x64x128xf32, #tpu.memory_space<vmem>>, vector<1x64x128xf32>,
    %slice3A_863 = vector.extract_strided_slice %transpose3A_855 {offsets = [64, 0], sizes = [64, 128], strides = [1, 1]} : vector<128x128xf32> to vector<64x128xf32>
    %swap3A_864 = arith.constant 101 : index
    %swap3A_865 = arith.constant 0 : index
    %swap3A_866 = arith.constant 0 : index
    %swap3A_867 = vector.load %arg3[%swap3A_864, %swap3A_865, %swap3A_866] : memref<200x64x128xf32, #tpu.memory_space<vmem>>, vector<1x64x128xf32>
    %swap3A_868 = vector.shape_cast %swap3A_867 : vector<1x64x128xf32> to vector<64x128xf32>
    %swap3A_869 = vector.shape_cast %slice3A_863 : vector<64x128xf32> to vector<1x64x128xf32>
    tpu.vector_store %arg3[%swap3A_864, %swap3A_865, %swap3A_866], %swap3A_869 {strides = array<i32>} : memref<200x64x128xf32, #tpu.memory_space<vmem>>, vector<1x64x128xf32>,
    %slice3A_870 = vector.extract_strided_slice %add3A_6 {offsets = [0, 51, 0], sizes = [128, 1, 128], strides = [1, 1, 1]} : vector<128x100x128xf32> to vector<128x1x128xf32>
    %squeeze3A_871 = vector.shape_cast %slice3A_870 : vector<128x1x128xf32> to vector<128x128xf32>
    %transpose3A_872 = tpu.transpose %squeeze3A_871, [1, 0] : vector<128x128xf32> -> vector<128x128xf32>
    %slice3A_873 = vector.extract_strided_slice %transpose3A_872 {offsets = [0, 0], sizes = [64, 128], strides = [1, 1]} : vector<128x128xf32> to vector<64x128xf32>
    %swap3A_874 = arith.constant 102 : index
    %swap3A_875 = arith.constant 0 : index
    %swap3A_876 = arith.constant 0 : index
    %swap3A_877 = vector.load %arg3[%swap3A_874, %swap3A_875, %swap3A_876] : memref<200x64x128xf32, #tpu.memory_space<vmem>>, vector<1x64x128xf32>
    %swap3A_878 = vector.shape_cast %swap3A_877 : vector<1x64x128xf32> to vector<64x128xf32>
    %swap3A_879 = vector.shape_cast %slice3A_873 : vector<64x128xf32> to vector<1x64x128xf32>
    tpu.vector_store %arg3[%swap3A_874, %swap3A_875, %swap3A_876], %swap3A_879 {strides = array<i32>} : memref<200x64x128xf32, #tpu.memory_space<vmem>>, vector<1x64x128xf32>,
    %slice3A_880 = vector.extract_strided_slice %transpose3A_872 {offsets = [64, 0], sizes = [64, 128], strides = [1, 1]} : vector<128x128xf32> to vector<64x128xf32>
    %swap3A_881 = arith.constant 103 : index
    %swap3A_882 = arith.constant 0 : index
    %swap3A_883 = arith.constant 0 : index
    %swap3A_884 = vector.load %arg3[%swap3A_881, %swap3A_882, %swap3A_883] : memref<200x64x128xf32, #tpu.memory_space<vmem>>, vector<1x64x128xf32>
    %swap3A_885 = vector.shape_cast %swap3A_884 : vector<1x64x128xf32> to vector<64x128xf32>
    %swap3A_886 = vector.shape_cast %slice3A_880 : vector<64x128xf32> to vector<1x64x128xf32>
    tpu.vector_store %arg3[%swap3A_881, %swap3A_882, %swap3A_883], %swap3A_886 {strides = array<i32>} : memref<200x64x128xf32, #tpu.memory_space<vmem>>, vector<1x64x128xf32>,
    %slice3A_887 = vector.extract_strided_slice %add3A_6 {offsets = [0, 52, 0], sizes = [128, 1, 128], strides = [1, 1, 1]} : vector<128x100x128xf32> to vector<128x1x128xf32>
    %squeeze3A_888 = vector.shape_cast %slice3A_887 : vector<128x1x128xf32> to vector<128x128xf32>
    %transpose3A_889 = tpu.transpose %squeeze3A_888, [1, 0] : vector<128x128xf32> -> vector<128x128xf32>
    %slice3A_890 = vector.extract_strided_slice %transpose3A_889 {offsets = [0, 0], sizes = [64, 128], strides = [1, 1]} : vector<128x128xf32> to vector<64x128xf32>
    %swap3A_891 = arith.constant 104 : index
    %swap3A_892 = arith.constant 0 : index
    %swap3A_893 = arith.constant 0 : index
    %swap3A_894 = vector.load %arg3[%swap3A_891, %swap3A_892, %swap3A_893] : memref<200x64x128xf32, #tpu.memory_space<vmem>>, vector<1x64x128xf32>
    %swap3A_895 = vector.shape_cast %swap3A_894 : vector<1x64x128xf32> to vector<64x128xf32>
    %swap3A_896 = vector.shape_cast %slice3A_890 : vector<64x128xf32> to vector<1x64x128xf32>
    tpu.vector_store %arg3[%swap3A_891, %swap3A_892, %swap3A_893], %swap3A_896 {strides = array<i32>} : memref<200x64x128xf32, #tpu.memory_space<vmem>>, vector<1x64x128xf32>,
    %slice3A_897 = vector.extract_strided_slice %transpose3A_889 {offsets = [64, 0], sizes = [64, 128], strides = [1, 1]} : vector<128x128xf32> to vector<64x128xf32>
    %swap3A_898 = arith.constant 105 : index
    %swap3A_899 = arith.constant 0 : index
    %swap3A_900 = arith.constant 0 : index
    %swap3A_901 = vector.load %arg3[%swap3A_898, %swap3A_899, %swap3A_900] : memref<200x64x128xf32, #tpu.memory_space<vmem>>, vector<1x64x128xf32>
    %swap3A_902 = vector.shape_cast %swap3A_901 : vector<1x64x128xf32> to vector<64x128xf32>
    %swap3A_903 = vector.shape_cast %slice3A_897 : vector<64x128xf32> to vector<1x64x128xf32>
    tpu.vector_store %arg3[%swap3A_898, %swap3A_899, %swap3A_900], %swap3A_903 {strides = array<i32>} : memref<200x64x128xf32, #tpu.memory_space<vmem>>, vector<1x64x128xf32>,
    %slice3A_904 = vector.extract_strided_slice %add3A_6 {offsets = [0, 53, 0], sizes = [128, 1, 128], strides = [1, 1, 1]} : vector<128x100x128xf32> to vector<128x1x128xf32>
    %squeeze3A_905 = vector.shape_cast %slice3A_904 : vector<128x1x128xf32> to vector<128x128xf32>
    %transpose3A_906 = tpu.transpose %squeeze3A_905, [1, 0] : vector<128x128xf32> -> vector<128x128xf32>
    %slice3A_907 = vector.extract_strided_slice %transpose3A_906 {offsets = [0, 0], sizes = [64, 128], strides = [1, 1]} : vector<128x128xf32> to vector<64x128xf32>
    %swap3A_908 = arith.constant 106 : index
    %swap3A_909 = arith.constant 0 : index
    %swap3A_910 = arith.constant 0 : index
    %swap3A_911 = vector.load %arg3[%swap3A_908, %swap3A_909, %swap3A_910] : memref<200x64x128xf32, #tpu.memory_space<vmem>>, vector<1x64x128xf32>
    %swap3A_912 = vector.shape_cast %swap3A_911 : vector<1x64x128xf32> to vector<64x128xf32>
    %swap3A_913 = vector.shape_cast %slice3A_907 : vector<64x128xf32> to vector<1x64x128xf32>
    tpu.vector_store %arg3[%swap3A_908, %swap3A_909, %swap3A_910], %swap3A_913 {strides = array<i32>} : memref<200x64x128xf32, #tpu.memory_space<vmem>>, vector<1x64x128xf32>,
    %slice3A_914 = vector.extract_strided_slice %transpose3A_906 {offsets = [64, 0], sizes = [64, 128], strides = [1, 1]} : vector<128x128xf32> to vector<64x128xf32>
    %swap3A_915 = arith.constant 107 : index
    %swap3A_916 = arith.constant 0 : index
    %swap3A_917 = arith.constant 0 : index
    %swap3A_918 = vector.load %arg3[%swap3A_915, %swap3A_916, %swap3A_917] : memref<200x64x128xf32, #tpu.memory_space<vmem>>, vector<1x64x128xf32>
    %swap3A_919 = vector.shape_cast %swap3A_918 : vector<1x64x128xf32> to vector<64x128xf32>
    %swap3A_920 = vector.shape_cast %slice3A_914 : vector<64x128xf32> to vector<1x64x128xf32>
    tpu.vector_store %arg3[%swap3A_915, %swap3A_916, %swap3A_917], %swap3A_920 {strides = array<i32>} : memref<200x64x128xf32, #tpu.memory_space<vmem>>, vector<1x64x128xf32>,
    %slice3A_921 = vector.extract_strided_slice %add3A_6 {offsets = [0, 54, 0], sizes = [128, 1, 128], strides = [1, 1, 1]} : vector<128x100x128xf32> to vector<128x1x128xf32>
    %squeeze3A_922 = vector.shape_cast %slice3A_921 : vector<128x1x128xf32> to vector<128x128xf32>
    %transpose3A_923 = tpu.transpose %squeeze3A_922, [1, 0] : vector<128x128xf32> -> vector<128x128xf32>
    %slice3A_924 = vector.extract_strided_slice %transpose3A_923 {offsets = [0, 0], sizes = [64, 128], strides = [1, 1]} : vector<128x128xf32> to vector<64x128xf32>
    %swap3A_925 = arith.constant 108 : index
    %swap3A_926 = arith.constant 0 : index
    %swap3A_927 = arith.constant 0 : index
    %swap3A_928 = vector.load %arg3[%swap3A_925, %swap3A_926, %swap3A_927] : memref<200x64x128xf32, #tpu.memory_space<vmem>>, vector<1x64x128xf32>
    %swap3A_929 = vector.shape_cast %swap3A_928 : vector<1x64x128xf32> to vector<64x128xf32>
    %swap3A_930 = vector.shape_cast %slice3A_924 : vector<64x128xf32> to vector<1x64x128xf32>
    tpu.vector_store %arg3[%swap3A_925, %swap3A_926, %swap3A_927], %swap3A_930 {strides = array<i32>} : memref<200x64x128xf32, #tpu.memory_space<vmem>>, vector<1x64x128xf32>,
    %slice3A_931 = vector.extract_strided_slice %transpose3A_923 {offsets = [64, 0], sizes = [64, 128], strides = [1, 1]} : vector<128x128xf32> to vector<64x128xf32>
    %swap3A_932 = arith.constant 109 : index
    %swap3A_933 = arith.constant 0 : index
    %swap3A_934 = arith.constant 0 : index
    %swap3A_935 = vector.load %arg3[%swap3A_932, %swap3A_933, %swap3A_934] : memref<200x64x128xf32, #tpu.memory_space<vmem>>, vector<1x64x128xf32>
    %swap3A_936 = vector.shape_cast %swap3A_935 : vector<1x64x128xf32> to vector<64x128xf32>
    %swap3A_937 = vector.shape_cast %slice3A_931 : vector<64x128xf32> to vector<1x64x128xf32>
    tpu.vector_store %arg3[%swap3A_932, %swap3A_933, %swap3A_934], %swap3A_937 {strides = array<i32>} : memref<200x64x128xf32, #tpu.memory_space<vmem>>, vector<1x64x128xf32>,
    %slice3A_938 = vector.extract_strided_slice %add3A_6 {offsets = [0, 55, 0], sizes = [128, 1, 128], strides = [1, 1, 1]} : vector<128x100x128xf32> to vector<128x1x128xf32>
    %squeeze3A_939 = vector.shape_cast %slice3A_938 : vector<128x1x128xf32> to vector<128x128xf32>
    %transpose3A_940 = tpu.transpose %squeeze3A_939, [1, 0] : vector<128x128xf32> -> vector<128x128xf32>
    %slice3A_941 = vector.extract_strided_slice %transpose3A_940 {offsets = [0, 0], sizes = [64, 128], strides = [1, 1]} : vector<128x128xf32> to vector<64x128xf32>
    %swap3A_942 = arith.constant 110 : index
    %swap3A_943 = arith.constant 0 : index
    %swap3A_944 = arith.constant 0 : index
    %swap3A_945 = vector.load %arg3[%swap3A_942, %swap3A_943, %swap3A_944] : memref<200x64x128xf32, #tpu.memory_space<vmem>>, vector<1x64x128xf32>
    %swap3A_946 = vector.shape_cast %swap3A_945 : vector<1x64x128xf32> to vector<64x128xf32>
    %swap3A_947 = vector.shape_cast %slice3A_941 : vector<64x128xf32> to vector<1x64x128xf32>
    tpu.vector_store %arg3[%swap3A_942, %swap3A_943, %swap3A_944], %swap3A_947 {strides = array<i32>} : memref<200x64x128xf32, #tpu.memory_space<vmem>>, vector<1x64x128xf32>,
    %slice3A_948 = vector.extract_strided_slice %transpose3A_940 {offsets = [64, 0], sizes = [64, 128], strides = [1, 1]} : vector<128x128xf32> to vector<64x128xf32>
    %swap3A_949 = arith.constant 111 : index
    %swap3A_950 = arith.constant 0 : index
    %swap3A_951 = arith.constant 0 : index
    %swap3A_952 = vector.load %arg3[%swap3A_949, %swap3A_950, %swap3A_951] : memref<200x64x128xf32, #tpu.memory_space<vmem>>, vector<1x64x128xf32>
    %swap3A_953 = vector.shape_cast %swap3A_952 : vector<1x64x128xf32> to vector<64x128xf32>
    %swap3A_954 = vector.shape_cast %slice3A_948 : vector<64x128xf32> to vector<1x64x128xf32>
    tpu.vector_store %arg3[%swap3A_949, %swap3A_950, %swap3A_951], %swap3A_954 {strides = array<i32>} : memref<200x64x128xf32, #tpu.memory_space<vmem>>, vector<1x64x128xf32>,
    %slice3A_955 = vector.extract_strided_slice %add3A_6 {offsets = [0, 56, 0], sizes = [128, 1, 128], strides = [1, 1, 1]} : vector<128x100x128xf32> to vector<128x1x128xf32>
    %squeeze3A_956 = vector.shape_cast %slice3A_955 : vector<128x1x128xf32> to vector<128x128xf32>
    %transpose3A_957 = tpu.transpose %squeeze3A_956, [1, 0] : vector<128x128xf32> -> vector<128x128xf32>
    %slice3A_958 = vector.extract_strided_slice %transpose3A_957 {offsets = [0, 0], sizes = [64, 128], strides = [1, 1]} : vector<128x128xf32> to vector<64x128xf32>
    %swap3A_959 = arith.constant 112 : index
    %swap3A_960 = arith.constant 0 : index
    %swap3A_961 = arith.constant 0 : index
    %swap3A_962 = vector.load %arg3[%swap3A_959, %swap3A_960, %swap3A_961] : memref<200x64x128xf32, #tpu.memory_space<vmem>>, vector<1x64x128xf32>
    %swap3A_963 = vector.shape_cast %swap3A_962 : vector<1x64x128xf32> to vector<64x128xf32>
    %swap3A_964 = vector.shape_cast %slice3A_958 : vector<64x128xf32> to vector<1x64x128xf32>
    tpu.vector_store %arg3[%swap3A_959, %swap3A_960, %swap3A_961], %swap3A_964 {strides = array<i32>} : memref<200x64x128xf32, #tpu.memory_space<vmem>>, vector<1x64x128xf32>,
    %slice3A_965 = vector.extract_strided_slice %transpose3A_957 {offsets = [64, 0], sizes = [64, 128], strides = [1, 1]} : vector<128x128xf32> to vector<64x128xf32>
    %swap3A_966 = arith.constant 113 : index
    %swap3A_967 = arith.constant 0 : index
    %swap3A_968 = arith.constant 0 : index
    %swap3A_969 = vector.load %arg3[%swap3A_966, %swap3A_967, %swap3A_968] : memref<200x64x128xf32, #tpu.memory_space<vmem>>, vector<1x64x128xf32>
    %swap3A_970 = vector.shape_cast %swap3A_969 : vector<1x64x128xf32> to vector<64x128xf32>
    %swap3A_971 = vector.shape_cast %slice3A_965 : vector<64x128xf32> to vector<1x64x128xf32>
    tpu.vector_store %arg3[%swap3A_966, %swap3A_967, %swap3A_968], %swap3A_971 {strides = array<i32>} : memref<200x64x128xf32, #tpu.memory_space<vmem>>, vector<1x64x128xf32>,
    %slice3A_972 = vector.extract_strided_slice %add3A_6 {offsets = [0, 57, 0], sizes = [128, 1, 128], strides = [1, 1, 1]} : vector<128x100x128xf32> to vector<128x1x128xf32>
    %squeeze3A_973 = vector.shape_cast %slice3A_972 : vector<128x1x128xf32> to vector<128x128xf32>
    %transpose3A_974 = tpu.transpose %squeeze3A_973, [1, 0] : vector<128x128xf32> -> vector<128x128xf32>
    %slice3A_975 = vector.extract_strided_slice %transpose3A_974 {offsets = [0, 0], sizes = [64, 128], strides = [1, 1]} : vector<128x128xf32> to vector<64x128xf32>
    %swap3A_976 = arith.constant 114 : index
    %swap3A_977 = arith.constant 0 : index
    %swap3A_978 = arith.constant 0 : index
    %swap3A_979 = vector.load %arg3[%swap3A_976, %swap3A_977, %swap3A_978] : memref<200x64x128xf32, #tpu.memory_space<vmem>>, vector<1x64x128xf32>
    %swap3A_980 = vector.shape_cast %swap3A_979 : vector<1x64x128xf32> to vector<64x128xf32>
    %swap3A_981 = vector.shape_cast %slice3A_975 : vector<64x128xf32> to vector<1x64x128xf32>
    tpu.vector_store %arg3[%swap3A_976, %swap3A_977, %swap3A_978], %swap3A_981 {strides = array<i32>} : memref<200x64x128xf32, #tpu.memory_space<vmem>>, vector<1x64x128xf32>,
    %slice3A_982 = vector.extract_strided_slice %transpose3A_974 {offsets = [64, 0], sizes = [64, 128], strides = [1, 1]} : vector<128x128xf32> to vector<64x128xf32>
    %swap3A_983 = arith.constant 115 : index
    %swap3A_984 = arith.constant 0 : index
    %swap3A_985 = arith.constant 0 : index
    %swap3A_986 = vector.load %arg3[%swap3A_983, %swap3A_984, %swap3A_985] : memref<200x64x128xf32, #tpu.memory_space<vmem>>, vector<1x64x128xf32>
    %swap3A_987 = vector.shape_cast %swap3A_986 : vector<1x64x128xf32> to vector<64x128xf32>
    %swap3A_988 = vector.shape_cast %slice3A_982 : vector<64x128xf32> to vector<1x64x128xf32>
    tpu.vector_store %arg3[%swap3A_983, %swap3A_984, %swap3A_985], %swap3A_988 {strides = array<i32>} : memref<200x64x128xf32, #tpu.memory_space<vmem>>, vector<1x64x128xf32>,
    %slice3A_989 = vector.extract_strided_slice %add3A_6 {offsets = [0, 58, 0], sizes = [128, 1, 128], strides = [1, 1, 1]} : vector<128x100x128xf32> to vector<128x1x128xf32>
    %squeeze3A_990 = vector.shape_cast %slice3A_989 : vector<128x1x128xf32> to vector<128x128xf32>
    %transpose3A_991 = tpu.transpose %squeeze3A_990, [1, 0] : vector<128x128xf32> -> vector<128x128xf32>
    %slice3A_992 = vector.extract_strided_slice %transpose3A_991 {offsets = [0, 0], sizes = [64, 128], strides = [1, 1]} : vector<128x128xf32> to vector<64x128xf32>
    %swap3A_993 = arith.constant 116 : index
    %swap3A_994 = arith.constant 0 : index
    %swap3A_995 = arith.constant 0 : index
    %swap3A_996 = vector.load %arg3[%swap3A_993, %swap3A_994, %swap3A_995] : memref<200x64x128xf32, #tpu.memory_space<vmem>>, vector<1x64x128xf32>
    %swap3A_997 = vector.shape_cast %swap3A_996 : vector<1x64x128xf32> to vector<64x128xf32>
    %swap3A_998 = vector.shape_cast %slice3A_992 : vector<64x128xf32> to vector<1x64x128xf32>
    tpu.vector_store %arg3[%swap3A_993, %swap3A_994, %swap3A_995], %swap3A_998 {strides = array<i32>} : memref<200x64x128xf32, #tpu.memory_space<vmem>>, vector<1x64x128xf32>,
    %slice3A_999 = vector.extract_strided_slice %transpose3A_991 {offsets = [64, 0], sizes = [64, 128], strides = [1, 1]} : vector<128x128xf32> to vector<64x128xf32>
    %swap3A_1000 = arith.constant 117 : index
    %swap3A_1001 = arith.constant 0 : index
    %swap3A_1002 = arith.constant 0 : index
    %swap3A_1003 = vector.load %arg3[%swap3A_1000, %swap3A_1001, %swap3A_1002] : memref<200x64x128xf32, #tpu.memory_space<vmem>>, vector<1x64x128xf32>
    %swap3A_1004 = vector.shape_cast %swap3A_1003 : vector<1x64x128xf32> to vector<64x128xf32>
    %swap3A_1005 = vector.shape_cast %slice3A_999 : vector<64x128xf32> to vector<1x64x128xf32>
    tpu.vector_store %arg3[%swap3A_1000, %swap3A_1001, %swap3A_1002], %swap3A_1005 {strides = array<i32>} : memref<200x64x128xf32, #tpu.memory_space<vmem>>, vector<1x64x128xf32>,
    %slice3A_1006 = vector.extract_strided_slice %add3A_6 {offsets = [0, 59, 0], sizes = [128, 1, 128], strides = [1, 1, 1]} : vector<128x100x128xf32> to vector<128x1x128xf32>
    %squeeze3A_1007 = vector.shape_cast %slice3A_1006 : vector<128x1x128xf32> to vector<128x128xf32>
    %transpose3A_1008 = tpu.transpose %squeeze3A_1007, [1, 0] : vector<128x128xf32> -> vector<128x128xf32>
    %slice3A_1009 = vector.extract_strided_slice %transpose3A_1008 {offsets = [0, 0], sizes = [64, 128], strides = [1, 1]} : vector<128x128xf32> to vector<64x128xf32>
    %swap3A_1010 = arith.constant 118 : index
    %swap3A_1011 = arith.constant 0 : index
    %swap3A_1012 = arith.constant 0 : index
    %swap3A_1013 = vector.load %arg3[%swap3A_1010, %swap3A_1011, %swap3A_1012] : memref<200x64x128xf32, #tpu.memory_space<vmem>>, vector<1x64x128xf32>
    %swap3A_1014 = vector.shape_cast %swap3A_1013 : vector<1x64x128xf32> to vector<64x128xf32>
    %swap3A_1015 = vector.shape_cast %slice3A_1009 : vector<64x128xf32> to vector<1x64x128xf32>
    tpu.vector_store %arg3[%swap3A_1010, %swap3A_1011, %swap3A_1012], %swap3A_1015 {strides = array<i32>} : memref<200x64x128xf32, #tpu.memory_space<vmem>>, vector<1x64x128xf32>,
    %slice3A_1016 = vector.extract_strided_slice %transpose3A_1008 {offsets = [64, 0], sizes = [64, 128], strides = [1, 1]} : vector<128x128xf32> to vector<64x128xf32>
    %swap3A_1017 = arith.constant 119 : index
    %swap3A_1018 = arith.constant 0 : index
    %swap3A_1019 = arith.constant 0 : index
    %swap3A_1020 = vector.load %arg3[%swap3A_1017, %swap3A_1018, %swap3A_1019] : memref<200x64x128xf32, #tpu.memory_space<vmem>>, vector<1x64x128xf32>
    %swap3A_1021 = vector.shape_cast %swap3A_1020 : vector<1x64x128xf32> to vector<64x128xf32>
    %swap3A_1022 = vector.shape_cast %slice3A_1016 : vector<64x128xf32> to vector<1x64x128xf32>
    tpu.vector_store %arg3[%swap3A_1017, %swap3A_1018, %swap3A_1019], %swap3A_1022 {strides = array<i32>} : memref<200x64x128xf32, #tpu.memory_space<vmem>>, vector<1x64x128xf32>,
    %slice3A_1023 = vector.extract_strided_slice %add3A_6 {offsets = [0, 60, 0], sizes = [128, 1, 128], strides = [1, 1, 1]} : vector<128x100x128xf32> to vector<128x1x128xf32>
    %squeeze3A_1024 = vector.shape_cast %slice3A_1023 : vector<128x1x128xf32> to vector<128x128xf32>
    %transpose3A_1025 = tpu.transpose %squeeze3A_1024, [1, 0] : vector<128x128xf32> -> vector<128x128xf32>
    %slice3A_1026 = vector.extract_strided_slice %transpose3A_1025 {offsets = [0, 0], sizes = [64, 128], strides = [1, 1]} : vector<128x128xf32> to vector<64x128xf32>
    %swap3A_1027 = arith.constant 120 : index
    %swap3A_1028 = arith.constant 0 : index
    %swap3A_1029 = arith.constant 0 : index
    %swap3A_1030 = vector.load %arg3[%swap3A_1027, %swap3A_1028, %swap3A_1029] : memref<200x64x128xf32, #tpu.memory_space<vmem>>, vector<1x64x128xf32>
    %swap3A_1031 = vector.shape_cast %swap3A_1030 : vector<1x64x128xf32> to vector<64x128xf32>
    %swap3A_1032 = vector.shape_cast %slice3A_1026 : vector<64x128xf32> to vector<1x64x128xf32>
    tpu.vector_store %arg3[%swap3A_1027, %swap3A_1028, %swap3A_1029], %swap3A_1032 {strides = array<i32>} : memref<200x64x128xf32, #tpu.memory_space<vmem>>, vector<1x64x128xf32>,
    %slice3A_1033 = vector.extract_strided_slice %transpose3A_1025 {offsets = [64, 0], sizes = [64, 128], strides = [1, 1]} : vector<128x128xf32> to vector<64x128xf32>
    %swap3A_1034 = arith.constant 121 : index
    %swap3A_1035 = arith.constant 0 : index
    %swap3A_1036 = arith.constant 0 : index
    %swap3A_1037 = vector.load %arg3[%swap3A_1034, %swap3A_1035, %swap3A_1036] : memref<200x64x128xf32, #tpu.memory_space<vmem>>, vector<1x64x128xf32>
    %swap3A_1038 = vector.shape_cast %swap3A_1037 : vector<1x64x128xf32> to vector<64x128xf32>
    %swap3A_1039 = vector.shape_cast %slice3A_1033 : vector<64x128xf32> to vector<1x64x128xf32>
    tpu.vector_store %arg3[%swap3A_1034, %swap3A_1035, %swap3A_1036], %swap3A_1039 {strides = array<i32>} : memref<200x64x128xf32, #tpu.memory_space<vmem>>, vector<1x64x128xf32>,
    %slice3A_1040 = vector.extract_strided_slice %add3A_6 {offsets = [0, 61, 0], sizes = [128, 1, 128], strides = [1, 1, 1]} : vector<128x100x128xf32> to vector<128x1x128xf32>
    %squeeze3A_1041 = vector.shape_cast %slice3A_1040 : vector<128x1x128xf32> to vector<128x128xf32>
    %transpose3A_1042 = tpu.transpose %squeeze3A_1041, [1, 0] : vector<128x128xf32> -> vector<128x128xf32>
    %slice3A_1043 = vector.extract_strided_slice %transpose3A_1042 {offsets = [0, 0], sizes = [64, 128], strides = [1, 1]} : vector<128x128xf32> to vector<64x128xf32>
    %swap3A_1044 = arith.constant 122 : index
    %swap3A_1045 = arith.constant 0 : index
    %swap3A_1046 = arith.constant 0 : index
    %swap3A_1047 = vector.load %arg3[%swap3A_1044, %swap3A_1045, %swap3A_1046] : memref<200x64x128xf32, #tpu.memory_space<vmem>>, vector<1x64x128xf32>
    %swap3A_1048 = vector.shape_cast %swap3A_1047 : vector<1x64x128xf32> to vector<64x128xf32>
    %swap3A_1049 = vector.shape_cast %slice3A_1043 : vector<64x128xf32> to vector<1x64x128xf32>
    tpu.vector_store %arg3[%swap3A_1044, %swap3A_1045, %swap3A_1046], %swap3A_1049 {strides = array<i32>} : memref<200x64x128xf32, #tpu.memory_space<vmem>>, vector<1x64x128xf32>,
    %slice3A_1050 = vector.extract_strided_slice %transpose3A_1042 {offsets = [64, 0], sizes = [64, 128], strides = [1, 1]} : vector<128x128xf32> to vector<64x128xf32>
    %swap3A_1051 = arith.constant 123 : index
    %swap3A_1052 = arith.constant 0 : index
    %swap3A_1053 = arith.constant 0 : index
    %swap3A_1054 = vector.load %arg3[%swap3A_1051, %swap3A_1052, %swap3A_1053] : memref<200x64x128xf32, #tpu.memory_space<vmem>>, vector<1x64x128xf32>
    %swap3A_1055 = vector.shape_cast %swap3A_1054 : vector<1x64x128xf32> to vector<64x128xf32>
    %swap3A_1056 = vector.shape_cast %slice3A_1050 : vector<64x128xf32> to vector<1x64x128xf32>
    tpu.vector_store %arg3[%swap3A_1051, %swap3A_1052, %swap3A_1053], %swap3A_1056 {strides = array<i32>} : memref<200x64x128xf32, #tpu.memory_space<vmem>>, vector<1x64x128xf32>,
    %slice3A_1057 = vector.extract_strided_slice %add3A_6 {offsets = [0, 62, 0], sizes = [128, 1, 128], strides = [1, 1, 1]} : vector<128x100x128xf32> to vector<128x1x128xf32>
    %squeeze3A_1058 = vector.shape_cast %slice3A_1057 : vector<128x1x128xf32> to vector<128x128xf32>
    %transpose3A_1059 = tpu.transpose %squeeze3A_1058, [1, 0] : vector<128x128xf32> -> vector<128x128xf32>
    %slice3A_1060 = vector.extract_strided_slice %transpose3A_1059 {offsets = [0, 0], sizes = [64, 128], strides = [1, 1]} : vector<128x128xf32> to vector<64x128xf32>
    %swap3A_1061 = arith.constant 124 : index
    %swap3A_1062 = arith.constant 0 : index
    %swap3A_1063 = arith.constant 0 : index
    %swap3A_1064 = vector.load %arg3[%swap3A_1061, %swap3A_1062, %swap3A_1063] : memref<200x64x128xf32, #tpu.memory_space<vmem>>, vector<1x64x128xf32>
    %swap3A_1065 = vector.shape_cast %swap3A_1064 : vector<1x64x128xf32> to vector<64x128xf32>
    %swap3A_1066 = vector.shape_cast %slice3A_1060 : vector<64x128xf32> to vector<1x64x128xf32>
    tpu.vector_store %arg3[%swap3A_1061, %swap3A_1062, %swap3A_1063], %swap3A_1066 {strides = array<i32>} : memref<200x64x128xf32, #tpu.memory_space<vmem>>, vector<1x64x128xf32>,
    %slice3A_1067 = vector.extract_strided_slice %transpose3A_1059 {offsets = [64, 0], sizes = [64, 128], strides = [1, 1]} : vector<128x128xf32> to vector<64x128xf32>
    %swap3A_1068 = arith.constant 125 : index
    %swap3A_1069 = arith.constant 0 : index
    %swap3A_1070 = arith.constant 0 : index
    %swap3A_1071 = vector.load %arg3[%swap3A_1068, %swap3A_1069, %swap3A_1070] : memref<200x64x128xf32, #tpu.memory_space<vmem>>, vector<1x64x128xf32>
    %swap3A_1072 = vector.shape_cast %swap3A_1071 : vector<1x64x128xf32> to vector<64x128xf32>
    %swap3A_1073 = vector.shape_cast %slice3A_1067 : vector<64x128xf32> to vector<1x64x128xf32>
    tpu.vector_store %arg3[%swap3A_1068, %swap3A_1069, %swap3A_1070], %swap3A_1073 {strides = array<i32>} : memref<200x64x128xf32, #tpu.memory_space<vmem>>, vector<1x64x128xf32>,
    %slice3A_1074 = vector.extract_strided_slice %add3A_6 {offsets = [0, 63, 0], sizes = [128, 1, 128], strides = [1, 1, 1]} : vector<128x100x128xf32> to vector<128x1x128xf32>
    %squeeze3A_1075 = vector.shape_cast %slice3A_1074 : vector<128x1x128xf32> to vector<128x128xf32>
    %transpose3A_1076 = tpu.transpose %squeeze3A_1075, [1, 0] : vector<128x128xf32> -> vector<128x128xf32>
    %slice3A_1077 = vector.extract_strided_slice %transpose3A_1076 {offsets = [0, 0], sizes = [64, 128], strides = [1, 1]} : vector<128x128xf32> to vector<64x128xf32>
    %swap3A_1078 = arith.constant 126 : index
    %swap3A_1079 = arith.constant 0 : index
    %swap3A_1080 = arith.constant 0 : index
    %swap3A_1081 = vector.load %arg3[%swap3A_1078, %swap3A_1079, %swap3A_1080] : memref<200x64x128xf32, #tpu.memory_space<vmem>>, vector<1x64x128xf32>
    %swap3A_1082 = vector.shape_cast %swap3A_1081 : vector<1x64x128xf32> to vector<64x128xf32>
    %swap3A_1083 = vector.shape_cast %slice3A_1077 : vector<64x128xf32> to vector<1x64x128xf32>
    tpu.vector_store %arg3[%swap3A_1078, %swap3A_1079, %swap3A_1080], %swap3A_1083 {strides = array<i32>} : memref<200x64x128xf32, #tpu.memory_space<vmem>>, vector<1x64x128xf32>,
    %slice3A_1084 = vector.extract_strided_slice %transpose3A_1076 {offsets = [64, 0], sizes = [64, 128], strides = [1, 1]} : vector<128x128xf32> to vector<64x128xf32>
    %swap3A_1085 = arith.constant 127 : index
    %swap3A_1086 = arith.constant 0 : index
    %swap3A_1087 = arith.constant 0 : index
    %swap3A_1088 = vector.load %arg3[%swap3A_1085, %swap3A_1086, %swap3A_1087] : memref<200x64x128xf32, #tpu.memory_space<vmem>>, vector<1x64x128xf32>
    %swap3A_1089 = vector.shape_cast %swap3A_1088 : vector<1x64x128xf32> to vector<64x128xf32>
    %swap3A_1090 = vector.shape_cast %slice3A_1084 : vector<64x128xf32> to vector<1x64x128xf32>
    tpu.vector_store %arg3[%swap3A_1085, %swap3A_1086, %swap3A_1087], %swap3A_1090 {strides = array<i32>} : memref<200x64x128xf32, #tpu.memory_space<vmem>>, vector<1x64x128xf32>,
    %slice3A_1091 = vector.extract_strided_slice %add3A_6 {offsets = [0, 64, 0], sizes = [128, 1, 128], strides = [1, 1, 1]} : vector<128x100x128xf32> to vector<128x1x128xf32>
    %squeeze3A_1092 = vector.shape_cast %slice3A_1091 : vector<128x1x128xf32> to vector<128x128xf32>
    %transpose3A_1093 = tpu.transpose %squeeze3A_1092, [1, 0] : vector<128x128xf32> -> vector<128x128xf32>
    %slice3A_1094 = vector.extract_strided_slice %transpose3A_1093 {offsets = [0, 0], sizes = [64, 128], strides = [1, 1]} : vector<128x128xf32> to vector<64x128xf32>
    %swap3A_1095 = arith.constant 128 : index
    %swap3A_1096 = arith.constant 0 : index
    %swap3A_1097 = arith.constant 0 : index
    %swap3A_1098 = vector.load %arg3[%swap3A_1095, %swap3A_1096, %swap3A_1097] : memref<200x64x128xf32, #tpu.memory_space<vmem>>, vector<1x64x128xf32>
    %swap3A_1099 = vector.shape_cast %swap3A_1098 : vector<1x64x128xf32> to vector<64x128xf32>
    %swap3A_1100 = vector.shape_cast %slice3A_1094 : vector<64x128xf32> to vector<1x64x128xf32>
    tpu.vector_store %arg3[%swap3A_1095, %swap3A_1096, %swap3A_1097], %swap3A_1100 {strides = array<i32>} : memref<200x64x128xf32, #tpu.memory_space<vmem>>, vector<1x64x128xf32>,
    %slice3A_1101 = vector.extract_strided_slice %transpose3A_1093 {offsets = [64, 0], sizes = [64, 128], strides = [1, 1]} : vector<128x128xf32> to vector<64x128xf32>
    %swap3A_1102 = arith.constant 129 : index
    %swap3A_1103 = arith.constant 0 : index
    %swap3A_1104 = arith.constant 0 : index
    %swap3A_1105 = vector.load %arg3[%swap3A_1102, %swap3A_1103, %swap3A_1104] : memref<200x64x128xf32, #tpu.memory_space<vmem>>, vector<1x64x128xf32>
    %swap3A_1106 = vector.shape_cast %swap3A_1105 : vector<1x64x128xf32> to vector<64x128xf32>
    %swap3A_1107 = vector.shape_cast %slice3A_1101 : vector<64x128xf32> to vector<1x64x128xf32>
    tpu.vector_store %arg3[%swap3A_1102, %swap3A_1103, %swap3A_1104], %swap3A_1107 {strides = array<i32>} : memref<200x64x128xf32, #tpu.memory_space<vmem>>, vector<1x64x128xf32>,
    %slice3A_1108 = vector.extract_strided_slice %add3A_6 {offsets = [0, 65, 0], sizes = [128, 1, 128], strides = [1, 1, 1]} : vector<128x100x128xf32> to vector<128x1x128xf32>
    %squeeze3A_1109 = vector.shape_cast %slice3A_1108 : vector<128x1x128xf32> to vector<128x128xf32>
    %transpose3A_1110 = tpu.transpose %squeeze3A_1109, [1, 0] : vector<128x128xf32> -> vector<128x128xf32>
    %slice3A_1111 = vector.extract_strided_slice %transpose3A_1110 {offsets = [0, 0], sizes = [64, 128], strides = [1, 1]} : vector<128x128xf32> to vector<64x128xf32>
    %swap3A_1112 = arith.constant 130 : index
    %swap3A_1113 = arith.constant 0 : index
    %swap3A_1114 = arith.constant 0 : index
    %swap3A_1115 = vector.load %arg3[%swap3A_1112, %swap3A_1113, %swap3A_1114] : memref<200x64x128xf32, #tpu.memory_space<vmem>>, vector<1x64x128xf32>
    %swap3A_1116 = vector.shape_cast %swap3A_1115 : vector<1x64x128xf32> to vector<64x128xf32>
    %swap3A_1117 = vector.shape_cast %slice3A_1111 : vector<64x128xf32> to vector<1x64x128xf32>
    tpu.vector_store %arg3[%swap3A_1112, %swap3A_1113, %swap3A_1114], %swap3A_1117 {strides = array<i32>} : memref<200x64x128xf32, #tpu.memory_space<vmem>>, vector<1x64x128xf32>,
    %slice3A_1118 = vector.extract_strided_slice %transpose3A_1110 {offsets = [64, 0], sizes = [64, 128], strides = [1, 1]} : vector<128x128xf32> to vector<64x128xf32>
    %swap3A_1119 = arith.constant 131 : index
    %swap3A_1120 = arith.constant 0 : index
    %swap3A_1121 = arith.constant 0 : index
    %swap3A_1122 = vector.load %arg3[%swap3A_1119, %swap3A_1120, %swap3A_1121] : memref<200x64x128xf32, #tpu.memory_space<vmem>>, vector<1x64x128xf32>
    %swap3A_1123 = vector.shape_cast %swap3A_1122 : vector<1x64x128xf32> to vector<64x128xf32>
    %swap3A_1124 = vector.shape_cast %slice3A_1118 : vector<64x128xf32> to vector<1x64x128xf32>
    tpu.vector_store %arg3[%swap3A_1119, %swap3A_1120, %swap3A_1121], %swap3A_1124 {strides = array<i32>} : memref<200x64x128xf32, #tpu.memory_space<vmem>>, vector<1x64x128xf32>,
    %slice3A_1125 = vector.extract_strided_slice %add3A_6 {offsets = [0, 66, 0], sizes = [128, 1, 128], strides = [1, 1, 1]} : vector<128x100x128xf32> to vector<128x1x128xf32>
    %squeeze3A_1126 = vector.shape_cast %slice3A_1125 : vector<128x1x128xf32> to vector<128x128xf32>
    %transpose3A_1127 = tpu.transpose %squeeze3A_1126, [1, 0] : vector<128x128xf32> -> vector<128x128xf32>
    %slice3A_1128 = vector.extract_strided_slice %transpose3A_1127 {offsets = [0, 0], sizes = [64, 128], strides = [1, 1]} : vector<128x128xf32> to vector<64x128xf32>
    %swap3A_1129 = arith.constant 132 : index
    %swap3A_1130 = arith.constant 0 : index
    %swap3A_1131 = arith.constant 0 : index
    %swap3A_1132 = vector.load %arg3[%swap3A_1129, %swap3A_1130, %swap3A_1131] : memref<200x64x128xf32, #tpu.memory_space<vmem>>, vector<1x64x128xf32>
    %swap3A_1133 = vector.shape_cast %swap3A_1132 : vector<1x64x128xf32> to vector<64x128xf32>
    %swap3A_1134 = vector.shape_cast %slice3A_1128 : vector<64x128xf32> to vector<1x64x128xf32>
    tpu.vector_store %arg3[%swap3A_1129, %swap3A_1130, %swap3A_1131], %swap3A_1134 {strides = array<i32>} : memref<200x64x128xf32, #tpu.memory_space<vmem>>, vector<1x64x128xf32>,
    %slice3A_1135 = vector.extract_strided_slice %transpose3A_1127 {offsets = [64, 0], sizes = [64, 128], strides = [1, 1]} : vector<128x128xf32> to vector<64x128xf32>
    %swap3A_1136 = arith.constant 133 : index
    %swap3A_1137 = arith.constant 0 : index
    %swap3A_1138 = arith.constant 0 : index
    %swap3A_1139 = vector.load %arg3[%swap3A_1136, %swap3A_1137, %swap3A_1138] : memref<200x64x128xf32, #tpu.memory_space<vmem>>, vector<1x64x128xf32>
    %swap3A_1140 = vector.shape_cast %swap3A_1139 : vector<1x64x128xf32> to vector<64x128xf32>
    %swap3A_1141 = vector.shape_cast %slice3A_1135 : vector<64x128xf32> to vector<1x64x128xf32>
    tpu.vector_store %arg3[%swap3A_1136, %swap3A_1137, %swap3A_1138], %swap3A_1141 {strides = array<i32>} : memref<200x64x128xf32, #tpu.memory_space<vmem>>, vector<1x64x128xf32>,
    %slice3A_1142 = vector.extract_strided_slice %add3A_6 {offsets = [0, 67, 0], sizes = [128, 1, 128], strides = [1, 1, 1]} : vector<128x100x128xf32> to vector<128x1x128xf32>
    %squeeze3A_1143 = vector.shape_cast %slice3A_1142 : vector<128x1x128xf32> to vector<128x128xf32>
    %transpose3A_1144 = tpu.transpose %squeeze3A_1143, [1, 0] : vector<128x128xf32> -> vector<128x128xf32>
    %slice3A_1145 = vector.extract_strided_slice %transpose3A_1144 {offsets = [0, 0], sizes = [64, 128], strides = [1, 1]} : vector<128x128xf32> to vector<64x128xf32>
    %swap3A_1146 = arith.constant 134 : index
    %swap3A_1147 = arith.constant 0 : index
    %swap3A_1148 = arith.constant 0 : index
    %swap3A_1149 = vector.load %arg3[%swap3A_1146, %swap3A_1147, %swap3A_1148] : memref<200x64x128xf32, #tpu.memory_space<vmem>>, vector<1x64x128xf32>
    %swap3A_1150 = vector.shape_cast %swap3A_1149 : vector<1x64x128xf32> to vector<64x128xf32>
    %swap3A_1151 = vector.shape_cast %slice3A_1145 : vector<64x128xf32> to vector<1x64x128xf32>
    tpu.vector_store %arg3[%swap3A_1146, %swap3A_1147, %swap3A_1148], %swap3A_1151 {strides = array<i32>} : memref<200x64x128xf32, #tpu.memory_space<vmem>>, vector<1x64x128xf32>,
    %slice3A_1152 = vector.extract_strided_slice %transpose3A_1144 {offsets = [64, 0], sizes = [64, 128], strides = [1, 1]} : vector<128x128xf32> to vector<64x128xf32>
    %swap3A_1153 = arith.constant 135 : index
    %swap3A_1154 = arith.constant 0 : index
    %swap3A_1155 = arith.constant 0 : index
    %swap3A_1156 = vector.load %arg3[%swap3A_1153, %swap3A_1154, %swap3A_1155] : memref<200x64x128xf32, #tpu.memory_space<vmem>>, vector<1x64x128xf32>
    %swap3A_1157 = vector.shape_cast %swap3A_1156 : vector<1x64x128xf32> to vector<64x128xf32>
    %swap3A_1158 = vector.shape_cast %slice3A_1152 : vector<64x128xf32> to vector<1x64x128xf32>
    tpu.vector_store %arg3[%swap3A_1153, %swap3A_1154, %swap3A_1155], %swap3A_1158 {strides = array<i32>} : memref<200x64x128xf32, #tpu.memory_space<vmem>>, vector<1x64x128xf32>,
    %slice3A_1159 = vector.extract_strided_slice %add3A_6 {offsets = [0, 68, 0], sizes = [128, 1, 128], strides = [1, 1, 1]} : vector<128x100x128xf32> to vector<128x1x128xf32>
    %squeeze3A_1160 = vector.shape_cast %slice3A_1159 : vector<128x1x128xf32> to vector<128x128xf32>
    %transpose3A_1161 = tpu.transpose %squeeze3A_1160, [1, 0] : vector<128x128xf32> -> vector<128x128xf32>
    %slice3A_1162 = vector.extract_strided_slice %transpose3A_1161 {offsets = [0, 0], sizes = [64, 128], strides = [1, 1]} : vector<128x128xf32> to vector<64x128xf32>
    %swap3A_1163 = arith.constant 136 : index
    %swap3A_1164 = arith.constant 0 : index
    %swap3A_1165 = arith.constant 0 : index
    %swap3A_1166 = vector.load %arg3[%swap3A_1163, %swap3A_1164, %swap3A_1165] : memref<200x64x128xf32, #tpu.memory_space<vmem>>, vector<1x64x128xf32>
    %swap3A_1167 = vector.shape_cast %swap3A_1166 : vector<1x64x128xf32> to vector<64x128xf32>
    %swap3A_1168 = vector.shape_cast %slice3A_1162 : vector<64x128xf32> to vector<1x64x128xf32>
    tpu.vector_store %arg3[%swap3A_1163, %swap3A_1164, %swap3A_1165], %swap3A_1168 {strides = array<i32>} : memref<200x64x128xf32, #tpu.memory_space<vmem>>, vector<1x64x128xf32>,
    %slice3A_1169 = vector.extract_strided_slice %transpose3A_1161 {offsets = [64, 0], sizes = [64, 128], strides = [1, 1]} : vector<128x128xf32> to vector<64x128xf32>
    %swap3A_1170 = arith.constant 137 : index
    %swap3A_1171 = arith.constant 0 : index
    %swap3A_1172 = arith.constant 0 : index
    %swap3A_1173 = vector.load %arg3[%swap3A_1170, %swap3A_1171, %swap3A_1172] : memref<200x64x128xf32, #tpu.memory_space<vmem>>, vector<1x64x128xf32>
    %swap3A_1174 = vector.shape_cast %swap3A_1173 : vector<1x64x128xf32> to vector<64x128xf32>
    %swap3A_1175 = vector.shape_cast %slice3A_1169 : vector<64x128xf32> to vector<1x64x128xf32>
    tpu.vector_store %arg3[%swap3A_1170, %swap3A_1171, %swap3A_1172], %swap3A_1175 {strides = array<i32>} : memref<200x64x128xf32, #tpu.memory_space<vmem>>, vector<1x64x128xf32>,
    %slice3A_1176 = vector.extract_strided_slice %add3A_6 {offsets = [0, 69, 0], sizes = [128, 1, 128], strides = [1, 1, 1]} : vector<128x100x128xf32> to vector<128x1x128xf32>
    %squeeze3A_1177 = vector.shape_cast %slice3A_1176 : vector<128x1x128xf32> to vector<128x128xf32>
    %transpose3A_1178 = tpu.transpose %squeeze3A_1177, [1, 0] : vector<128x128xf32> -> vector<128x128xf32>
    %slice3A_1179 = vector.extract_strided_slice %transpose3A_1178 {offsets = [0, 0], sizes = [64, 128], strides = [1, 1]} : vector<128x128xf32> to vector<64x128xf32>
    %swap3A_1180 = arith.constant 138 : index
    %swap3A_1181 = arith.constant 0 : index
    %swap3A_1182 = arith.constant 0 : index
    %swap3A_1183 = vector.load %arg3[%swap3A_1180, %swap3A_1181, %swap3A_1182] : memref<200x64x128xf32, #tpu.memory_space<vmem>>, vector<1x64x128xf32>
    %swap3A_1184 = vector.shape_cast %swap3A_1183 : vector<1x64x128xf32> to vector<64x128xf32>
    %swap3A_1185 = vector.shape_cast %slice3A_1179 : vector<64x128xf32> to vector<1x64x128xf32>
    tpu.vector_store %arg3[%swap3A_1180, %swap3A_1181, %swap3A_1182], %swap3A_1185 {strides = array<i32>} : memref<200x64x128xf32, #tpu.memory_space<vmem>>, vector<1x64x128xf32>,
    %slice3A_1186 = vector.extract_strided_slice %transpose3A_1178 {offsets = [64, 0], sizes = [64, 128], strides = [1, 1]} : vector<128x128xf32> to vector<64x128xf32>
    %swap3A_1187 = arith.constant 139 : index
    %swap3A_1188 = arith.constant 0 : index
    %swap3A_1189 = arith.constant 0 : index
    %swap3A_1190 = vector.load %arg3[%swap3A_1187, %swap3A_1188, %swap3A_1189] : memref<200x64x128xf32, #tpu.memory_space<vmem>>, vector<1x64x128xf32>
    %swap3A_1191 = vector.shape_cast %swap3A_1190 : vector<1x64x128xf32> to vector<64x128xf32>
    %swap3A_1192 = vector.shape_cast %slice3A_1186 : vector<64x128xf32> to vector<1x64x128xf32>
    tpu.vector_store %arg3[%swap3A_1187, %swap3A_1188, %swap3A_1189], %swap3A_1192 {strides = array<i32>} : memref<200x64x128xf32, #tpu.memory_space<vmem>>, vector<1x64x128xf32>,
    %slice3A_1193 = vector.extract_strided_slice %add3A_6 {offsets = [0, 70, 0], sizes = [128, 1, 128], strides = [1, 1, 1]} : vector<128x100x128xf32> to vector<128x1x128xf32>
    %squeeze3A_1194 = vector.shape_cast %slice3A_1193 : vector<128x1x128xf32> to vector<128x128xf32>
    %transpose3A_1195 = tpu.transpose %squeeze3A_1194, [1, 0] : vector<128x128xf32> -> vector<128x128xf32>
    %slice3A_1196 = vector.extract_strided_slice %transpose3A_1195 {offsets = [0, 0], sizes = [64, 128], strides = [1, 1]} : vector<128x128xf32> to vector<64x128xf32>
    %swap3A_1197 = arith.constant 140 : index
    %swap3A_1198 = arith.constant 0 : index
    %swap3A_1199 = arith.constant 0 : index
    %swap3A_1200 = vector.load %arg3[%swap3A_1197, %swap3A_1198, %swap3A_1199] : memref<200x64x128xf32, #tpu.memory_space<vmem>>, vector<1x64x128xf32>
    %swap3A_1201 = vector.shape_cast %swap3A_1200 : vector<1x64x128xf32> to vector<64x128xf32>
    %swap3A_1202 = vector.shape_cast %slice3A_1196 : vector<64x128xf32> to vector<1x64x128xf32>
    tpu.vector_store %arg3[%swap3A_1197, %swap3A_1198, %swap3A_1199], %swap3A_1202 {strides = array<i32>} : memref<200x64x128xf32, #tpu.memory_space<vmem>>, vector<1x64x128xf32>,
    %slice3A_1203 = vector.extract_strided_slice %transpose3A_1195 {offsets = [64, 0], sizes = [64, 128], strides = [1, 1]} : vector<128x128xf32> to vector<64x128xf32>
    %swap3A_1204 = arith.constant 141 : index
    %swap3A_1205 = arith.constant 0 : index
    %swap3A_1206 = arith.constant 0 : index
    %swap3A_1207 = vector.load %arg3[%swap3A_1204, %swap3A_1205, %swap3A_1206] : memref<200x64x128xf32, #tpu.memory_space<vmem>>, vector<1x64x128xf32>
    %swap3A_1208 = vector.shape_cast %swap3A_1207 : vector<1x64x128xf32> to vector<64x128xf32>
    %swap3A_1209 = vector.shape_cast %slice3A_1203 : vector<64x128xf32> to vector<1x64x128xf32>
    tpu.vector_store %arg3[%swap3A_1204, %swap3A_1205, %swap3A_1206], %swap3A_1209 {strides = array<i32>} : memref<200x64x128xf32, #tpu.memory_space<vmem>>, vector<1x64x128xf32>,
    %slice3A_1210 = vector.extract_strided_slice %add3A_6 {offsets = [0, 71, 0], sizes = [128, 1, 128], strides = [1, 1, 1]} : vector<128x100x128xf32> to vector<128x1x128xf32>
    %squeeze3A_1211 = vector.shape_cast %slice3A_1210 : vector<128x1x128xf32> to vector<128x128xf32>
    %transpose3A_1212 = tpu.transpose %squeeze3A_1211, [1, 0] : vector<128x128xf32> -> vector<128x128xf32>
    %slice3A_1213 = vector.extract_strided_slice %transpose3A_1212 {offsets = [0, 0], sizes = [64, 128], strides = [1, 1]} : vector<128x128xf32> to vector<64x128xf32>
    %swap3A_1214 = arith.constant 142 : index
    %swap3A_1215 = arith.constant 0 : index
    %swap3A_1216 = arith.constant 0 : index
    %swap3A_1217 = vector.load %arg3[%swap3A_1214, %swap3A_1215, %swap3A_1216] : memref<200x64x128xf32, #tpu.memory_space<vmem>>, vector<1x64x128xf32>
    %swap3A_1218 = vector.shape_cast %swap3A_1217 : vector<1x64x128xf32> to vector<64x128xf32>
    %swap3A_1219 = vector.shape_cast %slice3A_1213 : vector<64x128xf32> to vector<1x64x128xf32>
    tpu.vector_store %arg3[%swap3A_1214, %swap3A_1215, %swap3A_1216], %swap3A_1219 {strides = array<i32>} : memref<200x64x128xf32, #tpu.memory_space<vmem>>, vector<1x64x128xf32>,
    %slice3A_1220 = vector.extract_strided_slice %transpose3A_1212 {offsets = [64, 0], sizes = [64, 128], strides = [1, 1]} : vector<128x128xf32> to vector<64x128xf32>
    %swap3A_1221 = arith.constant 143 : index
    %swap3A_1222 = arith.constant 0 : index
    %swap3A_1223 = arith.constant 0 : index
    %swap3A_1224 = vector.load %arg3[%swap3A_1221, %swap3A_1222, %swap3A_1223] : memref<200x64x128xf32, #tpu.memory_space<vmem>>, vector<1x64x128xf32>
    %swap3A_1225 = vector.shape_cast %swap3A_1224 : vector<1x64x128xf32> to vector<64x128xf32>
    %swap3A_1226 = vector.shape_cast %slice3A_1220 : vector<64x128xf32> to vector<1x64x128xf32>
    tpu.vector_store %arg3[%swap3A_1221, %swap3A_1222, %swap3A_1223], %swap3A_1226 {strides = array<i32>} : memref<200x64x128xf32, #tpu.memory_space<vmem>>, vector<1x64x128xf32>,
    %slice3A_1227 = vector.extract_strided_slice %add3A_6 {offsets = [0, 72, 0], sizes = [128, 1, 128], strides = [1, 1, 1]} : vector<128x100x128xf32> to vector<128x1x128xf32>
    %squeeze3A_1228 = vector.shape_cast %slice3A_1227 : vector<128x1x128xf32> to vector<128x128xf32>
    %transpose3A_1229 = tpu.transpose %squeeze3A_1228, [1, 0] : vector<128x128xf32> -> vector<128x128xf32>
    %slice3A_1230 = vector.extract_strided_slice %transpose3A_1229 {offsets = [0, 0], sizes = [64, 128], strides = [1, 1]} : vector<128x128xf32> to vector<64x128xf32>
    %swap3A_1231 = arith.constant 144 : index
    %swap3A_1232 = arith.constant 0 : index
    %swap3A_1233 = arith.constant 0 : index
    %swap3A_1234 = vector.load %arg3[%swap3A_1231, %swap3A_1232, %swap3A_1233] : memref<200x64x128xf32, #tpu.memory_space<vmem>>, vector<1x64x128xf32>
    %swap3A_1235 = vector.shape_cast %swap3A_1234 : vector<1x64x128xf32> to vector<64x128xf32>
    %swap3A_1236 = vector.shape_cast %slice3A_1230 : vector<64x128xf32> to vector<1x64x128xf32>
    tpu.vector_store %arg3[%swap3A_1231, %swap3A_1232, %swap3A_1233], %swap3A_1236 {strides = array<i32>} : memref<200x64x128xf32, #tpu.memory_space<vmem>>, vector<1x64x128xf32>,
    %slice3A_1237 = vector.extract_strided_slice %transpose3A_1229 {offsets = [64, 0], sizes = [64, 128], strides = [1, 1]} : vector<128x128xf32> to vector<64x128xf32>
    %swap3A_1238 = arith.constant 145 : index
    %swap3A_1239 = arith.constant 0 : index
    %swap3A_1240 = arith.constant 0 : index
    %swap3A_1241 = vector.load %arg3[%swap3A_1238, %swap3A_1239, %swap3A_1240] : memref<200x64x128xf32, #tpu.memory_space<vmem>>, vector<1x64x128xf32>
    %swap3A_1242 = vector.shape_cast %swap3A_1241 : vector<1x64x128xf32> to vector<64x128xf32>
    %swap3A_1243 = vector.shape_cast %slice3A_1237 : vector<64x128xf32> to vector<1x64x128xf32>
    tpu.vector_store %arg3[%swap3A_1238, %swap3A_1239, %swap3A_1240], %swap3A_1243 {strides = array<i32>} : memref<200x64x128xf32, #tpu.memory_space<vmem>>, vector<1x64x128xf32>,
    %slice3A_1244 = vector.extract_strided_slice %add3A_6 {offsets = [0, 73, 0], sizes = [128, 1, 128], strides = [1, 1, 1]} : vector<128x100x128xf32> to vector<128x1x128xf32>
    %squeeze3A_1245 = vector.shape_cast %slice3A_1244 : vector<128x1x128xf32> to vector<128x128xf32>
    %transpose3A_1246 = tpu.transpose %squeeze3A_1245, [1, 0] : vector<128x128xf32> -> vector<128x128xf32>
    %slice3A_1247 = vector.extract_strided_slice %transpose3A_1246 {offsets = [0, 0], sizes = [64, 128], strides = [1, 1]} : vector<128x128xf32> to vector<64x128xf32>
    %swap3A_1248 = arith.constant 146 : index
    %swap3A_1249 = arith.constant 0 : index
    %swap3A_1250 = arith.constant 0 : index
    %swap3A_1251 = vector.load %arg3[%swap3A_1248, %swap3A_1249, %swap3A_1250] : memref<200x64x128xf32, #tpu.memory_space<vmem>>, vector<1x64x128xf32>
    %swap3A_1252 = vector.shape_cast %swap3A_1251 : vector<1x64x128xf32> to vector<64x128xf32>
    %swap3A_1253 = vector.shape_cast %slice3A_1247 : vector<64x128xf32> to vector<1x64x128xf32>
    tpu.vector_store %arg3[%swap3A_1248, %swap3A_1249, %swap3A_1250], %swap3A_1253 {strides = array<i32>} : memref<200x64x128xf32, #tpu.memory_space<vmem>>, vector<1x64x128xf32>,
    %slice3A_1254 = vector.extract_strided_slice %transpose3A_1246 {offsets = [64, 0], sizes = [64, 128], strides = [1, 1]} : vector<128x128xf32> to vector<64x128xf32>
    %swap3A_1255 = arith.constant 147 : index
    %swap3A_1256 = arith.constant 0 : index
    %swap3A_1257 = arith.constant 0 : index
    %swap3A_1258 = vector.load %arg3[%swap3A_1255, %swap3A_1256, %swap3A_1257] : memref<200x64x128xf32, #tpu.memory_space<vmem>>, vector<1x64x128xf32>
    %swap3A_1259 = vector.shape_cast %swap3A_1258 : vector<1x64x128xf32> to vector<64x128xf32>
    %swap3A_1260 = vector.shape_cast %slice3A_1254 : vector<64x128xf32> to vector<1x64x128xf32>
    tpu.vector_store %arg3[%swap3A_1255, %swap3A_1256, %swap3A_1257], %swap3A_1260 {strides = array<i32>} : memref<200x64x128xf32, #tpu.memory_space<vmem>>, vector<1x64x128xf32>,
    %slice3A_1261 = vector.extract_strided_slice %add3A_6 {offsets = [0, 74, 0], sizes = [128, 1, 128], strides = [1, 1, 1]} : vector<128x100x128xf32> to vector<128x1x128xf32>
    %squeeze3A_1262 = vector.shape_cast %slice3A_1261 : vector<128x1x128xf32> to vector<128x128xf32>
    %transpose3A_1263 = tpu.transpose %squeeze3A_1262, [1, 0] : vector<128x128xf32> -> vector<128x128xf32>
    %slice3A_1264 = vector.extract_strided_slice %transpose3A_1263 {offsets = [0, 0], sizes = [64, 128], strides = [1, 1]} : vector<128x128xf32> to vector<64x128xf32>
    %swap3A_1265 = arith.constant 148 : index
    %swap3A_1266 = arith.constant 0 : index
    %swap3A_1267 = arith.constant 0 : index
    %swap3A_1268 = vector.load %arg3[%swap3A_1265, %swap3A_1266, %swap3A_1267] : memref<200x64x128xf32, #tpu.memory_space<vmem>>, vector<1x64x128xf32>
    %swap3A_1269 = vector.shape_cast %swap3A_1268 : vector<1x64x128xf32> to vector<64x128xf32>
    %swap3A_1270 = vector.shape_cast %slice3A_1264 : vector<64x128xf32> to vector<1x64x128xf32>
    tpu.vector_store %arg3[%swap3A_1265, %swap3A_1266, %swap3A_1267], %swap3A_1270 {strides = array<i32>} : memref<200x64x128xf32, #tpu.memory_space<vmem>>, vector<1x64x128xf32>,
    %slice3A_1271 = vector.extract_strided_slice %transpose3A_1263 {offsets = [64, 0], sizes = [64, 128], strides = [1, 1]} : vector<128x128xf32> to vector<64x128xf32>
    %swap3A_1272 = arith.constant 149 : index
    %swap3A_1273 = arith.constant 0 : index
    %swap3A_1274 = arith.constant 0 : index
    %swap3A_1275 = vector.load %arg3[%swap3A_1272, %swap3A_1273, %swap3A_1274] : memref<200x64x128xf32, #tpu.memory_space<vmem>>, vector<1x64x128xf32>
    %swap3A_1276 = vector.shape_cast %swap3A_1275 : vector<1x64x128xf32> to vector<64x128xf32>
    %swap3A_1277 = vector.shape_cast %slice3A_1271 : vector<64x128xf32> to vector<1x64x128xf32>
    tpu.vector_store %arg3[%swap3A_1272, %swap3A_1273, %swap3A_1274], %swap3A_1277 {strides = array<i32>} : memref<200x64x128xf32, #tpu.memory_space<vmem>>, vector<1x64x128xf32>,
    %slice3A_1278 = vector.extract_strided_slice %add3A_6 {offsets = [0, 75, 0], sizes = [128, 1, 128], strides = [1, 1, 1]} : vector<128x100x128xf32> to vector<128x1x128xf32>
    %squeeze3A_1279 = vector.shape_cast %slice3A_1278 : vector<128x1x128xf32> to vector<128x128xf32>
    %transpose3A_1280 = tpu.transpose %squeeze3A_1279, [1, 0] : vector<128x128xf32> -> vector<128x128xf32>
    %slice3A_1281 = vector.extract_strided_slice %transpose3A_1280 {offsets = [0, 0], sizes = [64, 128], strides = [1, 1]} : vector<128x128xf32> to vector<64x128xf32>
    %swap3A_1282 = arith.constant 150 : index
    %swap3A_1283 = arith.constant 0 : index
    %swap3A_1284 = arith.constant 0 : index
    %swap3A_1285 = vector.load %arg3[%swap3A_1282, %swap3A_1283, %swap3A_1284] : memref<200x64x128xf32, #tpu.memory_space<vmem>>, vector<1x64x128xf32>
    %swap3A_1286 = vector.shape_cast %swap3A_1285 : vector<1x64x128xf32> to vector<64x128xf32>
    %swap3A_1287 = vector.shape_cast %slice3A_1281 : vector<64x128xf32> to vector<1x64x128xf32>
    tpu.vector_store %arg3[%swap3A_1282, %swap3A_1283, %swap3A_1284], %swap3A_1287 {strides = array<i32>} : memref<200x64x128xf32, #tpu.memory_space<vmem>>, vector<1x64x128xf32>,
    %slice3A_1288 = vector.extract_strided_slice %transpose3A_1280 {offsets = [64, 0], sizes = [64, 128], strides = [1, 1]} : vector<128x128xf32> to vector<64x128xf32>
    %swap3A_1289 = arith.constant 151 : index
    %swap3A_1290 = arith.constant 0 : index
    %swap3A_1291 = arith.constant 0 : index
    %swap3A_1292 = vector.load %arg3[%swap3A_1289, %swap3A_1290, %swap3A_1291] : memref<200x64x128xf32, #tpu.memory_space<vmem>>, vector<1x64x128xf32>
    %swap3A_1293 = vector.shape_cast %swap3A_1292 : vector<1x64x128xf32> to vector<64x128xf32>
    %swap3A_1294 = vector.shape_cast %slice3A_1288 : vector<64x128xf32> to vector<1x64x128xf32>
    tpu.vector_store %arg3[%swap3A_1289, %swap3A_1290, %swap3A_1291], %swap3A_1294 {strides = array<i32>} : memref<200x64x128xf32, #tpu.memory_space<vmem>>, vector<1x64x128xf32>,
    %slice3A_1295 = vector.extract_strided_slice %add3A_6 {offsets = [0, 76, 0], sizes = [128, 1, 128], strides = [1, 1, 1]} : vector<128x100x128xf32> to vector<128x1x128xf32>
    %squeeze3A_1296 = vector.shape_cast %slice3A_1295 : vector<128x1x128xf32> to vector<128x128xf32>
    %transpose3A_1297 = tpu.transpose %squeeze3A_1296, [1, 0] : vector<128x128xf32> -> vector<128x128xf32>
    %slice3A_1298 = vector.extract_strided_slice %transpose3A_1297 {offsets = [0, 0], sizes = [64, 128], strides = [1, 1]} : vector<128x128xf32> to vector<64x128xf32>
    %swap3A_1299 = arith.constant 152 : index
    %swap3A_1300 = arith.constant 0 : index
    %swap3A_1301 = arith.constant 0 : index
    %swap3A_1302 = vector.load %arg3[%swap3A_1299, %swap3A_1300, %swap3A_1301] : memref<200x64x128xf32, #tpu.memory_space<vmem>>, vector<1x64x128xf32>
    %swap3A_1303 = vector.shape_cast %swap3A_1302 : vector<1x64x128xf32> to vector<64x128xf32>
    %swap3A_1304 = vector.shape_cast %slice3A_1298 : vector<64x128xf32> to vector<1x64x128xf32>
    tpu.vector_store %arg3[%swap3A_1299, %swap3A_1300, %swap3A_1301], %swap3A_1304 {strides = array<i32>} : memref<200x64x128xf32, #tpu.memory_space<vmem>>, vector<1x64x128xf32>,
    %slice3A_1305 = vector.extract_strided_slice %transpose3A_1297 {offsets = [64, 0], sizes = [64, 128], strides = [1, 1]} : vector<128x128xf32> to vector<64x128xf32>
    %swap3A_1306 = arith.constant 153 : index
    %swap3A_1307 = arith.constant 0 : index
    %swap3A_1308 = arith.constant 0 : index
    %swap3A_1309 = vector.load %arg3[%swap3A_1306, %swap3A_1307, %swap3A_1308] : memref<200x64x128xf32, #tpu.memory_space<vmem>>, vector<1x64x128xf32>
    %swap3A_1310 = vector.shape_cast %swap3A_1309 : vector<1x64x128xf32> to vector<64x128xf32>
    %swap3A_1311 = vector.shape_cast %slice3A_1305 : vector<64x128xf32> to vector<1x64x128xf32>
    tpu.vector_store %arg3[%swap3A_1306, %swap3A_1307, %swap3A_1308], %swap3A_1311 {strides = array<i32>} : memref<200x64x128xf32, #tpu.memory_space<vmem>>, vector<1x64x128xf32>,
    %slice3A_1312 = vector.extract_strided_slice %add3A_6 {offsets = [0, 77, 0], sizes = [128, 1, 128], strides = [1, 1, 1]} : vector<128x100x128xf32> to vector<128x1x128xf32>
    %squeeze3A_1313 = vector.shape_cast %slice3A_1312 : vector<128x1x128xf32> to vector<128x128xf32>
    %transpose3A_1314 = tpu.transpose %squeeze3A_1313, [1, 0] : vector<128x128xf32> -> vector<128x128xf32>
    %slice3A_1315 = vector.extract_strided_slice %transpose3A_1314 {offsets = [0, 0], sizes = [64, 128], strides = [1, 1]} : vector<128x128xf32> to vector<64x128xf32>
    %swap3A_1316 = arith.constant 154 : index
    %swap3A_1317 = arith.constant 0 : index
    %swap3A_1318 = arith.constant 0 : index
    %swap3A_1319 = vector.load %arg3[%swap3A_1316, %swap3A_1317, %swap3A_1318] : memref<200x64x128xf32, #tpu.memory_space<vmem>>, vector<1x64x128xf32>
    %swap3A_1320 = vector.shape_cast %swap3A_1319 : vector<1x64x128xf32> to vector<64x128xf32>
    %swap3A_1321 = vector.shape_cast %slice3A_1315 : vector<64x128xf32> to vector<1x64x128xf32>
    tpu.vector_store %arg3[%swap3A_1316, %swap3A_1317, %swap3A_1318], %swap3A_1321 {strides = array<i32>} : memref<200x64x128xf32, #tpu.memory_space<vmem>>, vector<1x64x128xf32>,
    %slice3A_1322 = vector.extract_strided_slice %transpose3A_1314 {offsets = [64, 0], sizes = [64, 128], strides = [1, 1]} : vector<128x128xf32> to vector<64x128xf32>
    %swap3A_1323 = arith.constant 155 : index
    %swap3A_1324 = arith.constant 0 : index
    %swap3A_1325 = arith.constant 0 : index
    %swap3A_1326 = vector.load %arg3[%swap3A_1323, %swap3A_1324, %swap3A_1325] : memref<200x64x128xf32, #tpu.memory_space<vmem>>, vector<1x64x128xf32>
    %swap3A_1327 = vector.shape_cast %swap3A_1326 : vector<1x64x128xf32> to vector<64x128xf32>
    %swap3A_1328 = vector.shape_cast %slice3A_1322 : vector<64x128xf32> to vector<1x64x128xf32>
    tpu.vector_store %arg3[%swap3A_1323, %swap3A_1324, %swap3A_1325], %swap3A_1328 {strides = array<i32>} : memref<200x64x128xf32, #tpu.memory_space<vmem>>, vector<1x64x128xf32>,
    %slice3A_1329 = vector.extract_strided_slice %add3A_6 {offsets = [0, 78, 0], sizes = [128, 1, 128], strides = [1, 1, 1]} : vector<128x100x128xf32> to vector<128x1x128xf32>
    %squeeze3A_1330 = vector.shape_cast %slice3A_1329 : vector<128x1x128xf32> to vector<128x128xf32>
    %transpose3A_1331 = tpu.transpose %squeeze3A_1330, [1, 0] : vector<128x128xf32> -> vector<128x128xf32>
    %slice3A_1332 = vector.extract_strided_slice %transpose3A_1331 {offsets = [0, 0], sizes = [64, 128], strides = [1, 1]} : vector<128x128xf32> to vector<64x128xf32>
    %swap3A_1333 = arith.constant 156 : index
    %swap3A_1334 = arith.constant 0 : index
    %swap3A_1335 = arith.constant 0 : index
    %swap3A_1336 = vector.load %arg3[%swap3A_1333, %swap3A_1334, %swap3A_1335] : memref<200x64x128xf32, #tpu.memory_space<vmem>>, vector<1x64x128xf32>
    %swap3A_1337 = vector.shape_cast %swap3A_1336 : vector<1x64x128xf32> to vector<64x128xf32>
    %swap3A_1338 = vector.shape_cast %slice3A_1332 : vector<64x128xf32> to vector<1x64x128xf32>
    tpu.vector_store %arg3[%swap3A_1333, %swap3A_1334, %swap3A_1335], %swap3A_1338 {strides = array<i32>} : memref<200x64x128xf32, #tpu.memory_space<vmem>>, vector<1x64x128xf32>,
    %slice3A_1339 = vector.extract_strided_slice %transpose3A_1331 {offsets = [64, 0], sizes = [64, 128], strides = [1, 1]} : vector<128x128xf32> to vector<64x128xf32>
    %swap3A_1340 = arith.constant 157 : index
    %swap3A_1341 = arith.constant 0 : index
    %swap3A_1342 = arith.constant 0 : index
    %swap3A_1343 = vector.load %arg3[%swap3A_1340, %swap3A_1341, %swap3A_1342] : memref<200x64x128xf32, #tpu.memory_space<vmem>>, vector<1x64x128xf32>
    %swap3A_1344 = vector.shape_cast %swap3A_1343 : vector<1x64x128xf32> to vector<64x128xf32>
    %swap3A_1345 = vector.shape_cast %slice3A_1339 : vector<64x128xf32> to vector<1x64x128xf32>
    tpu.vector_store %arg3[%swap3A_1340, %swap3A_1341, %swap3A_1342], %swap3A_1345 {strides = array<i32>} : memref<200x64x128xf32, #tpu.memory_space<vmem>>, vector<1x64x128xf32>,
    %slice3A_1346 = vector.extract_strided_slice %add3A_6 {offsets = [0, 79, 0], sizes = [128, 1, 128], strides = [1, 1, 1]} : vector<128x100x128xf32> to vector<128x1x128xf32>
    %squeeze3A_1347 = vector.shape_cast %slice3A_1346 : vector<128x1x128xf32> to vector<128x128xf32>
    %transpose3A_1348 = tpu.transpose %squeeze3A_1347, [1, 0] : vector<128x128xf32> -> vector<128x128xf32>
    %slice3A_1349 = vector.extract_strided_slice %transpose3A_1348 {offsets = [0, 0], sizes = [64, 128], strides = [1, 1]} : vector<128x128xf32> to vector<64x128xf32>
    %swap3A_1350 = arith.constant 158 : index
    %swap3A_1351 = arith.constant 0 : index
    %swap3A_1352 = arith.constant 0 : index
    %swap3A_1353 = vector.load %arg3[%swap3A_1350, %swap3A_1351, %swap3A_1352] : memref<200x64x128xf32, #tpu.memory_space<vmem>>, vector<1x64x128xf32>
    %swap3A_1354 = vector.shape_cast %swap3A_1353 : vector<1x64x128xf32> to vector<64x128xf32>
    %swap3A_1355 = vector.shape_cast %slice3A_1349 : vector<64x128xf32> to vector<1x64x128xf32>
    tpu.vector_store %arg3[%swap3A_1350, %swap3A_1351, %swap3A_1352], %swap3A_1355 {strides = array<i32>} : memref<200x64x128xf32, #tpu.memory_space<vmem>>, vector<1x64x128xf32>,
    %slice3A_1356 = vector.extract_strided_slice %transpose3A_1348 {offsets = [64, 0], sizes = [64, 128], strides = [1, 1]} : vector<128x128xf32> to vector<64x128xf32>
    %swap3A_1357 = arith.constant 159 : index
    %swap3A_1358 = arith.constant 0 : index
    %swap3A_1359 = arith.constant 0 : index
    %swap3A_1360 = vector.load %arg3[%swap3A_1357, %swap3A_1358, %swap3A_1359] : memref<200x64x128xf32, #tpu.memory_space<vmem>>, vector<1x64x128xf32>
    %swap3A_1361 = vector.shape_cast %swap3A_1360 : vector<1x64x128xf32> to vector<64x128xf32>
    %swap3A_1362 = vector.shape_cast %slice3A_1356 : vector<64x128xf32> to vector<1x64x128xf32>
    tpu.vector_store %arg3[%swap3A_1357, %swap3A_1358, %swap3A_1359], %swap3A_1362 {strides = array<i32>} : memref<200x64x128xf32, #tpu.memory_space<vmem>>, vector<1x64x128xf32>,
    %slice3A_1363 = vector.extract_strided_slice %add3A_6 {offsets = [0, 80, 0], sizes = [128, 1, 128], strides = [1, 1, 1]} : vector<128x100x128xf32> to vector<128x1x128xf32>
    %squeeze3A_1364 = vector.shape_cast %slice3A_1363 : vector<128x1x128xf32> to vector<128x128xf32>
    %transpose3A_1365 = tpu.transpose %squeeze3A_1364, [1, 0] : vector<128x128xf32> -> vector<128x128xf32>
    %slice3A_1366 = vector.extract_strided_slice %transpose3A_1365 {offsets = [0, 0], sizes = [64, 128], strides = [1, 1]} : vector<128x128xf32> to vector<64x128xf32>
    %swap3A_1367 = arith.constant 160 : index
    %swap3A_1368 = arith.constant 0 : index
    %swap3A_1369 = arith.constant 0 : index
    %swap3A_1370 = vector.load %arg3[%swap3A_1367, %swap3A_1368, %swap3A_1369] : memref<200x64x128xf32, #tpu.memory_space<vmem>>, vector<1x64x128xf32>
    %swap3A_1371 = vector.shape_cast %swap3A_1370 : vector<1x64x128xf32> to vector<64x128xf32>
    %swap3A_1372 = vector.shape_cast %slice3A_1366 : vector<64x128xf32> to vector<1x64x128xf32>
    tpu.vector_store %arg3[%swap3A_1367, %swap3A_1368, %swap3A_1369], %swap3A_1372 {strides = array<i32>} : memref<200x64x128xf32, #tpu.memory_space<vmem>>, vector<1x64x128xf32>,
    %slice3A_1373 = vector.extract_strided_slice %transpose3A_1365 {offsets = [64, 0], sizes = [64, 128], strides = [1, 1]} : vector<128x128xf32> to vector<64x128xf32>
    %swap3A_1374 = arith.constant 161 : index
    %swap3A_1375 = arith.constant 0 : index
    %swap3A_1376 = arith.constant 0 : index
    %swap3A_1377 = vector.load %arg3[%swap3A_1374, %swap3A_1375, %swap3A_1376] : memref<200x64x128xf32, #tpu.memory_space<vmem>>, vector<1x64x128xf32>
    %swap3A_1378 = vector.shape_cast %swap3A_1377 : vector<1x64x128xf32> to vector<64x128xf32>
    %swap3A_1379 = vector.shape_cast %slice3A_1373 : vector<64x128xf32> to vector<1x64x128xf32>
    tpu.vector_store %arg3[%swap3A_1374, %swap3A_1375, %swap3A_1376], %swap3A_1379 {strides = array<i32>} : memref<200x64x128xf32, #tpu.memory_space<vmem>>, vector<1x64x128xf32>,
    %slice3A_1380 = vector.extract_strided_slice %add3A_6 {offsets = [0, 81, 0], sizes = [128, 1, 128], strides = [1, 1, 1]} : vector<128x100x128xf32> to vector<128x1x128xf32>
    %squeeze3A_1381 = vector.shape_cast %slice3A_1380 : vector<128x1x128xf32> to vector<128x128xf32>
    %transpose3A_1382 = tpu.transpose %squeeze3A_1381, [1, 0] : vector<128x128xf32> -> vector<128x128xf32>
    %slice3A_1383 = vector.extract_strided_slice %transpose3A_1382 {offsets = [0, 0], sizes = [64, 128], strides = [1, 1]} : vector<128x128xf32> to vector<64x128xf32>
    %swap3A_1384 = arith.constant 162 : index
    %swap3A_1385 = arith.constant 0 : index
    %swap3A_1386 = arith.constant 0 : index
    %swap3A_1387 = vector.load %arg3[%swap3A_1384, %swap3A_1385, %swap3A_1386] : memref<200x64x128xf32, #tpu.memory_space<vmem>>, vector<1x64x128xf32>
    %swap3A_1388 = vector.shape_cast %swap3A_1387 : vector<1x64x128xf32> to vector<64x128xf32>
    %swap3A_1389 = vector.shape_cast %slice3A_1383 : vector<64x128xf32> to vector<1x64x128xf32>
    tpu.vector_store %arg3[%swap3A_1384, %swap3A_1385, %swap3A_1386], %swap3A_1389 {strides = array<i32>} : memref<200x64x128xf32, #tpu.memory_space<vmem>>, vector<1x64x128xf32>,
    %slice3A_1390 = vector.extract_strided_slice %transpose3A_1382 {offsets = [64, 0], sizes = [64, 128], strides = [1, 1]} : vector<128x128xf32> to vector<64x128xf32>
    %swap3A_1391 = arith.constant 163 : index
    %swap3A_1392 = arith.constant 0 : index
    %swap3A_1393 = arith.constant 0 : index
    %swap3A_1394 = vector.load %arg3[%swap3A_1391, %swap3A_1392, %swap3A_1393] : memref<200x64x128xf32, #tpu.memory_space<vmem>>, vector<1x64x128xf32>
    %swap3A_1395 = vector.shape_cast %swap3A_1394 : vector<1x64x128xf32> to vector<64x128xf32>
    %swap3A_1396 = vector.shape_cast %slice3A_1390 : vector<64x128xf32> to vector<1x64x128xf32>
    tpu.vector_store %arg3[%swap3A_1391, %swap3A_1392, %swap3A_1393], %swap3A_1396 {strides = array<i32>} : memref<200x64x128xf32, #tpu.memory_space<vmem>>, vector<1x64x128xf32>,
    %slice3A_1397 = vector.extract_strided_slice %add3A_6 {offsets = [0, 82, 0], sizes = [128, 1, 128], strides = [1, 1, 1]} : vector<128x100x128xf32> to vector<128x1x128xf32>
    %squeeze3A_1398 = vector.shape_cast %slice3A_1397 : vector<128x1x128xf32> to vector<128x128xf32>
    %transpose3A_1399 = tpu.transpose %squeeze3A_1398, [1, 0] : vector<128x128xf32> -> vector<128x128xf32>
    %slice3A_1400 = vector.extract_strided_slice %transpose3A_1399 {offsets = [0, 0], sizes = [64, 128], strides = [1, 1]} : vector<128x128xf32> to vector<64x128xf32>
    %swap3A_1401 = arith.constant 164 : index
    %swap3A_1402 = arith.constant 0 : index
    %swap3A_1403 = arith.constant 0 : index
    %swap3A_1404 = vector.load %arg3[%swap3A_1401, %swap3A_1402, %swap3A_1403] : memref<200x64x128xf32, #tpu.memory_space<vmem>>, vector<1x64x128xf32>
    %swap3A_1405 = vector.shape_cast %swap3A_1404 : vector<1x64x128xf32> to vector<64x128xf32>
    %swap3A_1406 = vector.shape_cast %slice3A_1400 : vector<64x128xf32> to vector<1x64x128xf32>
    tpu.vector_store %arg3[%swap3A_1401, %swap3A_1402, %swap3A_1403], %swap3A_1406 {strides = array<i32>} : memref<200x64x128xf32, #tpu.memory_space<vmem>>, vector<1x64x128xf32>,
    %slice3A_1407 = vector.extract_strided_slice %transpose3A_1399 {offsets = [64, 0], sizes = [64, 128], strides = [1, 1]} : vector<128x128xf32> to vector<64x128xf32>
    %swap3A_1408 = arith.constant 165 : index
    %swap3A_1409 = arith.constant 0 : index
    %swap3A_1410 = arith.constant 0 : index
    %swap3A_1411 = vector.load %arg3[%swap3A_1408, %swap3A_1409, %swap3A_1410] : memref<200x64x128xf32, #tpu.memory_space<vmem>>, vector<1x64x128xf32>
    %swap3A_1412 = vector.shape_cast %swap3A_1411 : vector<1x64x128xf32> to vector<64x128xf32>
    %swap3A_1413 = vector.shape_cast %slice3A_1407 : vector<64x128xf32> to vector<1x64x128xf32>
    tpu.vector_store %arg3[%swap3A_1408, %swap3A_1409, %swap3A_1410], %swap3A_1413 {strides = array<i32>} : memref<200x64x128xf32, #tpu.memory_space<vmem>>, vector<1x64x128xf32>,
    %slice3A_1414 = vector.extract_strided_slice %add3A_6 {offsets = [0, 83, 0], sizes = [128, 1, 128], strides = [1, 1, 1]} : vector<128x100x128xf32> to vector<128x1x128xf32>
    %squeeze3A_1415 = vector.shape_cast %slice3A_1414 : vector<128x1x128xf32> to vector<128x128xf32>
    %transpose3A_1416 = tpu.transpose %squeeze3A_1415, [1, 0] : vector<128x128xf32> -> vector<128x128xf32>
    %slice3A_1417 = vector.extract_strided_slice %transpose3A_1416 {offsets = [0, 0], sizes = [64, 128], strides = [1, 1]} : vector<128x128xf32> to vector<64x128xf32>
    %swap3A_1418 = arith.constant 166 : index
    %swap3A_1419 = arith.constant 0 : index
    %swap3A_1420 = arith.constant 0 : index
    %swap3A_1421 = vector.load %arg3[%swap3A_1418, %swap3A_1419, %swap3A_1420] : memref<200x64x128xf32, #tpu.memory_space<vmem>>, vector<1x64x128xf32>
    %swap3A_1422 = vector.shape_cast %swap3A_1421 : vector<1x64x128xf32> to vector<64x128xf32>
    %swap3A_1423 = vector.shape_cast %slice3A_1417 : vector<64x128xf32> to vector<1x64x128xf32>
    tpu.vector_store %arg3[%swap3A_1418, %swap3A_1419, %swap3A_1420], %swap3A_1423 {strides = array<i32>} : memref<200x64x128xf32, #tpu.memory_space<vmem>>, vector<1x64x128xf32>,
    %slice3A_1424 = vector.extract_strided_slice %transpose3A_1416 {offsets = [64, 0], sizes = [64, 128], strides = [1, 1]} : vector<128x128xf32> to vector<64x128xf32>
    %swap3A_1425 = arith.constant 167 : index
    %swap3A_1426 = arith.constant 0 : index
    %swap3A_1427 = arith.constant 0 : index
    %swap3A_1428 = vector.load %arg3[%swap3A_1425, %swap3A_1426, %swap3A_1427] : memref<200x64x128xf32, #tpu.memory_space<vmem>>, vector<1x64x128xf32>
    %swap3A_1429 = vector.shape_cast %swap3A_1428 : vector<1x64x128xf32> to vector<64x128xf32>
    %swap3A_1430 = vector.shape_cast %slice3A_1424 : vector<64x128xf32> to vector<1x64x128xf32>
    tpu.vector_store %arg3[%swap3A_1425, %swap3A_1426, %swap3A_1427], %swap3A_1430 {strides = array<i32>} : memref<200x64x128xf32, #tpu.memory_space<vmem>>, vector<1x64x128xf32>,
    %slice3A_1431 = vector.extract_strided_slice %add3A_6 {offsets = [0, 84, 0], sizes = [128, 1, 128], strides = [1, 1, 1]} : vector<128x100x128xf32> to vector<128x1x128xf32>
    %squeeze3A_1432 = vector.shape_cast %slice3A_1431 : vector<128x1x128xf32> to vector<128x128xf32>
    %transpose3A_1433 = tpu.transpose %squeeze3A_1432, [1, 0] : vector<128x128xf32> -> vector<128x128xf32>
    %slice3A_1434 = vector.extract_strided_slice %transpose3A_1433 {offsets = [0, 0], sizes = [64, 128], strides = [1, 1]} : vector<128x128xf32> to vector<64x128xf32>
    %swap3A_1435 = arith.constant 168 : index
    %swap3A_1436 = arith.constant 0 : index
    %swap3A_1437 = arith.constant 0 : index
    %swap3A_1438 = vector.load %arg3[%swap3A_1435, %swap3A_1436, %swap3A_1437] : memref<200x64x128xf32, #tpu.memory_space<vmem>>, vector<1x64x128xf32>
    %swap3A_1439 = vector.shape_cast %swap3A_1438 : vector<1x64x128xf32> to vector<64x128xf32>
    %swap3A_1440 = vector.shape_cast %slice3A_1434 : vector<64x128xf32> to vector<1x64x128xf32>
    tpu.vector_store %arg3[%swap3A_1435, %swap3A_1436, %swap3A_1437], %swap3A_1440 {strides = array<i32>} : memref<200x64x128xf32, #tpu.memory_space<vmem>>, vector<1x64x128xf32>,
    %slice3A_1441 = vector.extract_strided_slice %transpose3A_1433 {offsets = [64, 0], sizes = [64, 128], strides = [1, 1]} : vector<128x128xf32> to vector<64x128xf32>
    %swap3A_1442 = arith.constant 169 : index
    %swap3A_1443 = arith.constant 0 : index
    %swap3A_1444 = arith.constant 0 : index
    %swap3A_1445 = vector.load %arg3[%swap3A_1442, %swap3A_1443, %swap3A_1444] : memref<200x64x128xf32, #tpu.memory_space<vmem>>, vector<1x64x128xf32>
    %swap3A_1446 = vector.shape_cast %swap3A_1445 : vector<1x64x128xf32> to vector<64x128xf32>
    %swap3A_1447 = vector.shape_cast %slice3A_1441 : vector<64x128xf32> to vector<1x64x128xf32>
    tpu.vector_store %arg3[%swap3A_1442, %swap3A_1443, %swap3A_1444], %swap3A_1447 {strides = array<i32>} : memref<200x64x128xf32, #tpu.memory_space<vmem>>, vector<1x64x128xf32>,
    %slice3A_1448 = vector.extract_strided_slice %add3A_6 {offsets = [0, 85, 0], sizes = [128, 1, 128], strides = [1, 1, 1]} : vector<128x100x128xf32> to vector<128x1x128xf32>
    %squeeze3A_1449 = vector.shape_cast %slice3A_1448 : vector<128x1x128xf32> to vector<128x128xf32>
    %transpose3A_1450 = tpu.transpose %squeeze3A_1449, [1, 0] : vector<128x128xf32> -> vector<128x128xf32>
    %slice3A_1451 = vector.extract_strided_slice %transpose3A_1450 {offsets = [0, 0], sizes = [64, 128], strides = [1, 1]} : vector<128x128xf32> to vector<64x128xf32>
    %swap3A_1452 = arith.constant 170 : index
    %swap3A_1453 = arith.constant 0 : index
    %swap3A_1454 = arith.constant 0 : index
    %swap3A_1455 = vector.load %arg3[%swap3A_1452, %swap3A_1453, %swap3A_1454] : memref<200x64x128xf32, #tpu.memory_space<vmem>>, vector<1x64x128xf32>
    %swap3A_1456 = vector.shape_cast %swap3A_1455 : vector<1x64x128xf32> to vector<64x128xf32>
    %swap3A_1457 = vector.shape_cast %slice3A_1451 : vector<64x128xf32> to vector<1x64x128xf32>
    tpu.vector_store %arg3[%swap3A_1452, %swap3A_1453, %swap3A_1454], %swap3A_1457 {strides = array<i32>} : memref<200x64x128xf32, #tpu.memory_space<vmem>>, vector<1x64x128xf32>,
    %slice3A_1458 = vector.extract_strided_slice %transpose3A_1450 {offsets = [64, 0], sizes = [64, 128], strides = [1, 1]} : vector<128x128xf32> to vector<64x128xf32>
    %swap3A_1459 = arith.constant 171 : index
    %swap3A_1460 = arith.constant 0 : index
    %swap3A_1461 = arith.constant 0 : index
    %swap3A_1462 = vector.load %arg3[%swap3A_1459, %swap3A_1460, %swap3A_1461] : memref<200x64x128xf32, #tpu.memory_space<vmem>>, vector<1x64x128xf32>
    %swap3A_1463 = vector.shape_cast %swap3A_1462 : vector<1x64x128xf32> to vector<64x128xf32>
    %swap3A_1464 = vector.shape_cast %slice3A_1458 : vector<64x128xf32> to vector<1x64x128xf32>
    tpu.vector_store %arg3[%swap3A_1459, %swap3A_1460, %swap3A_1461], %swap3A_1464 {strides = array<i32>} : memref<200x64x128xf32, #tpu.memory_space<vmem>>, vector<1x64x128xf32>,
    %slice3A_1465 = vector.extract_strided_slice %add3A_6 {offsets = [0, 86, 0], sizes = [128, 1, 128], strides = [1, 1, 1]} : vector<128x100x128xf32> to vector<128x1x128xf32>
    %squeeze3A_1466 = vector.shape_cast %slice3A_1465 : vector<128x1x128xf32> to vector<128x128xf32>
    %transpose3A_1467 = tpu.transpose %squeeze3A_1466, [1, 0] : vector<128x128xf32> -> vector<128x128xf32>
    %slice3A_1468 = vector.extract_strided_slice %transpose3A_1467 {offsets = [0, 0], sizes = [64, 128], strides = [1, 1]} : vector<128x128xf32> to vector<64x128xf32>
    %swap3A_1469 = arith.constant 172 : index
    %swap3A_1470 = arith.constant 0 : index
    %swap3A_1471 = arith.constant 0 : index
    %swap3A_1472 = vector.load %arg3[%swap3A_1469, %swap3A_1470, %swap3A_1471] : memref<200x64x128xf32, #tpu.memory_space<vmem>>, vector<1x64x128xf32>
    %swap3A_1473 = vector.shape_cast %swap3A_1472 : vector<1x64x128xf32> to vector<64x128xf32>
    %swap3A_1474 = vector.shape_cast %slice3A_1468 : vector<64x128xf32> to vector<1x64x128xf32>
    tpu.vector_store %arg3[%swap3A_1469, %swap3A_1470, %swap3A_1471], %swap3A_1474 {strides = array<i32>} : memref<200x64x128xf32, #tpu.memory_space<vmem>>, vector<1x64x128xf32>,
    %slice3A_1475 = vector.extract_strided_slice %transpose3A_1467 {offsets = [64, 0], sizes = [64, 128], strides = [1, 1]} : vector<128x128xf32> to vector<64x128xf32>
    %swap3A_1476 = arith.constant 173 : index
    %swap3A_1477 = arith.constant 0 : index
    %swap3A_1478 = arith.constant 0 : index
    %swap3A_1479 = vector.load %arg3[%swap3A_1476, %swap3A_1477, %swap3A_1478] : memref<200x64x128xf32, #tpu.memory_space<vmem>>, vector<1x64x128xf32>
    %swap3A_1480 = vector.shape_cast %swap3A_1479 : vector<1x64x128xf32> to vector<64x128xf32>
    %swap3A_1481 = vector.shape_cast %slice3A_1475 : vector<64x128xf32> to vector<1x64x128xf32>
    tpu.vector_store %arg3[%swap3A_1476, %swap3A_1477, %swap3A_1478], %swap3A_1481 {strides = array<i32>} : memref<200x64x128xf32, #tpu.memory_space<vmem>>, vector<1x64x128xf32>,
    %slice3A_1482 = vector.extract_strided_slice %add3A_6 {offsets = [0, 87, 0], sizes = [128, 1, 128], strides = [1, 1, 1]} : vector<128x100x128xf32> to vector<128x1x128xf32>
    %squeeze3A_1483 = vector.shape_cast %slice3A_1482 : vector<128x1x128xf32> to vector<128x128xf32>
    %transpose3A_1484 = tpu.transpose %squeeze3A_1483, [1, 0] : vector<128x128xf32> -> vector<128x128xf32>
    %slice3A_1485 = vector.extract_strided_slice %transpose3A_1484 {offsets = [0, 0], sizes = [64, 128], strides = [1, 1]} : vector<128x128xf32> to vector<64x128xf32>
    %swap3A_1486 = arith.constant 174 : index
    %swap3A_1487 = arith.constant 0 : index
    %swap3A_1488 = arith.constant 0 : index
    %swap3A_1489 = vector.load %arg3[%swap3A_1486, %swap3A_1487, %swap3A_1488] : memref<200x64x128xf32, #tpu.memory_space<vmem>>, vector<1x64x128xf32>
    %swap3A_1490 = vector.shape_cast %swap3A_1489 : vector<1x64x128xf32> to vector<64x128xf32>
    %swap3A_1491 = vector.shape_cast %slice3A_1485 : vector<64x128xf32> to vector<1x64x128xf32>
    tpu.vector_store %arg3[%swap3A_1486, %swap3A_1487, %swap3A_1488], %swap3A_1491 {strides = array<i32>} : memref<200x64x128xf32, #tpu.memory_space<vmem>>, vector<1x64x128xf32>,
    %slice3A_1492 = vector.extract_strided_slice %transpose3A_1484 {offsets = [64, 0], sizes = [64, 128], strides = [1, 1]} : vector<128x128xf32> to vector<64x128xf32>
    %swap3A_1493 = arith.constant 175 : index
    %swap3A_1494 = arith.constant 0 : index
    %swap3A_1495 = arith.constant 0 : index
    %swap3A_1496 = vector.load %arg3[%swap3A_1493, %swap3A_1494, %swap3A_1495] : memref<200x64x128xf32, #tpu.memory_space<vmem>>, vector<1x64x128xf32>
    %swap3A_1497 = vector.shape_cast %swap3A_1496 : vector<1x64x128xf32> to vector<64x128xf32>
    %swap3A_1498 = vector.shape_cast %slice3A_1492 : vector<64x128xf32> to vector<1x64x128xf32>
    tpu.vector_store %arg3[%swap3A_1493, %swap3A_1494, %swap3A_1495], %swap3A_1498 {strides = array<i32>} : memref<200x64x128xf32, #tpu.memory_space<vmem>>, vector<1x64x128xf32>,
    %slice3A_1499 = vector.extract_strided_slice %add3A_6 {offsets = [0, 88, 0], sizes = [128, 1, 128], strides = [1, 1, 1]} : vector<128x100x128xf32> to vector<128x1x128xf32>
    %squeeze3A_1500 = vector.shape_cast %slice3A_1499 : vector<128x1x128xf32> to vector<128x128xf32>
    %transpose3A_1501 = tpu.transpose %squeeze3A_1500, [1, 0] : vector<128x128xf32> -> vector<128x128xf32>
    %slice3A_1502 = vector.extract_strided_slice %transpose3A_1501 {offsets = [0, 0], sizes = [64, 128], strides = [1, 1]} : vector<128x128xf32> to vector<64x128xf32>
    %swap3A_1503 = arith.constant 176 : index
    %swap3A_1504 = arith.constant 0 : index
    %swap3A_1505 = arith.constant 0 : index
    %swap3A_1506 = vector.load %arg3[%swap3A_1503, %swap3A_1504, %swap3A_1505] : memref<200x64x128xf32, #tpu.memory_space<vmem>>, vector<1x64x128xf32>
    %swap3A_1507 = vector.shape_cast %swap3A_1506 : vector<1x64x128xf32> to vector<64x128xf32>
    %swap3A_1508 = vector.shape_cast %slice3A_1502 : vector<64x128xf32> to vector<1x64x128xf32>
    tpu.vector_store %arg3[%swap3A_1503, %swap3A_1504, %swap3A_1505], %swap3A_1508 {strides = array<i32>} : memref<200x64x128xf32, #tpu.memory_space<vmem>>, vector<1x64x128xf32>,
    %slice3A_1509 = vector.extract_strided_slice %transpose3A_1501 {offsets = [64, 0], sizes = [64, 128], strides = [1, 1]} : vector<128x128xf32> to vector<64x128xf32>
    %swap3A_1510 = arith.constant 177 : index
    %swap3A_1511 = arith.constant 0 : index
    %swap3A_1512 = arith.constant 0 : index
    %swap3A_1513 = vector.load %arg3[%swap3A_1510, %swap3A_1511, %swap3A_1512] : memref<200x64x128xf32, #tpu.memory_space<vmem>>, vector<1x64x128xf32>
    %swap3A_1514 = vector.shape_cast %swap3A_1513 : vector<1x64x128xf32> to vector<64x128xf32>
    %swap3A_1515 = vector.shape_cast %slice3A_1509 : vector<64x128xf32> to vector<1x64x128xf32>
    tpu.vector_store %arg3[%swap3A_1510, %swap3A_1511, %swap3A_1512], %swap3A_1515 {strides = array<i32>} : memref<200x64x128xf32, #tpu.memory_space<vmem>>, vector<1x64x128xf32>,
    %slice3A_1516 = vector.extract_strided_slice %add3A_6 {offsets = [0, 89, 0], sizes = [128, 1, 128], strides = [1, 1, 1]} : vector<128x100x128xf32> to vector<128x1x128xf32>
    %squeeze3A_1517 = vector.shape_cast %slice3A_1516 : vector<128x1x128xf32> to vector<128x128xf32>
    %transpose3A_1518 = tpu.transpose %squeeze3A_1517, [1, 0] : vector<128x128xf32> -> vector<128x128xf32>
    %slice3A_1519 = vector.extract_strided_slice %transpose3A_1518 {offsets = [0, 0], sizes = [64, 128], strides = [1, 1]} : vector<128x128xf32> to vector<64x128xf32>
    %swap3A_1520 = arith.constant 178 : index
    %swap3A_1521 = arith.constant 0 : index
    %swap3A_1522 = arith.constant 0 : index
    %swap3A_1523 = vector.load %arg3[%swap3A_1520, %swap3A_1521, %swap3A_1522] : memref<200x64x128xf32, #tpu.memory_space<vmem>>, vector<1x64x128xf32>
    %swap3A_1524 = vector.shape_cast %swap3A_1523 : vector<1x64x128xf32> to vector<64x128xf32>
    %swap3A_1525 = vector.shape_cast %slice3A_1519 : vector<64x128xf32> to vector<1x64x128xf32>
    tpu.vector_store %arg3[%swap3A_1520, %swap3A_1521, %swap3A_1522], %swap3A_1525 {strides = array<i32>} : memref<200x64x128xf32, #tpu.memory_space<vmem>>, vector<1x64x128xf32>,
    %slice3A_1526 = vector.extract_strided_slice %transpose3A_1518 {offsets = [64, 0], sizes = [64, 128], strides = [1, 1]} : vector<128x128xf32> to vector<64x128xf32>
    %swap3A_1527 = arith.constant 179 : index
    %swap3A_1528 = arith.constant 0 : index
    %swap3A_1529 = arith.constant 0 : index
    %swap3A_1530 = vector.load %arg3[%swap3A_1527, %swap3A_1528, %swap3A_1529] : memref<200x64x128xf32, #tpu.memory_space<vmem>>, vector<1x64x128xf32>
    %swap3A_1531 = vector.shape_cast %swap3A_1530 : vector<1x64x128xf32> to vector<64x128xf32>
    %swap3A_1532 = vector.shape_cast %slice3A_1526 : vector<64x128xf32> to vector<1x64x128xf32>
    tpu.vector_store %arg3[%swap3A_1527, %swap3A_1528, %swap3A_1529], %swap3A_1532 {strides = array<i32>} : memref<200x64x128xf32, #tpu.memory_space<vmem>>, vector<1x64x128xf32>,
    %slice3A_1533 = vector.extract_strided_slice %add3A_6 {offsets = [0, 90, 0], sizes = [128, 1, 128], strides = [1, 1, 1]} : vector<128x100x128xf32> to vector<128x1x128xf32>
    %squeeze3A_1534 = vector.shape_cast %slice3A_1533 : vector<128x1x128xf32> to vector<128x128xf32>
    %transpose3A_1535 = tpu.transpose %squeeze3A_1534, [1, 0] : vector<128x128xf32> -> vector<128x128xf32>
    %slice3A_1536 = vector.extract_strided_slice %transpose3A_1535 {offsets = [0, 0], sizes = [64, 128], strides = [1, 1]} : vector<128x128xf32> to vector<64x128xf32>
    %swap3A_1537 = arith.constant 180 : index
    %swap3A_1538 = arith.constant 0 : index
    %swap3A_1539 = arith.constant 0 : index
    %swap3A_1540 = vector.load %arg3[%swap3A_1537, %swap3A_1538, %swap3A_1539] : memref<200x64x128xf32, #tpu.memory_space<vmem>>, vector<1x64x128xf32>
    %swap3A_1541 = vector.shape_cast %swap3A_1540 : vector<1x64x128xf32> to vector<64x128xf32>
    %swap3A_1542 = vector.shape_cast %slice3A_1536 : vector<64x128xf32> to vector<1x64x128xf32>
    tpu.vector_store %arg3[%swap3A_1537, %swap3A_1538, %swap3A_1539], %swap3A_1542 {strides = array<i32>} : memref<200x64x128xf32, #tpu.memory_space<vmem>>, vector<1x64x128xf32>,
    %slice3A_1543 = vector.extract_strided_slice %transpose3A_1535 {offsets = [64, 0], sizes = [64, 128], strides = [1, 1]} : vector<128x128xf32> to vector<64x128xf32>
    %swap3A_1544 = arith.constant 181 : index
    %swap3A_1545 = arith.constant 0 : index
    %swap3A_1546 = arith.constant 0 : index
    %swap3A_1547 = vector.load %arg3[%swap3A_1544, %swap3A_1545, %swap3A_1546] : memref<200x64x128xf32, #tpu.memory_space<vmem>>, vector<1x64x128xf32>
    %swap3A_1548 = vector.shape_cast %swap3A_1547 : vector<1x64x128xf32> to vector<64x128xf32>
    %swap3A_1549 = vector.shape_cast %slice3A_1543 : vector<64x128xf32> to vector<1x64x128xf32>
    tpu.vector_store %arg3[%swap3A_1544, %swap3A_1545, %swap3A_1546], %swap3A_1549 {strides = array<i32>} : memref<200x64x128xf32, #tpu.memory_space<vmem>>, vector<1x64x128xf32>,
    %slice3A_1550 = vector.extract_strided_slice %add3A_6 {offsets = [0, 91, 0], sizes = [128, 1, 128], strides = [1, 1, 1]} : vector<128x100x128xf32> to vector<128x1x128xf32>
    %squeeze3A_1551 = vector.shape_cast %slice3A_1550 : vector<128x1x128xf32> to vector<128x128xf32>
    %transpose3A_1552 = tpu.transpose %squeeze3A_1551, [1, 0] : vector<128x128xf32> -> vector<128x128xf32>
    %slice3A_1553 = vector.extract_strided_slice %transpose3A_1552 {offsets = [0, 0], sizes = [64, 128], strides = [1, 1]} : vector<128x128xf32> to vector<64x128xf32>
    %swap3A_1554 = arith.constant 182 : index
    %swap3A_1555 = arith.constant 0 : index
    %swap3A_1556 = arith.constant 0 : index
    %swap3A_1557 = vector.load %arg3[%swap3A_1554, %swap3A_1555, %swap3A_1556] : memref<200x64x128xf32, #tpu.memory_space<vmem>>, vector<1x64x128xf32>
    %swap3A_1558 = vector.shape_cast %swap3A_1557 : vector<1x64x128xf32> to vector<64x128xf32>
    %swap3A_1559 = vector.shape_cast %slice3A_1553 : vector<64x128xf32> to vector<1x64x128xf32>
    tpu.vector_store %arg3[%swap3A_1554, %swap3A_1555, %swap3A_1556], %swap3A_1559 {strides = array<i32>} : memref<200x64x128xf32, #tpu.memory_space<vmem>>, vector<1x64x128xf32>,
    %slice3A_1560 = vector.extract_strided_slice %transpose3A_1552 {offsets = [64, 0], sizes = [64, 128], strides = [1, 1]} : vector<128x128xf32> to vector<64x128xf32>
    %swap3A_1561 = arith.constant 183 : index
    %swap3A_1562 = arith.constant 0 : index
    %swap3A_1563 = arith.constant 0 : index
    %swap3A_1564 = vector.load %arg3[%swap3A_1561, %swap3A_1562, %swap3A_1563] : memref<200x64x128xf32, #tpu.memory_space<vmem>>, vector<1x64x128xf32>
    %swap3A_1565 = vector.shape_cast %swap3A_1564 : vector<1x64x128xf32> to vector<64x128xf32>
    %swap3A_1566 = vector.shape_cast %slice3A_1560 : vector<64x128xf32> to vector<1x64x128xf32>
    tpu.vector_store %arg3[%swap3A_1561, %swap3A_1562, %swap3A_1563], %swap3A_1566 {strides = array<i32>} : memref<200x64x128xf32, #tpu.memory_space<vmem>>, vector<1x64x128xf32>,
    %slice3A_1567 = vector.extract_strided_slice %add3A_6 {offsets = [0, 92, 0], sizes = [128, 1, 128], strides = [1, 1, 1]} : vector<128x100x128xf32> to vector<128x1x128xf32>
    %squeeze3A_1568 = vector.shape_cast %slice3A_1567 : vector<128x1x128xf32> to vector<128x128xf32>
    %transpose3A_1569 = tpu.transpose %squeeze3A_1568, [1, 0] : vector<128x128xf32> -> vector<128x128xf32>
    %slice3A_1570 = vector.extract_strided_slice %transpose3A_1569 {offsets = [0, 0], sizes = [64, 128], strides = [1, 1]} : vector<128x128xf32> to vector<64x128xf32>
    %swap3A_1571 = arith.constant 184 : index
    %swap3A_1572 = arith.constant 0 : index
    %swap3A_1573 = arith.constant 0 : index
    %swap3A_1574 = vector.load %arg3[%swap3A_1571, %swap3A_1572, %swap3A_1573] : memref<200x64x128xf32, #tpu.memory_space<vmem>>, vector<1x64x128xf32>
    %swap3A_1575 = vector.shape_cast %swap3A_1574 : vector<1x64x128xf32> to vector<64x128xf32>
    %swap3A_1576 = vector.shape_cast %slice3A_1570 : vector<64x128xf32> to vector<1x64x128xf32>
    tpu.vector_store %arg3[%swap3A_1571, %swap3A_1572, %swap3A_1573], %swap3A_1576 {strides = array<i32>} : memref<200x64x128xf32, #tpu.memory_space<vmem>>, vector<1x64x128xf32>,
    %slice3A_1577 = vector.extract_strided_slice %transpose3A_1569 {offsets = [64, 0], sizes = [64, 128], strides = [1, 1]} : vector<128x128xf32> to vector<64x128xf32>
    %swap3A_1578 = arith.constant 185 : index
    %swap3A_1579 = arith.constant 0 : index
    %swap3A_1580 = arith.constant 0 : index
    %swap3A_1581 = vector.load %arg3[%swap3A_1578, %swap3A_1579, %swap3A_1580] : memref<200x64x128xf32, #tpu.memory_space<vmem>>, vector<1x64x128xf32>
    %swap3A_1582 = vector.shape_cast %swap3A_1581 : vector<1x64x128xf32> to vector<64x128xf32>
    %swap3A_1583 = vector.shape_cast %slice3A_1577 : vector<64x128xf32> to vector<1x64x128xf32>
    tpu.vector_store %arg3[%swap3A_1578, %swap3A_1579, %swap3A_1580], %swap3A_1583 {strides = array<i32>} : memref<200x64x128xf32, #tpu.memory_space<vmem>>, vector<1x64x128xf32>,
    %slice3A_1584 = vector.extract_strided_slice %add3A_6 {offsets = [0, 93, 0], sizes = [128, 1, 128], strides = [1, 1, 1]} : vector<128x100x128xf32> to vector<128x1x128xf32>
    %squeeze3A_1585 = vector.shape_cast %slice3A_1584 : vector<128x1x128xf32> to vector<128x128xf32>
    %transpose3A_1586 = tpu.transpose %squeeze3A_1585, [1, 0] : vector<128x128xf32> -> vector<128x128xf32>
    %slice3A_1587 = vector.extract_strided_slice %transpose3A_1586 {offsets = [0, 0], sizes = [64, 128], strides = [1, 1]} : vector<128x128xf32> to vector<64x128xf32>
    %swap3A_1588 = arith.constant 186 : index
    %swap3A_1589 = arith.constant 0 : index
    %swap3A_1590 = arith.constant 0 : index
    %swap3A_1591 = vector.load %arg3[%swap3A_1588, %swap3A_1589, %swap3A_1590] : memref<200x64x128xf32, #tpu.memory_space<vmem>>, vector<1x64x128xf32>
    %swap3A_1592 = vector.shape_cast %swap3A_1591 : vector<1x64x128xf32> to vector<64x128xf32>
    %swap3A_1593 = vector.shape_cast %slice3A_1587 : vector<64x128xf32> to vector<1x64x128xf32>
    tpu.vector_store %arg3[%swap3A_1588, %swap3A_1589, %swap3A_1590], %swap3A_1593 {strides = array<i32>} : memref<200x64x128xf32, #tpu.memory_space<vmem>>, vector<1x64x128xf32>,
    %slice3A_1594 = vector.extract_strided_slice %transpose3A_1586 {offsets = [64, 0], sizes = [64, 128], strides = [1, 1]} : vector<128x128xf32> to vector<64x128xf32>
    %swap3A_1595 = arith.constant 187 : index
    %swap3A_1596 = arith.constant 0 : index
    %swap3A_1597 = arith.constant 0 : index
    %swap3A_1598 = vector.load %arg3[%swap3A_1595, %swap3A_1596, %swap3A_1597] : memref<200x64x128xf32, #tpu.memory_space<vmem>>, vector<1x64x128xf32>
    %swap3A_1599 = vector.shape_cast %swap3A_1598 : vector<1x64x128xf32> to vector<64x128xf32>
    %swap3A_1600 = vector.shape_cast %slice3A_1594 : vector<64x128xf32> to vector<1x64x128xf32>
    tpu.vector_store %arg3[%swap3A_1595, %swap3A_1596, %swap3A_1597], %swap3A_1600 {strides = array<i32>} : memref<200x64x128xf32, #tpu.memory_space<vmem>>, vector<1x64x128xf32>,
    %slice3A_1601 = vector.extract_strided_slice %add3A_6 {offsets = [0, 94, 0], sizes = [128, 1, 128], strides = [1, 1, 1]} : vector<128x100x128xf32> to vector<128x1x128xf32>
    %squeeze3A_1602 = vector.shape_cast %slice3A_1601 : vector<128x1x128xf32> to vector<128x128xf32>
    %transpose3A_1603 = tpu.transpose %squeeze3A_1602, [1, 0] : vector<128x128xf32> -> vector<128x128xf32>
    %slice3A_1604 = vector.extract_strided_slice %transpose3A_1603 {offsets = [0, 0], sizes = [64, 128], strides = [1, 1]} : vector<128x128xf32> to vector<64x128xf32>
    %swap3A_1605 = arith.constant 188 : index
    %swap3A_1606 = arith.constant 0 : index
    %swap3A_1607 = arith.constant 0 : index
    %swap3A_1608 = vector.load %arg3[%swap3A_1605, %swap3A_1606, %swap3A_1607] : memref<200x64x128xf32, #tpu.memory_space<vmem>>, vector<1x64x128xf32>
    %swap3A_1609 = vector.shape_cast %swap3A_1608 : vector<1x64x128xf32> to vector<64x128xf32>
    %swap3A_1610 = vector.shape_cast %slice3A_1604 : vector<64x128xf32> to vector<1x64x128xf32>
    tpu.vector_store %arg3[%swap3A_1605, %swap3A_1606, %swap3A_1607], %swap3A_1610 {strides = array<i32>} : memref<200x64x128xf32, #tpu.memory_space<vmem>>, vector<1x64x128xf32>,
    %slice3A_1611 = vector.extract_strided_slice %transpose3A_1603 {offsets = [64, 0], sizes = [64, 128], strides = [1, 1]} : vector<128x128xf32> to vector<64x128xf32>
    %swap3A_1612 = arith.constant 189 : index
    %swap3A_1613 = arith.constant 0 : index
    %swap3A_1614 = arith.constant 0 : index
    %swap3A_1615 = vector.load %arg3[%swap3A_1612, %swap3A_1613, %swap3A_1614] : memref<200x64x128xf32, #tpu.memory_space<vmem>>, vector<1x64x128xf32>
    %swap3A_1616 = vector.shape_cast %swap3A_1615 : vector<1x64x128xf32> to vector<64x128xf32>
    %swap3A_1617 = vector.shape_cast %slice3A_1611 : vector<64x128xf32> to vector<1x64x128xf32>
    tpu.vector_store %arg3[%swap3A_1612, %swap3A_1613, %swap3A_1614], %swap3A_1617 {strides = array<i32>} : memref<200x64x128xf32, #tpu.memory_space<vmem>>, vector<1x64x128xf32>,
    %slice3A_1618 = vector.extract_strided_slice %add3A_6 {offsets = [0, 95, 0], sizes = [128, 1, 128], strides = [1, 1, 1]} : vector<128x100x128xf32> to vector<128x1x128xf32>
    %squeeze3A_1619 = vector.shape_cast %slice3A_1618 : vector<128x1x128xf32> to vector<128x128xf32>
    %transpose3A_1620 = tpu.transpose %squeeze3A_1619, [1, 0] : vector<128x128xf32> -> vector<128x128xf32>
    %slice3A_1621 = vector.extract_strided_slice %transpose3A_1620 {offsets = [0, 0], sizes = [64, 128], strides = [1, 1]} : vector<128x128xf32> to vector<64x128xf32>
    %swap3A_1622 = arith.constant 190 : index
    %swap3A_1623 = arith.constant 0 : index
    %swap3A_1624 = arith.constant 0 : index
    %swap3A_1625 = vector.load %arg3[%swap3A_1622, %swap3A_1623, %swap3A_1624] : memref<200x64x128xf32, #tpu.memory_space<vmem>>, vector<1x64x128xf32>
    %swap3A_1626 = vector.shape_cast %swap3A_1625 : vector<1x64x128xf32> to vector<64x128xf32>
    %swap3A_1627 = vector.shape_cast %slice3A_1621 : vector<64x128xf32> to vector<1x64x128xf32>
    tpu.vector_store %arg3[%swap3A_1622, %swap3A_1623, %swap3A_1624], %swap3A_1627 {strides = array<i32>} : memref<200x64x128xf32, #tpu.memory_space<vmem>>, vector<1x64x128xf32>,
    %slice3A_1628 = vector.extract_strided_slice %transpose3A_1620 {offsets = [64, 0], sizes = [64, 128], strides = [1, 1]} : vector<128x128xf32> to vector<64x128xf32>
    %swap3A_1629 = arith.constant 191 : index
    %swap3A_1630 = arith.constant 0 : index
    %swap3A_1631 = arith.constant 0 : index
    %swap3A_1632 = vector.load %arg3[%swap3A_1629, %swap3A_1630, %swap3A_1631] : memref<200x64x128xf32, #tpu.memory_space<vmem>>, vector<1x64x128xf32>
    %swap3A_1633 = vector.shape_cast %swap3A_1632 : vector<1x64x128xf32> to vector<64x128xf32>
    %swap3A_1634 = vector.shape_cast %slice3A_1628 : vector<64x128xf32> to vector<1x64x128xf32>
    tpu.vector_store %arg3[%swap3A_1629, %swap3A_1630, %swap3A_1631], %swap3A_1634 {strides = array<i32>} : memref<200x64x128xf32, #tpu.memory_space<vmem>>, vector<1x64x128xf32>,
    %slice3A_1635 = vector.extract_strided_slice %add3A_6 {offsets = [0, 96, 0], sizes = [128, 1, 128], strides = [1, 1, 1]} : vector<128x100x128xf32> to vector<128x1x128xf32>
    %squeeze3A_1636 = vector.shape_cast %slice3A_1635 : vector<128x1x128xf32> to vector<128x128xf32>
    %transpose3A_1637 = tpu.transpose %squeeze3A_1636, [1, 0] : vector<128x128xf32> -> vector<128x128xf32>
    %slice3A_1638 = vector.extract_strided_slice %transpose3A_1637 {offsets = [0, 0], sizes = [64, 128], strides = [1, 1]} : vector<128x128xf32> to vector<64x128xf32>
    %swap3A_1639 = arith.constant 192 : index
    %swap3A_1640 = arith.constant 0 : index
    %swap3A_1641 = arith.constant 0 : index
    %swap3A_1642 = vector.load %arg3[%swap3A_1639, %swap3A_1640, %swap3A_1641] : memref<200x64x128xf32, #tpu.memory_space<vmem>>, vector<1x64x128xf32>
    %swap3A_1643 = vector.shape_cast %swap3A_1642 : vector<1x64x128xf32> to vector<64x128xf32>
    %swap3A_1644 = vector.shape_cast %slice3A_1638 : vector<64x128xf32> to vector<1x64x128xf32>
    tpu.vector_store %arg3[%swap3A_1639, %swap3A_1640, %swap3A_1641], %swap3A_1644 {strides = array<i32>} : memref<200x64x128xf32, #tpu.memory_space<vmem>>, vector<1x64x128xf32>,
    %slice3A_1645 = vector.extract_strided_slice %transpose3A_1637 {offsets = [64, 0], sizes = [64, 128], strides = [1, 1]} : vector<128x128xf32> to vector<64x128xf32>
    %swap3A_1646 = arith.constant 193 : index
    %swap3A_1647 = arith.constant 0 : index
    %swap3A_1648 = arith.constant 0 : index
    %swap3A_1649 = vector.load %arg3[%swap3A_1646, %swap3A_1647, %swap3A_1648] : memref<200x64x128xf32, #tpu.memory_space<vmem>>, vector<1x64x128xf32>
    %swap3A_1650 = vector.shape_cast %swap3A_1649 : vector<1x64x128xf32> to vector<64x128xf32>
    %swap3A_1651 = vector.shape_cast %slice3A_1645 : vector<64x128xf32> to vector<1x64x128xf32>
    tpu.vector_store %arg3[%swap3A_1646, %swap3A_1647, %swap3A_1648], %swap3A_1651 {strides = array<i32>} : memref<200x64x128xf32, #tpu.memory_space<vmem>>, vector<1x64x128xf32>,
    %slice3A_1652 = vector.extract_strided_slice %add3A_6 {offsets = [0, 97, 0], sizes = [128, 1, 128], strides = [1, 1, 1]} : vector<128x100x128xf32> to vector<128x1x128xf32>
    %squeeze3A_1653 = vector.shape_cast %slice3A_1652 : vector<128x1x128xf32> to vector<128x128xf32>
    %transpose3A_1654 = tpu.transpose %squeeze3A_1653, [1, 0] : vector<128x128xf32> -> vector<128x128xf32>
    %slice3A_1655 = vector.extract_strided_slice %transpose3A_1654 {offsets = [0, 0], sizes = [64, 128], strides = [1, 1]} : vector<128x128xf32> to vector<64x128xf32>
    %swap3A_1656 = arith.constant 194 : index
    %swap3A_1657 = arith.constant 0 : index
    %swap3A_1658 = arith.constant 0 : index
    %swap3A_1659 = vector.load %arg3[%swap3A_1656, %swap3A_1657, %swap3A_1658] : memref<200x64x128xf32, #tpu.memory_space<vmem>>, vector<1x64x128xf32>
    %swap3A_1660 = vector.shape_cast %swap3A_1659 : vector<1x64x128xf32> to vector<64x128xf32>
    %swap3A_1661 = vector.shape_cast %slice3A_1655 : vector<64x128xf32> to vector<1x64x128xf32>
    tpu.vector_store %arg3[%swap3A_1656, %swap3A_1657, %swap3A_1658], %swap3A_1661 {strides = array<i32>} : memref<200x64x128xf32, #tpu.memory_space<vmem>>, vector<1x64x128xf32>,
    %slice3A_1662 = vector.extract_strided_slice %transpose3A_1654 {offsets = [64, 0], sizes = [64, 128], strides = [1, 1]} : vector<128x128xf32> to vector<64x128xf32>
    %swap3A_1663 = arith.constant 195 : index
    %swap3A_1664 = arith.constant 0 : index
    %swap3A_1665 = arith.constant 0 : index
    %swap3A_1666 = vector.load %arg3[%swap3A_1663, %swap3A_1664, %swap3A_1665] : memref<200x64x128xf32, #tpu.memory_space<vmem>>, vector<1x64x128xf32>
    %swap3A_1667 = vector.shape_cast %swap3A_1666 : vector<1x64x128xf32> to vector<64x128xf32>
    %swap3A_1668 = vector.shape_cast %slice3A_1662 : vector<64x128xf32> to vector<1x64x128xf32>
    tpu.vector_store %arg3[%swap3A_1663, %swap3A_1664, %swap3A_1665], %swap3A_1668 {strides = array<i32>} : memref<200x64x128xf32, #tpu.memory_space<vmem>>, vector<1x64x128xf32>,
    %slice3A_1669 = vector.extract_strided_slice %add3A_6 {offsets = [0, 98, 0], sizes = [128, 1, 128], strides = [1, 1, 1]} : vector<128x100x128xf32> to vector<128x1x128xf32>
    %squeeze3A_1670 = vector.shape_cast %slice3A_1669 : vector<128x1x128xf32> to vector<128x128xf32>
    %transpose3A_1671 = tpu.transpose %squeeze3A_1670, [1, 0] : vector<128x128xf32> -> vector<128x128xf32>
    %slice3A_1672 = vector.extract_strided_slice %transpose3A_1671 {offsets = [0, 0], sizes = [64, 128], strides = [1, 1]} : vector<128x128xf32> to vector<64x128xf32>
    %swap3A_1673 = arith.constant 196 : index
    %swap3A_1674 = arith.constant 0 : index
    %swap3A_1675 = arith.constant 0 : index
    %swap3A_1676 = vector.load %arg3[%swap3A_1673, %swap3A_1674, %swap3A_1675] : memref<200x64x128xf32, #tpu.memory_space<vmem>>, vector<1x64x128xf32>
    %swap3A_1677 = vector.shape_cast %swap3A_1676 : vector<1x64x128xf32> to vector<64x128xf32>
    %swap3A_1678 = vector.shape_cast %slice3A_1672 : vector<64x128xf32> to vector<1x64x128xf32>
    tpu.vector_store %arg3[%swap3A_1673, %swap3A_1674, %swap3A_1675], %swap3A_1678 {strides = array<i32>} : memref<200x64x128xf32, #tpu.memory_space<vmem>>, vector<1x64x128xf32>,
    %slice3A_1679 = vector.extract_strided_slice %transpose3A_1671 {offsets = [64, 0], sizes = [64, 128], strides = [1, 1]} : vector<128x128xf32> to vector<64x128xf32>
    %swap3A_1680 = arith.constant 197 : index
    %swap3A_1681 = arith.constant 0 : index
    %swap3A_1682 = arith.constant 0 : index
    %swap3A_1683 = vector.load %arg3[%swap3A_1680, %swap3A_1681, %swap3A_1682] : memref<200x64x128xf32, #tpu.memory_space<vmem>>, vector<1x64x128xf32>
    %swap3A_1684 = vector.shape_cast %swap3A_1683 : vector<1x64x128xf32> to vector<64x128xf32>
    %swap3A_1685 = vector.shape_cast %slice3A_1679 : vector<64x128xf32> to vector<1x64x128xf32>
    tpu.vector_store %arg3[%swap3A_1680, %swap3A_1681, %swap3A_1682], %swap3A_1685 {strides = array<i32>} : memref<200x64x128xf32, #tpu.memory_space<vmem>>, vector<1x64x128xf32>,
    %slice3A_1686 = vector.extract_strided_slice %add3A_6 {offsets = [0, 99, 0], sizes = [128, 1, 128], strides = [1, 1, 1]} : vector<128x100x128xf32> to vector<128x1x128xf32>
    %squeeze3A_1687 = vector.shape_cast %slice3A_1686 : vector<128x1x128xf32> to vector<128x128xf32>
    %transpose3A_1688 = tpu.transpose %squeeze3A_1687, [1, 0] : vector<128x128xf32> -> vector<128x128xf32>
    %slice3A_1689 = vector.extract_strided_slice %transpose3A_1688 {offsets = [0, 0], sizes = [64, 128], strides = [1, 1]} : vector<128x128xf32> to vector<64x128xf32>
    %swap3A_1690 = arith.constant 198 : index
    %swap3A_1691 = arith.constant 0 : index
    %swap3A_1692 = arith.constant 0 : index
    %swap3A_1693 = vector.load %arg3[%swap3A_1690, %swap3A_1691, %swap3A_1692] : memref<200x64x128xf32, #tpu.memory_space<vmem>>, vector<1x64x128xf32>
    %swap3A_1694 = vector.shape_cast %swap3A_1693 : vector<1x64x128xf32> to vector<64x128xf32>
    %swap3A_1695 = vector.shape_cast %slice3A_1689 : vector<64x128xf32> to vector<1x64x128xf32>
    tpu.vector_store %arg3[%swap3A_1690, %swap3A_1691, %swap3A_1692], %swap3A_1695 {strides = array<i32>} : memref<200x64x128xf32, #tpu.memory_space<vmem>>, vector<1x64x128xf32>,
    %slice3A_1696 = vector.extract_strided_slice %transpose3A_1688 {offsets = [64, 0], sizes = [64, 128], strides = [1, 1]} : vector<128x128xf32> to vector<64x128xf32>
    %swap3A_1697 = arith.constant 199 : index
    %swap3A_1698 = arith.constant 0 : index
    %swap3A_1699 = arith.constant 0 : index
    %swap3A_1700 = vector.load %arg3[%swap3A_1697, %swap3A_1698, %swap3A_1699] : memref<200x64x128xf32, #tpu.memory_space<vmem>>, vector<1x64x128xf32>
    %swap3A_1701 = vector.shape_cast %swap3A_1700 : vector<1x64x128xf32> to vector<64x128xf32>
    %swap3A_1702 = vector.shape_cast %slice3A_1696 : vector<64x128xf32> to vector<1x64x128xf32>
    tpu.vector_store %arg3[%swap3A_1697, %swap3A_1698, %swap3A_1699], %swap3A_1702 {strides = array<i32>} : memref<200x64x128xf32, #tpu.memory_space<vmem>>, vector<1x64x128xf32>,
    return
  }
  func.func @transform_0(%arg0: i32) -> (i32, i32, i32) {
    %c0_i32 = arith.constant 0 : i32
    %c0_i32_0 = arith.constant 0 : i32
    %c0_i32_1 = arith.constant 0 : i32
    return %arg0, %c0_i32, %c0_i32_0 : i32, i32, i32
  }
  func.func @transform_1(%arg0: i32) -> (i32, i32) {
    %c0_i32 = arith.constant 0 : i32
    %c0_i32_0 = arith.constant 0 : i32
    %c0_i32_1 = arith.constant 0 : i32
    return %c0_i32, %c0_i32_0 : i32, i32
  }
  func.func @transform_2(%arg0: i32) -> (i32, i32, i32) {
    %c0_i32 = arith.constant 0 : i32
    %c0_i32_0 = arith.constant 0 : i32
    %c0_i32_1 = arith.constant 0 : i32
    return %c0_i32, %c0_i32_0, %arg0 : i32, i32, i32
  }
}

</mosaic_0001>

<sc_bundles>
// kernel: _run.4.cloned.1.call-start
scs
__scs_entry_jumppad:
0x0: {  	(pc) =	sbr.rel $0x88, $3  }
0x1: {  	(tag) =	ssettag $0x0;
	lr =	simm.s32 $0x1  }
0x2: {  	[smem:$0x3F9E] =	sst lr;
	_ =	strace $0xD0000000  }
0x3: {  	_ = 	snop  }
0x4: {  	_ = 	snop  }
0x5: {  	_ = 	snop  }
0x6: {  	_ = 	snop  }
0x7: {  	_ = 	snop  }
__scs_overlays_trampoline_lowered:
0x8: {  	[smem:$0x3FAD] =	sst s0  }
0x9: {  	[smem:$0x3FAE] =	sst s1  }
0xa: {  	[smem:$0x3FAF] =	sst s2  }
0xb: {  	[smem:$0x3FB0] =	sst s3  }
0xc: {  	[smem:$0x3FB1] =	sst s4  }
0xd: {  	[smem:$0x3FB2] =	sst s5  }
0xe: {  	[smem:$0x3FB3] =	sst s6  }
0xf: {  	[smem:$0x3FB4] =	sst s7  }
0x10: {  	[smem:$0x3FB5] =	sst s8  }
0x11: {  	[smem:$0x3FB6] =	sst s9;
	s0 =	simm.s32 @!p0 $0x0  }
0x12: {  	s1 =	sld [smem:$0x3F9C];
	s0 =	simm.s32 @p0 $0x1  }
0x13: {  	[smem:$0x3FB7] =	sst s0;
	s0 =	simm.s32 @!p1 $0x0  }
0x14: {  	s2 =	sld [smem:$0x3F9B];
	s0 =	simm.s32 @p1 $0x1  }
0x15: {  	[smem:$0x3FB8] =	sst s0;
	s0 =	simm.s32 @!p2 $0x0  }
0x16: {  	s3 =	sld [smem:$0x3FDB];
	s0 =	simm.s32 @p2 $0x1  }
0x17: {  	s4 =	simm.s32 $0x1BF5;
	[smem:$0x3FBA] =	sst s0  }
0x18: {  	s0 =	sld [smem:$0x3F9D];
	_ =	swait.ge [sflag:s4], $0x0  }
0x19: {  	s7 =	sld [smem:$0x3F9E]  }
0x1a: {  	s8 =	sadd.s32 $0xFFFFE003, lr  }
0x1b: {  	s9 =	sadd.s32 $0xFFFFFEF7, lr;
	s5 =	simm.s32 $0xFFFFFFFF;
	p2 =	slt.u32 s8, $0xFFFFF086  }
0x1c: {  	p1 =	slt.u32 s9, $0xF7A;
	s5 =	simm.s32 @!p2 $0x0  }
0x1d: {  	s5 =	simm.s32 @p1 $0x1;
	p0 =	seq.s32 s7, s2  }
0x1e: {  	s7 =	smul.u32 @!p0 $0xF7A, s2;
	p2 =	seq.s32 @!p0 s5, $0x0  }
0x1f: {  	s9 =	smul.u32 $0xF7A, s1;
	s8 =	simm.s32 @!p0 $0x1BF5;
	p2 =	por !p2, p0  }
0x20: {  	[sflag:s8] =	ssyncset.s32 @!p0 $0xFFFFF086;
	s6 =	sadd.s32 @!p0 s3, s7;
	s7 =	simm.s32 @!p0 $0x108  }
0x21: {  	s3 =	sadd.s32 s3, s9;
	s6 =	sadd.s32 @!p0 $0x88, s6;
	s7 =	simm.s32 @p2 $0x1082  }
0x22: {  	[simem:s7], [sflag:s8] =	dma.local @!p0 [hbm:s6], $0xF7A  }
0x23: {  	s9 =	sor.u32 $0xD0000000, s2;
	s6 =	simm.s32 $0x108;
	_ =	swait.ge @!p0 [sflag:s8], $0x0  }
0x24: {  	s3 =	sadd.s32 $0x88, s3;
	s6 =	simm.s32 @!p1 $0x1082;
	[sflag:s4] =	ssyncset.s32 $0xFFFFF086  }
0x25: {  	[simem:s6], [sflag:s4] =	dma.local [hbm:s3], $0xF7A  }
0x26: {  	[smem:$0x3F9E] =	sst s1;
	(tag) =	ssettag s2;
	_ =	strace s9  }
0x27: {  	s1 =	sld [smem:$0x3FAE]  }
0x28: {  	s2 =	sld [smem:$0x3FAF]  }
0x29: {  	s4 =	sld [smem:$0x3FB1]  }
0x2a: {  	p0 =	seq.s32 s5, $0x0;
	s5 =	sld [smem:$0x3FB2]  }
0x2b: {  	s6 =	sld [smem:$0x3FB3]  }
0x2c: {  	s7 =	sld [smem:$0x3FB4]  }
0x2d: {  	s3 =	simm.s32 $0x108;
	s8 =	sld [smem:$0x3FB5]  }
0x2e: {  	s3 =	simm.s32 @!p0 $0x1082;
	s9 =	sld [smem:$0x3FB6]  }
0x2f: {  	lr =	sadd.s32 s0, s3;
	s0 =	sld [smem:$0x3FAD]  }
0x30: {  	s3 =	sld [smem:$0x3FB0]  }
0x31: {  	[smem:$0x3FB9] =	sst s10  }
0x32: {  	s10 =	sld [smem:$0x3FB7];
	_ =	sdelay $0x3  }
0x33: {  	p0 =	seq.s32 s10, $0x1;
	s10 =	sld [smem:$0x3FB9];
	_ =	sdelay $0x3  }
0x34: {  	[smem:$0x3FB9] =	sst s10  }
0x35: {  	s10 =	sld [smem:$0x3FB8];
	_ =	sdelay $0x3  }
0x36: {  	p1 =	seq.s32 s10, $0x1;
	s10 =	sld [smem:$0x3FB9];
	_ =	sdelay $0x3  }
0x37: {  	[smem:$0x3FB9] =	sst s10  }
0x38: {  	s10 =	sld [smem:$0x3FBA]  }
0x39: {  	_ = 	snop;
	(pc) =	sbr.ind lr, $3  }
0x3a: {  	_ = 	snop  }
0x3b: {  	_ = 	snop  }
0x3c: {  	p2 =	seq.s32 s10, $0x1;
	s10 =	sld [smem:$0x3FB9]  }
0x3d: {  	_ =	shalt  }
0x3e: {  	_ =	shalt  }
0x3f: {  	_ =	shalt  }
0x40: {  	_ =	shalt  }
0x41: {  	_ =	shalt  }
0x42: {  	_ =	shalt  }
0x43: {  	_ =	shalt  }
0x44: {  	_ =	shalt  }
0x45: {  	_ =	shalt  }
0x46: {  	_ =	shalt  }
0x47: {  	_ =	shalt  }
0x48: {  	_ =	shalt  }
0x49: {  	_ =	shalt  }
0x4a: {  	_ =	shalt  }
0x4b: {  	_ =	shalt  }
0x4c: {  	_ =	shalt  }
0x4d: {  	_ =	shalt  }
0x4e: {  	_ =	shalt  }
0x4f: {  	_ =	shalt  }
0x50: {  	_ =	shalt  }
0x51: {  	_ =	shalt  }
0x52: {  	_ =	shalt  }
0x53: {  	_ =	shalt  }
0x54: {  	_ =	shalt  }
0x55: {  	_ =	shalt  }
0x56: {  	_ =	shalt  }
0x57: {  	_ =	shalt  }
0x58: {  	_ =	shalt  }
0x59: {  	_ =	shalt  }
0x5a: {  	_ =	shalt  }
0x5b: {  	_ =	shalt  }
0x5c: {  	_ =	shalt  }
0x5d: {  	_ =	shalt  }
0x5e: {  	_ =	shalt  }
0x5f: {  	_ =	shalt  }
0x60: {  	_ =	shalt  }
0x61: {  	_ =	shalt  }
0x62: {  	_ =	shalt  }
0x63: {  	_ =	shalt  }
0x64: {  	_ =	shalt  }
0x65: {  	_ =	shalt  }
0x66: {  	_ =	shalt  }
0x67: {  	_ =	shalt  }
0x68: {  	_ =	shalt  }
0x69: {  	_ =	shalt  }
0x6a: {  	_ =	shalt  }
0x6b: {  	_ =	shalt  }
0x6c: {  	_ =	shalt  }
0x6d: {  	_ =	shalt  }
0x6e: {  	_ =	shalt  }
0x6f: {  	_ =	shalt  }
0x70: {  	_ =	shalt  }
0x71: {  	_ =	shalt  }
0x72: {  	_ =	shalt  }
0x73: {  	_ =	shalt  }
0x74: {  	_ =	shalt  }
0x75: {  	_ =	shalt  }
0x76: {  	_ =	shalt  }
0x77: {  	_ =	shalt  }
0x78: {  	_ =	shalt  }
0x79: {  	_ =	shalt  }
0x7a: {  	_ =	shalt  }
0x7b: {  	_ =	shalt  }
0x7c: {  	_ =	shalt  }
0x7d: {  	_ =	shalt  }
0x7e: {  	_ =	shalt  }
0x7f: {  	_ =	shalt  }
0x80: {  	_ =	shalt  }
0x81: {  	_ =	shalt  }
0x82: {  	_ =	shalt  }
0x83: {  	_ =	shalt  }
0x84: {  	_ =	shalt  }
0x85: {  	_ =	shalt  }
0x86: {  	_ =	shalt  }
0x87: {  	_ =	shalt  }
.Lfunc_end0:
.L_simem_size_0:
called_computation_lowered:
.L_overlay_start_0:
0x88: {  	s2 =	sld [smem:$0x3FD9]  }
0x89: {  	s3 =	sld [smem:$0x3FFE];
	_ =	sdelay $0x1  }
0x8a: {  	s1 =	srdreg.scid  }
0x8b: {  	s0 =	sand.u32 $0x1, s1  }
0x8c: {  	s17 =	sshll.u32 s0, $0xA;
	s2 =	sadd.s32 s3, s2  }
0x8d: {  	s2 =	sadd.s32 s2, s17  }
0x8e: {  	[smem:$0x3FC5] =	sst s2  }
0x8f: {  	_ = 	snop  }
0x90: {  	s2 =	sld [smem:$0x3FC9]  }
0x91: {  	s18 =	sld [smem:$0x3FD0];
	(tm) =	ssettm $0x1  }
0x92: {  	s4 =	sld [smem:$0x3FFB];
	_ =	sdelay $0x3  }
0x93: {  	_ =	strace s4  }
0x94: {  	s4 =	sld [smem:$0x3FFC];
	_ =	sdelay $0x3  }
0x95: {  	_ =	strace s4  }
0x96: {  	s4 =	sld [smem:$0x3FFD];
	_ =	sdelay $0x3  }
0x97: {  	_ =	strace s4  }
0x98: {  	_ =	strace $0x8FFFFFFF  }
0x99: {  	s19 =	sld [smem:$0x3FDB];
	_ =	sdelay $0x1  }
0x9a: {  	s5 =	simm.s32 $_scs_section_size  }
0x9b: {  	s6 =	simm.s32 $_size__tile_overlayer_lowered;
	s7 =	simm.s32 $_tile_overlayer_lowered  }
0x9c: {  	s22 =	simm.s32 $0x1BFF;
	s21 =	sshll.u32 s7, $0x1;
	s4 =	sadd.s32 s5, s19  }
0x9d: {  	s8 =	simm.s32 $0x0;
	s20 =	sshll.u32 s6, $0x1;
	s6 =	sadd.s32 s21, s4  }
0x9e: {  	[timem:s8], [sflag:s22] =	dma.local [hbm:s6], s20  }
0x9f: {  	_ =	swait.ge [sflag:s22], s20  }
0xa0: {  	s5 =	ssub.s32 $0x0, s20;
	[sflag:s22] =	ssyncset.done $0x0  }
0xa1: {  	[sflag:s22] =	ssyncadd.s32 s5;
	_ =	sdelay $0x1  }
0xa2: {  	s23 =	simm.s32 $0x1B8B  }
0xa3: {  	_ =	swait.ge [sflag:s23], $0x1  }
0xa4: {  	[sflag:s23] =	ssyncset.done $0x0  }
0xa5: {  	s25 =	simm.s32 $0x1B8E;
	s24 =	sld [smem:$0x3FFE];
	[sflag:s23] =	ssyncadd.s32 $0xFFFFFFFF  }
0xa6: {  	s26 =	simm.s32 $execute0_lowered;
	[smem:$0x3FD2] =	sst s25  }
0xa7: {  	s6 =	sshll.u32 s26, $0x1;
	_ =	strace $0x80000046;
	[dreg:$0x1] =	wrdreg $0xFFFFFFFF  }
0xa8: {  	s28 =	simm.s32 $_size_execute0_lowered;
	s4 =	sadd.s32 s4, s6;
	[dreg:$0x0] =	wrdreg $0x0  }
0xa9: {  	s6 =	sshll.u32 s28, $0x1;
	[dreg:$0x2] =	wrdreg s4  }
0xaa: {  	[dreg:$0x3] =	wrdreg s6  }
0xab: {  	[dreg:$0x4] =	wrdreg $0xC0  }
0xac: {  	_ =	task [dreg:s8], $0x5FFFF  }
0xad: {  	[dreg:$0x1] =	wrdreg $0xFFFFFFFF  }
0xae: {  	[dreg:$0x0] =	wrdreg $0x60  }
0xaf: {  	[dreg:$0x2] =	wrdreg s2  }
0xb0: {  	[dreg:$0x3] =	wrdreg s18  }
0xb1: {  	[dreg:$0x4] =	wrdreg s24  }
0xb2: {  	[dreg:$0x5] =	wrdreg $0x9  }
0xb3: {  	_ =	task.clear_ibuf [dreg:s8], $0x6FFFF;
	_ =	strace $0x90000046  }
0xb4: {  	s29 =	simm.s32 $0x9;
	_ =	strace $0x80000048  }
0xb5: {  	_ =	swait.ge [sflag:s29], $0x1  }
0xb6: {  	[sflag:s29] =	ssyncadd.s32 $0xFFFFFFFF  }
0xb7: {  	_ =	strace $0x90000048  }
0xb8: {  	_ =	sfence  }
0xb9: {  	s30 =	sld [smem:$0x0];
	_ =	sdelay $0x2  }
0xba: {  	s31 =	sshll.u32 s1, $0xD;
	s1 =	sshrl.u32 s1, $0x2  }
0xbb: {  	s3 =	sand.u32 $0x4000, s31;
	s1 =	sadd.s32 s1, s30  }
0xbc: {  	s0 =	sor.u32 s3, s0;
	s1 =	sshll.u32 s1, $0x11  }
0xbd: {  	s0 =	sor.u32 s1, s0  }
0xbe: {  	s0 =	sadd.s32 $0x8F2B, s0  }
0xbf: {  	[sflag:s0] =	ssyncadd.remote.s32 $0x1  }
0xc0: {  	_ =	sfence.sel $0xFFFF  }
0xc1: {  	[dreg:$0x0] =	wrdreg $0xFFFFFFFF;
	(pc) =	sbr.abs _section_cstart, $3  }
0xc2: {  	[dreg:$0x1] =	wrdreg $0xFFFFFFFF  }
0xc3: {  	_ =	task.clear_ibuf [dreg:s8], $0x2FFFF;
	_ =	strace $0x9FFFFFFF  }
0xc4: {  	(tm) =	ssettm $0x7FFFFFFF  }
0xc5: {  	_ =	shalt  }
tec
execute0_lowered:
.L_overlay_start_1:
0x0: {  	(tag) =	ssettag $0x1  }
0x1: {  	s1 =	srdreg.scid;
	s0 =	stileid.u32  }
0x2: {  	s1 =	sand.u32 $0x1, s1;
	s3 =	sshll.u32 s0, $0x1  }
0x3: {  	s4 =	rddreg [dreg:$0x0];
	s5 =	sor.u32 s1, s3  }
0x4: {  	s2 =	rddreg [dreg:$0x1];
	s7 =	smul.u32 $0x1900, s5  }
0x5: {  	s6 =	rddreg [dreg:$0x2]  }
0x6: {  	s3 =	simm.s32 $0x0;
	s8 =	smul.u32 $0xD000, s5;
	s7 =	sshrl.u32 s7, $0x3  }
0x7: {  	s6 =	sadd.s32 $0x600, s6;
	[smem:$0x7FF] =	sst s3;
	s0 =	sadd.s32 s4, s7  }
0x8: {  	_ =	strace $0x80000047;
	s4 =	sadd.s32 s6, s8;
	s9 =	sadd.s32 $0x64, s0  }
0x9: {  	[tilespmem:s3], [sflag:$0x5] =	stream.linear.gather [hbm4b:s0+s3], $0x320, $0x38;
	[tilespmem:$0x19640] =	vst v63  }
0xa: {  	s8 =	sadd.s32 $0x680, s4;
	[dreg:$0x4] =	wrdreg s9  }
0xb: {  	s20 =	sadd.s32 $0xD00, s4;
	[dreg:$0x5] =	wrdreg s8  }
0xc: {  	s19 =	smul.u32 $0x68000, s5;
	s21 =	sadd.s32 $0xC8, s0;
	[dreg:$0x6] =	wrdreg s20  }
0xd: {  	s26 =	sadd.s32 $0x12C, s0;
	[dreg:$0x8] =	wrdreg s21  }
0xe: {  	s7 =	sshrl.u32 s19, $0x3;
	s10 =	sadd.s32 $0x190, s0;
	[dreg:$0xd] =	wrdreg s26  }
0xf: {  	s31 =	sadd.s32 s6, s7;
	s15 =	sadd.s32 $0x1F4, s0;
	[dreg:$0x12] =	wrdreg s10  }
0x10: {  	s6 =	sadd.s32 $0x1380, s31;
	[dreg:$0x17] =	wrdreg s15  }
0x11: {  	s22 =	sadd.s32 $0x1A00, s31;
	[dreg:$0x7] =	wrdreg s6  }
0x12: {  	s23 =	sadd.s32 $0x2080, s31;
	[dreg:$0x9] =	wrdreg s22  }
0x13: {  	s24 =	sadd.s32 $0x2700, s31;
	[dreg:$0xa] =	wrdreg s23  }
0x14: {  	s25 =	sadd.s32 $0x2D80, s31;
	[dreg:$0xb] =	wrdreg s24  }
0x15: {  	s5 =	sadd.s32 $0x3400, s31;
	[dreg:$0xc] =	wrdreg s25  }
0x16: {  	s7 =	sadd.s32 $0x3A80, s31;
	[dreg:$0xe] =	wrdreg s5  }
0x17: {  	s8 =	sadd.s32 $0x4100, s31;
	[dreg:$0xf] =	wrdreg s7  }
0x18: {  	s9 =	sadd.s32 $0x4780, s31;
	[dreg:$0x10] =	wrdreg s8  }
0x19: {  	s11 =	sadd.s32 $0x4E00, s31;
	[dreg:$0x11] =	wrdreg s9  }
0x1a: {  	s12 =	sadd.s32 $0x5480, s31;
	[dreg:$0x13] =	wrdreg s11  }
0x1b: {  	s13 =	sadd.s32 $0x5B00, s31;
	[dreg:$0x14] =	wrdreg s12  }
0x1c: {  	s14 =	sadd.s32 $0x6180, s31;
	[dreg:$0x15] =	wrdreg s13  }
0x1d: {  	s16 =	sadd.s32 $0x6800, s31;
	[dreg:$0x16] =	wrdreg s14  }
0x1e: {  	s17 =	sadd.s32 $0x6E80, s31;
	[dreg:$0x18] =	wrdreg s16  }
0x1f: {  	s18 =	sadd.s32 $0x7500, s31;
	[dreg:$0x19] =	wrdreg s17  }
0x20: {  	s19 =	sadd.s32 $0x7B80, s31;
	[dreg:$0x1a] =	wrdreg s18  }
0x21: {  	s20 =	sadd.s32 $0x258, s0;
	[dreg:$0x1b] =	wrdreg s19  }
0x22: {  	s21 =	sadd.s32 $0x8200, s31;
	[dreg:$0x1c] =	wrdreg s20  }
0x23: {  	[dreg:$0x1d] =	wrdreg s21;
	s22 =	sadd.s32 $0x8880, s31  }
0x24: {  	s6 =	simm.s32 $0x5;
	[dreg:$0x1e] =	wrdreg s22  }
0x25: {  	_ =	swait.ge [sflag:s6], $0x320  }
0x26: {  	[sflag:s6] =	ssyncset.done $0x0  }
0x27: {  	s7 =	simm.s32 $0x320;
	s8 =	simm.s32 $0x640;
	[sflag:s6] =	ssyncadd.s32 $0xFFFFFCE0  }
0x28: {  	[tilespmem:s8], [sflag:$0x1] =	stream.indirect.gather [hbm4b:s2+s7], $0x40, s3, s7, $0xb8;
	[tilespmem:$0x19640] =	vst v63  }
0x29: {  	s23 =	rddreg [dreg:$0x4]  }
0x2a: {  	[tilespmem:s7], [sflag:$0x5] =	stream.linear.gather [hbm4b:s23+s3], $0x320, $0x38;
	[tilespmem:$0x19640] =	vst v63  }
0x2b: {  	_ =	swait.ge [sflag:s6], $0x320  }
0x2c: {  	[sflag:s6] =	ssyncset.done $0x0  }
0x2d: {  	s10 =	simm.s32 $0x1;
	s9 =	simm.s32 $0xCE40;
	[sflag:s6] =	ssyncadd.s32 $0xFFFFFCE0  }
0x2e: {  	[tilespmem:s9], [sflag:$0x2] =	stream.indirect.gather [hbm4b:s2+s7], $0x40, s7, s7, $0xb8;
	[tilespmem:$0x19640] =	vst v63  }
0x2f: {  	_ =	swait.ge [sflag:s10], $0xC800  }
0x30: {  	[sflag:s10] =	ssyncset.done $0x0  }
0x31: {  	[dreg:$0x1f] =	wrdreg s4;
	[sflag:s10] =	ssyncadd.s32 $0xFFFF3800  }
0x32: {  	[hbm4b:s4+s3] =	stream.linear.scatter [tilespmem:s8], [sflag:$0x3], $0x3200, $0x38;
	[tilespmem:$0x19640] =	vst v63  }
0x33: {  	s11 =	simm.s32 $0x3840;
	s12 =	rddreg [dreg:$0x5]  }
0x34: {  	[hbm4b:s12+s3] =	stream.linear.scatter [tilespmem:s11], [sflag:$0x3], $0x3200, $0x38;
	[tilespmem:$0x19640] =	vst v63  }
0x35: {  	s13 =	rddreg [dreg:$0x6];
	s12 =	simm.s32 $0x6A40  }
0x36: {  	[hbm4b:s13+s3] =	stream.linear.scatter [tilespmem:s12], [sflag:$0x3], $0x3200, $0x38;
	[tilespmem:$0x19640] =	vst v63  }
0x37: {  	s14 =	simm.s32 $0x3;
	s15 =	rddreg [dreg:$0x7];
	s13 =	simm.s32 $0x9C40  }
0x38: {  	[hbm4b:s15+s3] =	stream.linear.scatter [tilespmem:s13], [sflag:$0x3], $0x3200, $0x38;
	[tilespmem:$0x19640] =	vst v63  }
0x39: {  	_ =	swait.ge [sflag:s14], $0x3200  }
0x3a: {  	[sflag:s14] =	ssyncset.done $0x0  }
0x3b: {  	[sflag:s14] =	ssyncadd.s32 $0xFFFFCE00  }
0x3c: {  	_ =	swait.ge [sflag:s14], $0x3200  }
0x3d: {  	[sflag:s14] =	ssyncset.done $0x0  }
0x3e: {  	[sflag:s14] =	ssyncadd.s32 $0xFFFFCE00  }
0x3f: {  	_ =	swait.ge [sflag:s14], $0x3200  }
0x40: {  	[sflag:s14] =	ssyncset.done $0x0  }
0x41: {  	[sflag:s14] =	ssyncadd.s32 $0xFFFFCE00  }
0x42: {  	_ =	swait.ge [sflag:s14], $0x3200  }
0x43: {  	[sflag:s14] =	ssyncset.done $0x0  }
0x44: {  	s24 =	rddreg [dreg:$0x8];
	[sflag:s14] =	ssyncadd.s32 $0xFFFFCE00  }
0x45: {  	[tilespmem:s3], [sflag:$0x5] =	stream.linear.gather [hbm4b:s24+s3], $0x320, $0x38;
	[tilespmem:$0x19640] =	vst v63  }
0x46: {  	_ =	swait.ge [sflag:s6], $0x320  }
0x47: {  	[sflag:s6] =	ssyncset.done $0x0  }
0x48: {  	s15 =	simm.s32 $0x2;
	[sflag:s6] =	ssyncadd.s32 $0xFFFFFCE0  }
0x49: {  	[tilespmem:s8], [sflag:$0x1] =	stream.indirect.gather [hbm4b:s2+s7], $0x40, s3, s7, $0xb8;
	[tilespmem:$0x19640] =	vst v63  }
0x4a: {  	_ =	swait.ge [sflag:s15], $0xC800  }
0x4b: {  	[sflag:s15] =	ssyncset.done $0x0  }
0x4c: {  	s16 =	rddreg [dreg:$0x9];
	[sflag:s15] =	ssyncadd.s32 $0xFFFF3800  }
0x4d: {  	[hbm4b:s16+s3] =	stream.linear.scatter [tilespmem:s9], [sflag:$0x4], $0x3200, $0x38;
	[tilespmem:$0x19640] =	vst v63  }
0x4e: {  	s17 =	rddreg [dreg:$0xa];
	s16 =	simm.s32 $0x10040  }
0x4f: {  	[hbm4b:s17+s3] =	stream.linear.scatter [tilespmem:s16], [sflag:$0x4], $0x3200, $0x38;
	[tilespmem:$0x19640] =	vst v63  }
0x50: {  	s18 =	rddreg [dreg:$0xb];
	s17 =	simm.s32 $0x13240  }
0x51: {  	[hbm4b:s18+s3] =	stream.linear.scatter [tilespmem:s17], [sflag:$0x4], $0x3200, $0x38;
	[tilespmem:$0x19640] =	vst v63  }
0x52: {  	s19 =	simm.s32 $0x16440;
	s20 =	rddreg [dreg:$0xc];
	s18 =	simm.s32 $0x4  }
0x53: {  	[hbm4b:s20+s3] =	stream.linear.scatter [tilespmem:s19], [sflag:$0x4], $0x3200, $0x38;
	[tilespmem:$0x19640] =	vst v63  }
0x54: {  	_ =	swait.ge [sflag:s18], $0x3200  }
0x55: {  	[sflag:s18] =	ssyncset.done $0x0  }
0x56: {  	[sflag:s18] =	ssyncadd.s32 $0xFFFFCE00  }
0x57: {  	_ =	swait.ge [sflag:s18], $0x3200  }
0x58: {  	[sflag:s18] =	ssyncset.done $0x0  }
0x59: {  	[sflag:s18] =	ssyncadd.s32 $0xFFFFCE00  }
0x5a: {  	_ =	swait.ge [sflag:s18], $0x3200  }
0x5b: {  	[sflag:s18] =	ssyncset.done $0x0  }
0x5c: {  	[sflag:s18] =	ssyncadd.s32 $0xFFFFCE00  }
0x5d: {  	_ =	swait.ge [sflag:s18], $0x3200  }
0x5e: {  	[sflag:s18] =	ssyncset.done $0x0  }
0x5f: {  	s25 =	rddreg [dreg:$0xd];
	[sflag:s18] =	ssyncadd.s32 $0xFFFFCE00  }
0x60: {  	[tilespmem:s7], [sflag:$0x5] =	stream.linear.gather [hbm4b:s25+s3], $0x320, $0x38;
	[tilespmem:$0x19640] =	vst v63  }
0x61: {  	_ =	swait.ge [sflag:s6], $0x320  }
0x62: {  	[sflag:s6] =	ssyncset.done $0x0  }
0x63: {  	[sflag:s6] =	ssyncadd.s32 $0xFFFFFCE0  }
0x64: {  	[tilespmem:s9], [sflag:$0x2] =	stream.indirect.gather [hbm4b:s2+s7], $0x40, s7, s7, $0xb8;
	[tilespmem:$0x19640] =	vst v63  }
0x65: {  	_ =	swait.ge [sflag:s10], $0xC800  }
0x66: {  	[sflag:s10] =	ssyncset.done $0x0  }
0x67: {  	s26 =	rddreg [dreg:$0xe];
	[sflag:s10] =	ssyncadd.s32 $0xFFFF3800  }
0x68: {  	[hbm4b:s26+s3] =	stream.linear.scatter [tilespmem:s8], [sflag:$0x3], $0x3200, $0x38;
	[tilespmem:$0x19640] =	vst v63  }
0x69: {  	s21 =	rddreg [dreg:$0xf]  }
0x6a: {  	[hbm4b:s21+s3] =	stream.linear.scatter [tilespmem:s11], [sflag:$0x3], $0x3200, $0x38;
	[tilespmem:$0x19640] =	vst v63  }
0x6b: {  	s4 =	rddreg [dreg:$0x10]  }
0x6c: {  	[hbm4b:s4+s3] =	stream.linear.scatter [tilespmem:s12], [sflag:$0x3], $0x3200, $0x38;
	[tilespmem:$0x19640] =	vst v63  }
0x6d: {  	s5 =	rddreg [dreg:$0x11]  }
0x6e: {  	[hbm4b:s5+s3] =	stream.linear.scatter [tilespmem:s13], [sflag:$0x3], $0x3200, $0x38;
	[tilespmem:$0x19640] =	vst v63  }
0x6f: {  	_ =	swait.ge [sflag:s14], $0x3200  }
0x70: {  	[sflag:s14] =	ssyncset.done $0x0  }
0x71: {  	[sflag:s14] =	ssyncadd.s32 $0xFFFFCE00  }
0x72: {  	_ =	swait.ge [sflag:s14], $0x3200  }
0x73: {  	[sflag:s14] =	ssyncset.done $0x0  }
0x74: {  	[sflag:s14] =	ssyncadd.s32 $0xFFFFCE00  }
0x75: {  	_ =	swait.ge [sflag:s14], $0x3200  }
0x76: {  	[sflag:s14] =	ssyncset.done $0x0  }
0x77: {  	[sflag:s14] =	ssyncadd.s32 $0xFFFFCE00  }
0x78: {  	_ =	swait.ge [sflag:s14], $0x3200  }
0x79: {  	[sflag:s14] =	ssyncset.done $0x0  }
0x7a: {  	s21 =	rddreg [dreg:$0x12];
	[sflag:s14] =	ssyncadd.s32 $0xFFFFCE00  }
0x7b: {  	[tilespmem:s3], [sflag:$0x5] =	stream.linear.gather [hbm4b:s21+s3], $0x320, $0x38;
	[tilespmem:$0x19640] =	vst v63  }
0x7c: {  	_ =	swait.ge [sflag:s6], $0x320  }
0x7d: {  	[sflag:s6] =	ssyncset.done $0x0  }
0x7e: {  	[sflag:s6] =	ssyncadd.s32 $0xFFFFFCE0  }
0x7f: {  	[tilespmem:s8], [sflag:$0x1] =	stream.indirect.gather [hbm4b:s2+s7], $0x40, s3, s7, $0xb8;
	[tilespmem:$0x19640] =	vst v63  }
0x80: {  	_ =	swait.ge [sflag:s15], $0xC800  }
0x81: {  	[sflag:s15] =	ssyncset.done $0x0  }
0x82: {  	s22 =	rddreg [dreg:$0x13];
	[sflag:s15] =	ssyncadd.s32 $0xFFFF3800  }
0x83: {  	[hbm4b:s22+s3] =	stream.linear.scatter [tilespmem:s9], [sflag:$0x4], $0x3200, $0x38;
	[tilespmem:$0x19640] =	vst v63  }
0x84: {  	s23 =	rddreg [dreg:$0x14]  }
0x85: {  	[hbm4b:s23+s3] =	stream.linear.scatter [tilespmem:s16], [sflag:$0x4], $0x3200, $0x38;
	[tilespmem:$0x19640] =	vst v63  }
0x86: {  	s24 =	rddreg [dreg:$0x15]  }
0x87: {  	[hbm4b:s24+s3] =	stream.linear.scatter [tilespmem:s17], [sflag:$0x4], $0x3200, $0x38;
	[tilespmem:$0x19640] =	vst v63  }
0x88: {  	s25 =	rddreg [dreg:$0x16]  }
0x89: {  	[hbm4b:s25+s3] =	stream.linear.scatter [tilespmem:s19], [sflag:$0x4], $0x3200, $0x38;
	[tilespmem:$0x19640] =	vst v63  }
0x8a: {  	_ =	swait.ge [sflag:s18], $0x3200  }
0x8b: {  	[sflag:s18] =	ssyncset.done $0x0  }
0x8c: {  	[sflag:s18] =	ssyncadd.s32 $0xFFFFCE00  }
0x8d: {  	_ =	swait.ge [sflag:s18], $0x3200  }
0x8e: {  	[sflag:s18] =	ssyncset.done $0x0  }
0x8f: {  	[sflag:s18] =	ssyncadd.s32 $0xFFFFCE00  }
0x90: {  	_ =	swait.ge [sflag:s18], $0x3200  }
0x91: {  	[sflag:s18] =	ssyncset.done $0x0  }
0x92: {  	[sflag:s18] =	ssyncadd.s32 $0xFFFFCE00  }
0x93: {  	_ =	swait.ge [sflag:s18], $0x3200  }
0x94: {  	[sflag:s18] =	ssyncset.done $0x0  }
0x95: {  	s26 =	rddreg [dreg:$0x17];
	[sflag:s18] =	ssyncadd.s32 $0xFFFFCE00  }
0x96: {  	[tilespmem:s7], [sflag:$0x5] =	stream.linear.gather [hbm4b:s26+s3], $0x320, $0x38;
	[tilespmem:$0x19640] =	vst v63  }
0x97: {  	_ =	swait.ge [sflag:s6], $0x320  }
0x98: {  	[sflag:s6] =	ssyncset.done $0x0  }
0x99: {  	[sflag:s6] =	ssyncadd.s32 $0xFFFFFCE0  }
0x9a: {  	[tilespmem:s9], [sflag:$0x2] =	stream.indirect.gather [hbm4b:s2+s7], $0x40, s7, s7, $0xb8;
	[tilespmem:$0x19640] =	vst v63  }
0x9b: {  	_ =	swait.ge [sflag:s10], $0xC800  }
0x9c: {  	[sflag:s10] =	ssyncset.done $0x0  }
0x9d: {  	s4 =	rddreg [dreg:$0x18];
	[sflag:s10] =	ssyncadd.s32 $0xFFFF3800  }
0x9e: {  	[hbm4b:s4+s3] =	stream.linear.scatter [tilespmem:s8], [sflag:$0x3], $0x3200, $0x38;
	[tilespmem:$0x19640] =	vst v63  }
0x9f: {  	s5 =	rddreg [dreg:$0x19]  }
0xa0: {  	[hbm4b:s5+s3] =	stream.linear.scatter [tilespmem:s11], [sflag:$0x3], $0x3200, $0x38;
	[tilespmem:$0x19640] =	vst v63  }
0xa1: {  	s22 =	rddreg [dreg:$0x1a]  }
0xa2: {  	[hbm4b:s22+s3] =	stream.linear.scatter [tilespmem:s12], [sflag:$0x3], $0x3200, $0x38;
	[tilespmem:$0x19640] =	vst v63  }
0xa3: {  	s23 =	rddreg [dreg:$0x1b]  }
0xa4: {  	[hbm4b:s23+s3] =	stream.linear.scatter [tilespmem:s13], [sflag:$0x3], $0x3200, $0x38;
	[tilespmem:$0x19640] =	vst v63  }
0xa5: {  	_ =	swait.ge [sflag:s14], $0x3200  }
0xa6: {  	[sflag:s14] =	ssyncset.done $0x0  }
0xa7: {  	[sflag:s14] =	ssyncadd.s32 $0xFFFFCE00  }
0xa8: {  	_ =	swait.ge [sflag:s14], $0x3200  }
0xa9: {  	[sflag:s14] =	ssyncset.done $0x0  }
0xaa: {  	[sflag:s14] =	ssyncadd.s32 $0xFFFFCE00  }
0xab: {  	_ =	swait.ge [sflag:s14], $0x3200  }
0xac: {  	[sflag:s14] =	ssyncset.done $0x0  }
0xad: {  	[sflag:s14] =	ssyncadd.s32 $0xFFFFCE00  }
0xae: {  	_ =	swait.ge [sflag:s14], $0x3200  }
0xaf: {  	[sflag:s14] =	ssyncset.done $0x0  }
0xb0: {  	s24 =	rddreg [dreg:$0x1c];
	[sflag:s14] =	ssyncadd.s32 $0xFFFFCE00  }
0xb1: {  	[tilespmem:s3], [sflag:$0x5] =	stream.linear.gather [hbm4b:s24+s3], $0x320, $0x38;
	[tilespmem:$0x19640] =	vst v63  }
0xb2: {  	_ =	swait.ge [sflag:s6], $0x320  }
0xb3: {  	[sflag:s6] =	ssyncset.done $0x0  }
0xb4: {  	[sflag:s6] =	ssyncadd.s32 $0xFFFFFCE0  }
0xb5: {  	[tilespmem:s8], [sflag:$0x1] =	stream.indirect.gather [hbm4b:s2+s7], $0x40, s3, s7, $0xb8;
	[tilespmem:$0x19640] =	vst v63  }
0xb6: {  	_ =	swait.ge [sflag:s15], $0xC800  }
0xb7: {  	[sflag:s15] =	ssyncset.done $0x0  }
0xb8: {  	s25 =	rddreg [dreg:$0x1d];
	[sflag:s15] =	ssyncadd.s32 $0xFFFF3800  }
0xb9: {  	[hbm4b:s25+s3] =	stream.linear.scatter [tilespmem:s9], [sflag:$0x4], $0x3200, $0x38;
	[tilespmem:$0x19640] =	vst v63  }
0xba: {  	s26 =	rddreg [dreg:$0x1e]  }
0xbb: {  	[hbm4b:s26+s3] =	stream.linear.scatter [tilespmem:s16], [sflag:$0x4], $0x3200, $0x38;
	[tilespmem:$0x19640] =	vst v63  }
0xbc: {  	s20 =	sadd.s32 $0x8F00, s31  }
0xbd: {  	[hbm4b:s20+s3] =	stream.linear.scatter [tilespmem:s17], [sflag:$0x4], $0x3200, $0x38;
	[tilespmem:$0x19640] =	vst v63  }
0xbe: {  	s21 =	sadd.s32 $0x9580, s31  }
0xbf: {  	[hbm4b:s21+s3] =	stream.linear.scatter [tilespmem:s19], [sflag:$0x4], $0x3200, $0x38;
	[tilespmem:$0x19640] =	vst v63  }
0xc0: {  	_ =	swait.ge [sflag:s18], $0x3200  }
0xc1: {  	[sflag:s18] =	ssyncset.done $0x0  }
0xc2: {  	[sflag:s18] =	ssyncadd.s32 $0xFFFFCE00  }
0xc3: {  	_ =	swait.ge [sflag:s18], $0x3200  }
0xc4: {  	[sflag:s18] =	ssyncset.done $0x0  }
0xc5: {  	[sflag:s18] =	ssyncadd.s32 $0xFFFFCE00  }
0xc6: {  	_ =	swait.ge [sflag:s18], $0x3200  }
0xc7: {  	[sflag:s18] =	ssyncset.done $0x0  }
0xc8: {  	[sflag:s18] =	ssyncadd.s32 $0xFFFFCE00  }
0xc9: {  	_ =	swait.ge [sflag:s18], $0x3200  }
0xca: {  	[sflag:s18] =	ssyncset.done $0x0  }
0xcb: {  	s22 =	sadd.s32 $0x2BC, s0;
	[sflag:s18] =	ssyncadd.s32 $0xFFFFCE00  }
0xcc: {  	[tilespmem:s7], [sflag:$0x5] =	stream.linear.gather [hbm4b:s22+s3], $0x320, $0x38;
	[tilespmem:$0x19640] =	vst v63  }
0xcd: {  	_ =	swait.ge [sflag:s6], $0x320  }
0xce: {  	[sflag:s6] =	ssyncset.done $0x0  }
0xcf: {  	[sflag:s6] =	ssyncadd.s32 $0xFFFFFCE0  }
0xd0: {  	[tilespmem:s9], [sflag:$0x2] =	stream.indirect.gather [hbm4b:s2+s7], $0x40, s7, s7, $0xb8;
	[tilespmem:$0x19640] =	vst v63  }
0xd1: {  	_ =	swait.ge [sflag:s10], $0xC800  }
0xd2: {  	[sflag:s10] =	ssyncset.done $0x0  }
0xd3: {  	s23 =	sadd.s32 $0x9C00, s31;
	[sflag:s10] =	ssyncadd.s32 $0xFFFF3800  }
0xd4: {  	[hbm4b:s23+s3] =	stream.linear.scatter [tilespmem:s8], [sflag:$0x3], $0x3200, $0x38;
	[tilespmem:$0x19640] =	vst v63  }
0xd5: {  	s24 =	sadd.s32 $0xA280, s31  }
0xd6: {  	[hbm4b:s24+s3] =	stream.linear.scatter [tilespmem:s11], [sflag:$0x3], $0x3200, $0x38;
	[tilespmem:$0x19640] =	vst v63  }
0xd7: {  	s25 =	sadd.s32 $0xA900, s31  }
0xd8: {  	[hbm4b:s25+s3] =	stream.linear.scatter [tilespmem:s12], [sflag:$0x3], $0x3200, $0x38;
	[tilespmem:$0x19640] =	vst v63  }
0xd9: {  	s26 =	sadd.s32 $0xAF80, s31  }
0xda: {  	[hbm4b:s26+s3] =	stream.linear.scatter [tilespmem:s13], [sflag:$0x3], $0x3200, $0x38;
	[tilespmem:$0x19640] =	vst v63  }
0xdb: {  	_ =	swait.ge [sflag:s15], $0xC800  }
0xdc: {  	[sflag:s15] =	ssyncset.done $0x0  }
0xdd: {  	s28 =	sadd.s32 $0xB600, s31;
	[sflag:s15] =	ssyncadd.s32 $0xFFFF3800  }
0xde: {  	[hbm4b:s28+s3] =	stream.linear.scatter [tilespmem:s9], [sflag:$0x4], $0x3200, $0x38;
	[tilespmem:$0x19640] =	vst v63  }
0xdf: {  	s29 =	sadd.s32 $0xBC80, s31  }
0xe0: {  	[hbm4b:s29+s3] =	stream.linear.scatter [tilespmem:s16], [sflag:$0x4], $0x3200, $0x38;
	[tilespmem:$0x19640] =	vst v63  }
0xe1: {  	s30 =	sadd.s32 $0xC300, s31  }
0xe2: {  	[hbm4b:s30+s3] =	stream.linear.scatter [tilespmem:s17], [sflag:$0x4], $0x3200, $0x38;
	[tilespmem:$0x19640] =	vst v63  }
0xe3: {  	s31 =	sadd.s32 $0xC980, s31  }
0xe4: {  	[hbm4b:s31+s3] =	stream.linear.scatter [tilespmem:s19], [sflag:$0x4], $0x3200, $0x38;
	[tilespmem:$0x19640] =	vst v63  }
0xe5: {  	_ =	swait.ge [sflag:s14], $0x3200  }
0xe6: {  	[sflag:s14] =	ssyncset.done $0x0  }
0xe7: {  	[sflag:s14] =	ssyncadd.s32 $0xFFFFCE00  }
0xe8: {  	_ =	swait.ge [sflag:s14], $0x3200  }
0xe9: {  	[sflag:s14] =	ssyncset.done $0x0  }
0xea: {  	[sflag:s14] =	ssyncadd.s32 $0xFFFFCE00  }
0xeb: {  	_ =	swait.ge [sflag:s14], $0x3200  }
0xec: {  	[sflag:s14] =	ssyncset.done $0x0  }
0xed: {  	[sflag:s14] =	ssyncadd.s32 $0xFFFFCE00  }
0xee: {  	_ =	swait.ge [sflag:s14], $0x3200  }
0xef: {  	[sflag:s14] =	ssyncset.done $0x0  }
0xf0: {  	[sflag:s14] =	ssyncadd.s32 $0xFFFFCE00  }
0xf1: {  	_ =	swait.ge [sflag:s18], $0x3200  }
0xf2: {  	s1 =	ssub.s32 $0x2, s1;
	[sflag:s18] =	ssyncset.done $0x0  }
0xf3: {  	s4 =	sshrl.u32 s1, $0x1;
	[sflag:s18] =	ssyncadd.s32 $0xFFFFCE00  }
0xf4: {  	s5 =	smov.u32 s0;
	s0 =	ssub.s32 s1, s4;
	_ =	swait.ge [sflag:s18], $0x3200  }
0xf5: {  	s0 =	smax.u32 s0, $0x1;
	[sflag:s18] =	ssyncset.done $0x0  }
0xf6: {  	p0 =	sne.s32 s0, $0x1;
	[sflag:s18] =	ssyncadd.s32 $0xFFFFCE00  }
.Ltmp0:
0xf7: {  	_ =	swait.ge [sflag:s18], $0x3200;
	(pc) =	sbr.rel @!p0 .LBB2_2-.Ltmp0, $4  }
0xf8: {  	[sflag:s18] =	ssyncset.done $0x0  }
0xf9: {  	[sflag:s18] =	ssyncadd.s32 $0xFFFFCE00  }
0xfa: {  	_ =	swait.ge [sflag:s18], $0x3200  }
0xfb: {  	s1 =	sadd.s32 $0xFFFFFFFF, s0;
	[sflag:s18] =	ssyncset.done $0x0  }
.LBB2_1:
0xfc: {  	[sflag:s18] =	ssyncadd.s32 $0xFFFFCE00  }
0xfd: {  	[tilespmem:s3], [sflag:$0x5] =	stream.linear.gather [hbm4b:s5+s3], $0x320, $0x38;
	[tilespmem:$0x19640] =	vst v63  }
0xfe: {  	_ =	swait.ge [sflag:s6], $0x320  }
0xff: {  	[sflag:s6] =	ssyncset.done $0x0  }
0x100: {  	[sflag:s6] =	ssyncadd.s32 $0xFFFFFCE0  }
0x101: {  	[tilespmem:s8], [sflag:$0x1] =	stream.indirect.gather [hbm4b:s2+s7], $0x40, s3, s7, $0xb8;
	[tilespmem:$0x19640] =	vst v63  }
0x102: {  	s0 =	rddreg [dreg:$0x4]  }
0x103: {  	[tilespmem:s7], [sflag:$0x5] =	stream.linear.gather [hbm4b:s0+s3], $0x320, $0x38;
	[tilespmem:$0x19640] =	vst v63  }
0x104: {  	_ =	swait.ge [sflag:s6], $0x320  }
0x105: {  	[sflag:s6] =	ssyncset.done $0x0  }
0x106: {  	[sflag:s6] =	ssyncadd.s32 $0xFFFFFCE0  }
0x107: {  	[tilespmem:s9], [sflag:$0x2] =	stream.indirect.gather [hbm4b:s2+s7], $0x40, s7, s7, $0xb8;
	[tilespmem:$0x19640] =	vst v63  }
0x108: {  	_ =	swait.ge [sflag:s10], $0xC800  }
0x109: {  	[sflag:s10] =	ssyncset.done $0x0  }
0x10a: {  	s4 =	rddreg [dreg:$0x1f];
	[sflag:s10] =	ssyncadd.s32 $0xFFFF3800  }
0x10b: {  	[hbm4b:s4+s3] =	stream.linear.scatter [tilespmem:s8], [sflag:$0x3], $0x3200, $0x38;
	[tilespmem:$0x19640] =	vst v63  }
0x10c: {  	s0 =	rddreg [dreg:$0x5]  }
0x10d: {  	[hbm4b:s0+s3] =	stream.linear.scatter [tilespmem:s11], [sflag:$0x3], $0x3200, $0x38;
	[tilespmem:$0x19640] =	vst v63  }
0x10e: {  	s4 =	rddreg [dreg:$0x6]  }
0x10f: {  	[hbm4b:s4+s3] =	stream.linear.scatter [tilespmem:s12], [sflag:$0x3], $0x3200, $0x38;
	[tilespmem:$0x19640] =	vst v63  }
0x110: {  	s0 =	rddreg [dreg:$0x7]  }
0x111: {  	[hbm4b:s0+s3] =	stream.linear.scatter [tilespmem:s13], [sflag:$0x3], $0x3200, $0x38;
	[tilespmem:$0x19640] =	vst v63  }
0x112: {  	_ =	swait.ge [sflag:s14], $0x3200  }
0x113: {  	[sflag:s14] =	ssyncset.done $0x0  }
0x114: {  	[sflag:s14] =	ssyncadd.s32 $0xFFFFCE00  }
0x115: {  	_ =	swait.ge [sflag:s14], $0x3200  }
0x116: {  	[sflag:s14] =	ssyncset.done $0x0  }
0x117: {  	[sflag:s14] =	ssyncadd.s32 $0xFFFFCE00  }
0x118: {  	_ =	swait.ge [sflag:s14], $0x3200  }
0x119: {  	[sflag:s14] =	ssyncset.done $0x0  }
0x11a: {  	[sflag:s14] =	ssyncadd.s32 $0xFFFFCE00  }
0x11b: {  	_ =	swait.ge [sflag:s14], $0x3200  }
0x11c: {  	[sflag:s14] =	ssyncset.done $0x0  }
0x11d: {  	s4 =	rddreg [dreg:$0x8];
	[sflag:s14] =	ssyncadd.s32 $0xFFFFCE00  }
0x11e: {  	[tilespmem:s3], [sflag:$0x5] =	stream.linear.gather [hbm4b:s4+s3], $0x320, $0x38;
	[tilespmem:$0x19640] =	vst v63  }
0x11f: {  	_ =	swait.ge [sflag:s6], $0x320  }
0x120: {  	[sflag:s6] =	ssyncset.done $0x0  }
0x121: {  	[sflag:s6] =	ssyncadd.s32 $0xFFFFFCE0  }
0x122: {  	[tilespmem:s8], [sflag:$0x1] =	stream.indirect.gather [hbm4b:s2+s7], $0x40, s3, s7, $0xb8;
	[tilespmem:$0x19640] =	vst v63  }
0x123: {  	_ =	swait.ge [sflag:s15], $0xC800  }
0x124: {  	[sflag:s15] =	ssyncset.done $0x0  }
0x125: {  	s0 =	rddreg [dreg:$0x9];
	[sflag:s15] =	ssyncadd.s32 $0xFFFF3800  }
0x126: {  	[hbm4b:s0+s3] =	stream.linear.scatter [tilespmem:s9], [sflag:$0x4], $0x3200, $0x38;
	[tilespmem:$0x19640] =	vst v63  }
0x127: {  	s4 =	rddreg [dreg:$0xa]  }
0x128: {  	[hbm4b:s4+s3] =	stream.linear.scatter [tilespmem:s16], [sflag:$0x4], $0x3200, $0x38;
	[tilespmem:$0x19640] =	vst v63  }
0x129: {  	s0 =	rddreg [dreg:$0xb]  }
0x12a: {  	[hbm4b:s0+s3] =	stream.linear.scatter [tilespmem:s17], [sflag:$0x4], $0x3200, $0x38;
	[tilespmem:$0x19640] =	vst v63  }
0x12b: {  	s4 =	rddreg [dreg:$0xc]  }
0x12c: {  	[hbm4b:s4+s3] =	stream.linear.scatter [tilespmem:s19], [sflag:$0x4], $0x3200, $0x38;
	[tilespmem:$0x19640] =	vst v63  }
0x12d: {  	_ =	swait.ge [sflag:s18], $0x3200  }
0x12e: {  	[sflag:s18] =	ssyncset.done $0x0  }
0x12f: {  	[sflag:s18] =	ssyncadd.s32 $0xFFFFCE00  }
0x130: {  	_ =	swait.ge [sflag:s18], $0x3200  }
0x131: {  	[sflag:s18] =	ssyncset.done $0x0  }
0x132: {  	[sflag:s18] =	ssyncadd.s32 $0xFFFFCE00  }
0x133: {  	_ =	swait.ge [sflag:s18], $0x3200  }
0x134: {  	[sflag:s18] =	ssyncset.done $0x0  }
0x135: {  	[sflag:s18] =	ssyncadd.s32 $0xFFFFCE00  }
0x136: {  	_ =	swait.ge [sflag:s18], $0x3200  }
0x137: {  	[sflag:s18] =	ssyncset.done $0x0  }
0x138: {  	s4 =	rddreg [dreg:$0xd];
	[sflag:s18] =	ssyncadd.s32 $0xFFFFCE00  }
0x139: {  	[tilespmem:s7], [sflag:$0x5] =	stream.linear.gather [hbm4b:s4+s3], $0x320, $0x38;
	[tilespmem:$0x19640] =	vst v63  }
0x13a: {  	_ =	swait.ge [sflag:s6], $0x320  }
0x13b: {  	[sflag:s6] =	ssyncset.done $0x0  }
0x13c: {  	[sflag:s6] =	ssyncadd.s32 $0xFFFFFCE0  }
0x13d: {  	[tilespmem:s9], [sflag:$0x2] =	stream.indirect.gather [hbm4b:s2+s7], $0x40, s7, s7, $0xb8;
	[tilespmem:$0x19640] =	vst v63  }
0x13e: {  	_ =	swait.ge [sflag:s10], $0xC800  }
0x13f: {  	[sflag:s10] =	ssyncset.done $0x0  }
0x140: {  	s0 =	rddreg [dreg:$0xe];
	[sflag:s10] =	ssyncadd.s32 $0xFFFF3800  }
0x141: {  	[hbm4b:s0+s3] =	stream.linear.scatter [tilespmem:s8], [sflag:$0x3], $0x3200, $0x38;
	[tilespmem:$0x19640] =	vst v63  }
0x142: {  	s4 =	rddreg [dreg:$0xf]  }
0x143: {  	[hbm4b:s4+s3] =	stream.linear.scatter [tilespmem:s11], [sflag:$0x3], $0x3200, $0x38;
	[tilespmem:$0x19640] =	vst v63  }
0x144: {  	s0 =	rddreg [dreg:$0x10]  }
0x145: {  	[hbm4b:s0+s3] =	stream.linear.scatter [tilespmem:s12], [sflag:$0x3], $0x3200, $0x38;
	[tilespmem:$0x19640] =	vst v63  }
0x146: {  	s4 =	rddreg [dreg:$0x11]  }
0x147: {  	[hbm4b:s4+s3] =	stream.linear.scatter [tilespmem:s13], [sflag:$0x3], $0x3200, $0x38;
	[tilespmem:$0x19640] =	vst v63  }
0x148: {  	_ =	swait.ge [sflag:s14], $0x3200  }
0x149: {  	[sflag:s14] =	ssyncset.done $0x0  }
0x14a: {  	[sflag:s14] =	ssyncadd.s32 $0xFFFFCE00  }
0x14b: {  	_ =	swait.ge [sflag:s14], $0x3200  }
0x14c: {  	[sflag:s14] =	ssyncset.done $0x0  }
0x14d: {  	[sflag:s14] =	ssyncadd.s32 $0xFFFFCE00  }
0x14e: {  	_ =	swait.ge [sflag:s14], $0x3200  }
0x14f: {  	[sflag:s14] =	ssyncset.done $0x0  }
0x150: {  	[sflag:s14] =	ssyncadd.s32 $0xFFFFCE00  }
0x151: {  	_ =	swait.ge [sflag:s14], $0x3200  }
0x152: {  	[sflag:s14] =	ssyncset.done $0x0  }
0x153: {  	s4 =	rddreg [dreg:$0x12];
	[sflag:s14] =	ssyncadd.s32 $0xFFFFCE00  }
0x154: {  	[tilespmem:s3], [sflag:$0x5] =	stream.linear.gather [hbm4b:s4+s3], $0x320, $0x38;
	[tilespmem:$0x19640] =	vst v63  }
0x155: {  	_ =	swait.ge [sflag:s6], $0x320  }
0x156: {  	[sflag:s6] =	ssyncset.done $0x0  }
0x157: {  	[sflag:s6] =	ssyncadd.s32 $0xFFFFFCE0  }
0x158: {  	[tilespmem:s8], [sflag:$0x1] =	stream.indirect.gather [hbm4b:s2+s7], $0x40, s3, s7, $0xb8;
	[tilespmem:$0x19640] =	vst v63  }
0x159: {  	_ =	swait.ge [sflag:s15], $0xC800  }
0x15a: {  	[sflag:s15] =	ssyncset.done $0x0  }
0x15b: {  	s0 =	rddreg [dreg:$0x13];
	[sflag:s15] =	ssyncadd.s32 $0xFFFF3800  }
0x15c: {  	[hbm4b:s0+s3] =	stream.linear.scatter [tilespmem:s9], [sflag:$0x4], $0x3200, $0x38;
	[tilespmem:$0x19640] =	vst v63  }
0x15d: {  	s4 =	rddreg [dreg:$0x14]  }
0x15e: {  	[hbm4b:s4+s3] =	stream.linear.scatter [tilespmem:s16], [sflag:$0x4], $0x3200, $0x38;
	[tilespmem:$0x19640] =	vst v63  }
0x15f: {  	s0 =	rddreg [dreg:$0x15]  }
0x160: {  	[hbm4b:s0+s3] =	stream.linear.scatter [tilespmem:s17], [sflag:$0x4], $0x3200, $0x38;
	[tilespmem:$0x19640] =	vst v63  }
0x161: {  	s4 =	rddreg [dreg:$0x16]  }
0x162: {  	[hbm4b:s4+s3] =	stream.linear.scatter [tilespmem:s19], [sflag:$0x4], $0x3200, $0x38;
	[tilespmem:$0x19640] =	vst v63  }
0x163: {  	_ =	swait.ge [sflag:s18], $0x3200  }
0x164: {  	[sflag:s18] =	ssyncset.done $0x0  }
0x165: {  	[sflag:s18] =	ssyncadd.s32 $0xFFFFCE00  }
0x166: {  	_ =	swait.ge [sflag:s18], $0x3200  }
0x167: {  	[sflag:s18] =	ssyncset.done $0x0  }
0x168: {  	[sflag:s18] =	ssyncadd.s32 $0xFFFFCE00  }
0x169: {  	_ =	swait.ge [sflag:s18], $0x3200  }
0x16a: {  	[sflag:s18] =	ssyncset.done $0x0  }
0x16b: {  	[sflag:s18] =	ssyncadd.s32 $0xFFFFCE00  }
0x16c: {  	_ =	swait.ge [sflag:s18], $0x3200  }
0x16d: {  	[sflag:s18] =	ssyncset.done $0x0  }
0x16e: {  	s4 =	rddreg [dreg:$0x17];
	[sflag:s18] =	ssyncadd.s32 $0xFFFFCE00  }
0x16f: {  	[tilespmem:s7], [sflag:$0x5] =	stream.linear.gather [hbm4b:s4+s3], $0x320, $0x38;
	[tilespmem:$0x19640] =	vst v63  }
0x170: {  	_ =	swait.ge [sflag:s6], $0x320  }
0x171: {  	[sflag:s6] =	ssyncset.done $0x0  }
0x172: {  	[sflag:s6] =	ssyncadd.s32 $0xFFFFFCE0  }
0x173: {  	[tilespmem:s9], [sflag:$0x2] =	stream.indirect.gather [hbm4b:s2+s7], $0x40, s7, s7, $0xb8;
	[tilespmem:$0x19640] =	vst v63  }
0x174: {  	_ =	swait.ge [sflag:s10], $0xC800  }
0x175: {  	[sflag:s10] =	ssyncset.done $0x0  }
0x176: {  	s0 =	rddreg [dreg:$0x18];
	[sflag:s10] =	ssyncadd.s32 $0xFFFF3800  }
0x177: {  	[hbm4b:s0+s3] =	stream.linear.scatter [tilespmem:s8], [sflag:$0x3], $0x3200, $0x38;
	[tilespmem:$0x19640] =	vst v63  }
0x178: {  	s4 =	rddreg [dreg:$0x19]  }
0x179: {  	[hbm4b:s4+s3] =	stream.linear.scatter [tilespmem:s11], [sflag:$0x3], $0x3200, $0x38;
	[tilespmem:$0x19640] =	vst v63  }
0x17a: {  	s0 =	rddreg [dreg:$0x1a]  }
0x17b: {  	[hbm4b:s0+s3] =	stream.linear.scatter [tilespmem:s12], [sflag:$0x3], $0x3200, $0x38;
	[tilespmem:$0x19640] =	vst v63  }
0x17c: {  	s4 =	rddreg [dreg:$0x1b]  }
0x17d: {  	[hbm4b:s4+s3] =	stream.linear.scatter [tilespmem:s13], [sflag:$0x3], $0x3200, $0x38;
	[tilespmem:$0x19640] =	vst v63  }
0x17e: {  	_ =	swait.ge [sflag:s14], $0x3200  }
0x17f: {  	[sflag:s14] =	ssyncset.done $0x0  }
0x180: {  	[sflag:s14] =	ssyncadd.s32 $0xFFFFCE00  }
0x181: {  	_ =	swait.ge [sflag:s14], $0x3200  }
0x182: {  	[sflag:s14] =	ssyncset.done $0x0  }
0x183: {  	[sflag:s14] =	ssyncadd.s32 $0xFFFFCE00  }
0x184: {  	_ =	swait.ge [sflag:s14], $0x3200  }
0x185: {  	[sflag:s14] =	ssyncset.done $0x0  }
0x186: {  	[sflag:s14] =	ssyncadd.s32 $0xFFFFCE00  }
0x187: {  	_ =	swait.ge [sflag:s14], $0x3200  }
0x188: {  	[sflag:s14] =	ssyncset.done $0x0  }
0x189: {  	s4 =	rddreg [dreg:$0x1c];
	[sflag:s14] =	ssyncadd.s32 $0xFFFFCE00  }
0x18a: {  	[tilespmem:s3], [sflag:$0x5] =	stream.linear.gather [hbm4b:s4+s3], $0x320, $0x38;
	[tilespmem:$0x19640] =	vst v63  }
0x18b: {  	_ =	swait.ge [sflag:s6], $0x320  }
0x18c: {  	[sflag:s6] =	ssyncset.done $0x0  }
0x18d: {  	[sflag:s6] =	ssyncadd.s32 $0xFFFFFCE0  }
0x18e: {  	[tilespmem:s8], [sflag:$0x1] =	stream.indirect.gather [hbm4b:s2+s7], $0x40, s3, s7, $0xb8;
	[tilespmem:$0x19640] =	vst v63  }
0x18f: {  	_ =	swait.ge [sflag:s15], $0xC800  }
0x190: {  	[sflag:s15] =	ssyncset.done $0x0  }
0x191: {  	s0 =	rddreg [dreg:$0x1d];
	[sflag:s15] =	ssyncadd.s32 $0xFFFF3800  }
0x192: {  	[hbm4b:s0+s3] =	stream.linear.scatter [tilespmem:s9], [sflag:$0x4], $0x3200, $0x38;
	[tilespmem:$0x19640] =	vst v63  }
0x193: {  	s4 =	rddreg [dreg:$0x1e]  }
0x194: {  	[hbm4b:s4+s3] =	stream.linear.scatter [tilespmem:s16], [sflag:$0x4], $0x3200, $0x38;
	[tilespmem:$0x19640] =	vst v63  }
0x195: {  	_ = 	snop  }
0x196: {  	[hbm4b:s20+s3] =	stream.linear.scatter [tilespmem:s17], [sflag:$0x4], $0x3200, $0x38;
	[tilespmem:$0x19640] =	vst v63  }
0x197: {  	_ = 	snop  }
0x198: {  	[hbm4b:s21+s3] =	stream.linear.scatter [tilespmem:s19], [sflag:$0x4], $0x3200, $0x38;
	[tilespmem:$0x19640] =	vst v63  }
0x199: {  	_ =	swait.ge [sflag:s18], $0x3200  }
0x19a: {  	[sflag:s18] =	ssyncset.done $0x0  }
0x19b: {  	[sflag:s18] =	ssyncadd.s32 $0xFFFFCE00  }
0x19c: {  	_ =	swait.ge [sflag:s18], $0x3200  }
0x19d: {  	[sflag:s18] =	ssyncset.done $0x0  }
0x19e: {  	[sflag:s18] =	ssyncadd.s32 $0xFFFFCE00  }
0x19f: {  	_ =	swait.ge [sflag:s18], $0x3200  }
0x1a0: {  	[sflag:s18] =	ssyncset.done $0x0  }
0x1a1: {  	[sflag:s18] =	ssyncadd.s32 $0xFFFFCE00  }
0x1a2: {  	_ =	swait.ge [sflag:s18], $0x3200  }
0x1a3: {  	[sflag:s18] =	ssyncset.done $0x0  }
0x1a4: {  	[sflag:s18] =	ssyncadd.s32 $0xFFFFCE00  }
0x1a5: {  	[tilespmem:s7], [sflag:$0x5] =	stream.linear.gather [hbm4b:s22+s3], $0x320, $0x38;
	[tilespmem:$0x19640] =	vst v63  }
0x1a6: {  	_ =	swait.ge [sflag:s6], $0x320  }
0x1a7: {  	[sflag:s6] =	ssyncset.done $0x0  }
0x1a8: {  	[sflag:s6] =	ssyncadd.s32 $0xFFFFFCE0  }
0x1a9: {  	[tilespmem:s9], [sflag:$0x2] =	stream.indirect.gather [hbm4b:s2+s7], $0x40, s7, s7, $0xb8;
	[tilespmem:$0x19640] =	vst v63  }
0x1aa: {  	_ =	swait.ge [sflag:s10], $0xC800  }
0x1ab: {  	[sflag:s10] =	ssyncset.done $0x0  }
0x1ac: {  	[sflag:s10] =	ssyncadd.s32 $0xFFFF3800  }
0x1ad: {  	[hbm4b:s23+s3] =	stream.linear.scatter [tilespmem:s8], [sflag:$0x3], $0x3200, $0x38;
	[tilespmem:$0x19640] =	vst v63  }
0x1ae: {  	_ = 	snop  }
0x1af: {  	[hbm4b:s24+s3] =	stream.linear.scatter [tilespmem:s11], [sflag:$0x3], $0x3200, $0x38;
	[tilespmem:$0x19640] =	vst v63  }
0x1b0: {  	_ = 	snop  }
0x1b1: {  	[hbm4b:s25+s3] =	stream.linear.scatter [tilespmem:s12], [sflag:$0x3], $0x3200, $0x38;
	[tilespmem:$0x19640] =	vst v63  }
0x1b2: {  	_ = 	snop  }
0x1b3: {  	[hbm4b:s26+s3] =	stream.linear.scatter [tilespmem:s13], [sflag:$0x3], $0x3200, $0x38;
	[tilespmem:$0x19640] =	vst v63  }
0x1b4: {  	_ =	swait.ge [sflag:s15], $0xC800  }
0x1b5: {  	[sflag:s15] =	ssyncset.done $0x0  }
0x1b6: {  	[sflag:s15] =	ssyncadd.s32 $0xFFFF3800  }
0x1b7: {  	[hbm4b:s28+s3] =	stream.linear.scatter [tilespmem:s9], [sflag:$0x4], $0x3200, $0x38;
	[tilespmem:$0x19640] =	vst v63  }
0x1b8: {  	_ = 	snop  }
0x1b9: {  	[hbm4b:s29+s3] =	stream.linear.scatter [tilespmem:s16], [sflag:$0x4], $0x3200, $0x38;
	[tilespmem:$0x19640] =	vst v63  }
0x1ba: {  	_ = 	snop  }
0x1bb: {  	[hbm4b:s30+s3] =	stream.linear.scatter [tilespmem:s17], [sflag:$0x4], $0x3200, $0x38;
	[tilespmem:$0x19640] =	vst v63  }
0x1bc: {  	_ = 	snop  }
0x1bd: {  	[hbm4b:s31+s3] =	stream.linear.scatter [tilespmem:s19], [sflag:$0x4], $0x3200, $0x38;
	[tilespmem:$0x19640] =	vst v63  }
0x1be: {  	_ =	swait.ge [sflag:s14], $0x3200  }
0x1bf: {  	[sflag:s14] =	ssyncset.done $0x0  }
0x1c0: {  	[sflag:s14] =	ssyncadd.s32 $0xFFFFCE00  }
0x1c1: {  	_ =	swait.ge [sflag:s14], $0x3200  }
0x1c2: {  	[sflag:s14] =	ssyncset.done $0x0  }
0x1c3: {  	[sflag:s14] =	ssyncadd.s32 $0xFFFFCE00  }
0x1c4: {  	_ =	swait.ge [sflag:s14], $0x3200  }
0x1c5: {  	[sflag:s14] =	ssyncset.done $0x0  }
0x1c6: {  	[sflag:s14] =	ssyncadd.s32 $0xFFFFCE00  }
0x1c7: {  	_ =	swait.ge [sflag:s14], $0x3200  }
0x1c8: {  	[sflag:s14] =	ssyncset.done $0x0  }
0x1c9: {  	[sflag:s14] =	ssyncadd.s32 $0xFFFFCE00  }
0x1ca: {  	_ =	swait.ge [sflag:s18], $0x3200  }
0x1cb: {  	[sflag:s18] =	ssyncset.done $0x0  }
0x1cc: {  	[sflag:s18] =	ssyncadd.s32 $0xFFFFCE00  }
0x1cd: {  	_ =	swait.ge [sflag:s18], $0x3200  }
0x1ce: {  	[sflag:s18] =	ssyncset.done $0x0  }
0x1cf: {  	p0 =	sne.s32 s1, $0x1;
	[sflag:s18] =	ssyncadd.s32 $0xFFFFCE00  }
.Ltmp1:
0x1d0: {  	_ =	swait.ge [sflag:s18], $0x3200;
	(pc) =	sbr.rel @p0 .LBB2_1-.Ltmp1, $4  }
0x1d1: {  	[sflag:s18] =	ssyncset.done $0x0  }
0x1d2: {  	[sflag:s18] =	ssyncadd.s32 $0xFFFFCE00  }
0x1d3: {  	_ =	swait.ge [sflag:s18], $0x3200  }
0x1d4: {  	s1 =	sadd.s32 $0xFFFFFFFF, s1;
	[sflag:s18] =	ssyncset.done $0x0  }
.LBB2_2:
0x1d5: {  	[sflag:s18] =	ssyncadd.s32 $0xFFFFCE00  }
0x1d6: {  	_ =	sfence.sel $0x180000  }
0x1d7: {  	[bflag:$0x0] =	sbarrier.arrive $0xFFFF  }
0x1d8: {  	_ =	strace $0x90000047  }
0x1d9: {  	s0 =	stileid.u32;
	[bflag:$0x2] =	sbarrier.arrive $0xFFFF  }
0x1da: {  	p0 =	sne.s32 s0, $0x0;
	s0 =	rddreg [dreg:$0x3]  }
0x1db: {  	s0 =	sadd.s32 @!p0 $0x100000, s0  }
0x1dc: {  	[sflag:s0] =	ssyncadd.tile.s32 @!p0 $0x1;
	_ =	shalt  }
.Lfunc_end2:
_tile_overlayer_lowered:
.L_overlay_start_2:
0x1dd: {  	(tag) =	ssettag $0x2  }
0x1de: {  	s0 =	rddreg [dreg:$0x0];
	s2 =	stileid.u32  }
0x1df: {  	s1 =	rddreg [dreg:$0x1];
	p0 =	sne.s32 s2, $0x0  }
0x1e0: {  	s3 =	rddreg [dreg:$0x2];
	[bflag:$0x3] =	sbarrier.arrive $0xFFFF;
	s2 =	simm.s32 @!p0 $0x1C05  }
0x1e1: {  	[timem:s3], [sflag:s2] =	dma.local @!p0 [hbm:s0], s1  }
0x1e2: {  	s0 =	simm.s32 @!p0 $0x5  }
0x1e3: {  	_ =	swait.ge @!p0 [sflag:s0], s1  }
0x1e4: {  	s1 =	ssub.s32 @!p0 $0x0, s1;
	[sflag:s0] =	ssyncset.done @!p0 $0x0  }
0x1e5: {  	[sflag:s0] =	ssyncadd.s32 @!p0 s1  }
0x1e6: {  	[bflag:$0x3] =	sbarrier.arrive $0xFFFF  }
0x1e7: {  	_ =	shalt  }

</sc_bundles>
